<compile_context>
chip_gen: v7x
topology: tpu7x:2x2x1
jax: 0.10.2.dev20260603
libtpu: 0.0.44.dev20260713+nightly
codegen_flags: <defaults>
</compile_context>

<pallas_src>
import functools

import jax
import jax.numpy as jnp
from jax import lax
from jax.experimental import pallas as pl
from jax.experimental.pallas import tpu as pltpu
from jax.experimental.pallas import tpu_sc as plsc

NU = 10000
NEN = 40000
NR = 16
D = 64
NL = 3
N = NU + NEN
E_UI = 200000
E_KG = 200000
E = 2 * E_UI + 2 * E_KG
E_PAD = 819200
EPT = E_PAD // 16
CH = 256
NPC = N // 2
ROWS_PT = 1568
ACC_ROWS = 16 * ROWS_PT
TRASH = 25080
N_PAD = 2 * ACC_ROWS
HW = 17
HROWS = ACC_ROWS * HW
HPT = HROWS // 16
PAD_DST = 60000
WCH = 112
RB = 1568
BL = 2048
SUB = BL // CH
NBLK = EPT // BL

_mesh = plsc.VectorSubcoreMesh(core_axis_name="core", subcore_axis_name="subcore",
                               num_cores=2, num_subcores=16)
_sc_params = pltpu.CompilerParams(use_tc_tiling_on_sc=False)


@functools.partial(
    pl.kernel,
    out_type=jax.ShapeDtypeStruct((2 * HROWS,), jnp.float32),
    mesh=_mesh,
    scratch_types=[
        pltpu.VMEM_SHARED((HROWS,), jnp.float32),
        pltpu.VMEM((BL,), jnp.int32),
        pltpu.VMEM((BL,), jnp.int32),
        pltpu.VMEM((SUB, CH), jnp.int32),
        pltpu.VMEM((CH,), jnp.float32),
        pltpu.VMEM((HPT,), jnp.float32),
        pltpu.SemaphoreType.DMA,
    ],
    compiler_params=_sc_params,
)
def _sc_hist(dst_hbm, rel_hbm, zvec_hbm, out_hbm, acc, dstb, relb, idxb, onesb,
             stage, ssem):
    c = lax.axis_index("core")
    s = lax.axis_index("subcore")
    pltpu.sync_copy(zvec_hbm, stage)
    pltpu.sync_copy(stage, acc.at[pl.ds(s * HPT, HPT)])

    @pl.loop(0, CH // 16)
    def _(i):
        onesb[pl.ds(i * 16, 16)] = jnp.full((16,), 1.0, jnp.float32)

    plsc.subcore_barrier()
    lo = c * NPC

    @pl.loop(0, NBLK)
    def _(b):
        e0 = s * EPT + b * BL
        pltpu.sync_copy(dst_hbm.at[pl.ds(e0, BL)], dstb)
        pltpu.sync_copy(rel_hbm.at[pl.ds(e0, BL)], relb)

        @pl.loop(0, SUB)
        def _(k):
            @pl.loop(0, CH // 16)
            def _(i):
                d = dstb[pl.ds(k * CH + i * 16, 16)]
                r = relb[pl.ds(k * CH + i * 16, 16)]
                loc = d - lo
                ok = (loc >= 0) & (loc < NPC)
                li = jnp.where(ok, loc, TRASH)
                idxb.at[pl.ds(k, 1), pl.ds(i * 16, 16)][...] = \
                    (li * HW + r).reshape(1, 16)

        for k in range(SUB):
            pltpu.async_copy(onesb, acc.at[idxb.at[k]], ssem, add=True)
        for k in range(SUB):
            pltpu.make_async_copy(onesb, acc.at[idxb.at[k]], ssem).wait()

    plsc.subcore_barrier()
    pltpu.sync_copy(acc.at[pl.ds(s * HPT, HPT)], stage)
    pltpu.sync_copy(stage, out_hbm.at[pl.ds(c * HROWS + s * HPT, HPT)])


@functools.partial(
    pl.kernel,
    out_type=jax.ShapeDtypeStruct((N_PAD, D), jnp.float32),
    mesh=_mesh,
    scratch_types=[
        pltpu.VMEM_SHARED((ACC_ROWS, D), jnp.float32),
        pltpu.VMEM((BL,), jnp.int32),
        pltpu.VMEM((BL,), jnp.int32),
        pltpu.VMEM((SUB, CH), jnp.int32),
        pltpu.VMEM((CH, D), jnp.float32),
        pltpu.SemaphoreType.DMA,
    ],
    compiler_params=_sc_params,
)
def _sc_agg(src_hbm, dst_hbm, h_hbm, zrows_hbm, out_hbm, acc, srcb, dstb, lib,
            rowb, isem):
    c = lax.axis_index("core")
    s = lax.axis_index("subcore")
    lo = c * NPC
    pltpu.sync_copy(zrows_hbm, rowb.at[pl.ds(0, WCH)])

    @pl.loop(0, ROWS_PT // WCH)
    def _(k):
        pltpu.async_copy(rowb.at[pl.ds(0, WCH)],
                         acc.at[pl.ds(s * ROWS_PT + k * WCH, WCH)], isem)

    @pl.loop(0, ROWS_PT // WCH)
    def _(k):
        pltpu.make_async_copy(rowb.at[pl.ds(0, WCH)],
                              acc.at[pl.ds(s * ROWS_PT + k * WCH, WCH)],
                              isem).wait()

    plsc.subcore_barrier()

    @pl.loop(0, NBLK)
    def _(b):
        e0 = s * EPT + b * BL
        pltpu.sync_copy(src_hbm.at[pl.ds(e0, BL)], srcb)
        pltpu.sync_copy(dst_hbm.at[pl.ds(e0, BL)], dstb)

        @pl.loop(0, SUB)
        def _(k):
            @pl.loop(0, CH // 16)
            def _(i):
                d = dstb[pl.ds(k * CH + i * 16, 16)]
                loc = d - lo
                ok = (loc >= 0) & (loc < NPC)
                li = jnp.where(ok, loc, TRASH)
                lib.at[pl.ds(k, 1), pl.ds(i * 16, 16)][...] = li.reshape(1, 16)

        for k in range(SUB):
            pltpu.sync_copy(h_hbm.at[srcb.at[pl.ds(k * CH, CH)]], rowb)
            pltpu.sync_copy(rowb, acc.at[lib.at[k]], add=True)

    plsc.subcore_barrier()

    @pl.loop(0, ROWS_PT // WCH)
    def _(k):
        pltpu.sync_copy(acc.at[pl.ds(s * ROWS_PT + k * WCH, WCH)],
                        rowb.at[pl.ds(0, WCH)])
        pltpu.sync_copy(rowb.at[pl.ds(0, WCH)],
                        out_hbm.at[pl.ds(c * ACC_ROWS + s * ROWS_PT + k * WCH, WCH)])


def _tc_prep_body(cnt_ref, relp_ref, base_ref, inv_ref):
    cmat = cnt_ref[...]
    base_ref[...] = jnp.dot(cmat, relp_ref[...], preferred_element_type=jnp.float32)
    deg = jnp.sum(cmat, axis=1, keepdims=True)
    inv_ref[...] = 1.0 / jnp.clip(deg, 1.0, None)


def _tc_prep(count_cm, relp):
    return pl.pallas_call(
        _tc_prep_body,
        grid=(N_PAD // RB,),
        in_specs=[
            pl.BlockSpec((RB, HW), lambda i: (i, 0)),
            pl.BlockSpec((HW, D), lambda i: (0, 0)),
        ],
        out_specs=[
            pl.BlockSpec((RB, D), lambda i: (i, 0)),
            pl.BlockSpec((RB, 1), lambda i: (i, 0)),
        ],
        out_shape=[
            jax.ShapeDtypeStruct((N_PAD, D), jnp.float32),
            jax.ShapeDtypeStruct((N_PAD, 1), jnp.float32),
        ],
    )(count_cm, relp)


def _tc_dense_body(h_ref, raw_ref, base_ref, inv_ref, w1_ref, b1_ref, w2_ref,
                   b2_ref, out_ref):
    hp = h_ref[...]
    agg = (raw_ref[...] + base_ref[...]) * inv_ref[...]
    sp = jnp.dot(hp + agg, w1_ref[...], preferred_element_type=jnp.float32) + b1_ref[...]
    bp = jnp.dot(hp * agg, w2_ref[...], preferred_element_type=jnp.float32) + b2_ref[...]
    sp = jnp.where(sp >= 0, sp, 0.2 * sp)
    bp = jnp.where(bp >= 0, bp, 0.2 * bp)
    hl = sp + bp
    nrm = jnp.sqrt(jnp.sum(hl * hl, axis=1, keepdims=True))
    out_ref[...] = hl / jnp.clip(nrm, 1e-12, None)


def _tc_dense(h, raw, base, inv, w1, b1, w2, b2):
    return pl.pallas_call(
        _tc_dense_body,
        grid=(N_PAD // RB,),
        in_specs=[
            pl.BlockSpec((RB, D), lambda i: (i, 0)),
            pl.BlockSpec((RB, D), lambda i: (i, 0)),
            pl.BlockSpec((RB, D), lambda i: (i, 0)),
            pl.BlockSpec((RB, 1), lambda i: (i, 0)),
            pl.BlockSpec((D, D), lambda i: (0, 0)),
            pl.BlockSpec((1, D), lambda i: (0, 0)),
            pl.BlockSpec((D, D), lambda i: (0, 0)),
            pl.BlockSpec((1, D), lambda i: (0, 0)),
        ],
        out_specs=pl.BlockSpec((RB, D), lambda i: (i, 0)),
        out_shape=jax.ShapeDtypeStruct((N_PAD, D), jnp.float32),
    )(h, raw, base, inv, w1, b1, w2, b2)


def kernel(user_item_edges, kg_edge_index, kg_relations, user_emb, entity_emb,
           relation_emb, W1, b1, W2, b2):
    u = user_item_edges[0].astype(jnp.int32)
    it = user_item_edges[1].astype(jnp.int32) + NU
    hd = kg_edge_index[0].astype(jnp.int32) + NU
    tl = kg_edge_index[1].astype(jnp.int32) + NU
    npad = E_PAD - E
    src = jnp.concatenate([u, it, hd, tl, jnp.zeros((npad,), jnp.int32)])
    dst_p = jnp.concatenate([it, u, tl, hd, jnp.full((npad,), PAD_DST, jnp.int32)])
    src_cm = jnp.where(src < NPC, src, src + (ACC_ROWS - NPC))
    kr = kg_relations.astype(jnp.int32)
    rel_full = jnp.concatenate([
        jnp.full((2 * E_UI,), NR, jnp.int32), kr, kr,
        jnp.full((npad,), NR, jnp.int32)])
    zvec = jnp.zeros((HPT,), jnp.float32)
    zrows = jnp.zeros((WCH, D), jnp.float32)

    cnt = _sc_hist(dst_p, rel_full, zvec)
    count_cm = cnt.reshape(N_PAD, HW)
    relp = jnp.concatenate([relation_emb, jnp.zeros((1, D), jnp.float32)], axis=0)
    base, inv = _tc_prep(count_cm, relp)

    h = jnp.concatenate([user_emb, entity_emb], axis=0)
    gap = jnp.zeros((ACC_ROWS - NPC, D), jnp.float32)
    h0 = jnp.concatenate([h[:NPC], gap, h[NPC:], gap], axis=0)
    layers = [h0]
    for l in range(NL):
        raw = _sc_agg(src_cm, dst_p, layers[-1], zrows)
        hn = _tc_dense(layers[-1], raw, base, inv, W1[l], b1[l].reshape(1, D),
                       W2[l], b2[l].reshape(1, D))
        layers.append(hn)
    return jnp.concatenate(
        [jnp.concatenate([x[:NPC], x[ACC_ROWS:ACC_ROWS + NPC]], axis=0)
         for x in layers], axis=-1)

# --- scband reference (transcript-rebuilt; emitter-appended) ---
"""Pipeline reference for scband-kgag-73065983639827 (READ-ONLY COPY).

The authoritative reference and input builder live on the scoring server;
editing this copy changes nothing except your own understanding.
"""

import jax, jax.numpy as jnp
import numpy as np

NUM_USERS = 10000
NUM_ENTITIES = 40000
NUM_RELATIONS = 16
EMBED_DIM = 64
NUM_LAYERS = 3
N_NODES = NUM_USERS + NUM_ENTITIES
E_UI = 200000
E_KG = 200000


def _glorot(key, shape):
    fan_in, fan_out = shape[-2], shape[-1]
    lim = float(np.sqrt(6.0 / (fan_in + fan_out)))
    return jax.random.uniform(key, shape, minval=-lim, maxval=lim, dtype=jnp.float32)


def setup_inputs(seed: int = 0):
    key = jax.random.key(seed)
    ks = jax.random.split(key, 12)
    user_item_edges = jax.random.randint(ks[0], (2, E_UI), 0, NUM_USERS)
    kg_edge_index = jax.random.randint(ks[1], (2, E_KG), 0, NUM_ENTITIES)
    kg_relations = jax.random.randint(ks[2], (E_KG,), 0, NUM_RELATIONS)
    user_emb = _glorot(ks[3], (NUM_USERS, EMBED_DIM))
    entity_emb = _glorot(ks[4], (NUM_ENTITIES, EMBED_DIM))
    relation_emb = _glorot(ks[5], (NUM_RELATIONS, EMBED_DIM))
    W1 = jnp.stack([_glorot(jax.random.fold_in(ks[6], i), (EMBED_DIM, EMBED_DIM)) for i in range(NUM_LAYERS)])
    b1 = jnp.zeros((NUM_LAYERS, EMBED_DIM), jnp.float32)
    W2 = jnp.stack([_glorot(jax.random.fold_in(ks[7], i), (EMBED_DIM, EMBED_DIM)) for i in range(NUM_LAYERS)])
    b2 = jnp.zeros((NUM_LAYERS, EMBED_DIM), jnp.float32)
    return {
        'user_item_edges': user_item_edges,
        'kg_edge_index': kg_edge_index,
        'kg_relations': kg_relations,
        'user_emb': user_emb,
        'entity_emb': entity_emb,
        'relation_emb': relation_emb,
        'W1': W1, 'b1': b1, 'W2': W2, 'b2': b2,
    }


def reference(user_item_edges, kg_edge_index, kg_relations, user_emb, entity_emb, relation_emb, W1, b1, W2, b2):
    # Phase 2: construct CKG = user-item edges + KG edges (bidirectional)
    u = user_item_edges[0]
    it = user_item_edges[1] + NUM_USERS
    hd = kg_edge_index[0] + NUM_USERS
    tl = kg_edge_index[1] + NUM_USERS
    src = jnp.concatenate([u, it, hd, tl])
    dst = jnp.concatenate([it, u, tl, hd])
    rel = relation_emb[kg_relations]
    zero_msg = jnp.zeros((E_UI, EMBED_DIM), jnp.float32)
    edge_rel_msg = jnp.concatenate([zero_msg, zero_msg, rel, rel], axis=0)
    deg = jax.ops.segment_sum(jnp.ones(src.shape[0], jnp.float32), dst, num_segments=N_NODES)
    inv_deg = 1.0 / jnp.clip(deg, 1.0, None)
    # Zero-order representations
    h = jnp.concatenate([user_emb, entity_emb], axis=0)
    layers = [h]
    # L-layer GCN propagation with bi-interaction aggregation (KGAT-style)
    for l in range(NUM_LAYERS):
        hl_prev = layers[-1]
        msgs = hl_prev[src] + edge_rel_msg
        agg = jax.ops.segment_sum(msgs, dst, num_segments=N_NODES) * inv_deg[:, None]
        sum_part = jax.nn.leaky_relu((hl_prev + agg) @ W1[l] + b1[l], 0.2)
        bi_part = jax.nn.leaky_relu((hl_prev * agg) @ W2[l] + b2[l], 0.2)
        hl = sum_part + bi_part
        hl = hl / jnp.clip(jnp.linalg.norm(hl, axis=-1, keepdims=True), 1e-12, None)
        layers.append(hl)
    # knowledge-aware high-order representations: concat all propagation layers
    return jnp.concatenate(layers, axis=-1)

if __name__ == "__main__":
    import jax
    _d = setup_inputs()
    print(jax.jit(kernel)(*tuple(_d.values())))

</pallas_src>

<mosaic_0001>
#map = affine_map<(d0, d1) -> (0)>
module attributes {stable_mosaic.version = 14 : i64} {
  func.func @_sc_hist(%arg0: i32, %arg1: i32, %arg2: memref<819200xi32, #tpu.memory_space<hbm>>, %arg3: memref<819200xi32, #tpu.memory_space<hbm>>, %arg4: memref<26656xf32, #tpu.memory_space<hbm>>, %arg5: memref<852992xf32, #tpu.memory_space<hbm>>, %arg6: memref<426496xf32, #tpu.memory_space<vmem_shared>>, %arg7: memref<2048xi32, #tpu.memory_space<vmem>>, %arg8: memref<2048xi32, #tpu.memory_space<vmem>>, %arg9: memref<8x256xi32, #tpu.memory_space<vmem>>, %arg10: memref<256xf32, #tpu.memory_space<vmem>>, %arg11: memref<26656xf32, #tpu.memory_space<vmem>>, %arg12: memref<!tpu.dma_semaphore, #tpu.memory_space<semaphore_mem>>) attributes {dimension_semantics = [#tpu.dimension_semantics<core_parallel>, #tpu.dimension_semantics<subcore_parallel>], iteration_bounds = array<i64: 2, 16>, scalar_prefetch = 0 : i64, scratch_operands = 7 : i64, tpu.core_type = #tpu.core_type<sc_vector_subcore>, window_params = [{transform_indices = #map}, {transform_indices = #map}, {transform_indices = #map}, {transform_indices = #map}]} {
    "tpu.region"() ({
      %run_scoped3A = tpu.sem_alloc : memref<!tpu.dma_semaphore, #tpu.memory_space<semaphore_mem>>
      tpu.enqueue_dma source(%arg4 : memref<26656xf32, #tpu.memory_space<hbm>>) target(%arg11 : memref<26656xf32, #tpu.memory_space<vmem>>) target_semaphore(%run_scoped3A : memref<!tpu.dma_semaphore, #tpu.memory_space<semaphore_mem>>)
      tpu.wait_dma2 semaphore(%run_scoped3A : memref<!tpu.dma_semaphore, #tpu.memory_space<semaphore_mem>>) src(%arg4 : memref<26656xf32, #tpu.memory_space<hbm>>) dst(%arg11 : memref<26656xf32, #tpu.memory_space<vmem>>)
      tpu.yield
    }) : () -> ()
    %mul3A = arith.constant 26656 : i32
    %mul3A_0 = arith.muli %arg1, %mul3A : i32
    "tpu.region"() ({
      %run_scoped3A = tpu.sem_alloc : memref<!tpu.dma_semaphore, #tpu.memory_space<semaphore_mem>>
      %dma_start3A = tpu.memref_slice %arg6[%mul3A_0] : memref<426496xf32, #tpu.memory_space<vmem_shared>> -> memref<26656xf32, #tpu.memory_space<vmem_shared>>
      %dma_start3A_19 = tpu.memref_slice %arg6[%mul3A_0] : memref<426496xf32, #tpu.memory_space<vmem_shared>> -> memref<26656xf32, #tpu.memory_space<vmem_shared>>
      tpu.enqueue_dma source(%arg11 : memref<26656xf32, #tpu.memory_space<vmem>>) target(%dma_start3A_19 : memref<26656xf32, #tpu.memory_space<vmem_shared>>) target_semaphore(%run_scoped3A : memref<!tpu.dma_semaphore, #tpu.memory_space<semaphore_mem>>)
      %dma_wait3A = tpu.memref_slice %arg6[%mul3A_0] : memref<426496xf32, #tpu.memory_space<vmem_shared>> -> memref<26656xf32, #tpu.memory_space<vmem_shared>>
      %dma_wait3A_20 = tpu.memref_slice %arg6[%mul3A_0] : memref<426496xf32, #tpu.memory_space<vmem_shared>> -> memref<26656xf32, #tpu.memory_space<vmem_shared>>
      tpu.wait_dma2 semaphore(%run_scoped3A : memref<!tpu.dma_semaphore, #tpu.memory_space<semaphore_mem>>) src(%arg11 : memref<26656xf32, #tpu.memory_space<vmem>>) dst(%dma_wait3A_20 : memref<26656xf32, #tpu.memory_space<vmem_shared>>)
      tpu.yield
    }) : () -> ()
    %scan3A = arith.constant 0 : i32
    %scan3A_1 = arith.constant 16 : i32
    %scan3A_2 = arith.addi %scan3A, %scan3A_1 : i32
    %scan3A_3 = arith.constant 1 : i32
    scf.for %scan3A_19 = %scan3A to %scan3A_2 step %scan3A_3  : i32 {
      %mul3A_20 = arith.constant 1 : i32
      %mul3A_21 = arith.muli %scan3A_19, %mul3A_20 : i32
      %add3A_22 = arith.constant 0 : i32
      %add3A_23 = arith.addi %add3A_22, %mul3A_21 : i32
      %broadcast_in_dim3A = arith.constant 1.000000e+00 : f32
      %broadcast_in_dim3A_24 = vector.broadcast %broadcast_in_dim3A : f32 to vector<16xf32>
      %mul3A_25 = arith.constant 16 : i32
      %mul3A_26 = arith.muli %add3A_23, %mul3A_25 : i32
      %swap3A = arith.index_cast %mul3A_26 : i32 to index
      %swap3A_27 = tpu.vector_load %arg10[%swap3A] {strides = array<i32>} : memref<256xf32, #tpu.memory_space<vmem>>, vector<16xf32>,
      %swap3A_28 = vector.shape_cast %swap3A_27 : vector<16xf32> to vector<16xf32>
      %swap3A_29 = vector.shape_cast %broadcast_in_dim3A_24 : vector<16xf32> to vector<16xf32>
      tpu.vector_store %arg10[%swap3A], %swap3A_29 {strides = array<i32>} : memref<256xf32, #tpu.memory_space<vmem>>, vector<16xf32>,
    }
    %scan3A_4 = arith.constant 16 : i32
    %barrier3A = arith.constant 0 : index
    tpu.barrier barrier_id(%barrier3A)
    %mul3A_5 = arith.constant 25000 : i32
    %mul3A_6 = arith.muli %arg0, %mul3A_5 : i32
    %scan3A_7 = arith.constant 0 : i32
    %scan3A_8 = arith.constant 25 : i32
    %scan3A_9 = arith.addi %scan3A_7, %scan3A_8 : i32
    %scan3A_10 = arith.constant 1 : i32
    scf.for %scan3A_19 = %scan3A_7 to %scan3A_9 step %scan3A_10  : i32 {
      %mul3A_20 = arith.constant 1 : i32
      %mul3A_21 = arith.muli %scan3A_19, %mul3A_20 : i32
      %add3A_22 = arith.constant 0 : i32
      %add3A_23 = arith.addi %add3A_22, %mul3A_21 : i32
      %mul3A_24 = arith.constant 51200 : i32
      %mul3A_25 = arith.muli %arg1, %mul3A_24 : i32
      %mul3A_26 = arith.constant 2048 : i32
      %mul3A_27 = arith.muli %add3A_23, %mul3A_26 : i32
      %add3A_28 = arith.addi %mul3A_25, %mul3A_27 : i32
      "tpu.region"() ({
        %run_scoped3A = tpu.sem_alloc : memref<!tpu.dma_semaphore, #tpu.memory_space<semaphore_mem>>
        %dma_start3A_128 = tpu.memref_slice %arg2[%add3A_28] : memref<819200xi32, #tpu.memory_space<hbm>> -> memref<2048xi32, #tpu.memory_space<hbm>>
        %dma_start3A_129 = tpu.memref_slice %arg2[%add3A_28] : memref<819200xi32, #tpu.memory_space<hbm>> -> memref<2048xi32, #tpu.memory_space<hbm>>
        tpu.enqueue_dma source(%dma_start3A_129 : memref<2048xi32, #tpu.memory_space<hbm>>) target(%arg7 : memref<2048xi32, #tpu.memory_space<vmem>>) target_semaphore(%run_scoped3A : memref<!tpu.dma_semaphore, #tpu.memory_space<semaphore_mem>>)
        %dma_wait3A_130 = tpu.memref_slice %arg2[%add3A_28] : memref<819200xi32, #tpu.memory_space<hbm>> -> memref<2048xi32, #tpu.memory_space<hbm>>
        %dma_wait3A_131 = tpu.memref_slice %arg2[%add3A_28] : memref<819200xi32, #tpu.memory_space<hbm>> -> memref<2048xi32, #tpu.memory_space<hbm>>
        tpu.wait_dma2 semaphore(%run_scoped3A : memref<!tpu.dma_semaphore, #tpu.memory_space<semaphore_mem>>) src(%dma_wait3A_131 : memref<2048xi32, #tpu.memory_space<hbm>>) dst(%arg7 : memref<2048xi32, #tpu.memory_space<vmem>>)
        tpu.yield
      }) : () -> ()
      "tpu.region"() ({
        %run_scoped3A = tpu.sem_alloc : memref<!tpu.dma_semaphore, #tpu.memory_space<semaphore_mem>>
        %dma_start3A_128 = tpu.memref_slice %arg3[%add3A_28] : memref<819200xi32, #tpu.memory_space<hbm>> -> memref<2048xi32, #tpu.memory_space<hbm>>
        %dma_start3A_129 = tpu.memref_slice %arg3[%add3A_28] : memref<819200xi32, #tpu.memory_space<hbm>> -> memref<2048xi32, #tpu.memory_space<hbm>>
        tpu.enqueue_dma source(%dma_start3A_129 : memref<2048xi32, #tpu.memory_space<hbm>>) target(%arg8 : memref<2048xi32, #tpu.memory_space<vmem>>) target_semaphore(%run_scoped3A : memref<!tpu.dma_semaphore, #tpu.memory_space<semaphore_mem>>)
        %dma_wait3A_130 = tpu.memref_slice %arg3[%add3A_28] : memref<819200xi32, #tpu.memory_space<hbm>> -> memref<2048xi32, #tpu.memory_space<hbm>>
        %dma_wait3A_131 = tpu.memref_slice %arg3[%add3A_28] : memref<819200xi32, #tpu.memory_space<hbm>> -> memref<2048xi32, #tpu.memory_space<hbm>>
        tpu.wait_dma2 semaphore(%run_scoped3A : memref<!tpu.dma_semaphore, #tpu.memory_space<semaphore_mem>>) src(%dma_wait3A_131 : memref<2048xi32, #tpu.memory_space<hbm>>) dst(%arg8 : memref<2048xi32, #tpu.memory_space<vmem>>)
        tpu.yield
      }) : () -> ()
      %scan3A_29 = arith.constant 0 : i32
      %scan3A_30 = arith.constant 8 : i32
      %scan3A_31 = arith.addi %scan3A_29, %scan3A_30 : i32
      %scan3A_32 = arith.constant 1 : i32
      scf.for %scan3A_128 = %scan3A_29 to %scan3A_31 step %scan3A_32  : i32 {
        %mul3A_129 = arith.constant 1 : i32
        %mul3A_130 = arith.muli %scan3A_128, %mul3A_129 : i32
        %add3A_131 = arith.constant 0 : i32
        %add3A_132 = arith.addi %add3A_131, %mul3A_130 : i32
        %scan3A_133 = arith.constant 0 : i32
        %scan3A_134 = arith.constant 16 : i32
        %scan3A_135 = arith.addi %scan3A_133, %scan3A_134 : i32
        %scan3A_136 = arith.constant 1 : i32
        scf.for %scan3A_138 = %scan3A_133 to %scan3A_135 step %scan3A_136  : i32 {
          %mul3A_139 = arith.constant 1 : i32
          %mul3A_140 = arith.muli %scan3A_138, %mul3A_139 : i32
          %add3A_141 = arith.constant 0 : i32
          %add3A_142 = arith.addi %add3A_141, %mul3A_140 : i32
          %mul3A_143 = arith.constant 256 : i32
          %mul3A_144 = arith.muli %add3A_132, %mul3A_143 : i32
          %mul3A_145 = arith.constant 16 : i32
          %mul3A_146 = arith.muli %add3A_142, %mul3A_145 : i32
          %add3A_147 = arith.addi %mul3A_144, %mul3A_146 : i32
          %get3A = arith.index_cast %add3A_147 : i32 to index
          %get3A_148 = tpu.vector_load %arg7[%get3A] {strides = array<i32>} : memref<2048xi32, #tpu.memory_space<vmem>>, vector<16xi32>,
          %get3A_149 = vector.shape_cast %get3A_148 : vector<16xi32> to vector<16xi32>
          %mul3A_150 = arith.constant 256 : i32
          %mul3A_151 = arith.muli %add3A_132, %mul3A_150 : i32
          %mul3A_152 = arith.constant 16 : i32
          %mul3A_153 = arith.muli %add3A_142, %mul3A_152 : i32
          %add3A_154 = arith.addi %mul3A_151, %mul3A_153 : i32
          %get3A_155 = arith.index_cast %add3A_154 : i32 to index
          %get3A_156 = tpu.vector_load %arg8[%get3A_155] {strides = array<i32>} : memref<2048xi32, #tpu.memory_space<vmem>>, vector<16xi32>,
          %get3A_157 = vector.shape_cast %get3A_156 : vector<16xi32> to vector<16xi32>
          %sub3A = vector.broadcast %mul3A_6 : i32 to vector<16xi32>
          %sub3A_158 = arith.subi %get3A_149, %sub3A : vector<16xi32>
          %ge3A = arith.constant 0 : i32
          %ge3A_159 = vector.broadcast %ge3A : i32 to vector<16xi32>
          %ge3A_160 = arith.cmpi sge, %sub3A_158, %ge3A_159 : vector<16xi32>
          %lt3A = arith.constant 25000 : i32
          %lt3A_161 = vector.broadcast %lt3A : i32 to vector<16xi32>
          %lt3A_162 = arith.cmpi slt, %sub3A_158, %lt3A_161 : vector<16xi32>
          %and3A = arith.andi %ge3A_160, %lt3A_162 : vector<16xi1>
          %jit3A = arith.constant 25080 : i32
          %broadcast_in_dim3A = vector.broadcast %jit3A : i32 to vector<16xi32>
          %select_n3A = arith.select %and3A, %sub3A_158, %broadcast_in_dim3A : vector<16xi1>, vector<16xi32>
          %mul3A_163 = arith.constant 17 : i32
          %mul3A_164 = vector.broadcast %mul3A_163 : i32 to vector<16xi32>
          %mul3A_165 = arith.muli %select_n3A, %mul3A_164 : vector<16xi32>
          %add3A_166 = arith.addi %mul3A_165, %get3A_157 : vector<16xi32>
          %reshape3A = vector.shape_cast %add3A_166 : vector<16xi32> to vector<1x16xi32>
          %mul3A_167 = arith.constant 16 : i32
          %mul3A_168 = arith.muli %add3A_142, %mul3A_167 : i32
          %swap3A = arith.index_cast %add3A_132 : i32 to index
          %swap3A_169 = arith.index_cast %mul3A_168 : i32 to index
          %swap3A_170 = tpu.vector_load %arg9[%swap3A, %swap3A_169] {strides = array<i32>} : memref<8x256xi32, #tpu.memory_space<vmem>>, vector<1x16xi32>,
          %swap3A_171 = vector.shape_cast %swap3A_170 : vector<1x16xi32> to vector<1x16xi32>
          %swap3A_172 = vector.shape_cast %reshape3A : vector<1x16xi32> to vector<1x16xi32>
          tpu.vector_store %arg9[%swap3A, %swap3A_169], %swap3A_172 {strides = array<i32>} : memref<8x256xi32, #tpu.memory_space<vmem>>, vector<1x16xi32>,
        }
        %scan3A_137 = arith.constant 16 : i32
      }
      %scan3A_33 = arith.constant 8 : i32
      %dma_start3A = arith.constant 0 : i32
      %dma_start3A_34 = arith.constant 0 : i32
      %dma_start3A_35 = tpu.memref_slice %arg9[%dma_start3A, %dma_start3A_34] : memref<8x256xi32, #tpu.memory_space<vmem>> -> memref<1x256xi32, #tpu.memory_space<vmem>>
      %dma_start3A_36 = tpu.memref_squeeze %dma_start3A_35 : memref<1x256xi32, #tpu.memory_space<vmem>> -> memref<256xi32, #tpu.memory_space<vmem>>
      %dma_start3A_37 = arith.constant 0 : i32
      %dma_start3A_38 = tpu.memref_slice %arg6[%dma_start3A_37] : memref<426496xf32, #tpu.memory_space<vmem_shared>> -> memref<426496xf32, #tpu.memory_space<vmem_shared>>
      tpu.enqueue_indirect_dma source(%arg10 : memref<256xf32, #tpu.memory_space<vmem>>) target(%dma_start3A_38 : memref<426496xf32, #tpu.memory_space<vmem_shared>>) offsets(%dma_start3A_36 : memref<256xi32, #tpu.memory_space<vmem>>) semaphore(%arg12 : memref<!tpu.dma_semaphore, #tpu.memory_space<semaphore_mem>>) {add = true}
      %dma_start3A_39 = arith.constant 1 : i32
      %dma_start3A_40 = arith.constant 0 : i32
      %dma_start3A_41 = tpu.memref_slice %arg9[%dma_start3A_39, %dma_start3A_40] : memref<8x256xi32, #tpu.memory_space<vmem>> -> memref<1x256xi32, #tpu.memory_space<vmem>>
      %dma_start3A_42 = tpu.memref_squeeze %dma_start3A_41 : memref<1x256xi32, #tpu.memory_space<vmem>> -> memref<256xi32, #tpu.memory_space<vmem>>
      %dma_start3A_43 = arith.constant 0 : i32
      %dma_start3A_44 = tpu.memref_slice %arg6[%dma_start3A_43] : memref<426496xf32, #tpu.memory_space<vmem_shared>> -> memref<426496xf32, #tpu.memory_space<vmem_shared>>
      tpu.enqueue_indirect_dma source(%arg10 : memref<256xf32, #tpu.memory_space<vmem>>) target(%dma_start3A_44 : memref<426496xf32, #tpu.memory_space<vmem_shared>>) offsets(%dma_start3A_42 : memref<256xi32, #tpu.memory_space<vmem>>) semaphore(%arg12 : memref<!tpu.dma_semaphore, #tpu.memory_space<semaphore_mem>>) {add = true}
      %dma_start3A_45 = arith.constant 2 : i32
      %dma_start3A_46 = arith.constant 0 : i32
      %dma_start3A_47 = tpu.memref_slice %arg9[%dma_start3A_45, %dma_start3A_46] : memref<8x256xi32, #tpu.memory_space<vmem>> -> memref<1x256xi32, #tpu.memory_space<vmem>>
      %dma_start3A_48 = tpu.memref_squeeze %dma_start3A_47 : memref<1x256xi32, #tpu.memory_space<vmem>> -> memref<256xi32, #tpu.memory_space<vmem>>
      %dma_start3A_49 = arith.constant 0 : i32
      %dma_start3A_50 = tpu.memref_slice %arg6[%dma_start3A_49] : memref<426496xf32, #tpu.memory_space<vmem_shared>> -> memref<426496xf32, #tpu.memory_space<vmem_shared>>
      tpu.enqueue_indirect_dma source(%arg10 : memref<256xf32, #tpu.memory_space<vmem>>) target(%dma_start3A_50 : memref<426496xf32, #tpu.memory_space<vmem_shared>>) offsets(%dma_start3A_48 : memref<256xi32, #tpu.memory_space<vmem>>) semaphore(%arg12 : memref<!tpu.dma_semaphore, #tpu.memory_space<semaphore_mem>>) {add = true}
      %dma_start3A_51 = arith.constant 3 : i32
      %dma_start3A_52 = arith.constant 0 : i32
      %dma_start3A_53 = tpu.memref_slice %arg9[%dma_start3A_51, %dma_start3A_52] : memref<8x256xi32, #tpu.memory_space<vmem>> -> memref<1x256xi32, #tpu.memory_space<vmem>>
      %dma_start3A_54 = tpu.memref_squeeze %dma_start3A_53 : memref<1x256xi32, #tpu.memory_space<vmem>> -> memref<256xi32, #tpu.memory_space<vmem>>
      %dma_start3A_55 = arith.constant 0 : i32
      %dma_start3A_56 = tpu.memref_slice %arg6[%dma_start3A_55] : memref<426496xf32, #tpu.memory_space<vmem_shared>> -> memref<426496xf32, #tpu.memory_space<vmem_shared>>
      tpu.enqueue_indirect_dma source(%arg10 : memref<256xf32, #tpu.memory_space<vmem>>) target(%dma_start3A_56 : memref<426496xf32, #tpu.memory_space<vmem_shared>>) offsets(%dma_start3A_54 : memref<256xi32, #tpu.memory_space<vmem>>) semaphore(%arg12 : memref<!tpu.dma_semaphore, #tpu.memory_space<semaphore_mem>>) {add = true}
      %dma_start3A_57 = arith.constant 4 : i32
      %dma_start3A_58 = arith.constant 0 : i32
      %dma_start3A_59 = tpu.memref_slice %arg9[%dma_start3A_57, %dma_start3A_58] : memref<8x256xi32, #tpu.memory_space<vmem>> -> memref<1x256xi32, #tpu.memory_space<vmem>>
      %dma_start3A_60 = tpu.memref_squeeze %dma_start3A_59 : memref<1x256xi32, #tpu.memory_space<vmem>> -> memref<256xi32, #tpu.memory_space<vmem>>
      %dma_start3A_61 = arith.constant 0 : i32
      %dma_start3A_62 = tpu.memref_slice %arg6[%dma_start3A_61] : memref<426496xf32, #tpu.memory_space<vmem_shared>> -> memref<426496xf32, #tpu.memory_space<vmem_shared>>
      tpu.enqueue_indirect_dma source(%arg10 : memref<256xf32, #tpu.memory_space<vmem>>) target(%dma_start3A_62 : memref<426496xf32, #tpu.memory_space<vmem_shared>>) offsets(%dma_start3A_60 : memref<256xi32, #tpu.memory_space<vmem>>) semaphore(%arg12 : memref<!tpu.dma_semaphore, #tpu.memory_space<semaphore_mem>>) {add = true}
      %dma_start3A_63 = arith.constant 5 : i32
      %dma_start3A_64 = arith.constant 0 : i32
      %dma_start3A_65 = tpu.memref_slice %arg9[%dma_start3A_63, %dma_start3A_64] : memref<8x256xi32, #tpu.memory_space<vmem>> -> memref<1x256xi32, #tpu.memory_space<vmem>>
      %dma_start3A_66 = tpu.memref_squeeze %dma_start3A_65 : memref<1x256xi32, #tpu.memory_space<vmem>> -> memref<256xi32, #tpu.memory_space<vmem>>
      %dma_start3A_67 = arith.constant 0 : i32
      %dma_start3A_68 = tpu.memref_slice %arg6[%dma_start3A_67] : memref<426496xf32, #tpu.memory_space<vmem_shared>> -> memref<426496xf32, #tpu.memory_space<vmem_shared>>
      tpu.enqueue_indirect_dma source(%arg10 : memref<256xf32, #tpu.memory_space<vmem>>) target(%dma_start3A_68 : memref<426496xf32, #tpu.memory_space<vmem_shared>>) offsets(%dma_start3A_66 : memref<256xi32, #tpu.memory_space<vmem>>) semaphore(%arg12 : memref<!tpu.dma_semaphore, #tpu.memory_space<semaphore_mem>>) {add = true}
      %dma_start3A_69 = arith.constant 6 : i32
      %dma_start3A_70 = arith.constant 0 : i32
      %dma_start3A_71 = tpu.memref_slice %arg9[%dma_start3A_69, %dma_start3A_70] : memref<8x256xi32, #tpu.memory_space<vmem>> -> memref<1x256xi32, #tpu.memory_space<vmem>>
      %dma_start3A_72 = tpu.memref_squeeze %dma_start3A_71 : memref<1x256xi32, #tpu.memory_space<vmem>> -> memref<256xi32, #tpu.memory_space<vmem>>
      %dma_start3A_73 = arith.constant 0 : i32
      %dma_start3A_74 = tpu.memref_slice %arg6[%dma_start3A_73] : memref<426496xf32, #tpu.memory_space<vmem_shared>> -> memref<426496xf32, #tpu.memory_space<vmem_shared>>
      tpu.enqueue_indirect_dma source(%arg10 : memref<256xf32, #tpu.memory_space<vmem>>) target(%dma_start3A_74 : memref<426496xf32, #tpu.memory_space<vmem_shared>>) offsets(%dma_start3A_72 : memref<256xi32, #tpu.memory_space<vmem>>) semaphore(%arg12 : memref<!tpu.dma_semaphore, #tpu.memory_space<semaphore_mem>>) {add = true}
      %dma_start3A_75 = arith.constant 7 : i32
      %dma_start3A_76 = arith.constant 0 : i32
      %dma_start3A_77 = tpu.memref_slice %arg9[%dma_start3A_75, %dma_start3A_76] : memref<8x256xi32, #tpu.memory_space<vmem>> -> memref<1x256xi32, #tpu.memory_space<vmem>>
      %dma_start3A_78 = tpu.memref_squeeze %dma_start3A_77 : memref<1x256xi32, #tpu.memory_space<vmem>> -> memref<256xi32, #tpu.memory_space<vmem>>
      %dma_start3A_79 = arith.constant 0 : i32
      %dma_start3A_80 = tpu.memref_slice %arg6[%dma_start3A_79] : memref<426496xf32, #tpu.memory_space<vmem_shared>> -> memref<426496xf32, #tpu.memory_space<vmem_shared>>
      tpu.enqueue_indirect_dma source(%arg10 : memref<256xf32, #tpu.memory_space<vmem>>) target(%dma_start3A_80 : memref<426496xf32, #tpu.memory_space<vmem_shared>>) offsets(%dma_start3A_78 : memref<256xi32, #tpu.memory_space<vmem>>) semaphore(%arg12 : memref<!tpu.dma_semaphore, #tpu.memory_space<semaphore_mem>>) {add = true}
      %dma_wait3A = arith.constant 0 : i32
      %dma_wait3A_81 = arith.constant 0 : i32
      %dma_wait3A_82 = tpu.memref_slice %arg9[%dma_wait3A, %dma_wait3A_81] : memref<8x256xi32, #tpu.memory_space<vmem>> -> memref<1x256xi32, #tpu.memory_space<vmem>>
      %dma_wait3A_83 = tpu.memref_squeeze %dma_wait3A_82 : memref<1x256xi32, #tpu.memory_space<vmem>> -> memref<256xi32, #tpu.memory_space<vmem>>
      %dma_wait3A_84 = arith.constant 0 : i32
      %dma_wait3A_85 = tpu.memref_slice %arg6[%dma_wait3A_84] : memref<426496xf32, #tpu.memory_space<vmem_shared>> -> memref<426496xf32, #tpu.memory_space<vmem_shared>>
      tpu.wait_indirect_dma semaphore(%arg12 : memref<!tpu.dma_semaphore, #tpu.memory_space<semaphore_mem>>) src(%arg10 : memref<256xf32, #tpu.memory_space<vmem>>) dst(%dma_wait3A_85 : memref<426496xf32, #tpu.memory_space<vmem_shared>>)
      %dma_wait3A_86 = arith.constant 1 : i32
      %dma_wait3A_87 = arith.constant 0 : i32
      %dma_wait3A_88 = tpu.memref_slice %arg9[%dma_wait3A_86, %dma_wait3A_87] : memref<8x256xi32, #tpu.memory_space<vmem>> -> memref<1x256xi32, #tpu.memory_space<vmem>>
      %dma_wait3A_89 = tpu.memref_squeeze %dma_wait3A_88 : memref<1x256xi32, #tpu.memory_space<vmem>> -> memref<256xi32, #tpu.memory_space<vmem>>
      %dma_wait3A_90 = arith.constant 0 : i32
      %dma_wait3A_91 = tpu.memref_slice %arg6[%dma_wait3A_90] : memref<426496xf32, #tpu.memory_space<vmem_shared>> -> memref<426496xf32, #tpu.memory_space<vmem_shared>>
      tpu.wait_indirect_dma semaphore(%arg12 : memref<!tpu.dma_semaphore, #tpu.memory_space<semaphore_mem>>) src(%arg10 : memref<256xf32, #tpu.memory_space<vmem>>) dst(%dma_wait3A_91 : memref<426496xf32, #tpu.memory_space<vmem_shared>>)
      %dma_wait3A_92 = arith.constant 2 : i32
      %dma_wait3A_93 = arith.constant 0 : i32
      %dma_wait3A_94 = tpu.memref_slice %arg9[%dma_wait3A_92, %dma_wait3A_93] : memref<8x256xi32, #tpu.memory_space<vmem>> -> memref<1x256xi32, #tpu.memory_space<vmem>>
      %dma_wait3A_95 = tpu.memref_squeeze %dma_wait3A_94 : memref<1x256xi32, #tpu.memory_space<vmem>> -> memref<256xi32, #tpu.memory_space<vmem>>
      %dma_wait3A_96 = arith.constant 0 : i32
      %dma_wait3A_97 = tpu.memref_slice %arg6[%dma_wait3A_96] : memref<426496xf32, #tpu.memory_space<vmem_shared>> -> memref<426496xf32, #tpu.memory_space<vmem_shared>>
      tpu.wait_indirect_dma semaphore(%arg12 : memref<!tpu.dma_semaphore, #tpu.memory_space<semaphore_mem>>) src(%arg10 : memref<256xf32, #tpu.memory_space<vmem>>) dst(%dma_wait3A_97 : memref<426496xf32, #tpu.memory_space<vmem_shared>>)
      %dma_wait3A_98 = arith.constant 3 : i32
      %dma_wait3A_99 = arith.constant 0 : i32
      %dma_wait3A_100 = tpu.memref_slice %arg9[%dma_wait3A_98, %dma_wait3A_99] : memref<8x256xi32, #tpu.memory_space<vmem>> -> memref<1x256xi32, #tpu.memory_space<vmem>>
      %dma_wait3A_101 = tpu.memref_squeeze %dma_wait3A_100 : memref<1x256xi32, #tpu.memory_space<vmem>> -> memref<256xi32, #tpu.memory_space<vmem>>
      %dma_wait3A_102 = arith.constant 0 : i32
      %dma_wait3A_103 = tpu.memref_slice %arg6[%dma_wait3A_102] : memref<426496xf32, #tpu.memory_space<vmem_shared>> -> memref<426496xf32, #tpu.memory_space<vmem_shared>>
      tpu.wait_indirect_dma semaphore(%arg12 : memref<!tpu.dma_semaphore, #tpu.memory_space<semaphore_mem>>) src(%arg10 : memref<256xf32, #tpu.memory_space<vmem>>) dst(%dma_wait3A_103 : memref<426496xf32, #tpu.memory_space<vmem_shared>>)
      %dma_wait3A_104 = arith.constant 4 : i32
      %dma_wait3A_105 = arith.constant 0 : i32
      %dma_wait3A_106 = tpu.memref_slice %arg9[%dma_wait3A_104, %dma_wait3A_105] : memref<8x256xi32, #tpu.memory_space<vmem>> -> memref<1x256xi32, #tpu.memory_space<vmem>>
      %dma_wait3A_107 = tpu.memref_squeeze %dma_wait3A_106 : memref<1x256xi32, #tpu.memory_space<vmem>> -> memref<256xi32, #tpu.memory_space<vmem>>
      %dma_wait3A_108 = arith.constant 0 : i32
      %dma_wait3A_109 = tpu.memref_slice %arg6[%dma_wait3A_108] : memref<426496xf32, #tpu.memory_space<vmem_shared>> -> memref<426496xf32, #tpu.memory_space<vmem_shared>>
      tpu.wait_indirect_dma semaphore(%arg12 : memref<!tpu.dma_semaphore, #tpu.memory_space<semaphore_mem>>) src(%arg10 : memref<256xf32, #tpu.memory_space<vmem>>) dst(%dma_wait3A_109 : memref<426496xf32, #tpu.memory_space<vmem_shared>>)
      %dma_wait3A_110 = arith.constant 5 : i32
      %dma_wait3A_111 = arith.constant 0 : i32
      %dma_wait3A_112 = tpu.memref_slice %arg9[%dma_wait3A_110, %dma_wait3A_111] : memref<8x256xi32, #tpu.memory_space<vmem>> -> memref<1x256xi32, #tpu.memory_space<vmem>>
      %dma_wait3A_113 = tpu.memref_squeeze %dma_wait3A_112 : memref<1x256xi32, #tpu.memory_space<vmem>> -> memref<256xi32, #tpu.memory_space<vmem>>
      %dma_wait3A_114 = arith.constant 0 : i32
      %dma_wait3A_115 = tpu.memref_slice %arg6[%dma_wait3A_114] : memref<426496xf32, #tpu.memory_space<vmem_shared>> -> memref<426496xf32, #tpu.memory_space<vmem_shared>>
      tpu.wait_indirect_dma semaphore(%arg12 : memref<!tpu.dma_semaphore, #tpu.memory_space<semaphore_mem>>) src(%arg10 : memref<256xf32, #tpu.memory_space<vmem>>) dst(%dma_wait3A_115 : memref<426496xf32, #tpu.memory_space<vmem_shared>>)
      %dma_wait3A_116 = arith.constant 6 : i32
      %dma_wait3A_117 = arith.constant 0 : i32
      %dma_wait3A_118 = tpu.memref_slice %arg9[%dma_wait3A_116, %dma_wait3A_117] : memref<8x256xi32, #tpu.memory_space<vmem>> -> memref<1x256xi32, #tpu.memory_space<vmem>>
      %dma_wait3A_119 = tpu.memref_squeeze %dma_wait3A_118 : memref<1x256xi32, #tpu.memory_space<vmem>> -> memref<256xi32, #tpu.memory_space<vmem>>
      %dma_wait3A_120 = arith.constant 0 : i32
      %dma_wait3A_121 = tpu.memref_slice %arg6[%dma_wait3A_120] : memref<426496xf32, #tpu.memory_space<vmem_shared>> -> memref<426496xf32, #tpu.memory_space<vmem_shared>>
      tpu.wait_indirect_dma semaphore(%arg12 : memref<!tpu.dma_semaphore, #tpu.memory_space<semaphore_mem>>) src(%arg10 : memref<256xf32, #tpu.memory_space<vmem>>) dst(%dma_wait3A_121 : memref<426496xf32, #tpu.memory_space<vmem_shared>>)
      %dma_wait3A_122 = arith.constant 7 : i32
      %dma_wait3A_123 = arith.constant 0 : i32
      %dma_wait3A_124 = tpu.memref_slice %arg9[%dma_wait3A_122, %dma_wait3A_123] : memref<8x256xi32, #tpu.memory_space<vmem>> -> memref<1x256xi32, #tpu.memory_space<vmem>>
      %dma_wait3A_125 = tpu.memref_squeeze %dma_wait3A_124 : memref<1x256xi32, #tpu.memory_space<vmem>> -> memref<256xi32, #tpu.memory_space<vmem>>
      %dma_wait3A_126 = arith.constant 0 : i32
      %dma_wait3A_127 = tpu.memref_slice %arg6[%dma_wait3A_126] : memref<426496xf32, #tpu.memory_space<vmem_shared>> -> memref<426496xf32, #tpu.memory_space<vmem_shared>>
      tpu.wait_indirect_dma semaphore(%arg12 : memref<!tpu.dma_semaphore, #tpu.memory_space<semaphore_mem>>) src(%arg10 : memref<256xf32, #tpu.memory_space<vmem>>) dst(%dma_wait3A_127 : memref<426496xf32, #tpu.memory_space<vmem_shared>>)
    }
    %scan3A_11 = arith.constant 25 : i32
    %barrier3A_12 = arith.constant 0 : index
    tpu.barrier barrier_id(%barrier3A_12)
    %mul3A_13 = arith.constant 26656 : i32
    %mul3A_14 = arith.muli %arg1, %mul3A_13 : i32
    "tpu.region"() ({
      %run_scoped3A = tpu.sem_alloc : memref<!tpu.dma_semaphore, #tpu.memory_space<semaphore_mem>>
      %dma_start3A = tpu.memref_slice %arg6[%mul3A_14] : memref<426496xf32, #tpu.memory_space<vmem_shared>> -> memref<26656xf32, #tpu.memory_space<vmem_shared>>
      %dma_start3A_19 = tpu.memref_slice %arg6[%mul3A_14] : memref<426496xf32, #tpu.memory_space<vmem_shared>> -> memref<26656xf32, #tpu.memory_space<vmem_shared>>
      tpu.enqueue_dma source(%dma_start3A_19 : memref<26656xf32, #tpu.memory_space<vmem_shared>>) target(%arg11 : memref<26656xf32, #tpu.memory_space<vmem>>) target_semaphore(%run_scoped3A : memref<!tpu.dma_semaphore, #tpu.memory_space<semaphore_mem>>)
      %dma_wait3A = tpu.memref_slice %arg6[%mul3A_14] : memref<426496xf32, #tpu.memory_space<vmem_shared>> -> memref<26656xf32, #tpu.memory_space<vmem_shared>>
      %dma_wait3A_20 = tpu.memref_slice %arg6[%mul3A_14] : memref<426496xf32, #tpu.memory_space<vmem_shared>> -> memref<26656xf32, #tpu.memory_space<vmem_shared>>
      tpu.wait_dma2 semaphore(%run_scoped3A : memref<!tpu.dma_semaphore, #tpu.memory_space<semaphore_mem>>) src(%dma_wait3A_20 : memref<26656xf32, #tpu.memory_space<vmem_shared>>) dst(%arg11 : memref<26656xf32, #tpu.memory_space<vmem>>)
      tpu.yield
    }) : () -> ()
    %mul3A_15 = arith.constant 426496 : i32
    %mul3A_16 = arith.muli %arg0, %mul3A_15 : i32
    %mul3A_17 = arith.constant 26656 : i32
    %mul3A_18 = arith.muli %arg1, %mul3A_17 : i32
    %add3A = arith.addi %mul3A_16, %mul3A_18 : i32
    "tpu.region"() ({
      %run_scoped3A = tpu.sem_alloc : memref<!tpu.dma_semaphore, #tpu.memory_space<semaphore_mem>>
      %dma_start3A = tpu.memref_slice %arg5[%add3A] : memref<852992xf32, #tpu.memory_space<hbm>> -> memref<26656xf32, #tpu.memory_space<hbm>>
      %dma_start3A_19 = tpu.memref_slice %arg5[%add3A] : memref<852992xf32, #tpu.memory_space<hbm>> -> memref<26656xf32, #tpu.memory_space<hbm>>
      tpu.enqueue_dma source(%arg11 : memref<26656xf32, #tpu.memory_space<vmem>>) target(%dma_start3A_19 : memref<26656xf32, #tpu.memory_space<hbm>>) target_semaphore(%run_scoped3A : memref<!tpu.dma_semaphore, #tpu.memory_space<semaphore_mem>>)
      %dma_wait3A = tpu.memref_slice %arg5[%add3A] : memref<852992xf32, #tpu.memory_space<hbm>> -> memref<26656xf32, #tpu.memory_space<hbm>>
      %dma_wait3A_20 = tpu.memref_slice %arg5[%add3A] : memref<852992xf32, #tpu.memory_space<hbm>> -> memref<26656xf32, #tpu.memory_space<hbm>>
      tpu.wait_dma2 semaphore(%run_scoped3A : memref<!tpu.dma_semaphore, #tpu.memory_space<semaphore_mem>>) src(%arg11 : memref<26656xf32, #tpu.memory_space<vmem>>) dst(%dma_wait3A_20 : memref<26656xf32, #tpu.memory_space<hbm>>)
      tpu.yield
    }) : () -> ()
    return
  }
}

#map = affine_map<(d0, d1) -> (0)>
#map1 = affine_map<(d0, d1) -> (0, 0)>
module attributes {stable_mosaic.version = 14 : i64} {
  func.func @_sc_agg(%arg0: i32, %arg1: i32, %arg2: memref<819200xi32, #tpu.memory_space<hbm>>, %arg3: memref<819200xi32, #tpu.memory_space<hbm>>, %arg4: memref<50176x64xf32, #tpu.memory_space<hbm>>, %arg5: memref<112x64xf32, #tpu.memory_space<hbm>>, %arg6: memref<50176x64xf32, #tpu.memory_space<hbm>>, %arg7: memref<25088x64xf32, #tpu.memory_space<vmem_shared>>, %arg8: memref<2048xi32, #tpu.memory_space<vmem>>, %arg9: memref<2048xi32, #tpu.memory_space<vmem>>, %arg10: memref<8x256xi32, #tpu.memory_space<vmem>>, %arg11: memref<256x64xf32, #tpu.memory_space<vmem>>, %arg12: memref<!tpu.dma_semaphore, #tpu.memory_space<semaphore_mem>>) attributes {dimension_semantics = [#tpu.dimension_semantics<core_parallel>, #tpu.dimension_semantics<subcore_parallel>], iteration_bounds = array<i64: 2, 16>, scalar_prefetch = 0 : i64, scratch_operands = 6 : i64, tpu.core_type = #tpu.core_type<sc_vector_subcore>, window_params = [{transform_indices = #map}, {transform_indices = #map}, {transform_indices = #map1}, {transform_indices = #map1}, {transform_indices = #map1}]} {
    %mul3A = arith.constant 25000 : i32
    %mul3A_0 = arith.muli %arg0, %mul3A : i32
    "tpu.region"() ({
      %run_scoped3A = tpu.sem_alloc : memref<!tpu.dma_semaphore, #tpu.memory_space<semaphore_mem>>
      %dma_start3A = arith.constant 0 : i32
      %dma_start3A_21 = arith.constant 0 : i32
      %dma_start3A_22 = tpu.memref_slice %arg11[%dma_start3A, %dma_start3A_21] : memref<256x64xf32, #tpu.memory_space<vmem>> -> memref<112x64xf32, #tpu.memory_space<vmem>>
      %dma_start3A_23 = arith.constant 0 : i32
      %dma_start3A_24 = arith.constant 0 : i32
      %dma_start3A_25 = tpu.memref_slice %arg11[%dma_start3A_23, %dma_start3A_24] : memref<256x64xf32, #tpu.memory_space<vmem>> -> memref<112x64xf32, #tpu.memory_space<vmem>>
      tpu.enqueue_dma source(%arg5 : memref<112x64xf32, #tpu.memory_space<hbm>>) target(%dma_start3A_25 : memref<112x64xf32, #tpu.memory_space<vmem>>) target_semaphore(%run_scoped3A : memref<!tpu.dma_semaphore, #tpu.memory_space<semaphore_mem>>)
      %dma_wait3A = arith.constant 0 : i32
      %dma_wait3A_26 = arith.constant 0 : i32
      %dma_wait3A_27 = tpu.memref_slice %arg11[%dma_wait3A, %dma_wait3A_26] : memref<256x64xf32, #tpu.memory_space<vmem>> -> memref<112x64xf32, #tpu.memory_space<vmem>>
      %dma_wait3A_28 = arith.constant 0 : i32
      %dma_wait3A_29 = arith.constant 0 : i32
      %dma_wait3A_30 = tpu.memref_slice %arg11[%dma_wait3A_28, %dma_wait3A_29] : memref<256x64xf32, #tpu.memory_space<vmem>> -> memref<112x64xf32, #tpu.memory_space<vmem>>
      tpu.wait_dma2 semaphore(%run_scoped3A : memref<!tpu.dma_semaphore, #tpu.memory_space<semaphore_mem>>) src(%arg5 : memref<112x64xf32, #tpu.memory_space<hbm>>) dst(%dma_wait3A_30 : memref<112x64xf32, #tpu.memory_space<vmem>>)
      tpu.yield
    }) : () -> ()
    %scan3A = arith.constant 0 : i32
    %scan3A_1 = arith.constant 14 : i32
    %scan3A_2 = arith.addi %scan3A, %scan3A_1 : i32
    %scan3A_3 = arith.constant 1 : i32
    scf.for %scan3A_21 = %scan3A to %scan3A_2 step %scan3A_3  : i32 {
      %mul3A_22 = arith.constant 1 : i32
      %mul3A_23 = arith.muli %scan3A_21, %mul3A_22 : i32
      %add3A = arith.constant 0 : i32
      %add3A_24 = arith.addi %add3A, %mul3A_23 : i32
      %mul3A_25 = arith.constant 1568 : i32
      %mul3A_26 = arith.muli %arg1, %mul3A_25 : i32
      %mul3A_27 = arith.constant 112 : i32
      %mul3A_28 = arith.muli %add3A_24, %mul3A_27 : i32
      %add3A_29 = arith.addi %mul3A_26, %mul3A_28 : i32
      %dma_start3A = arith.constant 0 : i32
      %dma_start3A_30 = arith.constant 0 : i32
      %dma_start3A_31 = tpu.memref_slice %arg11[%dma_start3A, %dma_start3A_30] : memref<256x64xf32, #tpu.memory_space<vmem>> -> memref<112x64xf32, #tpu.memory_space<vmem>>
      %dma_start3A_32 = arith.constant 0 : i32
      %dma_start3A_33 = tpu.memref_slice %arg7[%add3A_29, %dma_start3A_32] : memref<25088x64xf32, #tpu.memory_space<vmem_shared>> -> memref<112x64xf32, #tpu.memory_space<vmem_shared>>
      %dma_start3A_34 = arith.constant 0 : i32
      %dma_start3A_35 = tpu.memref_slice %arg7[%add3A_29, %dma_start3A_34] : memref<25088x64xf32, #tpu.memory_space<vmem_shared>> -> memref<112x64xf32, #tpu.memory_space<vmem_shared>>
      %dma_start3A_36 = arith.constant 0 : i32
      %dma_start3A_37 = arith.constant 0 : i32
      %dma_start3A_38 = tpu.memref_slice %arg11[%dma_start3A_36, %dma_start3A_37] : memref<256x64xf32, #tpu.memory_space<vmem>> -> memref<112x64xf32, #tpu.memory_space<vmem>>
      tpu.enqueue_dma source(%dma_start3A_38 : memref<112x64xf32, #tpu.memory_space<vmem>>) target(%dma_start3A_35 : memref<112x64xf32, #tpu.memory_space<vmem_shared>>) target_semaphore(%arg12 : memref<!tpu.dma_semaphore, #tpu.memory_space<semaphore_mem>>)
    }
    %scan3A_4 = arith.constant 14 : i32
    %scan3A_5 = arith.constant 0 : i32
    %scan3A_6 = arith.constant 14 : i32
    %scan3A_7 = arith.addi %scan3A_5, %scan3A_6 : i32
    %scan3A_8 = arith.constant 1 : i32
    scf.for %scan3A_21 = %scan3A_5 to %scan3A_7 step %scan3A_8  : i32 {
      %mul3A_22 = arith.constant 1 : i32
      %mul3A_23 = arith.muli %scan3A_21, %mul3A_22 : i32
      %add3A = arith.constant 0 : i32
      %add3A_24 = arith.addi %add3A, %mul3A_23 : i32
      %mul3A_25 = arith.constant 1568 : i32
      %mul3A_26 = arith.muli %arg1, %mul3A_25 : i32
      %mul3A_27 = arith.constant 112 : i32
      %mul3A_28 = arith.muli %add3A_24, %mul3A_27 : i32
      %add3A_29 = arith.addi %mul3A_26, %mul3A_28 : i32
      %dma_wait3A = arith.constant 0 : i32
      %dma_wait3A_30 = arith.constant 0 : i32
      %dma_wait3A_31 = tpu.memref_slice %arg11[%dma_wait3A, %dma_wait3A_30] : memref<256x64xf32, #tpu.memory_space<vmem>> -> memref<112x64xf32, #tpu.memory_space<vmem>>
      %dma_wait3A_32 = arith.constant 0 : i32
      %dma_wait3A_33 = tpu.memref_slice %arg7[%add3A_29, %dma_wait3A_32] : memref<25088x64xf32, #tpu.memory_space<vmem_shared>> -> memref<112x64xf32, #tpu.memory_space<vmem_shared>>
      %dma_wait3A_34 = arith.constant 0 : i32
      %dma_wait3A_35 = tpu.memref_slice %arg7[%add3A_29, %dma_wait3A_34] : memref<25088x64xf32, #tpu.memory_space<vmem_shared>> -> memref<112x64xf32, #tpu.memory_space<vmem_shared>>
      %dma_wait3A_36 = arith.constant 0 : i32
      %dma_wait3A_37 = arith.constant 0 : i32
      %dma_wait3A_38 = tpu.memref_slice %arg11[%dma_wait3A_36, %dma_wait3A_37] : memref<256x64xf32, #tpu.memory_space<vmem>> -> memref<112x64xf32, #tpu.memory_space<vmem>>
      tpu.wait_dma2 semaphore(%arg12 : memref<!tpu.dma_semaphore, #tpu.memory_space<semaphore_mem>>) src(%dma_wait3A_38 : memref<112x64xf32, #tpu.memory_space<vmem>>) dst(%dma_wait3A_35 : memref<112x64xf32, #tpu.memory_space<vmem_shared>>)
    }
    %scan3A_9 = arith.constant 14 : i32
    %barrier3A = arith.constant 0 : index
    tpu.barrier barrier_id(%barrier3A)
    %scan3A_10 = arith.constant 0 : i32
    %scan3A_11 = arith.constant 25 : i32
    %scan3A_12 = arith.addi %scan3A_10, %scan3A_11 : i32
    %scan3A_13 = arith.constant 1 : i32
    scf.for %scan3A_21 = %scan3A_10 to %scan3A_12 step %scan3A_13  : i32 {
      %mul3A_22 = arith.constant 1 : i32
      %mul3A_23 = arith.muli %scan3A_21, %mul3A_22 : i32
      %add3A = arith.constant 0 : i32
      %add3A_24 = arith.addi %add3A, %mul3A_23 : i32
      %mul3A_25 = arith.constant 51200 : i32
      %mul3A_26 = arith.muli %arg1, %mul3A_25 : i32
      %mul3A_27 = arith.constant 2048 : i32
      %mul3A_28 = arith.muli %add3A_24, %mul3A_27 : i32
      %add3A_29 = arith.addi %mul3A_26, %mul3A_28 : i32
      "tpu.region"() ({
        %run_scoped3A_42 = tpu.sem_alloc : memref<!tpu.dma_semaphore, #tpu.memory_space<semaphore_mem>>
        %dma_start3A = tpu.memref_slice %arg2[%add3A_29] : memref<819200xi32, #tpu.memory_space<hbm>> -> memref<2048xi32, #tpu.memory_space<hbm>>
        %dma_start3A_43 = tpu.memref_slice %arg2[%add3A_29] : memref<819200xi32, #tpu.memory_space<hbm>> -> memref<2048xi32, #tpu.memory_space<hbm>>
        tpu.enqueue_dma source(%dma_start3A_43 : memref<2048xi32, #tpu.memory_space<hbm>>) target(%arg8 : memref<2048xi32, #tpu.memory_space<vmem>>) target_semaphore(%run_scoped3A_42 : memref<!tpu.dma_semaphore, #tpu.memory_space<semaphore_mem>>)
        %dma_wait3A = tpu.memref_slice %arg2[%add3A_29] : memref<819200xi32, #tpu.memory_space<hbm>> -> memref<2048xi32, #tpu.memory_space<hbm>>
        %dma_wait3A_44 = tpu.memref_slice %arg2[%add3A_29] : memref<819200xi32, #tpu.memory_space<hbm>> -> memref<2048xi32, #tpu.memory_space<hbm>>
        tpu.wait_dma2 semaphore(%run_scoped3A_42 : memref<!tpu.dma_semaphore, #tpu.memory_space<semaphore_mem>>) src(%dma_wait3A_44 : memref<2048xi32, #tpu.memory_space<hbm>>) dst(%arg8 : memref<2048xi32, #tpu.memory_space<vmem>>)
        tpu.yield
      }) : () -> ()
      "tpu.region"() ({
        %run_scoped3A_42 = tpu.sem_alloc : memref<!tpu.dma_semaphore, #tpu.memory_space<semaphore_mem>>
        %dma_start3A = tpu.memref_slice %arg3[%add3A_29] : memref<819200xi32, #tpu.memory_space<hbm>> -> memref<2048xi32, #tpu.memory_space<hbm>>
        %dma_start3A_43 = tpu.memref_slice %arg3[%add3A_29] : memref<819200xi32, #tpu.memory_space<hbm>> -> memref<2048xi32, #tpu.memory_space<hbm>>
        tpu.enqueue_dma source(%dma_start3A_43 : memref<2048xi32, #tpu.memory_space<hbm>>) target(%arg9 : memref<2048xi32, #tpu.memory_space<vmem>>) target_semaphore(%run_scoped3A_42 : memref<!tpu.dma_semaphore, #tpu.memory_space<semaphore_mem>>)
        %dma_wait3A = tpu.memref_slice %arg3[%add3A_29] : memref<819200xi32, #tpu.memory_space<hbm>> -> memref<2048xi32, #tpu.memory_space<hbm>>
        %dma_wait3A_44 = tpu.memref_slice %arg3[%add3A_29] : memref<819200xi32, #tpu.memory_space<hbm>> -> memref<2048xi32, #tpu.memory_space<hbm>>
        tpu.wait_dma2 semaphore(%run_scoped3A_42 : memref<!tpu.dma_semaphore, #tpu.memory_space<semaphore_mem>>) src(%dma_wait3A_44 : memref<2048xi32, #tpu.memory_space<hbm>>) dst(%arg9 : memref<2048xi32, #tpu.memory_space<vmem>>)
        tpu.yield
      }) : () -> ()
      %scan3A_30 = arith.constant 0 : i32
      %scan3A_31 = arith.constant 8 : i32
      %scan3A_32 = arith.addi %scan3A_30, %scan3A_31 : i32
      %scan3A_33 = arith.constant 1 : i32
      scf.for %scan3A_42 = %scan3A_30 to %scan3A_32 step %scan3A_33  : i32 {
        %mul3A_43 = arith.constant 1 : i32
        %mul3A_44 = arith.muli %scan3A_42, %mul3A_43 : i32
        %add3A_45 = arith.constant 0 : i32
        %add3A_46 = arith.addi %add3A_45, %mul3A_44 : i32
        %scan3A_47 = arith.constant 0 : i32
        %scan3A_48 = arith.constant 16 : i32
        %scan3A_49 = arith.addi %scan3A_47, %scan3A_48 : i32
        %scan3A_50 = arith.constant 1 : i32
        scf.for %scan3A_52 = %scan3A_47 to %scan3A_49 step %scan3A_50  : i32 {
          %mul3A_53 = arith.constant 1 : i32
          %mul3A_54 = arith.muli %scan3A_52, %mul3A_53 : i32
          %add3A_55 = arith.constant 0 : i32
          %add3A_56 = arith.addi %add3A_55, %mul3A_54 : i32
          %mul3A_57 = arith.constant 256 : i32
          %mul3A_58 = arith.muli %add3A_46, %mul3A_57 : i32
          %mul3A_59 = arith.constant 16 : i32
          %mul3A_60 = arith.muli %add3A_56, %mul3A_59 : i32
          %add3A_61 = arith.addi %mul3A_58, %mul3A_60 : i32
          %get3A = arith.index_cast %add3A_61 : i32 to index
          %get3A_62 = tpu.vector_load %arg9[%get3A] {strides = array<i32>} : memref<2048xi32, #tpu.memory_space<vmem>>, vector<16xi32>,
          %get3A_63 = vector.shape_cast %get3A_62 : vector<16xi32> to vector<16xi32>
          %sub3A = vector.broadcast %mul3A_0 : i32 to vector<16xi32>
          %sub3A_64 = arith.subi %get3A_63, %sub3A : vector<16xi32>
          %ge3A = arith.constant 0 : i32
          %ge3A_65 = vector.broadcast %ge3A : i32 to vector<16xi32>
          %ge3A_66 = arith.cmpi sge, %sub3A_64, %ge3A_65 : vector<16xi32>
          %lt3A = arith.constant 25000 : i32
          %lt3A_67 = vector.broadcast %lt3A : i32 to vector<16xi32>
          %lt3A_68 = arith.cmpi slt, %sub3A_64, %lt3A_67 : vector<16xi32>
          %and3A = arith.andi %ge3A_66, %lt3A_68 : vector<16xi1>
          %jit3A = arith.constant 25080 : i32
          %broadcast_in_dim3A = vector.broadcast %jit3A : i32 to vector<16xi32>
          %select_n3A = arith.select %and3A, %sub3A_64, %broadcast_in_dim3A : vector<16xi1>, vector<16xi32>
          %reshape3A = vector.shape_cast %select_n3A : vector<16xi32> to vector<1x16xi32>
          %mul3A_69 = arith.constant 16 : i32
          %mul3A_70 = arith.muli %add3A_56, %mul3A_69 : i32
          %swap3A = arith.index_cast %add3A_46 : i32 to index
          %swap3A_71 = arith.index_cast %mul3A_70 : i32 to index
          %swap3A_72 = tpu.vector_load %arg10[%swap3A, %swap3A_71] {strides = array<i32>} : memref<8x256xi32, #tpu.memory_space<vmem>>, vector<1x16xi32>,
          %swap3A_73 = vector.shape_cast %swap3A_72 : vector<1x16xi32> to vector<1x16xi32>
          %swap3A_74 = vector.shape_cast %reshape3A : vector<1x16xi32> to vector<1x16xi32>
          tpu.vector_store %arg10[%swap3A, %swap3A_71], %swap3A_74 {strides = array<i32>} : memref<8x256xi32, #tpu.memory_space<vmem>>, vector<1x16xi32>,
        }
        %scan3A_51 = arith.constant 16 : i32
      }
      %scan3A_34 = arith.constant 8 : i32
      "tpu.region"() ({
        %run_scoped3A_42 = tpu.sem_alloc : memref<!tpu.dma_semaphore, #tpu.memory_space<semaphore_mem>>
        %dma_start3A = arith.constant 0 : i32
        %dma_start3A_43 = tpu.memref_slice %arg8[%dma_start3A] : memref<2048xi32, #tpu.memory_space<vmem>> -> memref<256xi32, #tpu.memory_space<vmem>>
        %dma_start3A_44 = arith.constant 0 : i32
        %dma_start3A_45 = arith.constant 0 : i32
        %dma_start3A_46 = tpu.memref_slice %arg4[%dma_start3A_44, %dma_start3A_45] : memref<50176x64xf32, #tpu.memory_space<hbm>> -> memref<50176x64xf32, #tpu.memory_space<hbm>>
        tpu.enqueue_indirect_dma source(%dma_start3A_46 : memref<50176x64xf32, #tpu.memory_space<hbm>>) target(%arg11 : memref<256x64xf32, #tpu.memory_space<vmem>>) offsets(%dma_start3A_43 : memref<256xi32, #tpu.memory_space<vmem>>) semaphore(%run_scoped3A_42 : memref<!tpu.dma_semaphore, #tpu.memory_space<semaphore_mem>>)
        %dma_wait3A = arith.constant 0 : i32
        %dma_wait3A_47 = tpu.memref_slice %arg8[%dma_wait3A] : memref<2048xi32, #tpu.memory_space<vmem>> -> memref<256xi32, #tpu.memory_space<vmem>>
        %dma_wait3A_48 = arith.constant 0 : i32
        %dma_wait3A_49 = arith.constant 0 : i32
        %dma_wait3A_50 = tpu.memref_slice %arg4[%dma_wait3A_48, %dma_wait3A_49] : memref<50176x64xf32, #tpu.memory_space<hbm>> -> memref<50176x64xf32, #tpu.memory_space<hbm>>
        tpu.wait_indirect_dma semaphore(%run_scoped3A_42 : memref<!tpu.dma_semaphore, #tpu.memory_space<semaphore_mem>>) src(%dma_wait3A_50 : memref<50176x64xf32, #tpu.memory_space<hbm>>) dst(%arg11 : memref<256x64xf32, #tpu.memory_space<vmem>>)
        tpu.yield
      }) : () -> ()
      %run_scoped3A = arith.constant 0 : i32
      "tpu.region"() ({
        %run_scoped3A_42 = tpu.sem_alloc : memref<!tpu.dma_semaphore, #tpu.memory_space<semaphore_mem>>
        %dma_start3A = arith.constant 0 : i32
        %dma_start3A_43 = tpu.memref_slice %arg10[%run_scoped3A, %dma_start3A] : memref<8x256xi32, #tpu.memory_space<vmem>> -> memref<1x256xi32, #tpu.memory_space<vmem>>
        %dma_start3A_44 = tpu.memref_squeeze %dma_start3A_43 : memref<1x256xi32, #tpu.memory_space<vmem>> -> memref<256xi32, #tpu.memory_space<vmem>>
        %dma_start3A_45 = arith.constant 0 : i32
        %dma_start3A_46 = arith.constant 0 : i32
        %dma_start3A_47 = tpu.memref_slice %arg7[%dma_start3A_45, %dma_start3A_46] : memref<25088x64xf32, #tpu.memory_space<vmem_shared>> -> memref<25088x64xf32, #tpu.memory_space<vmem_shared>>
        tpu.enqueue_indirect_dma source(%arg11 : memref<256x64xf32, #tpu.memory_space<vmem>>) target(%dma_start3A_47 : memref<25088x64xf32, #tpu.memory_space<vmem_shared>>) offsets(%dma_start3A_44 : memref<256xi32, #tpu.memory_space<vmem>>) semaphore(%run_scoped3A_42 : memref<!tpu.dma_semaphore, #tpu.memory_space<semaphore_mem>>) {add = true}
        %dma_wait3A = arith.constant 0 : i32
        %dma_wait3A_48 = tpu.memref_slice %arg10[%run_scoped3A, %dma_wait3A] : memref<8x256xi32, #tpu.memory_space<vmem>> -> memref<1x256xi32, #tpu.memory_space<vmem>>
        %dma_wait3A_49 = tpu.memref_squeeze %dma_wait3A_48 : memref<1x256xi32, #tpu.memory_space<vmem>> -> memref<256xi32, #tpu.memory_space<vmem>>
        %dma_wait3A_50 = arith.constant 0 : i32
        %dma_wait3A_51 = arith.constant 0 : i32
        %dma_wait3A_52 = tpu.memref_slice %arg7[%dma_wait3A_50, %dma_wait3A_51] : memref<25088x64xf32, #tpu.memory_space<vmem_shared>> -> memref<25088x64xf32, #tpu.memory_space<vmem_shared>>
        tpu.wait_indirect_dma semaphore(%run_scoped3A_42 : memref<!tpu.dma_semaphore, #tpu.memory_space<semaphore_mem>>) src(%arg11 : memref<256x64xf32, #tpu.memory_space<vmem>>) dst(%dma_wait3A_52 : memref<25088x64xf32, #tpu.memory_space<vmem_shared>>)
        tpu.yield
      }) : () -> ()
      "tpu.region"() ({
        %run_scoped3A_42 = tpu.sem_alloc : memref<!tpu.dma_semaphore, #tpu.memory_space<semaphore_mem>>
        %dma_start3A = arith.constant 256 : i32
        %dma_start3A_43 = tpu.memref_slice %arg8[%dma_start3A] : memref<2048xi32, #tpu.memory_space<vmem>> -> memref<256xi32, #tpu.memory_space<vmem>>
        %dma_start3A_44 = arith.constant 0 : i32
        %dma_start3A_45 = arith.constant 0 : i32
        %dma_start3A_46 = tpu.memref_slice %arg4[%dma_start3A_44, %dma_start3A_45] : memref<50176x64xf32, #tpu.memory_space<hbm>> -> memref<50176x64xf32, #tpu.memory_space<hbm>>
        tpu.enqueue_indirect_dma source(%dma_start3A_46 : memref<50176x64xf32, #tpu.memory_space<hbm>>) target(%arg11 : memref<256x64xf32, #tpu.memory_space<vmem>>) offsets(%dma_start3A_43 : memref<256xi32, #tpu.memory_space<vmem>>) semaphore(%run_scoped3A_42 : memref<!tpu.dma_semaphore, #tpu.memory_space<semaphore_mem>>)
        %dma_wait3A = arith.constant 256 : i32
        %dma_wait3A_47 = tpu.memref_slice %arg8[%dma_wait3A] : memref<2048xi32, #tpu.memory_space<vmem>> -> memref<256xi32, #tpu.memory_space<vmem>>
        %dma_wait3A_48 = arith.constant 0 : i32
        %dma_wait3A_49 = arith.constant 0 : i32
        %dma_wait3A_50 = tpu.memref_slice %arg4[%dma_wait3A_48, %dma_wait3A_49] : memref<50176x64xf32, #tpu.memory_space<hbm>> -> memref<50176x64xf32, #tpu.memory_space<hbm>>
        tpu.wait_indirect_dma semaphore(%run_scoped3A_42 : memref<!tpu.dma_semaphore, #tpu.memory_space<semaphore_mem>>) src(%dma_wait3A_50 : memref<50176x64xf32, #tpu.memory_space<hbm>>) dst(%arg11 : memref<256x64xf32, #tpu.memory_space<vmem>>)
        tpu.yield
      }) : () -> ()
      %run_scoped3A_35 = arith.constant 1 : i32
      "tpu.region"() ({
        %run_scoped3A_42 = tpu.sem_alloc : memref<!tpu.dma_semaphore, #tpu.memory_space<semaphore_mem>>
        %dma_start3A = arith.constant 0 : i32
        %dma_start3A_43 = tpu.memref_slice %arg10[%run_scoped3A_35, %dma_start3A] : memref<8x256xi32, #tpu.memory_space<vmem>> -> memref<1x256xi32, #tpu.memory_space<vmem>>
        %dma_start3A_44 = tpu.memref_squeeze %dma_start3A_43 : memref<1x256xi32, #tpu.memory_space<vmem>> -> memref<256xi32, #tpu.memory_space<vmem>>
        %dma_start3A_45 = arith.constant 0 : i32
        %dma_start3A_46 = arith.constant 0 : i32
        %dma_start3A_47 = tpu.memref_slice %arg7[%dma_start3A_45, %dma_start3A_46] : memref<25088x64xf32, #tpu.memory_space<vmem_shared>> -> memref<25088x64xf32, #tpu.memory_space<vmem_shared>>
        tpu.enqueue_indirect_dma source(%arg11 : memref<256x64xf32, #tpu.memory_space<vmem>>) target(%dma_start3A_47 : memref<25088x64xf32, #tpu.memory_space<vmem_shared>>) offsets(%dma_start3A_44 : memref<256xi32, #tpu.memory_space<vmem>>) semaphore(%run_scoped3A_42 : memref<!tpu.dma_semaphore, #tpu.memory_space<semaphore_mem>>) {add = true}
        %dma_wait3A = arith.constant 0 : i32
        %dma_wait3A_48 = tpu.memref_slice %arg10[%run_scoped3A_35, %dma_wait3A] : memref<8x256xi32, #tpu.memory_space<vmem>> -> memref<1x256xi32, #tpu.memory_space<vmem>>
        %dma_wait3A_49 = tpu.memref_squeeze %dma_wait3A_48 : memref<1x256xi32, #tpu.memory_space<vmem>> -> memref<256xi32, #tpu.memory_space<vmem>>
        %dma_wait3A_50 = arith.constant 0 : i32
        %dma_wait3A_51 = arith.constant 0 : i32
        %dma_wait3A_52 = tpu.memref_slice %arg7[%dma_wait3A_50, %dma_wait3A_51] : memref<25088x64xf32, #tpu.memory_space<vmem_shared>> -> memref<25088x64xf32, #tpu.memory_space<vmem_shared>>
        tpu.wait_indirect_dma semaphore(%run_scoped3A_42 : memref<!tpu.dma_semaphore, #tpu.memory_space<semaphore_mem>>) src(%arg11 : memref<256x64xf32, #tpu.memory_space<vmem>>) dst(%dma_wait3A_52 : memref<25088x64xf32, #tpu.memory_space<vmem_shared>>)
        tpu.yield
      }) : () -> ()
      "tpu.region"() ({
        %run_scoped3A_42 = tpu.sem_alloc : memref<!tpu.dma_semaphore, #tpu.memory_space<semaphore_mem>>
        %dma_start3A = arith.constant 512 : i32
        %dma_start3A_43 = tpu.memref_slice %arg8[%dma_start3A] : memref<2048xi32, #tpu.memory_space<vmem>> -> memref<256xi32, #tpu.memory_space<vmem>>
        %dma_start3A_44 = arith.constant 0 : i32
        %dma_start3A_45 = arith.constant 0 : i32
        %dma_start3A_46 = tpu.memref_slice %arg4[%dma_start3A_44, %dma_start3A_45] : memref<50176x64xf32, #tpu.memory_space<hbm>> -> memref<50176x64xf32, #tpu.memory_space<hbm>>
        tpu.enqueue_indirect_dma source(%dma_start3A_46 : memref<50176x64xf32, #tpu.memory_space<hbm>>) target(%arg11 : memref<256x64xf32, #tpu.memory_space<vmem>>) offsets(%dma_start3A_43 : memref<256xi32, #tpu.memory_space<vmem>>) semaphore(%run_scoped3A_42 : memref<!tpu.dma_semaphore, #tpu.memory_space<semaphore_mem>>)
        %dma_wait3A = arith.constant 512 : i32
        %dma_wait3A_47 = tpu.memref_slice %arg8[%dma_wait3A] : memref<2048xi32, #tpu.memory_space<vmem>> -> memref<256xi32, #tpu.memory_space<vmem>>
        %dma_wait3A_48 = arith.constant 0 : i32
        %dma_wait3A_49 = arith.constant 0 : i32
        %dma_wait3A_50 = tpu.memref_slice %arg4[%dma_wait3A_48, %dma_wait3A_49] : memref<50176x64xf32, #tpu.memory_space<hbm>> -> memref<50176x64xf32, #tpu.memory_space<hbm>>
        tpu.wait_indirect_dma semaphore(%run_scoped3A_42 : memref<!tpu.dma_semaphore, #tpu.memory_space<semaphore_mem>>) src(%dma_wait3A_50 : memref<50176x64xf32, #tpu.memory_space<hbm>>) dst(%arg11 : memref<256x64xf32, #tpu.memory_space<vmem>>)
        tpu.yield
      }) : () -> ()
      %run_scoped3A_36 = arith.constant 2 : i32
      "tpu.region"() ({
        %run_scoped3A_42 = tpu.sem_alloc : memref<!tpu.dma_semaphore, #tpu.memory_space<semaphore_mem>>
        %dma_start3A = arith.constant 0 : i32
        %dma_start3A_43 = tpu.memref_slice %arg10[%run_scoped3A_36, %dma_start3A] : memref<8x256xi32, #tpu.memory_space<vmem>> -> memref<1x256xi32, #tpu.memory_space<vmem>>
        %dma_start3A_44 = tpu.memref_squeeze %dma_start3A_43 : memref<1x256xi32, #tpu.memory_space<vmem>> -> memref<256xi32, #tpu.memory_space<vmem>>
        %dma_start3A_45 = arith.constant 0 : i32
        %dma_start3A_46 = arith.constant 0 : i32
        %dma_start3A_47 = tpu.memref_slice %arg7[%dma_start3A_45, %dma_start3A_46] : memref<25088x64xf32, #tpu.memory_space<vmem_shared>> -> memref<25088x64xf32, #tpu.memory_space<vmem_shared>>
        tpu.enqueue_indirect_dma source(%arg11 : memref<256x64xf32, #tpu.memory_space<vmem>>) target(%dma_start3A_47 : memref<25088x64xf32, #tpu.memory_space<vmem_shared>>) offsets(%dma_start3A_44 : memref<256xi32, #tpu.memory_space<vmem>>) semaphore(%run_scoped3A_42 : memref<!tpu.dma_semaphore, #tpu.memory_space<semaphore_mem>>) {add = true}
        %dma_wait3A = arith.constant 0 : i32
        %dma_wait3A_48 = tpu.memref_slice %arg10[%run_scoped3A_36, %dma_wait3A] : memref<8x256xi32, #tpu.memory_space<vmem>> -> memref<1x256xi32, #tpu.memory_space<vmem>>
        %dma_wait3A_49 = tpu.memref_squeeze %dma_wait3A_48 : memref<1x256xi32, #tpu.memory_space<vmem>> -> memref<256xi32, #tpu.memory_space<vmem>>
        %dma_wait3A_50 = arith.constant 0 : i32
        %dma_wait3A_51 = arith.constant 0 : i32
        %dma_wait3A_52 = tpu.memref_slice %arg7[%dma_wait3A_50, %dma_wait3A_51] : memref<25088x64xf32, #tpu.memory_space<vmem_shared>> -> memref<25088x64xf32, #tpu.memory_space<vmem_shared>>
        tpu.wait_indirect_dma semaphore(%run_scoped3A_42 : memref<!tpu.dma_semaphore, #tpu.memory_space<semaphore_mem>>) src(%arg11 : memref<256x64xf32, #tpu.memory_space<vmem>>) dst(%dma_wait3A_52 : memref<25088x64xf32, #tpu.memory_space<vmem_shared>>)
        tpu.yield
      }) : () -> ()
      "tpu.region"() ({
        %run_scoped3A_42 = tpu.sem_alloc : memref<!tpu.dma_semaphore, #tpu.memory_space<semaphore_mem>>
        %dma_start3A = arith.constant 768 : i32
        %dma_start3A_43 = tpu.memref_slice %arg8[%dma_start3A] : memref<2048xi32, #tpu.memory_space<vmem>> -> memref<256xi32, #tpu.memory_space<vmem>>
        %dma_start3A_44 = arith.constant 0 : i32
        %dma_start3A_45 = arith.constant 0 : i32
        %dma_start3A_46 = tpu.memref_slice %arg4[%dma_start3A_44, %dma_start3A_45] : memref<50176x64xf32, #tpu.memory_space<hbm>> -> memref<50176x64xf32, #tpu.memory_space<hbm>>
        tpu.enqueue_indirect_dma source(%dma_start3A_46 : memref<50176x64xf32, #tpu.memory_space<hbm>>) target(%arg11 : memref<256x64xf32, #tpu.memory_space<vmem>>) offsets(%dma_start3A_43 : memref<256xi32, #tpu.memory_space<vmem>>) semaphore(%run_scoped3A_42 : memref<!tpu.dma_semaphore, #tpu.memory_space<semaphore_mem>>)
        %dma_wait3A = arith.constant 768 : i32
        %dma_wait3A_47 = tpu.memref_slice %arg8[%dma_wait3A] : memref<2048xi32, #tpu.memory_space<vmem>> -> memref<256xi32, #tpu.memory_space<vmem>>
        %dma_wait3A_48 = arith.constant 0 : i32
        %dma_wait3A_49 = arith.constant 0 : i32
        %dma_wait3A_50 = tpu.memref_slice %arg4[%dma_wait3A_48, %dma_wait3A_49] : memref<50176x64xf32, #tpu.memory_space<hbm>> -> memref<50176x64xf32, #tpu.memory_space<hbm>>
        tpu.wait_indirect_dma semaphore(%run_scoped3A_42 : memref<!tpu.dma_semaphore, #tpu.memory_space<semaphore_mem>>) src(%dma_wait3A_50 : memref<50176x64xf32, #tpu.memory_space<hbm>>) dst(%arg11 : memref<256x64xf32, #tpu.memory_space<vmem>>)
        tpu.yield
      }) : () -> ()
      %run_scoped3A_37 = arith.constant 3 : i32
      "tpu.region"() ({
        %run_scoped3A_42 = tpu.sem_alloc : memref<!tpu.dma_semaphore, #tpu.memory_space<semaphore_mem>>
        %dma_start3A = arith.constant 0 : i32
        %dma_start3A_43 = tpu.memref_slice %arg10[%run_scoped3A_37, %dma_start3A] : memref<8x256xi32, #tpu.memory_space<vmem>> -> memref<1x256xi32, #tpu.memory_space<vmem>>
        %dma_start3A_44 = tpu.memref_squeeze %dma_start3A_43 : memref<1x256xi32, #tpu.memory_space<vmem>> -> memref<256xi32, #tpu.memory_space<vmem>>
        %dma_start3A_45 = arith.constant 0 : i32
        %dma_start3A_46 = arith.constant 0 : i32
        %dma_start3A_47 = tpu.memref_slice %arg7[%dma_start3A_45, %dma_start3A_46] : memref<25088x64xf32, #tpu.memory_space<vmem_shared>> -> memref<25088x64xf32, #tpu.memory_space<vmem_shared>>
        tpu.enqueue_indirect_dma source(%arg11 : memref<256x64xf32, #tpu.memory_space<vmem>>) target(%dma_start3A_47 : memref<25088x64xf32, #tpu.memory_space<vmem_shared>>) offsets(%dma_start3A_44 : memref<256xi32, #tpu.memory_space<vmem>>) semaphore(%run_scoped3A_42 : memref<!tpu.dma_semaphore, #tpu.memory_space<semaphore_mem>>) {add = true}
        %dma_wait3A = arith.constant 0 : i32
        %dma_wait3A_48 = tpu.memref_slice %arg10[%run_scoped3A_37, %dma_wait3A] : memref<8x256xi32, #tpu.memory_space<vmem>> -> memref<1x256xi32, #tpu.memory_space<vmem>>
        %dma_wait3A_49 = tpu.memref_squeeze %dma_wait3A_48 : memref<1x256xi32, #tpu.memory_space<vmem>> -> memref<256xi32, #tpu.memory_space<vmem>>
        %dma_wait3A_50 = arith.constant 0 : i32
        %dma_wait3A_51 = arith.constant 0 : i32
        %dma_wait3A_52 = tpu.memref_slice %arg7[%dma_wait3A_50, %dma_wait3A_51] : memref<25088x64xf32, #tpu.memory_space<vmem_shared>> -> memref<25088x64xf32, #tpu.memory_space<vmem_shared>>
        tpu.wait_indirect_dma semaphore(%run_scoped3A_42 : memref<!tpu.dma_semaphore, #tpu.memory_space<semaphore_mem>>) src(%arg11 : memref<256x64xf32, #tpu.memory_space<vmem>>) dst(%dma_wait3A_52 : memref<25088x64xf32, #tpu.memory_space<vmem_shared>>)
        tpu.yield
      }) : () -> ()
      "tpu.region"() ({
        %run_scoped3A_42 = tpu.sem_alloc : memref<!tpu.dma_semaphore, #tpu.memory_space<semaphore_mem>>
        %dma_start3A = arith.constant 1024 : i32
        %dma_start3A_43 = tpu.memref_slice %arg8[%dma_start3A] : memref<2048xi32, #tpu.memory_space<vmem>> -> memref<256xi32, #tpu.memory_space<vmem>>
        %dma_start3A_44 = arith.constant 0 : i32
        %dma_start3A_45 = arith.constant 0 : i32
        %dma_start3A_46 = tpu.memref_slice %arg4[%dma_start3A_44, %dma_start3A_45] : memref<50176x64xf32, #tpu.memory_space<hbm>> -> memref<50176x64xf32, #tpu.memory_space<hbm>>
        tpu.enqueue_indirect_dma source(%dma_start3A_46 : memref<50176x64xf32, #tpu.memory_space<hbm>>) target(%arg11 : memref<256x64xf32, #tpu.memory_space<vmem>>) offsets(%dma_start3A_43 : memref<256xi32, #tpu.memory_space<vmem>>) semaphore(%run_scoped3A_42 : memref<!tpu.dma_semaphore, #tpu.memory_space<semaphore_mem>>)
        %dma_wait3A = arith.constant 1024 : i32
        %dma_wait3A_47 = tpu.memref_slice %arg8[%dma_wait3A] : memref<2048xi32, #tpu.memory_space<vmem>> -> memref<256xi32, #tpu.memory_space<vmem>>
        %dma_wait3A_48 = arith.constant 0 : i32
        %dma_wait3A_49 = arith.constant 0 : i32
        %dma_wait3A_50 = tpu.memref_slice %arg4[%dma_wait3A_48, %dma_wait3A_49] : memref<50176x64xf32, #tpu.memory_space<hbm>> -> memref<50176x64xf32, #tpu.memory_space<hbm>>
        tpu.wait_indirect_dma semaphore(%run_scoped3A_42 : memref<!tpu.dma_semaphore, #tpu.memory_space<semaphore_mem>>) src(%dma_wait3A_50 : memref<50176x64xf32, #tpu.memory_space<hbm>>) dst(%arg11 : memref<256x64xf32, #tpu.memory_space<vmem>>)
        tpu.yield
      }) : () -> ()
      %run_scoped3A_38 = arith.constant 4 : i32
      "tpu.region"() ({
        %run_scoped3A_42 = tpu.sem_alloc : memref<!tpu.dma_semaphore, #tpu.memory_space<semaphore_mem>>
        %dma_start3A = arith.constant 0 : i32
        %dma_start3A_43 = tpu.memref_slice %arg10[%run_scoped3A_38, %dma_start3A] : memref<8x256xi32, #tpu.memory_space<vmem>> -> memref<1x256xi32, #tpu.memory_space<vmem>>
        %dma_start3A_44 = tpu.memref_squeeze %dma_start3A_43 : memref<1x256xi32, #tpu.memory_space<vmem>> -> memref<256xi32, #tpu.memory_space<vmem>>
        %dma_start3A_45 = arith.constant 0 : i32
        %dma_start3A_46 = arith.constant 0 : i32
        %dma_start3A_47 = tpu.memref_slice %arg7[%dma_start3A_45, %dma_start3A_46] : memref<25088x64xf32, #tpu.memory_space<vmem_shared>> -> memref<25088x64xf32, #tpu.memory_space<vmem_shared>>
        tpu.enqueue_indirect_dma source(%arg11 : memref<256x64xf32, #tpu.memory_space<vmem>>) target(%dma_start3A_47 : memref<25088x64xf32, #tpu.memory_space<vmem_shared>>) offsets(%dma_start3A_44 : memref<256xi32, #tpu.memory_space<vmem>>) semaphore(%run_scoped3A_42 : memref<!tpu.dma_semaphore, #tpu.memory_space<semaphore_mem>>) {add = true}
        %dma_wait3A = arith.constant 0 : i32
        %dma_wait3A_48 = tpu.memref_slice %arg10[%run_scoped3A_38, %dma_wait3A] : memref<8x256xi32, #tpu.memory_space<vmem>> -> memref<1x256xi32, #tpu.memory_space<vmem>>
        %dma_wait3A_49 = tpu.memref_squeeze %dma_wait3A_48 : memref<1x256xi32, #tpu.memory_space<vmem>> -> memref<256xi32, #tpu.memory_space<vmem>>
        %dma_wait3A_50 = arith.constant 0 : i32
        %dma_wait3A_51 = arith.constant 0 : i32
        %dma_wait3A_52 = tpu.memref_slice %arg7[%dma_wait3A_50, %dma_wait3A_51] : memref<25088x64xf32, #tpu.memory_space<vmem_shared>> -> memref<25088x64xf32, #tpu.memory_space<vmem_shared>>
        tpu.wait_indirect_dma semaphore(%run_scoped3A_42 : memref<!tpu.dma_semaphore, #tpu.memory_space<semaphore_mem>>) src(%arg11 : memref<256x64xf32, #tpu.memory_space<vmem>>) dst(%dma_wait3A_52 : memref<25088x64xf32, #tpu.memory_space<vmem_shared>>)
        tpu.yield
      }) : () -> ()
      "tpu.region"() ({
        %run_scoped3A_42 = tpu.sem_alloc : memref<!tpu.dma_semaphore, #tpu.memory_space<semaphore_mem>>
        %dma_start3A = arith.constant 1280 : i32
        %dma_start3A_43 = tpu.memref_slice %arg8[%dma_start3A] : memref<2048xi32, #tpu.memory_space<vmem>> -> memref<256xi32, #tpu.memory_space<vmem>>
        %dma_start3A_44 = arith.constant 0 : i32
        %dma_start3A_45 = arith.constant 0 : i32
        %dma_start3A_46 = tpu.memref_slice %arg4[%dma_start3A_44, %dma_start3A_45] : memref<50176x64xf32, #tpu.memory_space<hbm>> -> memref<50176x64xf32, #tpu.memory_space<hbm>>
        tpu.enqueue_indirect_dma source(%dma_start3A_46 : memref<50176x64xf32, #tpu.memory_space<hbm>>) target(%arg11 : memref<256x64xf32, #tpu.memory_space<vmem>>) offsets(%dma_start3A_43 : memref<256xi32, #tpu.memory_space<vmem>>) semaphore(%run_scoped3A_42 : memref<!tpu.dma_semaphore, #tpu.memory_space<semaphore_mem>>)
        %dma_wait3A = arith.constant 1280 : i32
        %dma_wait3A_47 = tpu.memref_slice %arg8[%dma_wait3A] : memref<2048xi32, #tpu.memory_space<vmem>> -> memref<256xi32, #tpu.memory_space<vmem>>
        %dma_wait3A_48 = arith.constant 0 : i32
        %dma_wait3A_49 = arith.constant 0 : i32
        %dma_wait3A_50 = tpu.memref_slice %arg4[%dma_wait3A_48, %dma_wait3A_49] : memref<50176x64xf32, #tpu.memory_space<hbm>> -> memref<50176x64xf32, #tpu.memory_space<hbm>>
        tpu.wait_indirect_dma semaphore(%run_scoped3A_42 : memref<!tpu.dma_semaphore, #tpu.memory_space<semaphore_mem>>) src(%dma_wait3A_50 : memref<50176x64xf32, #tpu.memory_space<hbm>>) dst(%arg11 : memref<256x64xf32, #tpu.memory_space<vmem>>)
        tpu.yield
      }) : () -> ()
      %run_scoped3A_39 = arith.constant 5 : i32
      "tpu.region"() ({
        %run_scoped3A_42 = tpu.sem_alloc : memref<!tpu.dma_semaphore, #tpu.memory_space<semaphore_mem>>
        %dma_start3A = arith.constant 0 : i32
        %dma_start3A_43 = tpu.memref_slice %arg10[%run_scoped3A_39, %dma_start3A] : memref<8x256xi32, #tpu.memory_space<vmem>> -> memref<1x256xi32, #tpu.memory_space<vmem>>
        %dma_start3A_44 = tpu.memref_squeeze %dma_start3A_43 : memref<1x256xi32, #tpu.memory_space<vmem>> -> memref<256xi32, #tpu.memory_space<vmem>>
        %dma_start3A_45 = arith.constant 0 : i32
        %dma_start3A_46 = arith.constant 0 : i32
        %dma_start3A_47 = tpu.memref_slice %arg7[%dma_start3A_45, %dma_start3A_46] : memref<25088x64xf32, #tpu.memory_space<vmem_shared>> -> memref<25088x64xf32, #tpu.memory_space<vmem_shared>>
        tpu.enqueue_indirect_dma source(%arg11 : memref<256x64xf32, #tpu.memory_space<vmem>>) target(%dma_start3A_47 : memref<25088x64xf32, #tpu.memory_space<vmem_shared>>) offsets(%dma_start3A_44 : memref<256xi32, #tpu.memory_space<vmem>>) semaphore(%run_scoped3A_42 : memref<!tpu.dma_semaphore, #tpu.memory_space<semaphore_mem>>) {add = true}
        %dma_wait3A = arith.constant 0 : i32
        %dma_wait3A_48 = tpu.memref_slice %arg10[%run_scoped3A_39, %dma_wait3A] : memref<8x256xi32, #tpu.memory_space<vmem>> -> memref<1x256xi32, #tpu.memory_space<vmem>>
        %dma_wait3A_49 = tpu.memref_squeeze %dma_wait3A_48 : memref<1x256xi32, #tpu.memory_space<vmem>> -> memref<256xi32, #tpu.memory_space<vmem>>
        %dma_wait3A_50 = arith.constant 0 : i32
        %dma_wait3A_51 = arith.constant 0 : i32
        %dma_wait3A_52 = tpu.memref_slice %arg7[%dma_wait3A_50, %dma_wait3A_51] : memref<25088x64xf32, #tpu.memory_space<vmem_shared>> -> memref<25088x64xf32, #tpu.memory_space<vmem_shared>>
        tpu.wait_indirect_dma semaphore(%run_scoped3A_42 : memref<!tpu.dma_semaphore, #tpu.memory_space<semaphore_mem>>) src(%arg11 : memref<256x64xf32, #tpu.memory_space<vmem>>) dst(%dma_wait3A_52 : memref<25088x64xf32, #tpu.memory_space<vmem_shared>>)
        tpu.yield
      }) : () -> ()
      "tpu.region"() ({
        %run_scoped3A_42 = tpu.sem_alloc : memref<!tpu.dma_semaphore, #tpu.memory_space<semaphore_mem>>
        %dma_start3A = arith.constant 1536 : i32
        %dma_start3A_43 = tpu.memref_slice %arg8[%dma_start3A] : memref<2048xi32, #tpu.memory_space<vmem>> -> memref<256xi32, #tpu.memory_space<vmem>>
        %dma_start3A_44 = arith.constant 0 : i32
        %dma_start3A_45 = arith.constant 0 : i32
        %dma_start3A_46 = tpu.memref_slice %arg4[%dma_start3A_44, %dma_start3A_45] : memref<50176x64xf32, #tpu.memory_space<hbm>> -> memref<50176x64xf32, #tpu.memory_space<hbm>>
        tpu.enqueue_indirect_dma source(%dma_start3A_46 : memref<50176x64xf32, #tpu.memory_space<hbm>>) target(%arg11 : memref<256x64xf32, #tpu.memory_space<vmem>>) offsets(%dma_start3A_43 : memref<256xi32, #tpu.memory_space<vmem>>) semaphore(%run_scoped3A_42 : memref<!tpu.dma_semaphore, #tpu.memory_space<semaphore_mem>>)
        %dma_wait3A = arith.constant 1536 : i32
        %dma_wait3A_47 = tpu.memref_slice %arg8[%dma_wait3A] : memref<2048xi32, #tpu.memory_space<vmem>> -> memref<256xi32, #tpu.memory_space<vmem>>
        %dma_wait3A_48 = arith.constant 0 : i32
        %dma_wait3A_49 = arith.constant 0 : i32
        %dma_wait3A_50 = tpu.memref_slice %arg4[%dma_wait3A_48, %dma_wait3A_49] : memref<50176x64xf32, #tpu.memory_space<hbm>> -> memref<50176x64xf32, #tpu.memory_space<hbm>>
        tpu.wait_indirect_dma semaphore(%run_scoped3A_42 : memref<!tpu.dma_semaphore, #tpu.memory_space<semaphore_mem>>) src(%dma_wait3A_50 : memref<50176x64xf32, #tpu.memory_space<hbm>>) dst(%arg11 : memref<256x64xf32, #tpu.memory_space<vmem>>)
        tpu.yield
      }) : () -> ()
      %run_scoped3A_40 = arith.constant 6 : i32
      "tpu.region"() ({
        %run_scoped3A_42 = tpu.sem_alloc : memref<!tpu.dma_semaphore, #tpu.memory_space<semaphore_mem>>
        %dma_start3A = arith.constant 0 : i32
        %dma_start3A_43 = tpu.memref_slice %arg10[%run_scoped3A_40, %dma_start3A] : memref<8x256xi32, #tpu.memory_space<vmem>> -> memref<1x256xi32, #tpu.memory_space<vmem>>
        %dma_start3A_44 = tpu.memref_squeeze %dma_start3A_43 : memref<1x256xi32, #tpu.memory_space<vmem>> -> memref<256xi32, #tpu.memory_space<vmem>>
        %dma_start3A_45 = arith.constant 0 : i32
        %dma_start3A_46 = arith.constant 0 : i32
        %dma_start3A_47 = tpu.memref_slice %arg7[%dma_start3A_45, %dma_start3A_46] : memref<25088x64xf32, #tpu.memory_space<vmem_shared>> -> memref<25088x64xf32, #tpu.memory_space<vmem_shared>>
        tpu.enqueue_indirect_dma source(%arg11 : memref<256x64xf32, #tpu.memory_space<vmem>>) target(%dma_start3A_47 : memref<25088x64xf32, #tpu.memory_space<vmem_shared>>) offsets(%dma_start3A_44 : memref<256xi32, #tpu.memory_space<vmem>>) semaphore(%run_scoped3A_42 : memref<!tpu.dma_semaphore, #tpu.memory_space<semaphore_mem>>) {add = true}
        %dma_wait3A = arith.constant 0 : i32
        %dma_wait3A_48 = tpu.memref_slice %arg10[%run_scoped3A_40, %dma_wait3A] : memref<8x256xi32, #tpu.memory_space<vmem>> -> memref<1x256xi32, #tpu.memory_space<vmem>>
        %dma_wait3A_49 = tpu.memref_squeeze %dma_wait3A_48 : memref<1x256xi32, #tpu.memory_space<vmem>> -> memref<256xi32, #tpu.memory_space<vmem>>
        %dma_wait3A_50 = arith.constant 0 : i32
        %dma_wait3A_51 = arith.constant 0 : i32
        %dma_wait3A_52 = tpu.memref_slice %arg7[%dma_wait3A_50, %dma_wait3A_51] : memref<25088x64xf32, #tpu.memory_space<vmem_shared>> -> memref<25088x64xf32, #tpu.memory_space<vmem_shared>>
        tpu.wait_indirect_dma semaphore(%run_scoped3A_42 : memref<!tpu.dma_semaphore, #tpu.memory_space<semaphore_mem>>) src(%arg11 : memref<256x64xf32, #tpu.memory_space<vmem>>) dst(%dma_wait3A_52 : memref<25088x64xf32, #tpu.memory_space<vmem_shared>>)
        tpu.yield
      }) : () -> ()
      "tpu.region"() ({
        %run_scoped3A_42 = tpu.sem_alloc : memref<!tpu.dma_semaphore, #tpu.memory_space<semaphore_mem>>
        %dma_start3A = arith.constant 1792 : i32
        %dma_start3A_43 = tpu.memref_slice %arg8[%dma_start3A] : memref<2048xi32, #tpu.memory_space<vmem>> -> memref<256xi32, #tpu.memory_space<vmem>>
        %dma_start3A_44 = arith.constant 0 : i32
        %dma_start3A_45 = arith.constant 0 : i32
        %dma_start3A_46 = tpu.memref_slice %arg4[%dma_start3A_44, %dma_start3A_45] : memref<50176x64xf32, #tpu.memory_space<hbm>> -> memref<50176x64xf32, #tpu.memory_space<hbm>>
        tpu.enqueue_indirect_dma source(%dma_start3A_46 : memref<50176x64xf32, #tpu.memory_space<hbm>>) target(%arg11 : memref<256x64xf32, #tpu.memory_space<vmem>>) offsets(%dma_start3A_43 : memref<256xi32, #tpu.memory_space<vmem>>) semaphore(%run_scoped3A_42 : memref<!tpu.dma_semaphore, #tpu.memory_space<semaphore_mem>>)
        %dma_wait3A = arith.constant 1792 : i32
        %dma_wait3A_47 = tpu.memref_slice %arg8[%dma_wait3A] : memref<2048xi32, #tpu.memory_space<vmem>> -> memref<256xi32, #tpu.memory_space<vmem>>
        %dma_wait3A_48 = arith.constant 0 : i32
        %dma_wait3A_49 = arith.constant 0 : i32
        %dma_wait3A_50 = tpu.memref_slice %arg4[%dma_wait3A_48, %dma_wait3A_49] : memref<50176x64xf32, #tpu.memory_space<hbm>> -> memref<50176x64xf32, #tpu.memory_space<hbm>>
        tpu.wait_indirect_dma semaphore(%run_scoped3A_42 : memref<!tpu.dma_semaphore, #tpu.memory_space<semaphore_mem>>) src(%dma_wait3A_50 : memref<50176x64xf32, #tpu.memory_space<hbm>>) dst(%arg11 : memref<256x64xf32, #tpu.memory_space<vmem>>)
        tpu.yield
      }) : () -> ()
      %run_scoped3A_41 = arith.constant 7 : i32
      "tpu.region"() ({
        %run_scoped3A_42 = tpu.sem_alloc : memref<!tpu.dma_semaphore, #tpu.memory_space<semaphore_mem>>
        %dma_start3A = arith.constant 0 : i32
        %dma_start3A_43 = tpu.memref_slice %arg10[%run_scoped3A_41, %dma_start3A] : memref<8x256xi32, #tpu.memory_space<vmem>> -> memref<1x256xi32, #tpu.memory_space<vmem>>
        %dma_start3A_44 = tpu.memref_squeeze %dma_start3A_43 : memref<1x256xi32, #tpu.memory_space<vmem>> -> memref<256xi32, #tpu.memory_space<vmem>>
        %dma_start3A_45 = arith.constant 0 : i32
        %dma_start3A_46 = arith.constant 0 : i32
        %dma_start3A_47 = tpu.memref_slice %arg7[%dma_start3A_45, %dma_start3A_46] : memref<25088x64xf32, #tpu.memory_space<vmem_shared>> -> memref<25088x64xf32, #tpu.memory_space<vmem_shared>>
        tpu.enqueue_indirect_dma source(%arg11 : memref<256x64xf32, #tpu.memory_space<vmem>>) target(%dma_start3A_47 : memref<25088x64xf32, #tpu.memory_space<vmem_shared>>) offsets(%dma_start3A_44 : memref<256xi32, #tpu.memory_space<vmem>>) semaphore(%run_scoped3A_42 : memref<!tpu.dma_semaphore, #tpu.memory_space<semaphore_mem>>) {add = true}
        %dma_wait3A = arith.constant 0 : i32
        %dma_wait3A_48 = tpu.memref_slice %arg10[%run_scoped3A_41, %dma_wait3A] : memref<8x256xi32, #tpu.memory_space<vmem>> -> memref<1x256xi32, #tpu.memory_space<vmem>>
        %dma_wait3A_49 = tpu.memref_squeeze %dma_wait3A_48 : memref<1x256xi32, #tpu.memory_space<vmem>> -> memref<256xi32, #tpu.memory_space<vmem>>
        %dma_wait3A_50 = arith.constant 0 : i32
        %dma_wait3A_51 = arith.constant 0 : i32
        %dma_wait3A_52 = tpu.memref_slice %arg7[%dma_wait3A_50, %dma_wait3A_51] : memref<25088x64xf32, #tpu.memory_space<vmem_shared>> -> memref<25088x64xf32, #tpu.memory_space<vmem_shared>>
        tpu.wait_indirect_dma semaphore(%run_scoped3A_42 : memref<!tpu.dma_semaphore, #tpu.memory_space<semaphore_mem>>) src(%arg11 : memref<256x64xf32, #tpu.memory_space<vmem>>) dst(%dma_wait3A_52 : memref<25088x64xf32, #tpu.memory_space<vmem_shared>>)
        tpu.yield
      }) : () -> ()
    }
    %scan3A_14 = arith.constant 25 : i32
    %barrier3A_15 = arith.constant 0 : index
    tpu.barrier barrier_id(%barrier3A_15)
    %scan3A_16 = arith.constant 0 : i32
    %scan3A_17 = arith.constant 14 : i32
    %scan3A_18 = arith.addi %scan3A_16, %scan3A_17 : i32
    %scan3A_19 = arith.constant 1 : i32
    scf.for %scan3A_21 = %scan3A_16 to %scan3A_18 step %scan3A_19  : i32 {
      %mul3A_22 = arith.constant 1 : i32
      %mul3A_23 = arith.muli %scan3A_21, %mul3A_22 : i32
      %add3A = arith.constant 0 : i32
      %add3A_24 = arith.addi %add3A, %mul3A_23 : i32
      %mul3A_25 = arith.constant 1568 : i32
      %mul3A_26 = arith.muli %arg1, %mul3A_25 : i32
      %mul3A_27 = arith.constant 112 : i32
      %mul3A_28 = arith.muli %add3A_24, %mul3A_27 : i32
      %add3A_29 = arith.addi %mul3A_26, %mul3A_28 : i32
      "tpu.region"() ({
        %run_scoped3A = tpu.sem_alloc : memref<!tpu.dma_semaphore, #tpu.memory_space<semaphore_mem>>
        %dma_start3A = arith.constant 0 : i32
        %dma_start3A_38 = arith.constant 0 : i32
        %dma_start3A_39 = tpu.memref_slice %arg11[%dma_start3A, %dma_start3A_38] : memref<256x64xf32, #tpu.memory_space<vmem>> -> memref<112x64xf32, #tpu.memory_space<vmem>>
        %dma_start3A_40 = arith.constant 0 : i32
        %dma_start3A_41 = tpu.memref_slice %arg7[%add3A_29, %dma_start3A_40] : memref<25088x64xf32, #tpu.memory_space<vmem_shared>> -> memref<112x64xf32, #tpu.memory_space<vmem_shared>>
        %dma_start3A_42 = arith.constant 0 : i32
        %dma_start3A_43 = arith.constant 0 : i32
        %dma_start3A_44 = tpu.memref_slice %arg11[%dma_start3A_42, %dma_start3A_43] : memref<256x64xf32, #tpu.memory_space<vmem>> -> memref<112x64xf32, #tpu.memory_space<vmem>>
        %dma_start3A_45 = arith.constant 0 : i32
        %dma_start3A_46 = tpu.memref_slice %arg7[%add3A_29, %dma_start3A_45] : memref<25088x64xf32, #tpu.memory_space<vmem_shared>> -> memref<112x64xf32, #tpu.memory_space<vmem_shared>>
        tpu.enqueue_dma source(%dma_start3A_46 : memref<112x64xf32, #tpu.memory_space<vmem_shared>>) target(%dma_start3A_44 : memref<112x64xf32, #tpu.memory_space<vmem>>) target_semaphore(%run_scoped3A : memref<!tpu.dma_semaphore, #tpu.memory_space<semaphore_mem>>)
        %dma_wait3A = arith.constant 0 : i32
        %dma_wait3A_47 = arith.constant 0 : i32
        %dma_wait3A_48 = tpu.memref_slice %arg11[%dma_wait3A, %dma_wait3A_47] : memref<256x64xf32, #tpu.memory_space<vmem>> -> memref<112x64xf32, #tpu.memory_space<vmem>>
        %dma_wait3A_49 = arith.constant 0 : i32
        %dma_wait3A_50 = tpu.memref_slice %arg7[%add3A_29, %dma_wait3A_49] : memref<25088x64xf32, #tpu.memory_space<vmem_shared>> -> memref<112x64xf32, #tpu.memory_space<vmem_shared>>
        %dma_wait3A_51 = arith.constant 0 : i32
        %dma_wait3A_52 = arith.constant 0 : i32
        %dma_wait3A_53 = tpu.memref_slice %arg11[%dma_wait3A_51, %dma_wait3A_52] : memref<256x64xf32, #tpu.memory_space<vmem>> -> memref<112x64xf32, #tpu.memory_space<vmem>>
        %dma_wait3A_54 = arith.constant 0 : i32
        %dma_wait3A_55 = tpu.memref_slice %arg7[%add3A_29, %dma_wait3A_54] : memref<25088x64xf32, #tpu.memory_space<vmem_shared>> -> memref<112x64xf32, #tpu.memory_space<vmem_shared>>
        tpu.wait_dma2 semaphore(%run_scoped3A : memref<!tpu.dma_semaphore, #tpu.memory_space<semaphore_mem>>) src(%dma_wait3A_55 : memref<112x64xf32, #tpu.memory_space<vmem_shared>>) dst(%dma_wait3A_53 : memref<112x64xf32, #tpu.memory_space<vmem>>)
        tpu.yield
      }) : () -> ()
      %mul3A_30 = arith.constant 25088 : i32
      %mul3A_31 = arith.muli %arg0, %mul3A_30 : i32
      %mul3A_32 = arith.constant 1568 : i32
      %mul3A_33 = arith.muli %arg1, %mul3A_32 : i32
      %add3A_34 = arith.addi %mul3A_31, %mul3A_33 : i32
      %mul3A_35 = arith.constant 112 : i32
      %mul3A_36 = arith.muli %add3A_24, %mul3A_35 : i32
      %add3A_37 = arith.addi %add3A_34, %mul3A_36 : i32
      "tpu.region"() ({
        %run_scoped3A = tpu.sem_alloc : memref<!tpu.dma_semaphore, #tpu.memory_space<semaphore_mem>>
        %dma_start3A = arith.constant 0 : i32
        %dma_start3A_38 = arith.constant 0 : i32
        %dma_start3A_39 = tpu.memref_slice %arg11[%dma_start3A, %dma_start3A_38] : memref<256x64xf32, #tpu.memory_space<vmem>> -> memref<112x64xf32, #tpu.memory_space<vmem>>
        %dma_start3A_40 = arith.constant 0 : i32
        %dma_start3A_41 = tpu.memref_slice %arg6[%add3A_37, %dma_start3A_40] : memref<50176x64xf32, #tpu.memory_space<hbm>> -> memref<112x64xf32, #tpu.memory_space<hbm>>
        %dma_start3A_42 = arith.constant 0 : i32
        %dma_start3A_43 = tpu.memref_slice %arg6[%add3A_37, %dma_start3A_42] : memref<50176x64xf32, #tpu.memory_space<hbm>> -> memref<112x64xf32, #tpu.memory_space<hbm>>
        %dma_start3A_44 = arith.constant 0 : i32
        %dma_start3A_45 = arith.constant 0 : i32
        %dma_start3A_46 = tpu.memref_slice %arg11[%dma_start3A_44, %dma_start3A_45] : memref<256x64xf32, #tpu.memory_space<vmem>> -> memref<112x64xf32, #tpu.memory_space<vmem>>
        tpu.enqueue_dma source(%dma_start3A_46 : memref<112x64xf32, #tpu.memory_space<vmem>>) target(%dma_start3A_43 : memref<112x64xf32, #tpu.memory_space<hbm>>) target_semaphore(%run_scoped3A : memref<!tpu.dma_semaphore, #tpu.memory_space<semaphore_mem>>)
        %dma_wait3A = arith.constant 0 : i32
        %dma_wait3A_47 = arith.constant 0 : i32
        %dma_wait3A_48 = tpu.memref_slice %arg11[%dma_wait3A, %dma_wait3A_47] : memref<256x64xf32, #tpu.memory_space<vmem>> -> memref<112x64xf32, #tpu.memory_space<vmem>>
        %dma_wait3A_49 = arith.constant 0 : i32
        %dma_wait3A_50 = tpu.memref_slice %arg6[%add3A_37, %dma_wait3A_49] : memref<50176x64xf32, #tpu.memory_space<hbm>> -> memref<112x64xf32, #tpu.memory_space<hbm>>
        %dma_wait3A_51 = arith.constant 0 : i32
        %dma_wait3A_52 = tpu.memref_slice %arg6[%add3A_37, %dma_wait3A_51] : memref<50176x64xf32, #tpu.memory_space<hbm>> -> memref<112x64xf32, #tpu.memory_space<hbm>>
        %dma_wait3A_53 = arith.constant 0 : i32
        %dma_wait3A_54 = arith.constant 0 : i32
        %dma_wait3A_55 = tpu.memref_slice %arg11[%dma_wait3A_53, %dma_wait3A_54] : memref<256x64xf32, #tpu.memory_space<vmem>> -> memref<112x64xf32, #tpu.memory_space<vmem>>
        tpu.wait_dma2 semaphore(%run_scoped3A : memref<!tpu.dma_semaphore, #tpu.memory_space<semaphore_mem>>) src(%dma_wait3A_55 : memref<112x64xf32, #tpu.memory_space<vmem>>) dst(%dma_wait3A_52 : memref<112x64xf32, #tpu.memory_space<hbm>>)
        tpu.yield
      }) : () -> ()
    }
    %scan3A_20 = arith.constant 14 : i32
    return
  }
}

#map = affine_map<(d0, d1) -> (0)>
#map1 = affine_map<(d0, d1) -> (0, 0)>
module attributes {stable_mosaic.version = 14 : i64} {
  func.func @_sc_agg(%arg0: i32, %arg1: i32, %arg2: memref<819200xi32, #tpu.memory_space<hbm>>, %arg3: memref<819200xi32, #tpu.memory_space<hbm>>, %arg4: memref<50176x64xf32, #tpu.memory_space<hbm>>, %arg5: memref<112x64xf32, #tpu.memory_space<hbm>>, %arg6: memref<50176x64xf32, #tpu.memory_space<hbm>>, %arg7: memref<25088x64xf32, #tpu.memory_space<vmem_shared>>, %arg8: memref<2048xi32, #tpu.memory_space<vmem>>, %arg9: memref<2048xi32, #tpu.memory_space<vmem>>, %arg10: memref<8x256xi32, #tpu.memory_space<vmem>>, %arg11: memref<256x64xf32, #tpu.memory_space<vmem>>, %arg12: memref<!tpu.dma_semaphore, #tpu.memory_space<semaphore_mem>>) attributes {dimension_semantics = [#tpu.dimension_semantics<core_parallel>, #tpu.dimension_semantics<subcore_parallel>], iteration_bounds = array<i64: 2, 16>, scalar_prefetch = 0 : i64, scratch_operands = 6 : i64, tpu.core_type = #tpu.core_type<sc_vector_subcore>, window_params = [{transform_indices = #map}, {transform_indices = #map}, {transform_indices = #map1}, {transform_indices = #map1}, {transform_indices = #map1}]} {
    %mul3A = arith.constant 25000 : i32
    %mul3A_0 = arith.muli %arg0, %mul3A : i32
    "tpu.region"() ({
      %run_scoped3A = tpu.sem_alloc : memref<!tpu.dma_semaphore, #tpu.memory_space<semaphore_mem>>
      %dma_start3A = arith.constant 0 : i32
      %dma_start3A_21 = arith.constant 0 : i32
      %dma_start3A_22 = tpu.memref_slice %arg11[%dma_start3A, %dma_start3A_21] : memref<256x64xf32, #tpu.memory_space<vmem>> -> memref<112x64xf32, #tpu.memory_space<vmem>>
      %dma_start3A_23 = arith.constant 0 : i32
      %dma_start3A_24 = arith.constant 0 : i32
      %dma_start3A_25 = tpu.memref_slice %arg11[%dma_start3A_23, %dma_start3A_24] : memref<256x64xf32, #tpu.memory_space<vmem>> -> memref<112x64xf32, #tpu.memory_space<vmem>>
      tpu.enqueue_dma source(%arg5 : memref<112x64xf32, #tpu.memory_space<hbm>>) target(%dma_start3A_25 : memref<112x64xf32, #tpu.memory_space<vmem>>) target_semaphore(%run_scoped3A : memref<!tpu.dma_semaphore, #tpu.memory_space<semaphore_mem>>)
      %dma_wait3A = arith.constant 0 : i32
      %dma_wait3A_26 = arith.constant 0 : i32
      %dma_wait3A_27 = tpu.memref_slice %arg11[%dma_wait3A, %dma_wait3A_26] : memref<256x64xf32, #tpu.memory_space<vmem>> -> memref<112x64xf32, #tpu.memory_space<vmem>>
      %dma_wait3A_28 = arith.constant 0 : i32
      %dma_wait3A_29 = arith.constant 0 : i32
      %dma_wait3A_30 = tpu.memref_slice %arg11[%dma_wait3A_28, %dma_wait3A_29] : memref<256x64xf32, #tpu.memory_space<vmem>> -> memref<112x64xf32, #tpu.memory_space<vmem>>
      tpu.wait_dma2 semaphore(%run_scoped3A : memref<!tpu.dma_semaphore, #tpu.memory_space<semaphore_mem>>) src(%arg5 : memref<112x64xf32, #tpu.memory_space<hbm>>) dst(%dma_wait3A_30 : memref<112x64xf32, #tpu.memory_space<vmem>>)
      tpu.yield
    }) : () -> ()
    %scan3A = arith.constant 0 : i32
    %scan3A_1 = arith.constant 14 : i32
    %scan3A_2 = arith.addi %scan3A, %scan3A_1 : i32
    %scan3A_3 = arith.constant 1 : i32
    scf.for %scan3A_21 = %scan3A to %scan3A_2 step %scan3A_3  : i32 {
      %mul3A_22 = arith.constant 1 : i32
      %mul3A_23 = arith.muli %scan3A_21, %mul3A_22 : i32
      %add3A = arith.constant 0 : i32
      %add3A_24 = arith.addi %add3A, %mul3A_23 : i32
      %mul3A_25 = arith.constant 1568 : i32
      %mul3A_26 = arith.muli %arg1, %mul3A_25 : i32
      %mul3A_27 = arith.constant 112 : i32
      %mul3A_28 = arith.muli %add3A_24, %mul3A_27 : i32
      %add3A_29 = arith.addi %mul3A_26, %mul3A_28 : i32
      %dma_start3A = arith.constant 0 : i32
      %dma_start3A_30 = arith.constant 0 : i32
      %dma_start3A_31 = tpu.memref_slice %arg11[%dma_start3A, %dma_start3A_30] : memref<256x64xf32, #tpu.memory_space<vmem>> -> memref<112x64xf32, #tpu.memory_space<vmem>>
      %dma_start3A_32 = arith.constant 0 : i32
      %dma_start3A_33 = tpu.memref_slice %arg7[%add3A_29, %dma_start3A_32] : memref<25088x64xf32, #tpu.memory_space<vmem_shared>> -> memref<112x64xf32, #tpu.memory_space<vmem_shared>>
      %dma_start3A_34 = arith.constant 0 : i32
      %dma_start3A_35 = tpu.memref_slice %arg7[%add3A_29, %dma_start3A_34] : memref<25088x64xf32, #tpu.memory_space<vmem_shared>> -> memref<112x64xf32, #tpu.memory_space<vmem_shared>>
      %dma_start3A_36 = arith.constant 0 : i32
      %dma_start3A_37 = arith.constant 0 : i32
      %dma_start3A_38 = tpu.memref_slice %arg11[%dma_start3A_36, %dma_start3A_37] : memref<256x64xf32, #tpu.memory_space<vmem>> -> memref<112x64xf32, #tpu.memory_space<vmem>>
      tpu.enqueue_dma source(%dma_start3A_38 : memref<112x64xf32, #tpu.memory_space<vmem>>) target(%dma_start3A_35 : memref<112x64xf32, #tpu.memory_space<vmem_shared>>) target_semaphore(%arg12 : memref<!tpu.dma_semaphore, #tpu.memory_space<semaphore_mem>>)
    }
    %scan3A_4 = arith.constant 14 : i32
    %scan3A_5 = arith.constant 0 : i32
    %scan3A_6 = arith.constant 14 : i32
    %scan3A_7 = arith.addi %scan3A_5, %scan3A_6 : i32
    %scan3A_8 = arith.constant 1 : i32
    scf.for %scan3A_21 = %scan3A_5 to %scan3A_7 step %scan3A_8  : i32 {
      %mul3A_22 = arith.constant 1 : i32
      %mul3A_23 = arith.muli %scan3A_21, %mul3A_22 : i32
      %add3A = arith.constant 0 : i32
      %add3A_24 = arith.addi %add3A, %mul3A_23 : i32
      %mul3A_25 = arith.constant 1568 : i32
      %mul3A_26 = arith.muli %arg1, %mul3A_25 : i32
      %mul3A_27 = arith.constant 112 : i32
      %mul3A_28 = arith.muli %add3A_24, %mul3A_27 : i32
      %add3A_29 = arith.addi %mul3A_26, %mul3A_28 : i32
      %dma_wait3A = arith.constant 0 : i32
      %dma_wait3A_30 = arith.constant 0 : i32
      %dma_wait3A_31 = tpu.memref_slice %arg11[%dma_wait3A, %dma_wait3A_30] : memref<256x64xf32, #tpu.memory_space<vmem>> -> memref<112x64xf32, #tpu.memory_space<vmem>>
      %dma_wait3A_32 = arith.constant 0 : i32
      %dma_wait3A_33 = tpu.memref_slice %arg7[%add3A_29, %dma_wait3A_32] : memref<25088x64xf32, #tpu.memory_space<vmem_shared>> -> memref<112x64xf32, #tpu.memory_space<vmem_shared>>
      %dma_wait3A_34 = arith.constant 0 : i32
      %dma_wait3A_35 = tpu.memref_slice %arg7[%add3A_29, %dma_wait3A_34] : memref<25088x64xf32, #tpu.memory_space<vmem_shared>> -> memref<112x64xf32, #tpu.memory_space<vmem_shared>>
      %dma_wait3A_36 = arith.constant 0 : i32
      %dma_wait3A_37 = arith.constant 0 : i32
      %dma_wait3A_38 = tpu.memref_slice %arg11[%dma_wait3A_36, %dma_wait3A_37] : memref<256x64xf32, #tpu.memory_space<vmem>> -> memref<112x64xf32, #tpu.memory_space<vmem>>
      tpu.wait_dma2 semaphore(%arg12 : memref<!tpu.dma_semaphore, #tpu.memory_space<semaphore_mem>>) src(%dma_wait3A_38 : memref<112x64xf32, #tpu.memory_space<vmem>>) dst(%dma_wait3A_35 : memref<112x64xf32, #tpu.memory_space<vmem_shared>>)
    }
    %scan3A_9 = arith.constant 14 : i32
    %barrier3A = arith.constant 0 : index
    tpu.barrier barrier_id(%barrier3A)
    %scan3A_10 = arith.constant 0 : i32
    %scan3A_11 = arith.constant 25 : i32
    %scan3A_12 = arith.addi %scan3A_10, %scan3A_11 : i32
    %scan3A_13 = arith.constant 1 : i32
    scf.for %scan3A_21 = %scan3A_10 to %scan3A_12 step %scan3A_13  : i32 {
      %mul3A_22 = arith.constant 1 : i32
      %mul3A_23 = arith.muli %scan3A_21, %mul3A_22 : i32
      %add3A = arith.constant 0 : i32
      %add3A_24 = arith.addi %add3A, %mul3A_23 : i32
      %mul3A_25 = arith.constant 51200 : i32
      %mul3A_26 = arith.muli %arg1, %mul3A_25 : i32
      %mul3A_27 = arith.constant 2048 : i32
      %mul3A_28 = arith.muli %add3A_24, %mul3A_27 : i32
      %add3A_29 = arith.addi %mul3A_26, %mul3A_28 : i32
      "tpu.region"() ({
        %run_scoped3A_42 = tpu.sem_alloc : memref<!tpu.dma_semaphore, #tpu.memory_space<semaphore_mem>>
        %dma_start3A = tpu.memref_slice %arg2[%add3A_29] : memref<819200xi32, #tpu.memory_space<hbm>> -> memref<2048xi32, #tpu.memory_space<hbm>>
        %dma_start3A_43 = tpu.memref_slice %arg2[%add3A_29] : memref<819200xi32, #tpu.memory_space<hbm>> -> memref<2048xi32, #tpu.memory_space<hbm>>
        tpu.enqueue_dma source(%dma_start3A_43 : memref<2048xi32, #tpu.memory_space<hbm>>) target(%arg8 : memref<2048xi32, #tpu.memory_space<vmem>>) target_semaphore(%run_scoped3A_42 : memref<!tpu.dma_semaphore, #tpu.memory_space<semaphore_mem>>)
        %dma_wait3A = tpu.memref_slice %arg2[%add3A_29] : memref<819200xi32, #tpu.memory_space<hbm>> -> memref<2048xi32, #tpu.memory_space<hbm>>
        %dma_wait3A_44 = tpu.memref_slice %arg2[%add3A_29] : memref<819200xi32, #tpu.memory_space<hbm>> -> memref<2048xi32, #tpu.memory_space<hbm>>
        tpu.wait_dma2 semaphore(%run_scoped3A_42 : memref<!tpu.dma_semaphore, #tpu.memory_space<semaphore_mem>>) src(%dma_wait3A_44 : memref<2048xi32, #tpu.memory_space<hbm>>) dst(%arg8 : memref<2048xi32, #tpu.memory_space<vmem>>)
        tpu.yield
      }) : () -> ()
      "tpu.region"() ({
        %run_scoped3A_42 = tpu.sem_alloc : memref<!tpu.dma_semaphore, #tpu.memory_space<semaphore_mem>>
        %dma_start3A = tpu.memref_slice %arg3[%add3A_29] : memref<819200xi32, #tpu.memory_space<hbm>> -> memref<2048xi32, #tpu.memory_space<hbm>>
        %dma_start3A_43 = tpu.memref_slice %arg3[%add3A_29] : memref<819200xi32, #tpu.memory_space<hbm>> -> memref<2048xi32, #tpu.memory_space<hbm>>
        tpu.enqueue_dma source(%dma_start3A_43 : memref<2048xi32, #tpu.memory_space<hbm>>) target(%arg9 : memref<2048xi32, #tpu.memory_space<vmem>>) target_semaphore(%run_scoped3A_42 : memref<!tpu.dma_semaphore, #tpu.memory_space<semaphore_mem>>)
        %dma_wait3A = tpu.memref_slice %arg3[%add3A_29] : memref<819200xi32, #tpu.memory_space<hbm>> -> memref<2048xi32, #tpu.memory_space<hbm>>
        %dma_wait3A_44 = tpu.memref_slice %arg3[%add3A_29] : memref<819200xi32, #tpu.memory_space<hbm>> -> memref<2048xi32, #tpu.memory_space<hbm>>
        tpu.wait_dma2 semaphore(%run_scoped3A_42 : memref<!tpu.dma_semaphore, #tpu.memory_space<semaphore_mem>>) src(%dma_wait3A_44 : memref<2048xi32, #tpu.memory_space<hbm>>) dst(%arg9 : memref<2048xi32, #tpu.memory_space<vmem>>)
        tpu.yield
      }) : () -> ()
      %scan3A_30 = arith.constant 0 : i32
      %scan3A_31 = arith.constant 8 : i32
      %scan3A_32 = arith.addi %scan3A_30, %scan3A_31 : i32
      %scan3A_33 = arith.constant 1 : i32
      scf.for %scan3A_42 = %scan3A_30 to %scan3A_32 step %scan3A_33  : i32 {
        %mul3A_43 = arith.constant 1 : i32
        %mul3A_44 = arith.muli %scan3A_42, %mul3A_43 : i32
        %add3A_45 = arith.constant 0 : i32
        %add3A_46 = arith.addi %add3A_45, %mul3A_44 : i32
        %scan3A_47 = arith.constant 0 : i32
        %scan3A_48 = arith.constant 16 : i32
        %scan3A_49 = arith.addi %scan3A_47, %scan3A_48 : i32
        %scan3A_50 = arith.constant 1 : i32
        scf.for %scan3A_52 = %scan3A_47 to %scan3A_49 step %scan3A_50  : i32 {
          %mul3A_53 = arith.constant 1 : i32
          %mul3A_54 = arith.muli %scan3A_52, %mul3A_53 : i32
          %add3A_55 = arith.constant 0 : i32
          %add3A_56 = arith.addi %add3A_55, %mul3A_54 : i32
          %mul3A_57 = arith.constant 256 : i32
          %mul3A_58 = arith.muli %add3A_46, %mul3A_57 : i32
          %mul3A_59 = arith.constant 16 : i32
          %mul3A_60 = arith.muli %add3A_56, %mul3A_59 : i32
          %add3A_61 = arith.addi %mul3A_58, %mul3A_60 : i32
          %get3A = arith.index_cast %add3A_61 : i32 to index
          %get3A_62 = tpu.vector_load %arg9[%get3A] {strides = array<i32>} : memref<2048xi32, #tpu.memory_space<vmem>>, vector<16xi32>,
          %get3A_63 = vector.shape_cast %get3A_62 : vector<16xi32> to vector<16xi32>
          %sub3A = vector.broadcast %mul3A_0 : i32 to vector<16xi32>
          %sub3A_64 = arith.subi %get3A_63, %sub3A : vector<16xi32>
          %ge3A = arith.constant 0 : i32
          %ge3A_65 = vector.broadcast %ge3A : i32 to vector<16xi32>
          %ge3A_66 = arith.cmpi sge, %sub3A_64, %ge3A_65 : vector<16xi32>
          %lt3A = arith.constant 25000 : i32
          %lt3A_67 = vector.broadcast %lt3A : i32 to vector<16xi32>
          %lt3A_68 = arith.cmpi slt, %sub3A_64, %lt3A_67 : vector<16xi32>
          %and3A = arith.andi %ge3A_66, %lt3A_68 : vector<16xi1>
          %jit3A = arith.constant 25080 : i32
          %broadcast_in_dim3A = vector.broadcast %jit3A : i32 to vector<16xi32>
          %select_n3A = arith.select %and3A, %sub3A_64, %broadcast_in_dim3A : vector<16xi1>, vector<16xi32>
          %reshape3A = vector.shape_cast %select_n3A : vector<16xi32> to vector<1x16xi32>
          %mul3A_69 = arith.constant 16 : i32
          %mul3A_70 = arith.muli %add3A_56, %mul3A_69 : i32
          %swap3A = arith.index_cast %add3A_46 : i32 to index
          %swap3A_71 = arith.index_cast %mul3A_70 : i32 to index
          %swap3A_72 = tpu.vector_load %arg10[%swap3A, %swap3A_71] {strides = array<i32>} : memref<8x256xi32, #tpu.memory_space<vmem>>, vector<1x16xi32>,
          %swap3A_73 = vector.shape_cast %swap3A_72 : vector<1x16xi32> to vector<1x16xi32>
          %swap3A_74 = vector.shape_cast %reshape3A : vector<1x16xi32> to vector<1x16xi32>
          tpu.vector_store %arg10[%swap3A, %swap3A_71], %swap3A_74 {strides = array<i32>} : memref<8x256xi32, #tpu.memory_space<vmem>>, vector<1x16xi32>,
        }
        %scan3A_51 = arith.constant 16 : i32
      }
      %scan3A_34 = arith.constant 8 : i32
      "tpu.region"() ({
        %run_scoped3A_42 = tpu.sem_alloc : memref<!tpu.dma_semaphore, #tpu.memory_space<semaphore_mem>>
        %dma_start3A = arith.constant 0 : i32
        %dma_start3A_43 = tpu.memref_slice %arg8[%dma_start3A] : memref<2048xi32, #tpu.memory_space<vmem>> -> memref<256xi32, #tpu.memory_space<vmem>>
        %dma_start3A_44 = arith.constant 0 : i32
        %dma_start3A_45 = arith.constant 0 : i32
        %dma_start3A_46 = tpu.memref_slice %arg4[%dma_start3A_44, %dma_start3A_45] : memref<50176x64xf32, #tpu.memory_space<hbm>> -> memref<50176x64xf32, #tpu.memory_space<hbm>>
        tpu.enqueue_indirect_dma source(%dma_start3A_46 : memref<50176x64xf32, #tpu.memory_space<hbm>>) target(%arg11 : memref<256x64xf32, #tpu.memory_space<vmem>>) offsets(%dma_start3A_43 : memref<256xi32, #tpu.memory_space<vmem>>) semaphore(%run_scoped3A_42 : memref<!tpu.dma_semaphore, #tpu.memory_space<semaphore_mem>>)
        %dma_wait3A = arith.constant 0 : i32
        %dma_wait3A_47 = tpu.memref_slice %arg8[%dma_wait3A] : memref<2048xi32, #tpu.memory_space<vmem>> -> memref<256xi32, #tpu.memory_space<vmem>>
        %dma_wait3A_48 = arith.constant 0 : i32
        %dma_wait3A_49 = arith.constant 0 : i32
        %dma_wait3A_50 = tpu.memref_slice %arg4[%dma_wait3A_48, %dma_wait3A_49] : memref<50176x64xf32, #tpu.memory_space<hbm>> -> memref<50176x64xf32, #tpu.memory_space<hbm>>
        tpu.wait_indirect_dma semaphore(%run_scoped3A_42 : memref<!tpu.dma_semaphore, #tpu.memory_space<semaphore_mem>>) src(%dma_wait3A_50 : memref<50176x64xf32, #tpu.memory_space<hbm>>) dst(%arg11 : memref<256x64xf32, #tpu.memory_space<vmem>>)
        tpu.yield
      }) : () -> ()
      %run_scoped3A = arith.constant 0 : i32
      "tpu.region"() ({
        %run_scoped3A_42 = tpu.sem_alloc : memref<!tpu.dma_semaphore, #tpu.memory_space<semaphore_mem>>
        %dma_start3A = arith.constant 0 : i32
        %dma_start3A_43 = tpu.memref_slice %arg10[%run_scoped3A, %dma_start3A] : memref<8x256xi32, #tpu.memory_space<vmem>> -> memref<1x256xi32, #tpu.memory_space<vmem>>
        %dma_start3A_44 = tpu.memref_squeeze %dma_start3A_43 : memref<1x256xi32, #tpu.memory_space<vmem>> -> memref<256xi32, #tpu.memory_space<vmem>>
        %dma_start3A_45 = arith.constant 0 : i32
        %dma_start3A_46 = arith.constant 0 : i32
        %dma_start3A_47 = tpu.memref_slice %arg7[%dma_start3A_45, %dma_start3A_46] : memref<25088x64xf32, #tpu.memory_space<vmem_shared>> -> memref<25088x64xf32, #tpu.memory_space<vmem_shared>>
        tpu.enqueue_indirect_dma source(%arg11 : memref<256x64xf32, #tpu.memory_space<vmem>>) target(%dma_start3A_47 : memref<25088x64xf32, #tpu.memory_space<vmem_shared>>) offsets(%dma_start3A_44 : memref<256xi32, #tpu.memory_space<vmem>>) semaphore(%run_scoped3A_42 : memref<!tpu.dma_semaphore, #tpu.memory_space<semaphore_mem>>) {add = true}
        %dma_wait3A = arith.constant 0 : i32
        %dma_wait3A_48 = tpu.memref_slice %arg10[%run_scoped3A, %dma_wait3A] : memref<8x256xi32, #tpu.memory_space<vmem>> -> memref<1x256xi32, #tpu.memory_space<vmem>>
        %dma_wait3A_49 = tpu.memref_squeeze %dma_wait3A_48 : memref<1x256xi32, #tpu.memory_space<vmem>> -> memref<256xi32, #tpu.memory_space<vmem>>
        %dma_wait3A_50 = arith.constant 0 : i32
        %dma_wait3A_51 = arith.constant 0 : i32
        %dma_wait3A_52 = tpu.memref_slice %arg7[%dma_wait3A_50, %dma_wait3A_51] : memref<25088x64xf32, #tpu.memory_space<vmem_shared>> -> memref<25088x64xf32, #tpu.memory_space<vmem_shared>>
        tpu.wait_indirect_dma semaphore(%run_scoped3A_42 : memref<!tpu.dma_semaphore, #tpu.memory_space<semaphore_mem>>) src(%arg11 : memref<256x64xf32, #tpu.memory_space<vmem>>) dst(%dma_wait3A_52 : memref<25088x64xf32, #tpu.memory_space<vmem_shared>>)
        tpu.yield
      }) : () -> ()
      "tpu.region"() ({
        %run_scoped3A_42 = tpu.sem_alloc : memref<!tpu.dma_semaphore, #tpu.memory_space<semaphore_mem>>
        %dma_start3A = arith.constant 256 : i32
        %dma_start3A_43 = tpu.memref_slice %arg8[%dma_start3A] : memref<2048xi32, #tpu.memory_space<vmem>> -> memref<256xi32, #tpu.memory_space<vmem>>
        %dma_start3A_44 = arith.constant 0 : i32
        %dma_start3A_45 = arith.constant 0 : i32
        %dma_start3A_46 = tpu.memref_slice %arg4[%dma_start3A_44, %dma_start3A_45] : memref<50176x64xf32, #tpu.memory_space<hbm>> -> memref<50176x64xf32, #tpu.memory_space<hbm>>
        tpu.enqueue_indirect_dma source(%dma_start3A_46 : memref<50176x64xf32, #tpu.memory_space<hbm>>) target(%arg11 : memref<256x64xf32, #tpu.memory_space<vmem>>) offsets(%dma_start3A_43 : memref<256xi32, #tpu.memory_space<vmem>>) semaphore(%run_scoped3A_42 : memref<!tpu.dma_semaphore, #tpu.memory_space<semaphore_mem>>)
        %dma_wait3A = arith.constant 256 : i32
        %dma_wait3A_47 = tpu.memref_slice %arg8[%dma_wait3A] : memref<2048xi32, #tpu.memory_space<vmem>> -> memref<256xi32, #tpu.memory_space<vmem>>
        %dma_wait3A_48 = arith.constant 0 : i32
        %dma_wait3A_49 = arith.constant 0 : i32
        %dma_wait3A_50 = tpu.memref_slice %arg4[%dma_wait3A_48, %dma_wait3A_49] : memref<50176x64xf32, #tpu.memory_space<hbm>> -> memref<50176x64xf32, #tpu.memory_space<hbm>>
        tpu.wait_indirect_dma semaphore(%run_scoped3A_42 : memref<!tpu.dma_semaphore, #tpu.memory_space<semaphore_mem>>) src(%dma_wait3A_50 : memref<50176x64xf32, #tpu.memory_space<hbm>>) dst(%arg11 : memref<256x64xf32, #tpu.memory_space<vmem>>)
        tpu.yield
      }) : () -> ()
      %run_scoped3A_35 = arith.constant 1 : i32
      "tpu.region"() ({
        %run_scoped3A_42 = tpu.sem_alloc : memref<!tpu.dma_semaphore, #tpu.memory_space<semaphore_mem>>
        %dma_start3A = arith.constant 0 : i32
        %dma_start3A_43 = tpu.memref_slice %arg10[%run_scoped3A_35, %dma_start3A] : memref<8x256xi32, #tpu.memory_space<vmem>> -> memref<1x256xi32, #tpu.memory_space<vmem>>
        %dma_start3A_44 = tpu.memref_squeeze %dma_start3A_43 : memref<1x256xi32, #tpu.memory_space<vmem>> -> memref<256xi32, #tpu.memory_space<vmem>>
        %dma_start3A_45 = arith.constant 0 : i32
        %dma_start3A_46 = arith.constant 0 : i32
        %dma_start3A_47 = tpu.memref_slice %arg7[%dma_start3A_45, %dma_start3A_46] : memref<25088x64xf32, #tpu.memory_space<vmem_shared>> -> memref<25088x64xf32, #tpu.memory_space<vmem_shared>>
        tpu.enqueue_indirect_dma source(%arg11 : memref<256x64xf32, #tpu.memory_space<vmem>>) target(%dma_start3A_47 : memref<25088x64xf32, #tpu.memory_space<vmem_shared>>) offsets(%dma_start3A_44 : memref<256xi32, #tpu.memory_space<vmem>>) semaphore(%run_scoped3A_42 : memref<!tpu.dma_semaphore, #tpu.memory_space<semaphore_mem>>) {add = true}
        %dma_wait3A = arith.constant 0 : i32
        %dma_wait3A_48 = tpu.memref_slice %arg10[%run_scoped3A_35, %dma_wait3A] : memref<8x256xi32, #tpu.memory_space<vmem>> -> memref<1x256xi32, #tpu.memory_space<vmem>>
        %dma_wait3A_49 = tpu.memref_squeeze %dma_wait3A_48 : memref<1x256xi32, #tpu.memory_space<vmem>> -> memref<256xi32, #tpu.memory_space<vmem>>
        %dma_wait3A_50 = arith.constant 0 : i32
        %dma_wait3A_51 = arith.constant 0 : i32
        %dma_wait3A_52 = tpu.memref_slice %arg7[%dma_wait3A_50, %dma_wait3A_51] : memref<25088x64xf32, #tpu.memory_space<vmem_shared>> -> memref<25088x64xf32, #tpu.memory_space<vmem_shared>>
        tpu.wait_indirect_dma semaphore(%run_scoped3A_42 : memref<!tpu.dma_semaphore, #tpu.memory_space<semaphore_mem>>) src(%arg11 : memref<256x64xf32, #tpu.memory_space<vmem>>) dst(%dma_wait3A_52 : memref<25088x64xf32, #tpu.memory_space<vmem_shared>>)
        tpu.yield
      }) : () -> ()
      "tpu.region"() ({
        %run_scoped3A_42 = tpu.sem_alloc : memref<!tpu.dma_semaphore, #tpu.memory_space<semaphore_mem>>
        %dma_start3A = arith.constant 512 : i32
        %dma_start3A_43 = tpu.memref_slice %arg8[%dma_start3A] : memref<2048xi32, #tpu.memory_space<vmem>> -> memref<256xi32, #tpu.memory_space<vmem>>
        %dma_start3A_44 = arith.constant 0 : i32
        %dma_start3A_45 = arith.constant 0 : i32
        %dma_start3A_46 = tpu.memref_slice %arg4[%dma_start3A_44, %dma_start3A_45] : memref<50176x64xf32, #tpu.memory_space<hbm>> -> memref<50176x64xf32, #tpu.memory_space<hbm>>
        tpu.enqueue_indirect_dma source(%dma_start3A_46 : memref<50176x64xf32, #tpu.memory_space<hbm>>) target(%arg11 : memref<256x64xf32, #tpu.memory_space<vmem>>) offsets(%dma_start3A_43 : memref<256xi32, #tpu.memory_space<vmem>>) semaphore(%run_scoped3A_42 : memref<!tpu.dma_semaphore, #tpu.memory_space<semaphore_mem>>)
        %dma_wait3A = arith.constant 512 : i32
        %dma_wait3A_47 = tpu.memref_slice %arg8[%dma_wait3A] : memref<2048xi32, #tpu.memory_space<vmem>> -> memref<256xi32, #tpu.memory_space<vmem>>
        %dma_wait3A_48 = arith.constant 0 : i32
        %dma_wait3A_49 = arith.constant 0 : i32
        %dma_wait3A_50 = tpu.memref_slice %arg4[%dma_wait3A_48, %dma_wait3A_49] : memref<50176x64xf32, #tpu.memory_space<hbm>> -> memref<50176x64xf32, #tpu.memory_space<hbm>>
        tpu.wait_indirect_dma semaphore(%run_scoped3A_42 : memref<!tpu.dma_semaphore, #tpu.memory_space<semaphore_mem>>) src(%dma_wait3A_50 : memref<50176x64xf32, #tpu.memory_space<hbm>>) dst(%arg11 : memref<256x64xf32, #tpu.memory_space<vmem>>)
        tpu.yield
      }) : () -> ()
      %run_scoped3A_36 = arith.constant 2 : i32
      "tpu.region"() ({
        %run_scoped3A_42 = tpu.sem_alloc : memref<!tpu.dma_semaphore, #tpu.memory_space<semaphore_mem>>
        %dma_start3A = arith.constant 0 : i32
        %dma_start3A_43 = tpu.memref_slice %arg10[%run_scoped3A_36, %dma_start3A] : memref<8x256xi32, #tpu.memory_space<vmem>> -> memref<1x256xi32, #tpu.memory_space<vmem>>
        %dma_start3A_44 = tpu.memref_squeeze %dma_start3A_43 : memref<1x256xi32, #tpu.memory_space<vmem>> -> memref<256xi32, #tpu.memory_space<vmem>>
        %dma_start3A_45 = arith.constant 0 : i32
        %dma_start3A_46 = arith.constant 0 : i32
        %dma_start3A_47 = tpu.memref_slice %arg7[%dma_start3A_45, %dma_start3A_46] : memref<25088x64xf32, #tpu.memory_space<vmem_shared>> -> memref<25088x64xf32, #tpu.memory_space<vmem_shared>>
        tpu.enqueue_indirect_dma source(%arg11 : memref<256x64xf32, #tpu.memory_space<vmem>>) target(%dma_start3A_47 : memref<25088x64xf32, #tpu.memory_space<vmem_shared>>) offsets(%dma_start3A_44 : memref<256xi32, #tpu.memory_space<vmem>>) semaphore(%run_scoped3A_42 : memref<!tpu.dma_semaphore, #tpu.memory_space<semaphore_mem>>) {add = true}
        %dma_wait3A = arith.constant 0 : i32
        %dma_wait3A_48 = tpu.memref_slice %arg10[%run_scoped3A_36, %dma_wait3A] : memref<8x256xi32, #tpu.memory_space<vmem>> -> memref<1x256xi32, #tpu.memory_space<vmem>>
        %dma_wait3A_49 = tpu.memref_squeeze %dma_wait3A_48 : memref<1x256xi32, #tpu.memory_space<vmem>> -> memref<256xi32, #tpu.memory_space<vmem>>
        %dma_wait3A_50 = arith.constant 0 : i32
        %dma_wait3A_51 = arith.constant 0 : i32
        %dma_wait3A_52 = tpu.memref_slice %arg7[%dma_wait3A_50, %dma_wait3A_51] : memref<25088x64xf32, #tpu.memory_space<vmem_shared>> -> memref<25088x64xf32, #tpu.memory_space<vmem_shared>>
        tpu.wait_indirect_dma semaphore(%run_scoped3A_42 : memref<!tpu.dma_semaphore, #tpu.memory_space<semaphore_mem>>) src(%arg11 : memref<256x64xf32, #tpu.memory_space<vmem>>) dst(%dma_wait3A_52 : memref<25088x64xf32, #tpu.memory_space<vmem_shared>>)
        tpu.yield
      }) : () -> ()
      "tpu.region"() ({
        %run_scoped3A_42 = tpu.sem_alloc : memref<!tpu.dma_semaphore, #tpu.memory_space<semaphore_mem>>
        %dma_start3A = arith.constant 768 : i32
        %dma_start3A_43 = tpu.memref_slice %arg8[%dma_start3A] : memref<2048xi32, #tpu.memory_space<vmem>> -> memref<256xi32, #tpu.memory_space<vmem>>
        %dma_start3A_44 = arith.constant 0 : i32
        %dma_start3A_45 = arith.constant 0 : i32
        %dma_start3A_46 = tpu.memref_slice %arg4[%dma_start3A_44, %dma_start3A_45] : memref<50176x64xf32, #tpu.memory_space<hbm>> -> memref<50176x64xf32, #tpu.memory_space<hbm>>
        tpu.enqueue_indirect_dma source(%dma_start3A_46 : memref<50176x64xf32, #tpu.memory_space<hbm>>) target(%arg11 : memref<256x64xf32, #tpu.memory_space<vmem>>) offsets(%dma_start3A_43 : memref<256xi32, #tpu.memory_space<vmem>>) semaphore(%run_scoped3A_42 : memref<!tpu.dma_semaphore, #tpu.memory_space<semaphore_mem>>)
        %dma_wait3A = arith.constant 768 : i32
        %dma_wait3A_47 = tpu.memref_slice %arg8[%dma_wait3A] : memref<2048xi32, #tpu.memory_space<vmem>> -> memref<256xi32, #tpu.memory_space<vmem>>
        %dma_wait3A_48 = arith.constant 0 : i32
        %dma_wait3A_49 = arith.constant 0 : i32
        %dma_wait3A_50 = tpu.memref_slice %arg4[%dma_wait3A_48, %dma_wait3A_49] : memref<50176x64xf32, #tpu.memory_space<hbm>> -> memref<50176x64xf32, #tpu.memory_space<hbm>>
        tpu.wait_indirect_dma semaphore(%run_scoped3A_42 : memref<!tpu.dma_semaphore, #tpu.memory_space<semaphore_mem>>) src(%dma_wait3A_50 : memref<50176x64xf32, #tpu.memory_space<hbm>>) dst(%arg11 : memref<256x64xf32, #tpu.memory_space<vmem>>)
        tpu.yield
      }) : () -> ()
      %run_scoped3A_37 = arith.constant 3 : i32
      "tpu.region"() ({
        %run_scoped3A_42 = tpu.sem_alloc : memref<!tpu.dma_semaphore, #tpu.memory_space<semaphore_mem>>
        %dma_start3A = arith.constant 0 : i32
        %dma_start3A_43 = tpu.memref_slice %arg10[%run_scoped3A_37, %dma_start3A] : memref<8x256xi32, #tpu.memory_space<vmem>> -> memref<1x256xi32, #tpu.memory_space<vmem>>
        %dma_start3A_44 = tpu.memref_squeeze %dma_start3A_43 : memref<1x256xi32, #tpu.memory_space<vmem>> -> memref<256xi32, #tpu.memory_space<vmem>>
        %dma_start3A_45 = arith.constant 0 : i32
        %dma_start3A_46 = arith.constant 0 : i32
        %dma_start3A_47 = tpu.memref_slice %arg7[%dma_start3A_45, %dma_start3A_46] : memref<25088x64xf32, #tpu.memory_space<vmem_shared>> -> memref<25088x64xf32, #tpu.memory_space<vmem_shared>>
        tpu.enqueue_indirect_dma source(%arg11 : memref<256x64xf32, #tpu.memory_space<vmem>>) target(%dma_start3A_47 : memref<25088x64xf32, #tpu.memory_space<vmem_shared>>) offsets(%dma_start3A_44 : memref<256xi32, #tpu.memory_space<vmem>>) semaphore(%run_scoped3A_42 : memref<!tpu.dma_semaphore, #tpu.memory_space<semaphore_mem>>) {add = true}
        %dma_wait3A = arith.constant 0 : i32
        %dma_wait3A_48 = tpu.memref_slice %arg10[%run_scoped3A_37, %dma_wait3A] : memref<8x256xi32, #tpu.memory_space<vmem>> -> memref<1x256xi32, #tpu.memory_space<vmem>>
        %dma_wait3A_49 = tpu.memref_squeeze %dma_wait3A_48 : memref<1x256xi32, #tpu.memory_space<vmem>> -> memref<256xi32, #tpu.memory_space<vmem>>
        %dma_wait3A_50 = arith.constant 0 : i32
        %dma_wait3A_51 = arith.constant 0 : i32
        %dma_wait3A_52 = tpu.memref_slice %arg7[%dma_wait3A_50, %dma_wait3A_51] : memref<25088x64xf32, #tpu.memory_space<vmem_shared>> -> memref<25088x64xf32, #tpu.memory_space<vmem_shared>>
        tpu.wait_indirect_dma semaphore(%run_scoped3A_42 : memref<!tpu.dma_semaphore, #tpu.memory_space<semaphore_mem>>) src(%arg11 : memref<256x64xf32, #tpu.memory_space<vmem>>) dst(%dma_wait3A_52 : memref<25088x64xf32, #tpu.memory_space<vmem_shared>>)
        tpu.yield
      }) : () -> ()
      "tpu.region"() ({
        %run_scoped3A_42 = tpu.sem_alloc : memref<!tpu.dma_semaphore, #tpu.memory_space<semaphore_mem>>
        %dma_start3A = arith.constant 1024 : i32
        %dma_start3A_43 = tpu.memref_slice %arg8[%dma_start3A] : memref<2048xi32, #tpu.memory_space<vmem>> -> memref<256xi32, #tpu.memory_space<vmem>>
        %dma_start3A_44 = arith.constant 0 : i32
        %dma_start3A_45 = arith.constant 0 : i32
        %dma_start3A_46 = tpu.memref_slice %arg4[%dma_start3A_44, %dma_start3A_45] : memref<50176x64xf32, #tpu.memory_space<hbm>> -> memref<50176x64xf32, #tpu.memory_space<hbm>>
        tpu.enqueue_indirect_dma source(%dma_start3A_46 : memref<50176x64xf32, #tpu.memory_space<hbm>>) target(%arg11 : memref<256x64xf32, #tpu.memory_space<vmem>>) offsets(%dma_start3A_43 : memref<256xi32, #tpu.memory_space<vmem>>) semaphore(%run_scoped3A_42 : memref<!tpu.dma_semaphore, #tpu.memory_space<semaphore_mem>>)
        %dma_wait3A = arith.constant 1024 : i32
        %dma_wait3A_47 = tpu.memref_slice %arg8[%dma_wait3A] : memref<2048xi32, #tpu.memory_space<vmem>> -> memref<256xi32, #tpu.memory_space<vmem>>
        %dma_wait3A_48 = arith.constant 0 : i32
        %dma_wait3A_49 = arith.constant 0 : i32
        %dma_wait3A_50 = tpu.memref_slice %arg4[%dma_wait3A_48, %dma_wait3A_49] : memref<50176x64xf32, #tpu.memory_space<hbm>> -> memref<50176x64xf32, #tpu.memory_space<hbm>>
        tpu.wait_indirect_dma semaphore(%run_scoped3A_42 : memref<!tpu.dma_semaphore, #tpu.memory_space<semaphore_mem>>) src(%dma_wait3A_50 : memref<50176x64xf32, #tpu.memory_space<hbm>>) dst(%arg11 : memref<256x64xf32, #tpu.memory_space<vmem>>)
        tpu.yield
      }) : () -> ()
      %run_scoped3A_38 = arith.constant 4 : i32
      "tpu.region"() ({
        %run_scoped3A_42 = tpu.sem_alloc : memref<!tpu.dma_semaphore, #tpu.memory_space<semaphore_mem>>
        %dma_start3A = arith.constant 0 : i32
        %dma_start3A_43 = tpu.memref_slice %arg10[%run_scoped3A_38, %dma_start3A] : memref<8x256xi32, #tpu.memory_space<vmem>> -> memref<1x256xi32, #tpu.memory_space<vmem>>
        %dma_start3A_44 = tpu.memref_squeeze %dma_start3A_43 : memref<1x256xi32, #tpu.memory_space<vmem>> -> memref<256xi32, #tpu.memory_space<vmem>>
        %dma_start3A_45 = arith.constant 0 : i32
        %dma_start3A_46 = arith.constant 0 : i32
        %dma_start3A_47 = tpu.memref_slice %arg7[%dma_start3A_45, %dma_start3A_46] : memref<25088x64xf32, #tpu.memory_space<vmem_shared>> -> memref<25088x64xf32, #tpu.memory_space<vmem_shared>>
        tpu.enqueue_indirect_dma source(%arg11 : memref<256x64xf32, #tpu.memory_space<vmem>>) target(%dma_start3A_47 : memref<25088x64xf32, #tpu.memory_space<vmem_shared>>) offsets(%dma_start3A_44 : memref<256xi32, #tpu.memory_space<vmem>>) semaphore(%run_scoped3A_42 : memref<!tpu.dma_semaphore, #tpu.memory_space<semaphore_mem>>) {add = true}
        %dma_wait3A = arith.constant 0 : i32
        %dma_wait3A_48 = tpu.memref_slice %arg10[%run_scoped3A_38, %dma_wait3A] : memref<8x256xi32, #tpu.memory_space<vmem>> -> memref<1x256xi32, #tpu.memory_space<vmem>>
        %dma_wait3A_49 = tpu.memref_squeeze %dma_wait3A_48 : memref<1x256xi32, #tpu.memory_space<vmem>> -> memref<256xi32, #tpu.memory_space<vmem>>
        %dma_wait3A_50 = arith.constant 0 : i32
        %dma_wait3A_51 = arith.constant 0 : i32
        %dma_wait3A_52 = tpu.memref_slice %arg7[%dma_wait3A_50, %dma_wait3A_51] : memref<25088x64xf32, #tpu.memory_space<vmem_shared>> -> memref<25088x64xf32, #tpu.memory_space<vmem_shared>>
        tpu.wait_indirect_dma semaphore(%run_scoped3A_42 : memref<!tpu.dma_semaphore, #tpu.memory_space<semaphore_mem>>) src(%arg11 : memref<256x64xf32, #tpu.memory_space<vmem>>) dst(%dma_wait3A_52 : memref<25088x64xf32, #tpu.memory_space<vmem_shared>>)
        tpu.yield
      }) : () -> ()
      "tpu.region"() ({
        %run_scoped3A_42 = tpu.sem_alloc : memref<!tpu.dma_semaphore, #tpu.memory_space<semaphore_mem>>
        %dma_start3A = arith.constant 1280 : i32
        %dma_start3A_43 = tpu.memref_slice %arg8[%dma_start3A] : memref<2048xi32, #tpu.memory_space<vmem>> -> memref<256xi32, #tpu.memory_space<vmem>>
        %dma_start3A_44 = arith.constant 0 : i32
        %dma_start3A_45 = arith.constant 0 : i32
        %dma_start3A_46 = tpu.memref_slice %arg4[%dma_start3A_44, %dma_start3A_45] : memref<50176x64xf32, #tpu.memory_space<hbm>> -> memref<50176x64xf32, #tpu.memory_space<hbm>>
        tpu.enqueue_indirect_dma source(%dma_start3A_46 : memref<50176x64xf32, #tpu.memory_space<hbm>>) target(%arg11 : memref<256x64xf32, #tpu.memory_space<vmem>>) offsets(%dma_start3A_43 : memref<256xi32, #tpu.memory_space<vmem>>) semaphore(%run_scoped3A_42 : memref<!tpu.dma_semaphore, #tpu.memory_space<semaphore_mem>>)
        %dma_wait3A = arith.constant 1280 : i32
        %dma_wait3A_47 = tpu.memref_slice %arg8[%dma_wait3A] : memref<2048xi32, #tpu.memory_space<vmem>> -> memref<256xi32, #tpu.memory_space<vmem>>
        %dma_wait3A_48 = arith.constant 0 : i32
        %dma_wait3A_49 = arith.constant 0 : i32
        %dma_wait3A_50 = tpu.memref_slice %arg4[%dma_wait3A_48, %dma_wait3A_49] : memref<50176x64xf32, #tpu.memory_space<hbm>> -> memref<50176x64xf32, #tpu.memory_space<hbm>>
        tpu.wait_indirect_dma semaphore(%run_scoped3A_42 : memref<!tpu.dma_semaphore, #tpu.memory_space<semaphore_mem>>) src(%dma_wait3A_50 : memref<50176x64xf32, #tpu.memory_space<hbm>>) dst(%arg11 : memref<256x64xf32, #tpu.memory_space<vmem>>)
        tpu.yield
      }) : () -> ()
      %run_scoped3A_39 = arith.constant 5 : i32
      "tpu.region"() ({
        %run_scoped3A_42 = tpu.sem_alloc : memref<!tpu.dma_semaphore, #tpu.memory_space<semaphore_mem>>
        %dma_start3A = arith.constant 0 : i32
        %dma_start3A_43 = tpu.memref_slice %arg10[%run_scoped3A_39, %dma_start3A] : memref<8x256xi32, #tpu.memory_space<vmem>> -> memref<1x256xi32, #tpu.memory_space<vmem>>
        %dma_start3A_44 = tpu.memref_squeeze %dma_start3A_43 : memref<1x256xi32, #tpu.memory_space<vmem>> -> memref<256xi32, #tpu.memory_space<vmem>>
        %dma_start3A_45 = arith.constant 0 : i32
        %dma_start3A_46 = arith.constant 0 : i32
        %dma_start3A_47 = tpu.memref_slice %arg7[%dma_start3A_45, %dma_start3A_46] : memref<25088x64xf32, #tpu.memory_space<vmem_shared>> -> memref<25088x64xf32, #tpu.memory_space<vmem_shared>>
        tpu.enqueue_indirect_dma source(%arg11 : memref<256x64xf32, #tpu.memory_space<vmem>>) target(%dma_start3A_47 : memref<25088x64xf32, #tpu.memory_space<vmem_shared>>) offsets(%dma_start3A_44 : memref<256xi32, #tpu.memory_space<vmem>>) semaphore(%run_scoped3A_42 : memref<!tpu.dma_semaphore, #tpu.memory_space<semaphore_mem>>) {add = true}
        %dma_wait3A = arith.constant 0 : i32
        %dma_wait3A_48 = tpu.memref_slice %arg10[%run_scoped3A_39, %dma_wait3A] : memref<8x256xi32, #tpu.memory_space<vmem>> -> memref<1x256xi32, #tpu.memory_space<vmem>>
        %dma_wait3A_49 = tpu.memref_squeeze %dma_wait3A_48 : memref<1x256xi32, #tpu.memory_space<vmem>> -> memref<256xi32, #tpu.memory_space<vmem>>
        %dma_wait3A_50 = arith.constant 0 : i32
        %dma_wait3A_51 = arith.constant 0 : i32
        %dma_wait3A_52 = tpu.memref_slice %arg7[%dma_wait3A_50, %dma_wait3A_51] : memref<25088x64xf32, #tpu.memory_space<vmem_shared>> -> memref<25088x64xf32, #tpu.memory_space<vmem_shared>>
        tpu.wait_indirect_dma semaphore(%run_scoped3A_42 : memref<!tpu.dma_semaphore, #tpu.memory_space<semaphore_mem>>) src(%arg11 : memref<256x64xf32, #tpu.memory_space<vmem>>) dst(%dma_wait3A_52 : memref<25088x64xf32, #tpu.memory_space<vmem_shared>>)
        tpu.yield
      }) : () -> ()
      "tpu.region"() ({
        %run_scoped3A_42 = tpu.sem_alloc : memref<!tpu.dma_semaphore, #tpu.memory_space<semaphore_mem>>
        %dma_start3A = arith.constant 1536 : i32
        %dma_start3A_43 = tpu.memref_slice %arg8[%dma_start3A] : memref<2048xi32, #tpu.memory_space<vmem>> -> memref<256xi32, #tpu.memory_space<vmem>>
        %dma_start3A_44 = arith.constant 0 : i32
        %dma_start3A_45 = arith.constant 0 : i32
        %dma_start3A_46 = tpu.memref_slice %arg4[%dma_start3A_44, %dma_start3A_45] : memref<50176x64xf32, #tpu.memory_space<hbm>> -> memref<50176x64xf32, #tpu.memory_space<hbm>>
        tpu.enqueue_indirect_dma source(%dma_start3A_46 : memref<50176x64xf32, #tpu.memory_space<hbm>>) target(%arg11 : memref<256x64xf32, #tpu.memory_space<vmem>>) offsets(%dma_start3A_43 : memref<256xi32, #tpu.memory_space<vmem>>) semaphore(%run_scoped3A_42 : memref<!tpu.dma_semaphore, #tpu.memory_space<semaphore_mem>>)
        %dma_wait3A = arith.constant 1536 : i32
        %dma_wait3A_47 = tpu.memref_slice %arg8[%dma_wait3A] : memref<2048xi32, #tpu.memory_space<vmem>> -> memref<256xi32, #tpu.memory_space<vmem>>
        %dma_wait3A_48 = arith.constant 0 : i32
        %dma_wait3A_49 = arith.constant 0 : i32
        %dma_wait3A_50 = tpu.memref_slice %arg4[%dma_wait3A_48, %dma_wait3A_49] : memref<50176x64xf32, #tpu.memory_space<hbm>> -> memref<50176x64xf32, #tpu.memory_space<hbm>>
        tpu.wait_indirect_dma semaphore(%run_scoped3A_42 : memref<!tpu.dma_semaphore, #tpu.memory_space<semaphore_mem>>) src(%dma_wait3A_50 : memref<50176x64xf32, #tpu.memory_space<hbm>>) dst(%arg11 : memref<256x64xf32, #tpu.memory_space<vmem>>)
        tpu.yield
      }) : () -> ()
      %run_scoped3A_40 = arith.constant 6 : i32
      "tpu.region"() ({
        %run_scoped3A_42 = tpu.sem_alloc : memref<!tpu.dma_semaphore, #tpu.memory_space<semaphore_mem>>
        %dma_start3A = arith.constant 0 : i32
        %dma_start3A_43 = tpu.memref_slice %arg10[%run_scoped3A_40, %dma_start3A] : memref<8x256xi32, #tpu.memory_space<vmem>> -> memref<1x256xi32, #tpu.memory_space<vmem>>
        %dma_start3A_44 = tpu.memref_squeeze %dma_start3A_43 : memref<1x256xi32, #tpu.memory_space<vmem>> -> memref<256xi32, #tpu.memory_space<vmem>>
        %dma_start3A_45 = arith.constant 0 : i32
        %dma_start3A_46 = arith.constant 0 : i32
        %dma_start3A_47 = tpu.memref_slice %arg7[%dma_start3A_45, %dma_start3A_46] : memref<25088x64xf32, #tpu.memory_space<vmem_shared>> -> memref<25088x64xf32, #tpu.memory_space<vmem_shared>>
        tpu.enqueue_indirect_dma source(%arg11 : memref<256x64xf32, #tpu.memory_space<vmem>>) target(%dma_start3A_47 : memref<25088x64xf32, #tpu.memory_space<vmem_shared>>) offsets(%dma_start3A_44 : memref<256xi32, #tpu.memory_space<vmem>>) semaphore(%run_scoped3A_42 : memref<!tpu.dma_semaphore, #tpu.memory_space<semaphore_mem>>) {add = true}
        %dma_wait3A = arith.constant 0 : i32
        %dma_wait3A_48 = tpu.memref_slice %arg10[%run_scoped3A_40, %dma_wait3A] : memref<8x256xi32, #tpu.memory_space<vmem>> -> memref<1x256xi32, #tpu.memory_space<vmem>>
        %dma_wait3A_49 = tpu.memref_squeeze %dma_wait3A_48 : memref<1x256xi32, #tpu.memory_space<vmem>> -> memref<256xi32, #tpu.memory_space<vmem>>
        %dma_wait3A_50 = arith.constant 0 : i32
        %dma_wait3A_51 = arith.constant 0 : i32
        %dma_wait3A_52 = tpu.memref_slice %arg7[%dma_wait3A_50, %dma_wait3A_51] : memref<25088x64xf32, #tpu.memory_space<vmem_shared>> -> memref<25088x64xf32, #tpu.memory_space<vmem_shared>>
        tpu.wait_indirect_dma semaphore(%run_scoped3A_42 : memref<!tpu.dma_semaphore, #tpu.memory_space<semaphore_mem>>) src(%arg11 : memref<256x64xf32, #tpu.memory_space<vmem>>) dst(%dma_wait3A_52 : memref<25088x64xf32, #tpu.memory_space<vmem_shared>>)
        tpu.yield
      }) : () -> ()
      "tpu.region"() ({
        %run_scoped3A_42 = tpu.sem_alloc : memref<!tpu.dma_semaphore, #tpu.memory_space<semaphore_mem>>
        %dma_start3A = arith.constant 1792 : i32
        %dma_start3A_43 = tpu.memref_slice %arg8[%dma_start3A] : memref<2048xi32, #tpu.memory_space<vmem>> -> memref<256xi32, #tpu.memory_space<vmem>>
        %dma_start3A_44 = arith.constant 0 : i32
        %dma_start3A_45 = arith.constant 0 : i32
        %dma_start3A_46 = tpu.memref_slice %arg4[%dma_start3A_44, %dma_start3A_45] : memref<50176x64xf32, #tpu.memory_space<hbm>> -> memref<50176x64xf32, #tpu.memory_space<hbm>>
        tpu.enqueue_indirect_dma source(%dma_start3A_46 : memref<50176x64xf32, #tpu.memory_space<hbm>>) target(%arg11 : memref<256x64xf32, #tpu.memory_space<vmem>>) offsets(%dma_start3A_43 : memref<256xi32, #tpu.memory_space<vmem>>) semaphore(%run_scoped3A_42 : memref<!tpu.dma_semaphore, #tpu.memory_space<semaphore_mem>>)
        %dma_wait3A = arith.constant 1792 : i32
        %dma_wait3A_47 = tpu.memref_slice %arg8[%dma_wait3A] : memref<2048xi32, #tpu.memory_space<vmem>> -> memref<256xi32, #tpu.memory_space<vmem>>
        %dma_wait3A_48 = arith.constant 0 : i32
        %dma_wait3A_49 = arith.constant 0 : i32
        %dma_wait3A_50 = tpu.memref_slice %arg4[%dma_wait3A_48, %dma_wait3A_49] : memref<50176x64xf32, #tpu.memory_space<hbm>> -> memref<50176x64xf32, #tpu.memory_space<hbm>>
        tpu.wait_indirect_dma semaphore(%run_scoped3A_42 : memref<!tpu.dma_semaphore, #tpu.memory_space<semaphore_mem>>) src(%dma_wait3A_50 : memref<50176x64xf32, #tpu.memory_space<hbm>>) dst(%arg11 : memref<256x64xf32, #tpu.memory_space<vmem>>)
        tpu.yield
      }) : () -> ()
      %run_scoped3A_41 = arith.constant 7 : i32
      "tpu.region"() ({
        %run_scoped3A_42 = tpu.sem_alloc : memref<!tpu.dma_semaphore, #tpu.memory_space<semaphore_mem>>
        %dma_start3A = arith.constant 0 : i32
        %dma_start3A_43 = tpu.memref_slice %arg10[%run_scoped3A_41, %dma_start3A] : memref<8x256xi32, #tpu.memory_space<vmem>> -> memref<1x256xi32, #tpu.memory_space<vmem>>
        %dma_start3A_44 = tpu.memref_squeeze %dma_start3A_43 : memref<1x256xi32, #tpu.memory_space<vmem>> -> memref<256xi32, #tpu.memory_space<vmem>>
        %dma_start3A_45 = arith.constant 0 : i32
        %dma_start3A_46 = arith.constant 0 : i32
        %dma_start3A_47 = tpu.memref_slice %arg7[%dma_start3A_45, %dma_start3A_46] : memref<25088x64xf32, #tpu.memory_space<vmem_shared>> -> memref<25088x64xf32, #tpu.memory_space<vmem_shared>>
        tpu.enqueue_indirect_dma source(%arg11 : memref<256x64xf32, #tpu.memory_space<vmem>>) target(%dma_start3A_47 : memref<25088x64xf32, #tpu.memory_space<vmem_shared>>) offsets(%dma_start3A_44 : memref<256xi32, #tpu.memory_space<vmem>>) semaphore(%run_scoped3A_42 : memref<!tpu.dma_semaphore, #tpu.memory_space<semaphore_mem>>) {add = true}
        %dma_wait3A = arith.constant 0 : i32
        %dma_wait3A_48 = tpu.memref_slice %arg10[%run_scoped3A_41, %dma_wait3A] : memref<8x256xi32, #tpu.memory_space<vmem>> -> memref<1x256xi32, #tpu.memory_space<vmem>>
        %dma_wait3A_49 = tpu.memref_squeeze %dma_wait3A_48 : memref<1x256xi32, #tpu.memory_space<vmem>> -> memref<256xi32, #tpu.memory_space<vmem>>
        %dma_wait3A_50 = arith.constant 0 : i32
        %dma_wait3A_51 = arith.constant 0 : i32
        %dma_wait3A_52 = tpu.memref_slice %arg7[%dma_wait3A_50, %dma_wait3A_51] : memref<25088x64xf32, #tpu.memory_space<vmem_shared>> -> memref<25088x64xf32, #tpu.memory_space<vmem_shared>>
        tpu.wait_indirect_dma semaphore(%run_scoped3A_42 : memref<!tpu.dma_semaphore, #tpu.memory_space<semaphore_mem>>) src(%arg11 : memref<256x64xf32, #tpu.memory_space<vmem>>) dst(%dma_wait3A_52 : memref<25088x64xf32, #tpu.memory_space<vmem_shared>>)
        tpu.yield
      }) : () -> ()
    }
    %scan3A_14 = arith.constant 25 : i32
    %barrier3A_15 = arith.constant 0 : index
    tpu.barrier barrier_id(%barrier3A_15)
    %scan3A_16 = arith.constant 0 : i32
    %scan3A_17 = arith.constant 14 : i32
    %scan3A_18 = arith.addi %scan3A_16, %scan3A_17 : i32
    %scan3A_19 = arith.constant 1 : i32
    scf.for %scan3A_21 = %scan3A_16 to %scan3A_18 step %scan3A_19  : i32 {
      %mul3A_22 = arith.constant 1 : i32
      %mul3A_23 = arith.muli %scan3A_21, %mul3A_22 : i32
      %add3A = arith.constant 0 : i32
      %add3A_24 = arith.addi %add3A, %mul3A_23 : i32
      %mul3A_25 = arith.constant 1568 : i32
      %mul3A_26 = arith.muli %arg1, %mul3A_25 : i32
      %mul3A_27 = arith.constant 112 : i32
      %mul3A_28 = arith.muli %add3A_24, %mul3A_27 : i32
      %add3A_29 = arith.addi %mul3A_26, %mul3A_28 : i32
      "tpu.region"() ({
        %run_scoped3A = tpu.sem_alloc : memref<!tpu.dma_semaphore, #tpu.memory_space<semaphore_mem>>
        %dma_start3A = arith.constant 0 : i32
        %dma_start3A_38 = arith.constant 0 : i32
        %dma_start3A_39 = tpu.memref_slice %arg11[%dma_start3A, %dma_start3A_38] : memref<256x64xf32, #tpu.memory_space<vmem>> -> memref<112x64xf32, #tpu.memory_space<vmem>>
        %dma_start3A_40 = arith.constant 0 : i32
        %dma_start3A_41 = tpu.memref_slice %arg7[%add3A_29, %dma_start3A_40] : memref<25088x64xf32, #tpu.memory_space<vmem_shared>> -> memref<112x64xf32, #tpu.memory_space<vmem_shared>>
        %dma_start3A_42 = arith.constant 0 : i32
        %dma_start3A_43 = arith.constant 0 : i32
        %dma_start3A_44 = tpu.memref_slice %arg11[%dma_start3A_42, %dma_start3A_43] : memref<256x64xf32, #tpu.memory_space<vmem>> -> memref<112x64xf32, #tpu.memory_space<vmem>>
        %dma_start3A_45 = arith.constant 0 : i32
        %dma_start3A_46 = tpu.memref_slice %arg7[%add3A_29, %dma_start3A_45] : memref<25088x64xf32, #tpu.memory_space<vmem_shared>> -> memref<112x64xf32, #tpu.memory_space<vmem_shared>>
        tpu.enqueue_dma source(%dma_start3A_46 : memref<112x64xf32, #tpu.memory_space<vmem_shared>>) target(%dma_start3A_44 : memref<112x64xf32, #tpu.memory_space<vmem>>) target_semaphore(%run_scoped3A : memref<!tpu.dma_semaphore, #tpu.memory_space<semaphore_mem>>)
        %dma_wait3A = arith.constant 0 : i32
        %dma_wait3A_47 = arith.constant 0 : i32
        %dma_wait3A_48 = tpu.memref_slice %arg11[%dma_wait3A, %dma_wait3A_47] : memref<256x64xf32, #tpu.memory_space<vmem>> -> memref<112x64xf32, #tpu.memory_space<vmem>>
        %dma_wait3A_49 = arith.constant 0 : i32
        %dma_wait3A_50 = tpu.memref_slice %arg7[%add3A_29, %dma_wait3A_49] : memref<25088x64xf32, #tpu.memory_space<vmem_shared>> -> memref<112x64xf32, #tpu.memory_space<vmem_shared>>
        %dma_wait3A_51 = arith.constant 0 : i32
        %dma_wait3A_52 = arith.constant 0 : i32
        %dma_wait3A_53 = tpu.memref_slice %arg11[%dma_wait3A_51, %dma_wait3A_52] : memref<256x64xf32, #tpu.memory_space<vmem>> -> memref<112x64xf32, #tpu.memory_space<vmem>>
        %dma_wait3A_54 = arith.constant 0 : i32
        %dma_wait3A_55 = tpu.memref_slice %arg7[%add3A_29, %dma_wait3A_54] : memref<25088x64xf32, #tpu.memory_space<vmem_shared>> -> memref<112x64xf32, #tpu.memory_space<vmem_shared>>
        tpu.wait_dma2 semaphore(%run_scoped3A : memref<!tpu.dma_semaphore, #tpu.memory_space<semaphore_mem>>) src(%dma_wait3A_55 : memref<112x64xf32, #tpu.memory_space<vmem_shared>>) dst(%dma_wait3A_53 : memref<112x64xf32, #tpu.memory_space<vmem>>)
        tpu.yield
      }) : () -> ()
      %mul3A_30 = arith.constant 25088 : i32
      %mul3A_31 = arith.muli %arg0, %mul3A_30 : i32
      %mul3A_32 = arith.constant 1568 : i32
      %mul3A_33 = arith.muli %arg1, %mul3A_32 : i32
      %add3A_34 = arith.addi %mul3A_31, %mul3A_33 : i32
      %mul3A_35 = arith.constant 112 : i32
      %mul3A_36 = arith.muli %add3A_24, %mul3A_35 : i32
      %add3A_37 = arith.addi %add3A_34, %mul3A_36 : i32
      "tpu.region"() ({
        %run_scoped3A = tpu.sem_alloc : memref<!tpu.dma_semaphore, #tpu.memory_space<semaphore_mem>>
        %dma_start3A = arith.constant 0 : i32
        %dma_start3A_38 = arith.constant 0 : i32
        %dma_start3A_39 = tpu.memref_slice %arg11[%dma_start3A, %dma_start3A_38] : memref<256x64xf32, #tpu.memory_space<vmem>> -> memref<112x64xf32, #tpu.memory_space<vmem>>
        %dma_start3A_40 = arith.constant 0 : i32
        %dma_start3A_41 = tpu.memref_slice %arg6[%add3A_37, %dma_start3A_40] : memref<50176x64xf32, #tpu.memory_space<hbm>> -> memref<112x64xf32, #tpu.memory_space<hbm>>
        %dma_start3A_42 = arith.constant 0 : i32
        %dma_start3A_43 = tpu.memref_slice %arg6[%add3A_37, %dma_start3A_42] : memref<50176x64xf32, #tpu.memory_space<hbm>> -> memref<112x64xf32, #tpu.memory_space<hbm>>
        %dma_start3A_44 = arith.constant 0 : i32
        %dma_start3A_45 = arith.constant 0 : i32
        %dma_start3A_46 = tpu.memref_slice %arg11[%dma_start3A_44, %dma_start3A_45] : memref<256x64xf32, #tpu.memory_space<vmem>> -> memref<112x64xf32, #tpu.memory_space<vmem>>
        tpu.enqueue_dma source(%dma_start3A_46 : memref<112x64xf32, #tpu.memory_space<vmem>>) target(%dma_start3A_43 : memref<112x64xf32, #tpu.memory_space<hbm>>) target_semaphore(%run_scoped3A : memref<!tpu.dma_semaphore, #tpu.memory_space<semaphore_mem>>)
        %dma_wait3A = arith.constant 0 : i32
        %dma_wait3A_47 = arith.constant 0 : i32
        %dma_wait3A_48 = tpu.memref_slice %arg11[%dma_wait3A, %dma_wait3A_47] : memref<256x64xf32, #tpu.memory_space<vmem>> -> memref<112x64xf32, #tpu.memory_space<vmem>>
        %dma_wait3A_49 = arith.constant 0 : i32
        %dma_wait3A_50 = tpu.memref_slice %arg6[%add3A_37, %dma_wait3A_49] : memref<50176x64xf32, #tpu.memory_space<hbm>> -> memref<112x64xf32, #tpu.memory_space<hbm>>
        %dma_wait3A_51 = arith.constant 0 : i32
        %dma_wait3A_52 = tpu.memref_slice %arg6[%add3A_37, %dma_wait3A_51] : memref<50176x64xf32, #tpu.memory_space<hbm>> -> memref<112x64xf32, #tpu.memory_space<hbm>>
        %dma_wait3A_53 = arith.constant 0 : i32
        %dma_wait3A_54 = arith.constant 0 : i32
        %dma_wait3A_55 = tpu.memref_slice %arg11[%dma_wait3A_53, %dma_wait3A_54] : memref<256x64xf32, #tpu.memory_space<vmem>> -> memref<112x64xf32, #tpu.memory_space<vmem>>
        tpu.wait_dma2 semaphore(%run_scoped3A : memref<!tpu.dma_semaphore, #tpu.memory_space<semaphore_mem>>) src(%dma_wait3A_55 : memref<112x64xf32, #tpu.memory_space<vmem>>) dst(%dma_wait3A_52 : memref<112x64xf32, #tpu.memory_space<hbm>>)
        tpu.yield
      }) : () -> ()
    }
    %scan3A_20 = arith.constant 14 : i32
    return
  }
}

#map = affine_map<(d0, d1) -> (0)>
#map1 = affine_map<(d0, d1) -> (0, 0)>
module attributes {stable_mosaic.version = 14 : i64} {
  func.func @_sc_agg(%arg0: i32, %arg1: i32, %arg2: memref<819200xi32, #tpu.memory_space<hbm>>, %arg3: memref<819200xi32, #tpu.memory_space<hbm>>, %arg4: memref<50176x64xf32, #tpu.memory_space<hbm>>, %arg5: memref<112x64xf32, #tpu.memory_space<hbm>>, %arg6: memref<50176x64xf32, #tpu.memory_space<hbm>>, %arg7: memref<25088x64xf32, #tpu.memory_space<vmem_shared>>, %arg8: memref<2048xi32, #tpu.memory_space<vmem>>, %arg9: memref<2048xi32, #tpu.memory_space<vmem>>, %arg10: memref<8x256xi32, #tpu.memory_space<vmem>>, %arg11: memref<256x64xf32, #tpu.memory_space<vmem>>, %arg12: memref<!tpu.dma_semaphore, #tpu.memory_space<semaphore_mem>>) attributes {dimension_semantics = [#tpu.dimension_semantics<core_parallel>, #tpu.dimension_semantics<subcore_parallel>], iteration_bounds = array<i64: 2, 16>, scalar_prefetch = 0 : i64, scratch_operands = 6 : i64, tpu.core_type = #tpu.core_type<sc_vector_subcore>, window_params = [{transform_indices = #map}, {transform_indices = #map}, {transform_indices = #map1}, {transform_indices = #map1}, {transform_indices = #map1}]} {
    %mul3A = arith.constant 25000 : i32
    %mul3A_0 = arith.muli %arg0, %mul3A : i32
    "tpu.region"() ({
      %run_scoped3A = tpu.sem_alloc : memref<!tpu.dma_semaphore, #tpu.memory_space<semaphore_mem>>
      %dma_start3A = arith.constant 0 : i32
      %dma_start3A_21 = arith.constant 0 : i32
      %dma_start3A_22 = tpu.memref_slice %arg11[%dma_start3A, %dma_start3A_21] : memref<256x64xf32, #tpu.memory_space<vmem>> -> memref<112x64xf32, #tpu.memory_space<vmem>>
      %dma_start3A_23 = arith.constant 0 : i32
      %dma_start3A_24 = arith.constant 0 : i32
      %dma_start3A_25 = tpu.memref_slice %arg11[%dma_start3A_23, %dma_start3A_24] : memref<256x64xf32, #tpu.memory_space<vmem>> -> memref<112x64xf32, #tpu.memory_space<vmem>>
      tpu.enqueue_dma source(%arg5 : memref<112x64xf32, #tpu.memory_space<hbm>>) target(%dma_start3A_25 : memref<112x64xf32, #tpu.memory_space<vmem>>) target_semaphore(%run_scoped3A : memref<!tpu.dma_semaphore, #tpu.memory_space<semaphore_mem>>)
      %dma_wait3A = arith.constant 0 : i32
      %dma_wait3A_26 = arith.constant 0 : i32
      %dma_wait3A_27 = tpu.memref_slice %arg11[%dma_wait3A, %dma_wait3A_26] : memref<256x64xf32, #tpu.memory_space<vmem>> -> memref<112x64xf32, #tpu.memory_space<vmem>>
      %dma_wait3A_28 = arith.constant 0 : i32
      %dma_wait3A_29 = arith.constant 0 : i32
      %dma_wait3A_30 = tpu.memref_slice %arg11[%dma_wait3A_28, %dma_wait3A_29] : memref<256x64xf32, #tpu.memory_space<vmem>> -> memref<112x64xf32, #tpu.memory_space<vmem>>
      tpu.wait_dma2 semaphore(%run_scoped3A : memref<!tpu.dma_semaphore, #tpu.memory_space<semaphore_mem>>) src(%arg5 : memref<112x64xf32, #tpu.memory_space<hbm>>) dst(%dma_wait3A_30 : memref<112x64xf32, #tpu.memory_space<vmem>>)
      tpu.yield
    }) : () -> ()
    %scan3A = arith.constant 0 : i32
    %scan3A_1 = arith.constant 14 : i32
    %scan3A_2 = arith.addi %scan3A, %scan3A_1 : i32
    %scan3A_3 = arith.constant 1 : i32
    scf.for %scan3A_21 = %scan3A to %scan3A_2 step %scan3A_3  : i32 {
      %mul3A_22 = arith.constant 1 : i32
      %mul3A_23 = arith.muli %scan3A_21, %mul3A_22 : i32
      %add3A = arith.constant 0 : i32
      %add3A_24 = arith.addi %add3A, %mul3A_23 : i32
      %mul3A_25 = arith.constant 1568 : i32
      %mul3A_26 = arith.muli %arg1, %mul3A_25 : i32
      %mul3A_27 = arith.constant 112 : i32
      %mul3A_28 = arith.muli %add3A_24, %mul3A_27 : i32
      %add3A_29 = arith.addi %mul3A_26, %mul3A_28 : i32
      %dma_start3A = arith.constant 0 : i32
      %dma_start3A_30 = arith.constant 0 : i32
      %dma_start3A_31 = tpu.memref_slice %arg11[%dma_start3A, %dma_start3A_30] : memref<256x64xf32, #tpu.memory_space<vmem>> -> memref<112x64xf32, #tpu.memory_space<vmem>>
      %dma_start3A_32 = arith.constant 0 : i32
      %dma_start3A_33 = tpu.memref_slice %arg7[%add3A_29, %dma_start3A_32] : memref<25088x64xf32, #tpu.memory_space<vmem_shared>> -> memref<112x64xf32, #tpu.memory_space<vmem_shared>>
      %dma_start3A_34 = arith.constant 0 : i32
      %dma_start3A_35 = tpu.memref_slice %arg7[%add3A_29, %dma_start3A_34] : memref<25088x64xf32, #tpu.memory_space<vmem_shared>> -> memref<112x64xf32, #tpu.memory_space<vmem_shared>>
      %dma_start3A_36 = arith.constant 0 : i32
      %dma_start3A_37 = arith.constant 0 : i32
      %dma_start3A_38 = tpu.memref_slice %arg11[%dma_start3A_36, %dma_start3A_37] : memref<256x64xf32, #tpu.memory_space<vmem>> -> memref<112x64xf32, #tpu.memory_space<vmem>>
      tpu.enqueue_dma source(%dma_start3A_38 : memref<112x64xf32, #tpu.memory_space<vmem>>) target(%dma_start3A_35 : memref<112x64xf32, #tpu.memory_space<vmem_shared>>) target_semaphore(%arg12 : memref<!tpu.dma_semaphore, #tpu.memory_space<semaphore_mem>>)
    }
    %scan3A_4 = arith.constant 14 : i32
    %scan3A_5 = arith.constant 0 : i32
    %scan3A_6 = arith.constant 14 : i32
    %scan3A_7 = arith.addi %scan3A_5, %scan3A_6 : i32
    %scan3A_8 = arith.constant 1 : i32
    scf.for %scan3A_21 = %scan3A_5 to %scan3A_7 step %scan3A_8  : i32 {
      %mul3A_22 = arith.constant 1 : i32
      %mul3A_23 = arith.muli %scan3A_21, %mul3A_22 : i32
      %add3A = arith.constant 0 : i32
      %add3A_24 = arith.addi %add3A, %mul3A_23 : i32
      %mul3A_25 = arith.constant 1568 : i32
      %mul3A_26 = arith.muli %arg1, %mul3A_25 : i32
      %mul3A_27 = arith.constant 112 : i32
      %mul3A_28 = arith.muli %add3A_24, %mul3A_27 : i32
      %add3A_29 = arith.addi %mul3A_26, %mul3A_28 : i32
      %dma_wait3A = arith.constant 0 : i32
      %dma_wait3A_30 = arith.constant 0 : i32
      %dma_wait3A_31 = tpu.memref_slice %arg11[%dma_wait3A, %dma_wait3A_30] : memref<256x64xf32, #tpu.memory_space<vmem>> -> memref<112x64xf32, #tpu.memory_space<vmem>>
      %dma_wait3A_32 = arith.constant 0 : i32
      %dma_wait3A_33 = tpu.memref_slice %arg7[%add3A_29, %dma_wait3A_32] : memref<25088x64xf32, #tpu.memory_space<vmem_shared>> -> memref<112x64xf32, #tpu.memory_space<vmem_shared>>
      %dma_wait3A_34 = arith.constant 0 : i32
      %dma_wait3A_35 = tpu.memref_slice %arg7[%add3A_29, %dma_wait3A_34] : memref<25088x64xf32, #tpu.memory_space<vmem_shared>> -> memref<112x64xf32, #tpu.memory_space<vmem_shared>>
      %dma_wait3A_36 = arith.constant 0 : i32
      %dma_wait3A_37 = arith.constant 0 : i32
      %dma_wait3A_38 = tpu.memref_slice %arg11[%dma_wait3A_36, %dma_wait3A_37] : memref<256x64xf32, #tpu.memory_space<vmem>> -> memref<112x64xf32, #tpu.memory_space<vmem>>
      tpu.wait_dma2 semaphore(%arg12 : memref<!tpu.dma_semaphore, #tpu.memory_space<semaphore_mem>>) src(%dma_wait3A_38 : memref<112x64xf32, #tpu.memory_space<vmem>>) dst(%dma_wait3A_35 : memref<112x64xf32, #tpu.memory_space<vmem_shared>>)
    }
    %scan3A_9 = arith.constant 14 : i32
    %barrier3A = arith.constant 0 : index
    tpu.barrier barrier_id(%barrier3A)
    %scan3A_10 = arith.constant 0 : i32
    %scan3A_11 = arith.constant 25 : i32
    %scan3A_12 = arith.addi %scan3A_10, %scan3A_11 : i32
    %scan3A_13 = arith.constant 1 : i32
    scf.for %scan3A_21 = %scan3A_10 to %scan3A_12 step %scan3A_13  : i32 {
      %mul3A_22 = arith.constant 1 : i32
      %mul3A_23 = arith.muli %scan3A_21, %mul3A_22 : i32
      %add3A = arith.constant 0 : i32
      %add3A_24 = arith.addi %add3A, %mul3A_23 : i32
      %mul3A_25 = arith.constant 51200 : i32
      %mul3A_26 = arith.muli %arg1, %mul3A_25 : i32
      %mul3A_27 = arith.constant 2048 : i32
      %mul3A_28 = arith.muli %add3A_24, %mul3A_27 : i32
      %add3A_29 = arith.addi %mul3A_26, %mul3A_28 : i32
      "tpu.region"() ({
        %run_scoped3A_42 = tpu.sem_alloc : memref<!tpu.dma_semaphore, #tpu.memory_space<semaphore_mem>>
        %dma_start3A = tpu.memref_slice %arg2[%add3A_29] : memref<819200xi32, #tpu.memory_space<hbm>> -> memref<2048xi32, #tpu.memory_space<hbm>>
        %dma_start3A_43 = tpu.memref_slice %arg2[%add3A_29] : memref<819200xi32, #tpu.memory_space<hbm>> -> memref<2048xi32, #tpu.memory_space<hbm>>
        tpu.enqueue_dma source(%dma_start3A_43 : memref<2048xi32, #tpu.memory_space<hbm>>) target(%arg8 : memref<2048xi32, #tpu.memory_space<vmem>>) target_semaphore(%run_scoped3A_42 : memref<!tpu.dma_semaphore, #tpu.memory_space<semaphore_mem>>)
        %dma_wait3A = tpu.memref_slice %arg2[%add3A_29] : memref<819200xi32, #tpu.memory_space<hbm>> -> memref<2048xi32, #tpu.memory_space<hbm>>
        %dma_wait3A_44 = tpu.memref_slice %arg2[%add3A_29] : memref<819200xi32, #tpu.memory_space<hbm>> -> memref<2048xi32, #tpu.memory_space<hbm>>
        tpu.wait_dma2 semaphore(%run_scoped3A_42 : memref<!tpu.dma_semaphore, #tpu.memory_space<semaphore_mem>>) src(%dma_wait3A_44 : memref<2048xi32, #tpu.memory_space<hbm>>) dst(%arg8 : memref<2048xi32, #tpu.memory_space<vmem>>)
        tpu.yield
      }) : () -> ()
      "tpu.region"() ({
        %run_scoped3A_42 = tpu.sem_alloc : memref<!tpu.dma_semaphore, #tpu.memory_space<semaphore_mem>>
        %dma_start3A = tpu.memref_slice %arg3[%add3A_29] : memref<819200xi32, #tpu.memory_space<hbm>> -> memref<2048xi32, #tpu.memory_space<hbm>>
        %dma_start3A_43 = tpu.memref_slice %arg3[%add3A_29] : memref<819200xi32, #tpu.memory_space<hbm>> -> memref<2048xi32, #tpu.memory_space<hbm>>
        tpu.enqueue_dma source(%dma_start3A_43 : memref<2048xi32, #tpu.memory_space<hbm>>) target(%arg9 : memref<2048xi32, #tpu.memory_space<vmem>>) target_semaphore(%run_scoped3A_42 : memref<!tpu.dma_semaphore, #tpu.memory_space<semaphore_mem>>)
        %dma_wait3A = tpu.memref_slice %arg3[%add3A_29] : memref<819200xi32, #tpu.memory_space<hbm>> -> memref<2048xi32, #tpu.memory_space<hbm>>
        %dma_wait3A_44 = tpu.memref_slice %arg3[%add3A_29] : memref<819200xi32, #tpu.memory_space<hbm>> -> memref<2048xi32, #tpu.memory_space<hbm>>
        tpu.wait_dma2 semaphore(%run_scoped3A_42 : memref<!tpu.dma_semaphore, #tpu.memory_space<semaphore_mem>>) src(%dma_wait3A_44 : memref<2048xi32, #tpu.memory_space<hbm>>) dst(%arg9 : memref<2048xi32, #tpu.memory_space<vmem>>)
        tpu.yield
      }) : () -> ()
      %scan3A_30 = arith.constant 0 : i32
      %scan3A_31 = arith.constant 8 : i32
      %scan3A_32 = arith.addi %scan3A_30, %scan3A_31 : i32
      %scan3A_33 = arith.constant 1 : i32
      scf.for %scan3A_42 = %scan3A_30 to %scan3A_32 step %scan3A_33  : i32 {
        %mul3A_43 = arith.constant 1 : i32
        %mul3A_44 = arith.muli %scan3A_42, %mul3A_43 : i32
        %add3A_45 = arith.constant 0 : i32
        %add3A_46 = arith.addi %add3A_45, %mul3A_44 : i32
        %scan3A_47 = arith.constant 0 : i32
        %scan3A_48 = arith.constant 16 : i32
        %scan3A_49 = arith.addi %scan3A_47, %scan3A_48 : i32
        %scan3A_50 = arith.constant 1 : i32
        scf.for %scan3A_52 = %scan3A_47 to %scan3A_49 step %scan3A_50  : i32 {
          %mul3A_53 = arith.constant 1 : i32
          %mul3A_54 = arith.muli %scan3A_52, %mul3A_53 : i32
          %add3A_55 = arith.constant 0 : i32
          %add3A_56 = arith.addi %add3A_55, %mul3A_54 : i32
          %mul3A_57 = arith.constant 256 : i32
          %mul3A_58 = arith.muli %add3A_46, %mul3A_57 : i32
          %mul3A_59 = arith.constant 16 : i32
          %mul3A_60 = arith.muli %add3A_56, %mul3A_59 : i32
          %add3A_61 = arith.addi %mul3A_58, %mul3A_60 : i32
          %get3A = arith.index_cast %add3A_61 : i32 to index
          %get3A_62 = tpu.vector_load %arg9[%get3A] {strides = array<i32>} : memref<2048xi32, #tpu.memory_space<vmem>>, vector<16xi32>,
          %get3A_63 = vector.shape_cast %get3A_62 : vector<16xi32> to vector<16xi32>
          %sub3A = vector.broadcast %mul3A_0 : i32 to vector<16xi32>
          %sub3A_64 = arith.subi %get3A_63, %sub3A : vector<16xi32>
          %ge3A = arith.constant 0 : i32
          %ge3A_65 = vector.broadcast %ge3A : i32 to vector<16xi32>
          %ge3A_66 = arith.cmpi sge, %sub3A_64, %ge3A_65 : vector<16xi32>
          %lt3A = arith.constant 25000 : i32
          %lt3A_67 = vector.broadcast %lt3A : i32 to vector<16xi32>
          %lt3A_68 = arith.cmpi slt, %sub3A_64, %lt3A_67 : vector<16xi32>
          %and3A = arith.andi %ge3A_66, %lt3A_68 : vector<16xi1>
          %jit3A = arith.constant 25080 : i32
          %broadcast_in_dim3A = vector.broadcast %jit3A : i32 to vector<16xi32>
          %select_n3A = arith.select %and3A, %sub3A_64, %broadcast_in_dim3A : vector<16xi1>, vector<16xi32>
          %reshape3A = vector.shape_cast %select_n3A : vector<16xi32> to vector<1x16xi32>
          %mul3A_69 = arith.constant 16 : i32
          %mul3A_70 = arith.muli %add3A_56, %mul3A_69 : i32
          %swap3A = arith.index_cast %add3A_46 : i32 to index
          %swap3A_71 = arith.index_cast %mul3A_70 : i32 to index
          %swap3A_72 = tpu.vector_load %arg10[%swap3A, %swap3A_71] {strides = array<i32>} : memref<8x256xi32, #tpu.memory_space<vmem>>, vector<1x16xi32>,
          %swap3A_73 = vector.shape_cast %swap3A_72 : vector<1x16xi32> to vector<1x16xi32>
          %swap3A_74 = vector.shape_cast %reshape3A : vector<1x16xi32> to vector<1x16xi32>
          tpu.vector_store %arg10[%swap3A, %swap3A_71], %swap3A_74 {strides = array<i32>} : memref<8x256xi32, #tpu.memory_space<vmem>>, vector<1x16xi32>,
        }
        %scan3A_51 = arith.constant 16 : i32
      }
      %scan3A_34 = arith.constant 8 : i32
      "tpu.region"() ({
        %run_scoped3A_42 = tpu.sem_alloc : memref<!tpu.dma_semaphore, #tpu.memory_space<semaphore_mem>>
        %dma_start3A = arith.constant 0 : i32
        %dma_start3A_43 = tpu.memref_slice %arg8[%dma_start3A] : memref<2048xi32, #tpu.memory_space<vmem>> -> memref<256xi32, #tpu.memory_space<vmem>>
        %dma_start3A_44 = arith.constant 0 : i32
        %dma_start3A_45 = arith.constant 0 : i32
        %dma_start3A_46 = tpu.memref_slice %arg4[%dma_start3A_44, %dma_start3A_45] : memref<50176x64xf32, #tpu.memory_space<hbm>> -> memref<50176x64xf32, #tpu.memory_space<hbm>>
        tpu.enqueue_indirect_dma source(%dma_start3A_46 : memref<50176x64xf32, #tpu.memory_space<hbm>>) target(%arg11 : memref<256x64xf32, #tpu.memory_space<vmem>>) offsets(%dma_start3A_43 : memref<256xi32, #tpu.memory_space<vmem>>) semaphore(%run_scoped3A_42 : memref<!tpu.dma_semaphore, #tpu.memory_space<semaphore_mem>>)
        %dma_wait3A = arith.constant 0 : i32
        %dma_wait3A_47 = tpu.memref_slice %arg8[%dma_wait3A] : memref<2048xi32, #tpu.memory_space<vmem>> -> memref<256xi32, #tpu.memory_space<vmem>>
        %dma_wait3A_48 = arith.constant 0 : i32
        %dma_wait3A_49 = arith.constant 0 : i32
        %dma_wait3A_50 = tpu.memref_slice %arg4[%dma_wait3A_48, %dma_wait3A_49] : memref<50176x64xf32, #tpu.memory_space<hbm>> -> memref<50176x64xf32, #tpu.memory_space<hbm>>
        tpu.wait_indirect_dma semaphore(%run_scoped3A_42 : memref<!tpu.dma_semaphore, #tpu.memory_space<semaphore_mem>>) src(%dma_wait3A_50 : memref<50176x64xf32, #tpu.memory_space<hbm>>) dst(%arg11 : memref<256x64xf32, #tpu.memory_space<vmem>>)
        tpu.yield
      }) : () -> ()
      %run_scoped3A = arith.constant 0 : i32
      "tpu.region"() ({
        %run_scoped3A_42 = tpu.sem_alloc : memref<!tpu.dma_semaphore, #tpu.memory_space<semaphore_mem>>
        %dma_start3A = arith.constant 0 : i32
        %dma_start3A_43 = tpu.memref_slice %arg10[%run_scoped3A, %dma_start3A] : memref<8x256xi32, #tpu.memory_space<vmem>> -> memref<1x256xi32, #tpu.memory_space<vmem>>
        %dma_start3A_44 = tpu.memref_squeeze %dma_start3A_43 : memref<1x256xi32, #tpu.memory_space<vmem>> -> memref<256xi32, #tpu.memory_space<vmem>>
        %dma_start3A_45 = arith.constant 0 : i32
        %dma_start3A_46 = arith.constant 0 : i32
        %dma_start3A_47 = tpu.memref_slice %arg7[%dma_start3A_45, %dma_start3A_46] : memref<25088x64xf32, #tpu.memory_space<vmem_shared>> -> memref<25088x64xf32, #tpu.memory_space<vmem_shared>>
        tpu.enqueue_indirect_dma source(%arg11 : memref<256x64xf32, #tpu.memory_space<vmem>>) target(%dma_start3A_47 : memref<25088x64xf32, #tpu.memory_space<vmem_shared>>) offsets(%dma_start3A_44 : memref<256xi32, #tpu.memory_space<vmem>>) semaphore(%run_scoped3A_42 : memref<!tpu.dma_semaphore, #tpu.memory_space<semaphore_mem>>) {add = true}
        %dma_wait3A = arith.constant 0 : i32
        %dma_wait3A_48 = tpu.memref_slice %arg10[%run_scoped3A, %dma_wait3A] : memref<8x256xi32, #tpu.memory_space<vmem>> -> memref<1x256xi32, #tpu.memory_space<vmem>>
        %dma_wait3A_49 = tpu.memref_squeeze %dma_wait3A_48 : memref<1x256xi32, #tpu.memory_space<vmem>> -> memref<256xi32, #tpu.memory_space<vmem>>
        %dma_wait3A_50 = arith.constant 0 : i32
        %dma_wait3A_51 = arith.constant 0 : i32
        %dma_wait3A_52 = tpu.memref_slice %arg7[%dma_wait3A_50, %dma_wait3A_51] : memref<25088x64xf32, #tpu.memory_space<vmem_shared>> -> memref<25088x64xf32, #tpu.memory_space<vmem_shared>>
        tpu.wait_indirect_dma semaphore(%run_scoped3A_42 : memref<!tpu.dma_semaphore, #tpu.memory_space<semaphore_mem>>) src(%arg11 : memref<256x64xf32, #tpu.memory_space<vmem>>) dst(%dma_wait3A_52 : memref<25088x64xf32, #tpu.memory_space<vmem_shared>>)
        tpu.yield
      }) : () -> ()
      "tpu.region"() ({
        %run_scoped3A_42 = tpu.sem_alloc : memref<!tpu.dma_semaphore, #tpu.memory_space<semaphore_mem>>
        %dma_start3A = arith.constant 256 : i32
        %dma_start3A_43 = tpu.memref_slice %arg8[%dma_start3A] : memref<2048xi32, #tpu.memory_space<vmem>> -> memref<256xi32, #tpu.memory_space<vmem>>
        %dma_start3A_44 = arith.constant 0 : i32
        %dma_start3A_45 = arith.constant 0 : i32
        %dma_start3A_46 = tpu.memref_slice %arg4[%dma_start3A_44, %dma_start3A_45] : memref<50176x64xf32, #tpu.memory_space<hbm>> -> memref<50176x64xf32, #tpu.memory_space<hbm>>
        tpu.enqueue_indirect_dma source(%dma_start3A_46 : memref<50176x64xf32, #tpu.memory_space<hbm>>) target(%arg11 : memref<256x64xf32, #tpu.memory_space<vmem>>) offsets(%dma_start3A_43 : memref<256xi32, #tpu.memory_space<vmem>>) semaphore(%run_scoped3A_42 : memref<!tpu.dma_semaphore, #tpu.memory_space<semaphore_mem>>)
        %dma_wait3A = arith.constant 256 : i32
        %dma_wait3A_47 = tpu.memref_slice %arg8[%dma_wait3A] : memref<2048xi32, #tpu.memory_space<vmem>> -> memref<256xi32, #tpu.memory_space<vmem>>
        %dma_wait3A_48 = arith.constant 0 : i32
        %dma_wait3A_49 = arith.constant 0 : i32
        %dma_wait3A_50 = tpu.memref_slice %arg4[%dma_wait3A_48, %dma_wait3A_49] : memref<50176x64xf32, #tpu.memory_space<hbm>> -> memref<50176x64xf32, #tpu.memory_space<hbm>>
        tpu.wait_indirect_dma semaphore(%run_scoped3A_42 : memref<!tpu.dma_semaphore, #tpu.memory_space<semaphore_mem>>) src(%dma_wait3A_50 : memref<50176x64xf32, #tpu.memory_space<hbm>>) dst(%arg11 : memref<256x64xf32, #tpu.memory_space<vmem>>)
        tpu.yield
      }) : () -> ()
      %run_scoped3A_35 = arith.constant 1 : i32
      "tpu.region"() ({
        %run_scoped3A_42 = tpu.sem_alloc : memref<!tpu.dma_semaphore, #tpu.memory_space<semaphore_mem>>
        %dma_start3A = arith.constant 0 : i32
        %dma_start3A_43 = tpu.memref_slice %arg10[%run_scoped3A_35, %dma_start3A] : memref<8x256xi32, #tpu.memory_space<vmem>> -> memref<1x256xi32, #tpu.memory_space<vmem>>
        %dma_start3A_44 = tpu.memref_squeeze %dma_start3A_43 : memref<1x256xi32, #tpu.memory_space<vmem>> -> memref<256xi32, #tpu.memory_space<vmem>>
        %dma_start3A_45 = arith.constant 0 : i32
        %dma_start3A_46 = arith.constant 0 : i32
        %dma_start3A_47 = tpu.memref_slice %arg7[%dma_start3A_45, %dma_start3A_46] : memref<25088x64xf32, #tpu.memory_space<vmem_shared>> -> memref<25088x64xf32, #tpu.memory_space<vmem_shared>>
        tpu.enqueue_indirect_dma source(%arg11 : memref<256x64xf32, #tpu.memory_space<vmem>>) target(%dma_start3A_47 : memref<25088x64xf32, #tpu.memory_space<vmem_shared>>) offsets(%dma_start3A_44 : memref<256xi32, #tpu.memory_space<vmem>>) semaphore(%run_scoped3A_42 : memref<!tpu.dma_semaphore, #tpu.memory_space<semaphore_mem>>) {add = true}
        %dma_wait3A = arith.constant 0 : i32
        %dma_wait3A_48 = tpu.memref_slice %arg10[%run_scoped3A_35, %dma_wait3A] : memref<8x256xi32, #tpu.memory_space<vmem>> -> memref<1x256xi32, #tpu.memory_space<vmem>>
        %dma_wait3A_49 = tpu.memref_squeeze %dma_wait3A_48 : memref<1x256xi32, #tpu.memory_space<vmem>> -> memref<256xi32, #tpu.memory_space<vmem>>
        %dma_wait3A_50 = arith.constant 0 : i32
        %dma_wait3A_51 = arith.constant 0 : i32
        %dma_wait3A_52 = tpu.memref_slice %arg7[%dma_wait3A_50, %dma_wait3A_51] : memref<25088x64xf32, #tpu.memory_space<vmem_shared>> -> memref<25088x64xf32, #tpu.memory_space<vmem_shared>>
        tpu.wait_indirect_dma semaphore(%run_scoped3A_42 : memref<!tpu.dma_semaphore, #tpu.memory_space<semaphore_mem>>) src(%arg11 : memref<256x64xf32, #tpu.memory_space<vmem>>) dst(%dma_wait3A_52 : memref<25088x64xf32, #tpu.memory_space<vmem_shared>>)
        tpu.yield
      }) : () -> ()
      "tpu.region"() ({
        %run_scoped3A_42 = tpu.sem_alloc : memref<!tpu.dma_semaphore, #tpu.memory_space<semaphore_mem>>
        %dma_start3A = arith.constant 512 : i32
        %dma_start3A_43 = tpu.memref_slice %arg8[%dma_start3A] : memref<2048xi32, #tpu.memory_space<vmem>> -> memref<256xi32, #tpu.memory_space<vmem>>
        %dma_start3A_44 = arith.constant 0 : i32
        %dma_start3A_45 = arith.constant 0 : i32
        %dma_start3A_46 = tpu.memref_slice %arg4[%dma_start3A_44, %dma_start3A_45] : memref<50176x64xf32, #tpu.memory_space<hbm>> -> memref<50176x64xf32, #tpu.memory_space<hbm>>
        tpu.enqueue_indirect_dma source(%dma_start3A_46 : memref<50176x64xf32, #tpu.memory_space<hbm>>) target(%arg11 : memref<256x64xf32, #tpu.memory_space<vmem>>) offsets(%dma_start3A_43 : memref<256xi32, #tpu.memory_space<vmem>>) semaphore(%run_scoped3A_42 : memref<!tpu.dma_semaphore, #tpu.memory_space<semaphore_mem>>)
        %dma_wait3A = arith.constant 512 : i32
        %dma_wait3A_47 = tpu.memref_slice %arg8[%dma_wait3A] : memref<2048xi32, #tpu.memory_space<vmem>> -> memref<256xi32, #tpu.memory_space<vmem>>
        %dma_wait3A_48 = arith.constant 0 : i32
        %dma_wait3A_49 = arith.constant 0 : i32
        %dma_wait3A_50 = tpu.memref_slice %arg4[%dma_wait3A_48, %dma_wait3A_49] : memref<50176x64xf32, #tpu.memory_space<hbm>> -> memref<50176x64xf32, #tpu.memory_space<hbm>>
        tpu.wait_indirect_dma semaphore(%run_scoped3A_42 : memref<!tpu.dma_semaphore, #tpu.memory_space<semaphore_mem>>) src(%dma_wait3A_50 : memref<50176x64xf32, #tpu.memory_space<hbm>>) dst(%arg11 : memref<256x64xf32, #tpu.memory_space<vmem>>)
        tpu.yield
      }) : () -> ()
      %run_scoped3A_36 = arith.constant 2 : i32
      "tpu.region"() ({
        %run_scoped3A_42 = tpu.sem_alloc : memref<!tpu.dma_semaphore, #tpu.memory_space<semaphore_mem>>
        %dma_start3A = arith.constant 0 : i32
        %dma_start3A_43 = tpu.memref_slice %arg10[%run_scoped3A_36, %dma_start3A] : memref<8x256xi32, #tpu.memory_space<vmem>> -> memref<1x256xi32, #tpu.memory_space<vmem>>
        %dma_start3A_44 = tpu.memref_squeeze %dma_start3A_43 : memref<1x256xi32, #tpu.memory_space<vmem>> -> memref<256xi32, #tpu.memory_space<vmem>>
        %dma_start3A_45 = arith.constant 0 : i32
        %dma_start3A_46 = arith.constant 0 : i32
        %dma_start3A_47 = tpu.memref_slice %arg7[%dma_start3A_45, %dma_start3A_46] : memref<25088x64xf32, #tpu.memory_space<vmem_shared>> -> memref<25088x64xf32, #tpu.memory_space<vmem_shared>>
        tpu.enqueue_indirect_dma source(%arg11 : memref<256x64xf32, #tpu.memory_space<vmem>>) target(%dma_start3A_47 : memref<25088x64xf32, #tpu.memory_space<vmem_shared>>) offsets(%dma_start3A_44 : memref<256xi32, #tpu.memory_space<vmem>>) semaphore(%run_scoped3A_42 : memref<!tpu.dma_semaphore, #tpu.memory_space<semaphore_mem>>) {add = true}
        %dma_wait3A = arith.constant 0 : i32
        %dma_wait3A_48 = tpu.memref_slice %arg10[%run_scoped3A_36, %dma_wait3A] : memref<8x256xi32, #tpu.memory_space<vmem>> -> memref<1x256xi32, #tpu.memory_space<vmem>>
        %dma_wait3A_49 = tpu.memref_squeeze %dma_wait3A_48 : memref<1x256xi32, #tpu.memory_space<vmem>> -> memref<256xi32, #tpu.memory_space<vmem>>
        %dma_wait3A_50 = arith.constant 0 : i32
        %dma_wait3A_51 = arith.constant 0 : i32
        %dma_wait3A_52 = tpu.memref_slice %arg7[%dma_wait3A_50, %dma_wait3A_51] : memref<25088x64xf32, #tpu.memory_space<vmem_shared>> -> memref<25088x64xf32, #tpu.memory_space<vmem_shared>>
        tpu.wait_indirect_dma semaphore(%run_scoped3A_42 : memref<!tpu.dma_semaphore, #tpu.memory_space<semaphore_mem>>) src(%arg11 : memref<256x64xf32, #tpu.memory_space<vmem>>) dst(%dma_wait3A_52 : memref<25088x64xf32, #tpu.memory_space<vmem_shared>>)
        tpu.yield
      }) : () -> ()
      "tpu.region"() ({
        %run_scoped3A_42 = tpu.sem_alloc : memref<!tpu.dma_semaphore, #tpu.memory_space<semaphore_mem>>
        %dma_start3A = arith.constant 768 : i32
        %dma_start3A_43 = tpu.memref_slice %arg8[%dma_start3A] : memref<2048xi32, #tpu.memory_space<vmem>> -> memref<256xi32, #tpu.memory_space<vmem>>
        %dma_start3A_44 = arith.constant 0 : i32
        %dma_start3A_45 = arith.constant 0 : i32
        %dma_start3A_46 = tpu.memref_slice %arg4[%dma_start3A_44, %dma_start3A_45] : memref<50176x64xf32, #tpu.memory_space<hbm>> -> memref<50176x64xf32, #tpu.memory_space<hbm>>
        tpu.enqueue_indirect_dma source(%dma_start3A_46 : memref<50176x64xf32, #tpu.memory_space<hbm>>) target(%arg11 : memref<256x64xf32, #tpu.memory_space<vmem>>) offsets(%dma_start3A_43 : memref<256xi32, #tpu.memory_space<vmem>>) semaphore(%run_scoped3A_42 : memref<!tpu.dma_semaphore, #tpu.memory_space<semaphore_mem>>)
        %dma_wait3A = arith.constant 768 : i32
        %dma_wait3A_47 = tpu.memref_slice %arg8[%dma_wait3A] : memref<2048xi32, #tpu.memory_space<vmem>> -> memref<256xi32, #tpu.memory_space<vmem>>
        %dma_wait3A_48 = arith.constant 0 : i32
        %dma_wait3A_49 = arith.constant 0 : i32
        %dma_wait3A_50 = tpu.memref_slice %arg4[%dma_wait3A_48, %dma_wait3A_49] : memref<50176x64xf32, #tpu.memory_space<hbm>> -> memref<50176x64xf32, #tpu.memory_space<hbm>>
        tpu.wait_indirect_dma semaphore(%run_scoped3A_42 : memref<!tpu.dma_semaphore, #tpu.memory_space<semaphore_mem>>) src(%dma_wait3A_50 : memref<50176x64xf32, #tpu.memory_space<hbm>>) dst(%arg11 : memref<256x64xf32, #tpu.memory_space<vmem>>)
        tpu.yield
      }) : () -> ()
      %run_scoped3A_37 = arith.constant 3 : i32
      "tpu.region"() ({
        %run_scoped3A_42 = tpu.sem_alloc : memref<!tpu.dma_semaphore, #tpu.memory_space<semaphore_mem>>
        %dma_start3A = arith.constant 0 : i32
        %dma_start3A_43 = tpu.memref_slice %arg10[%run_scoped3A_37, %dma_start3A] : memref<8x256xi32, #tpu.memory_space<vmem>> -> memref<1x256xi32, #tpu.memory_space<vmem>>
        %dma_start3A_44 = tpu.memref_squeeze %dma_start3A_43 : memref<1x256xi32, #tpu.memory_space<vmem>> -> memref<256xi32, #tpu.memory_space<vmem>>
        %dma_start3A_45 = arith.constant 0 : i32
        %dma_start3A_46 = arith.constant 0 : i32
        %dma_start3A_47 = tpu.memref_slice %arg7[%dma_start3A_45, %dma_start3A_46] : memref<25088x64xf32, #tpu.memory_space<vmem_shared>> -> memref<25088x64xf32, #tpu.memory_space<vmem_shared>>
        tpu.enqueue_indirect_dma source(%arg11 : memref<256x64xf32, #tpu.memory_space<vmem>>) target(%dma_start3A_47 : memref<25088x64xf32, #tpu.memory_space<vmem_shared>>) offsets(%dma_start3A_44 : memref<256xi32, #tpu.memory_space<vmem>>) semaphore(%run_scoped3A_42 : memref<!tpu.dma_semaphore, #tpu.memory_space<semaphore_mem>>) {add = true}
        %dma_wait3A = arith.constant 0 : i32
        %dma_wait3A_48 = tpu.memref_slice %arg10[%run_scoped3A_37, %dma_wait3A] : memref<8x256xi32, #tpu.memory_space<vmem>> -> memref<1x256xi32, #tpu.memory_space<vmem>>
        %dma_wait3A_49 = tpu.memref_squeeze %dma_wait3A_48 : memref<1x256xi32, #tpu.memory_space<vmem>> -> memref<256xi32, #tpu.memory_space<vmem>>
        %dma_wait3A_50 = arith.constant 0 : i32
        %dma_wait3A_51 = arith.constant 0 : i32
        %dma_wait3A_52 = tpu.memref_slice %arg7[%dma_wait3A_50, %dma_wait3A_51] : memref<25088x64xf32, #tpu.memory_space<vmem_shared>> -> memref<25088x64xf32, #tpu.memory_space<vmem_shared>>
        tpu.wait_indirect_dma semaphore(%run_scoped3A_42 : memref<!tpu.dma_semaphore, #tpu.memory_space<semaphore_mem>>) src(%arg11 : memref<256x64xf32, #tpu.memory_space<vmem>>) dst(%dma_wait3A_52 : memref<25088x64xf32, #tpu.memory_space<vmem_shared>>)
        tpu.yield
      }) : () -> ()
      "tpu.region"() ({
        %run_scoped3A_42 = tpu.sem_alloc : memref<!tpu.dma_semaphore, #tpu.memory_space<semaphore_mem>>
        %dma_start3A = arith.constant 1024 : i32
        %dma_start3A_43 = tpu.memref_slice %arg8[%dma_start3A] : memref<2048xi32, #tpu.memory_space<vmem>> -> memref<256xi32, #tpu.memory_space<vmem>>
        %dma_start3A_44 = arith.constant 0 : i32
        %dma_start3A_45 = arith.constant 0 : i32
        %dma_start3A_46 = tpu.memref_slice %arg4[%dma_start3A_44, %dma_start3A_45] : memref<50176x64xf32, #tpu.memory_space<hbm>> -> memref<50176x64xf32, #tpu.memory_space<hbm>>
        tpu.enqueue_indirect_dma source(%dma_start3A_46 : memref<50176x64xf32, #tpu.memory_space<hbm>>) target(%arg11 : memref<256x64xf32, #tpu.memory_space<vmem>>) offsets(%dma_start3A_43 : memref<256xi32, #tpu.memory_space<vmem>>) semaphore(%run_scoped3A_42 : memref<!tpu.dma_semaphore, #tpu.memory_space<semaphore_mem>>)
        %dma_wait3A = arith.constant 1024 : i32
        %dma_wait3A_47 = tpu.memref_slice %arg8[%dma_wait3A] : memref<2048xi32, #tpu.memory_space<vmem>> -> memref<256xi32, #tpu.memory_space<vmem>>
        %dma_wait3A_48 = arith.constant 0 : i32
        %dma_wait3A_49 = arith.constant 0 : i32
        %dma_wait3A_50 = tpu.memref_slice %arg4[%dma_wait3A_48, %dma_wait3A_49] : memref<50176x64xf32, #tpu.memory_space<hbm>> -> memref<50176x64xf32, #tpu.memory_space<hbm>>
        tpu.wait_indirect_dma semaphore(%run_scoped3A_42 : memref<!tpu.dma_semaphore, #tpu.memory_space<semaphore_mem>>) src(%dma_wait3A_50 : memref<50176x64xf32, #tpu.memory_space<hbm>>) dst(%arg11 : memref<256x64xf32, #tpu.memory_space<vmem>>)
        tpu.yield
      }) : () -> ()
      %run_scoped3A_38 = arith.constant 4 : i32
      "tpu.region"() ({
        %run_scoped3A_42 = tpu.sem_alloc : memref<!tpu.dma_semaphore, #tpu.memory_space<semaphore_mem>>
        %dma_start3A = arith.constant 0 : i32
        %dma_start3A_43 = tpu.memref_slice %arg10[%run_scoped3A_38, %dma_start3A] : memref<8x256xi32, #tpu.memory_space<vmem>> -> memref<1x256xi32, #tpu.memory_space<vmem>>
        %dma_start3A_44 = tpu.memref_squeeze %dma_start3A_43 : memref<1x256xi32, #tpu.memory_space<vmem>> -> memref<256xi32, #tpu.memory_space<vmem>>
        %dma_start3A_45 = arith.constant 0 : i32
        %dma_start3A_46 = arith.constant 0 : i32
        %dma_start3A_47 = tpu.memref_slice %arg7[%dma_start3A_45, %dma_start3A_46] : memref<25088x64xf32, #tpu.memory_space<vmem_shared>> -> memref<25088x64xf32, #tpu.memory_space<vmem_shared>>
        tpu.enqueue_indirect_dma source(%arg11 : memref<256x64xf32, #tpu.memory_space<vmem>>) target(%dma_start3A_47 : memref<25088x64xf32, #tpu.memory_space<vmem_shared>>) offsets(%dma_start3A_44 : memref<256xi32, #tpu.memory_space<vmem>>) semaphore(%run_scoped3A_42 : memref<!tpu.dma_semaphore, #tpu.memory_space<semaphore_mem>>) {add = true}
        %dma_wait3A = arith.constant 0 : i32
        %dma_wait3A_48 = tpu.memref_slice %arg10[%run_scoped3A_38, %dma_wait3A] : memref<8x256xi32, #tpu.memory_space<vmem>> -> memref<1x256xi32, #tpu.memory_space<vmem>>
        %dma_wait3A_49 = tpu.memref_squeeze %dma_wait3A_48 : memref<1x256xi32, #tpu.memory_space<vmem>> -> memref<256xi32, #tpu.memory_space<vmem>>
        %dma_wait3A_50 = arith.constant 0 : i32
        %dma_wait3A_51 = arith.constant 0 : i32
        %dma_wait3A_52 = tpu.memref_slice %arg7[%dma_wait3A_50, %dma_wait3A_51] : memref<25088x64xf32, #tpu.memory_space<vmem_shared>> -> memref<25088x64xf32, #tpu.memory_space<vmem_shared>>
        tpu.wait_indirect_dma semaphore(%run_scoped3A_42 : memref<!tpu.dma_semaphore, #tpu.memory_space<semaphore_mem>>) src(%arg11 : memref<256x64xf32, #tpu.memory_space<vmem>>) dst(%dma_wait3A_52 : memref<25088x64xf32, #tpu.memory_space<vmem_shared>>)
        tpu.yield
      }) : () -> ()
      "tpu.region"() ({
        %run_scoped3A_42 = tpu.sem_alloc : memref<!tpu.dma_semaphore, #tpu.memory_space<semaphore_mem>>
        %dma_start3A = arith.constant 1280 : i32
        %dma_start3A_43 = tpu.memref_slice %arg8[%dma_start3A] : memref<2048xi32, #tpu.memory_space<vmem>> -> memref<256xi32, #tpu.memory_space<vmem>>
        %dma_start3A_44 = arith.constant 0 : i32
        %dma_start3A_45 = arith.constant 0 : i32
        %dma_start3A_46 = tpu.memref_slice %arg4[%dma_start3A_44, %dma_start3A_45] : memref<50176x64xf32, #tpu.memory_space<hbm>> -> memref<50176x64xf32, #tpu.memory_space<hbm>>
        tpu.enqueue_indirect_dma source(%dma_start3A_46 : memref<50176x64xf32, #tpu.memory_space<hbm>>) target(%arg11 : memref<256x64xf32, #tpu.memory_space<vmem>>) offsets(%dma_start3A_43 : memref<256xi32, #tpu.memory_space<vmem>>) semaphore(%run_scoped3A_42 : memref<!tpu.dma_semaphore, #tpu.memory_space<semaphore_mem>>)
        %dma_wait3A = arith.constant 1280 : i32
        %dma_wait3A_47 = tpu.memref_slice %arg8[%dma_wait3A] : memref<2048xi32, #tpu.memory_space<vmem>> -> memref<256xi32, #tpu.memory_space<vmem>>
        %dma_wait3A_48 = arith.constant 0 : i32
        %dma_wait3A_49 = arith.constant 0 : i32
        %dma_wait3A_50 = tpu.memref_slice %arg4[%dma_wait3A_48, %dma_wait3A_49] : memref<50176x64xf32, #tpu.memory_space<hbm>> -> memref<50176x64xf32, #tpu.memory_space<hbm>>
        tpu.wait_indirect_dma semaphore(%run_scoped3A_42 : memref<!tpu.dma_semaphore, #tpu.memory_space<semaphore_mem>>) src(%dma_wait3A_50 : memref<50176x64xf32, #tpu.memory_space<hbm>>) dst(%arg11 : memref<256x64xf32, #tpu.memory_space<vmem>>)
        tpu.yield
      }) : () -> ()
      %run_scoped3A_39 = arith.constant 5 : i32
      "tpu.region"() ({
        %run_scoped3A_42 = tpu.sem_alloc : memref<!tpu.dma_semaphore, #tpu.memory_space<semaphore_mem>>
        %dma_start3A = arith.constant 0 : i32
        %dma_start3A_43 = tpu.memref_slice %arg10[%run_scoped3A_39, %dma_start3A] : memref<8x256xi32, #tpu.memory_space<vmem>> -> memref<1x256xi32, #tpu.memory_space<vmem>>
        %dma_start3A_44 = tpu.memref_squeeze %dma_start3A_43 : memref<1x256xi32, #tpu.memory_space<vmem>> -> memref<256xi32, #tpu.memory_space<vmem>>
        %dma_start3A_45 = arith.constant 0 : i32
        %dma_start3A_46 = arith.constant 0 : i32
        %dma_start3A_47 = tpu.memref_slice %arg7[%dma_start3A_45, %dma_start3A_46] : memref<25088x64xf32, #tpu.memory_space<vmem_shared>> -> memref<25088x64xf32, #tpu.memory_space<vmem_shared>>
        tpu.enqueue_indirect_dma source(%arg11 : memref<256x64xf32, #tpu.memory_space<vmem>>) target(%dma_start3A_47 : memref<25088x64xf32, #tpu.memory_space<vmem_shared>>) offsets(%dma_start3A_44 : memref<256xi32, #tpu.memory_space<vmem>>) semaphore(%run_scoped3A_42 : memref<!tpu.dma_semaphore, #tpu.memory_space<semaphore_mem>>) {add = true}
        %dma_wait3A = arith.constant 0 : i32
        %dma_wait3A_48 = tpu.memref_slice %arg10[%run_scoped3A_39, %dma_wait3A] : memref<8x256xi32, #tpu.memory_space<vmem>> -> memref<1x256xi32, #tpu.memory_space<vmem>>
        %dma_wait3A_49 = tpu.memref_squeeze %dma_wait3A_48 : memref<1x256xi32, #tpu.memory_space<vmem>> -> memref<256xi32, #tpu.memory_space<vmem>>
        %dma_wait3A_50 = arith.constant 0 : i32
        %dma_wait3A_51 = arith.constant 0 : i32
        %dma_wait3A_52 = tpu.memref_slice %arg7[%dma_wait3A_50, %dma_wait3A_51] : memref<25088x64xf32, #tpu.memory_space<vmem_shared>> -> memref<25088x64xf32, #tpu.memory_space<vmem_shared>>
        tpu.wait_indirect_dma semaphore(%run_scoped3A_42 : memref<!tpu.dma_semaphore, #tpu.memory_space<semaphore_mem>>) src(%arg11 : memref<256x64xf32, #tpu.memory_space<vmem>>) dst(%dma_wait3A_52 : memref<25088x64xf32, #tpu.memory_space<vmem_shared>>)
        tpu.yield
      }) : () -> ()
      "tpu.region"() ({
        %run_scoped3A_42 = tpu.sem_alloc : memref<!tpu.dma_semaphore, #tpu.memory_space<semaphore_mem>>
        %dma_start3A = arith.constant 1536 : i32
        %dma_start3A_43 = tpu.memref_slice %arg8[%dma_start3A] : memref<2048xi32, #tpu.memory_space<vmem>> -> memref<256xi32, #tpu.memory_space<vmem>>
        %dma_start3A_44 = arith.constant 0 : i32
        %dma_start3A_45 = arith.constant 0 : i32
        %dma_start3A_46 = tpu.memref_slice %arg4[%dma_start3A_44, %dma_start3A_45] : memref<50176x64xf32, #tpu.memory_space<hbm>> -> memref<50176x64xf32, #tpu.memory_space<hbm>>
        tpu.enqueue_indirect_dma source(%dma_start3A_46 : memref<50176x64xf32, #tpu.memory_space<hbm>>) target(%arg11 : memref<256x64xf32, #tpu.memory_space<vmem>>) offsets(%dma_start3A_43 : memref<256xi32, #tpu.memory_space<vmem>>) semaphore(%run_scoped3A_42 : memref<!tpu.dma_semaphore, #tpu.memory_space<semaphore_mem>>)
        %dma_wait3A = arith.constant 1536 : i32
        %dma_wait3A_47 = tpu.memref_slice %arg8[%dma_wait3A] : memref<2048xi32, #tpu.memory_space<vmem>> -> memref<256xi32, #tpu.memory_space<vmem>>
        %dma_wait3A_48 = arith.constant 0 : i32
        %dma_wait3A_49 = arith.constant 0 : i32
        %dma_wait3A_50 = tpu.memref_slice %arg4[%dma_wait3A_48, %dma_wait3A_49] : memref<50176x64xf32, #tpu.memory_space<hbm>> -> memref<50176x64xf32, #tpu.memory_space<hbm>>
        tpu.wait_indirect_dma semaphore(%run_scoped3A_42 : memref<!tpu.dma_semaphore, #tpu.memory_space<semaphore_mem>>) src(%dma_wait3A_50 : memref<50176x64xf32, #tpu.memory_space<hbm>>) dst(%arg11 : memref<256x64xf32, #tpu.memory_space<vmem>>)
        tpu.yield
      }) : () -> ()
      %run_scoped3A_40 = arith.constant 6 : i32
      "tpu.region"() ({
        %run_scoped3A_42 = tpu.sem_alloc : memref<!tpu.dma_semaphore, #tpu.memory_space<semaphore_mem>>
        %dma_start3A = arith.constant 0 : i32
        %dma_start3A_43 = tpu.memref_slice %arg10[%run_scoped3A_40, %dma_start3A] : memref<8x256xi32, #tpu.memory_space<vmem>> -> memref<1x256xi32, #tpu.memory_space<vmem>>
        %dma_start3A_44 = tpu.memref_squeeze %dma_start3A_43 : memref<1x256xi32, #tpu.memory_space<vmem>> -> memref<256xi32, #tpu.memory_space<vmem>>
        %dma_start3A_45 = arith.constant 0 : i32
        %dma_start3A_46 = arith.constant 0 : i32
        %dma_start3A_47 = tpu.memref_slice %arg7[%dma_start3A_45, %dma_start3A_46] : memref<25088x64xf32, #tpu.memory_space<vmem_shared>> -> memref<25088x64xf32, #tpu.memory_space<vmem_shared>>
        tpu.enqueue_indirect_dma source(%arg11 : memref<256x64xf32, #tpu.memory_space<vmem>>) target(%dma_start3A_47 : memref<25088x64xf32, #tpu.memory_space<vmem_shared>>) offsets(%dma_start3A_44 : memref<256xi32, #tpu.memory_space<vmem>>) semaphore(%run_scoped3A_42 : memref<!tpu.dma_semaphore, #tpu.memory_space<semaphore_mem>>) {add = true}
        %dma_wait3A = arith.constant 0 : i32
        %dma_wait3A_48 = tpu.memref_slice %arg10[%run_scoped3A_40, %dma_wait3A] : memref<8x256xi32, #tpu.memory_space<vmem>> -> memref<1x256xi32, #tpu.memory_space<vmem>>
        %dma_wait3A_49 = tpu.memref_squeeze %dma_wait3A_48 : memref<1x256xi32, #tpu.memory_space<vmem>> -> memref<256xi32, #tpu.memory_space<vmem>>
        %dma_wait3A_50 = arith.constant 0 : i32
        %dma_wait3A_51 = arith.constant 0 : i32
        %dma_wait3A_52 = tpu.memref_slice %arg7[%dma_wait3A_50, %dma_wait3A_51] : memref<25088x64xf32, #tpu.memory_space<vmem_shared>> -> memref<25088x64xf32, #tpu.memory_space<vmem_shared>>
        tpu.wait_indirect_dma semaphore(%run_scoped3A_42 : memref<!tpu.dma_semaphore, #tpu.memory_space<semaphore_mem>>) src(%arg11 : memref<256x64xf32, #tpu.memory_space<vmem>>) dst(%dma_wait3A_52 : memref<25088x64xf32, #tpu.memory_space<vmem_shared>>)
        tpu.yield
      }) : () -> ()
      "tpu.region"() ({
        %run_scoped3A_42 = tpu.sem_alloc : memref<!tpu.dma_semaphore, #tpu.memory_space<semaphore_mem>>
        %dma_start3A = arith.constant 1792 : i32
        %dma_start3A_43 = tpu.memref_slice %arg8[%dma_start3A] : memref<2048xi32, #tpu.memory_space<vmem>> -> memref<256xi32, #tpu.memory_space<vmem>>
        %dma_start3A_44 = arith.constant 0 : i32
        %dma_start3A_45 = arith.constant 0 : i32
        %dma_start3A_46 = tpu.memref_slice %arg4[%dma_start3A_44, %dma_start3A_45] : memref<50176x64xf32, #tpu.memory_space<hbm>> -> memref<50176x64xf32, #tpu.memory_space<hbm>>
        tpu.enqueue_indirect_dma source(%dma_start3A_46 : memref<50176x64xf32, #tpu.memory_space<hbm>>) target(%arg11 : memref<256x64xf32, #tpu.memory_space<vmem>>) offsets(%dma_start3A_43 : memref<256xi32, #tpu.memory_space<vmem>>) semaphore(%run_scoped3A_42 : memref<!tpu.dma_semaphore, #tpu.memory_space<semaphore_mem>>)
        %dma_wait3A = arith.constant 1792 : i32
        %dma_wait3A_47 = tpu.memref_slice %arg8[%dma_wait3A] : memref<2048xi32, #tpu.memory_space<vmem>> -> memref<256xi32, #tpu.memory_space<vmem>>
        %dma_wait3A_48 = arith.constant 0 : i32
        %dma_wait3A_49 = arith.constant 0 : i32
        %dma_wait3A_50 = tpu.memref_slice %arg4[%dma_wait3A_48, %dma_wait3A_49] : memref<50176x64xf32, #tpu.memory_space<hbm>> -> memref<50176x64xf32, #tpu.memory_space<hbm>>
        tpu.wait_indirect_dma semaphore(%run_scoped3A_42 : memref<!tpu.dma_semaphore, #tpu.memory_space<semaphore_mem>>) src(%dma_wait3A_50 : memref<50176x64xf32, #tpu.memory_space<hbm>>) dst(%arg11 : memref<256x64xf32, #tpu.memory_space<vmem>>)
        tpu.yield
      }) : () -> ()
      %run_scoped3A_41 = arith.constant 7 : i32
      "tpu.region"() ({
        %run_scoped3A_42 = tpu.sem_alloc : memref<!tpu.dma_semaphore, #tpu.memory_space<semaphore_mem>>
        %dma_start3A = arith.constant 0 : i32
        %dma_start3A_43 = tpu.memref_slice %arg10[%run_scoped3A_41, %dma_start3A] : memref<8x256xi32, #tpu.memory_space<vmem>> -> memref<1x256xi32, #tpu.memory_space<vmem>>
        %dma_start3A_44 = tpu.memref_squeeze %dma_start3A_43 : memref<1x256xi32, #tpu.memory_space<vmem>> -> memref<256xi32, #tpu.memory_space<vmem>>
        %dma_start3A_45 = arith.constant 0 : i32
        %dma_start3A_46 = arith.constant 0 : i32
        %dma_start3A_47 = tpu.memref_slice %arg7[%dma_start3A_45, %dma_start3A_46] : memref<25088x64xf32, #tpu.memory_space<vmem_shared>> -> memref<25088x64xf32, #tpu.memory_space<vmem_shared>>
        tpu.enqueue_indirect_dma source(%arg11 : memref<256x64xf32, #tpu.memory_space<vmem>>) target(%dma_start3A_47 : memref<25088x64xf32, #tpu.memory_space<vmem_shared>>) offsets(%dma_start3A_44 : memref<256xi32, #tpu.memory_space<vmem>>) semaphore(%run_scoped3A_42 : memref<!tpu.dma_semaphore, #tpu.memory_space<semaphore_mem>>) {add = true}
        %dma_wait3A = arith.constant 0 : i32
        %dma_wait3A_48 = tpu.memref_slice %arg10[%run_scoped3A_41, %dma_wait3A] : memref<8x256xi32, #tpu.memory_space<vmem>> -> memref<1x256xi32, #tpu.memory_space<vmem>>
        %dma_wait3A_49 = tpu.memref_squeeze %dma_wait3A_48 : memref<1x256xi32, #tpu.memory_space<vmem>> -> memref<256xi32, #tpu.memory_space<vmem>>
        %dma_wait3A_50 = arith.constant 0 : i32
        %dma_wait3A_51 = arith.constant 0 : i32
        %dma_wait3A_52 = tpu.memref_slice %arg7[%dma_wait3A_50, %dma_wait3A_51] : memref<25088x64xf32, #tpu.memory_space<vmem_shared>> -> memref<25088x64xf32, #tpu.memory_space<vmem_shared>>
        tpu.wait_indirect_dma semaphore(%run_scoped3A_42 : memref<!tpu.dma_semaphore, #tpu.memory_space<semaphore_mem>>) src(%arg11 : memref<256x64xf32, #tpu.memory_space<vmem>>) dst(%dma_wait3A_52 : memref<25088x64xf32, #tpu.memory_space<vmem_shared>>)
        tpu.yield
      }) : () -> ()
    }
    %scan3A_14 = arith.constant 25 : i32
    %barrier3A_15 = arith.constant 0 : index
    tpu.barrier barrier_id(%barrier3A_15)
    %scan3A_16 = arith.constant 0 : i32
    %scan3A_17 = arith.constant 14 : i32
    %scan3A_18 = arith.addi %scan3A_16, %scan3A_17 : i32
    %scan3A_19 = arith.constant 1 : i32
    scf.for %scan3A_21 = %scan3A_16 to %scan3A_18 step %scan3A_19  : i32 {
      %mul3A_22 = arith.constant 1 : i32
      %mul3A_23 = arith.muli %scan3A_21, %mul3A_22 : i32
      %add3A = arith.constant 0 : i32
      %add3A_24 = arith.addi %add3A, %mul3A_23 : i32
      %mul3A_25 = arith.constant 1568 : i32
      %mul3A_26 = arith.muli %arg1, %mul3A_25 : i32
      %mul3A_27 = arith.constant 112 : i32
      %mul3A_28 = arith.muli %add3A_24, %mul3A_27 : i32
      %add3A_29 = arith.addi %mul3A_26, %mul3A_28 : i32
      "tpu.region"() ({
        %run_scoped3A = tpu.sem_alloc : memref<!tpu.dma_semaphore, #tpu.memory_space<semaphore_mem>>
        %dma_start3A = arith.constant 0 : i32
        %dma_start3A_38 = arith.constant 0 : i32
        %dma_start3A_39 = tpu.memref_slice %arg11[%dma_start3A, %dma_start3A_38] : memref<256x64xf32, #tpu.memory_space<vmem>> -> memref<112x64xf32, #tpu.memory_space<vmem>>
        %dma_start3A_40 = arith.constant 0 : i32
        %dma_start3A_41 = tpu.memref_slice %arg7[%add3A_29, %dma_start3A_40] : memref<25088x64xf32, #tpu.memory_space<vmem_shared>> -> memref<112x64xf32, #tpu.memory_space<vmem_shared>>
        %dma_start3A_42 = arith.constant 0 : i32
        %dma_start3A_43 = arith.constant 0 : i32
        %dma_start3A_44 = tpu.memref_slice %arg11[%dma_start3A_42, %dma_start3A_43] : memref<256x64xf32, #tpu.memory_space<vmem>> -> memref<112x64xf32, #tpu.memory_space<vmem>>
        %dma_start3A_45 = arith.constant 0 : i32
        %dma_start3A_46 = tpu.memref_slice %arg7[%add3A_29, %dma_start3A_45] : memref<25088x64xf32, #tpu.memory_space<vmem_shared>> -> memref<112x64xf32, #tpu.memory_space<vmem_shared>>
        tpu.enqueue_dma source(%dma_start3A_46 : memref<112x64xf32, #tpu.memory_space<vmem_shared>>) target(%dma_start3A_44 : memref<112x64xf32, #tpu.memory_space<vmem>>) target_semaphore(%run_scoped3A : memref<!tpu.dma_semaphore, #tpu.memory_space<semaphore_mem>>)
        %dma_wait3A = arith.constant 0 : i32
        %dma_wait3A_47 = arith.constant 0 : i32
        %dma_wait3A_48 = tpu.memref_slice %arg11[%dma_wait3A, %dma_wait3A_47] : memref<256x64xf32, #tpu.memory_space<vmem>> -> memref<112x64xf32, #tpu.memory_space<vmem>>
        %dma_wait3A_49 = arith.constant 0 : i32
        %dma_wait3A_50 = tpu.memref_slice %arg7[%add3A_29, %dma_wait3A_49] : memref<25088x64xf32, #tpu.memory_space<vmem_shared>> -> memref<112x64xf32, #tpu.memory_space<vmem_shared>>
        %dma_wait3A_51 = arith.constant 0 : i32
        %dma_wait3A_52 = arith.constant 0 : i32
        %dma_wait3A_53 = tpu.memref_slice %arg11[%dma_wait3A_51, %dma_wait3A_52] : memref<256x64xf32, #tpu.memory_space<vmem>> -> memref<112x64xf32, #tpu.memory_space<vmem>>
        %dma_wait3A_54 = arith.constant 0 : i32
        %dma_wait3A_55 = tpu.memref_slice %arg7[%add3A_29, %dma_wait3A_54] : memref<25088x64xf32, #tpu.memory_space<vmem_shared>> -> memref<112x64xf32, #tpu.memory_space<vmem_shared>>
        tpu.wait_dma2 semaphore(%run_scoped3A : memref<!tpu.dma_semaphore, #tpu.memory_space<semaphore_mem>>) src(%dma_wait3A_55 : memref<112x64xf32, #tpu.memory_space<vmem_shared>>) dst(%dma_wait3A_53 : memref<112x64xf32, #tpu.memory_space<vmem>>)
        tpu.yield
      }) : () -> ()
      %mul3A_30 = arith.constant 25088 : i32
      %mul3A_31 = arith.muli %arg0, %mul3A_30 : i32
      %mul3A_32 = arith.constant 1568 : i32
      %mul3A_33 = arith.muli %arg1, %mul3A_32 : i32
      %add3A_34 = arith.addi %mul3A_31, %mul3A_33 : i32
      %mul3A_35 = arith.constant 112 : i32
      %mul3A_36 = arith.muli %add3A_24, %mul3A_35 : i32
      %add3A_37 = arith.addi %add3A_34, %mul3A_36 : i32
      "tpu.region"() ({
        %run_scoped3A = tpu.sem_alloc : memref<!tpu.dma_semaphore, #tpu.memory_space<semaphore_mem>>
        %dma_start3A = arith.constant 0 : i32
        %dma_start3A_38 = arith.constant 0 : i32
        %dma_start3A_39 = tpu.memref_slice %arg11[%dma_start3A, %dma_start3A_38] : memref<256x64xf32, #tpu.memory_space<vmem>> -> memref<112x64xf32, #tpu.memory_space<vmem>>
        %dma_start3A_40 = arith.constant 0 : i32
        %dma_start3A_41 = tpu.memref_slice %arg6[%add3A_37, %dma_start3A_40] : memref<50176x64xf32, #tpu.memory_space<hbm>> -> memref<112x64xf32, #tpu.memory_space<hbm>>
        %dma_start3A_42 = arith.constant 0 : i32
        %dma_start3A_43 = tpu.memref_slice %arg6[%add3A_37, %dma_start3A_42] : memref<50176x64xf32, #tpu.memory_space<hbm>> -> memref<112x64xf32, #tpu.memory_space<hbm>>
        %dma_start3A_44 = arith.constant 0 : i32
        %dma_start3A_45 = arith.constant 0 : i32
        %dma_start3A_46 = tpu.memref_slice %arg11[%dma_start3A_44, %dma_start3A_45] : memref<256x64xf32, #tpu.memory_space<vmem>> -> memref<112x64xf32, #tpu.memory_space<vmem>>
        tpu.enqueue_dma source(%dma_start3A_46 : memref<112x64xf32, #tpu.memory_space<vmem>>) target(%dma_start3A_43 : memref<112x64xf32, #tpu.memory_space<hbm>>) target_semaphore(%run_scoped3A : memref<!tpu.dma_semaphore, #tpu.memory_space<semaphore_mem>>)
        %dma_wait3A = arith.constant 0 : i32
        %dma_wait3A_47 = arith.constant 0 : i32
        %dma_wait3A_48 = tpu.memref_slice %arg11[%dma_wait3A, %dma_wait3A_47] : memref<256x64xf32, #tpu.memory_space<vmem>> -> memref<112x64xf32, #tpu.memory_space<vmem>>
        %dma_wait3A_49 = arith.constant 0 : i32
        %dma_wait3A_50 = tpu.memref_slice %arg6[%add3A_37, %dma_wait3A_49] : memref<50176x64xf32, #tpu.memory_space<hbm>> -> memref<112x64xf32, #tpu.memory_space<hbm>>
        %dma_wait3A_51 = arith.constant 0 : i32
        %dma_wait3A_52 = tpu.memref_slice %arg6[%add3A_37, %dma_wait3A_51] : memref<50176x64xf32, #tpu.memory_space<hbm>> -> memref<112x64xf32, #tpu.memory_space<hbm>>
        %dma_wait3A_53 = arith.constant 0 : i32
        %dma_wait3A_54 = arith.constant 0 : i32
        %dma_wait3A_55 = tpu.memref_slice %arg11[%dma_wait3A_53, %dma_wait3A_54] : memref<256x64xf32, #tpu.memory_space<vmem>> -> memref<112x64xf32, #tpu.memory_space<vmem>>
        tpu.wait_dma2 semaphore(%run_scoped3A : memref<!tpu.dma_semaphore, #tpu.memory_space<semaphore_mem>>) src(%dma_wait3A_55 : memref<112x64xf32, #tpu.memory_space<vmem>>) dst(%dma_wait3A_52 : memref<112x64xf32, #tpu.memory_space<hbm>>)
        tpu.yield
      }) : () -> ()
    }
    %scan3A_20 = arith.constant 14 : i32
    return
  }
}

module attributes {stable_mosaic.version = 14 : i64} {
  func.func @_tc_prep_body(%arg0: i32, %arg1: memref<1568x17xf32, #tpu.memory_space<vmem>>, %arg2: memref<17x64xf32, #tpu.memory_space<vmem>>, %arg3: memref<1568x64xf32, #tpu.memory_space<vmem>>, %arg4: memref<1568x1xf32, #tpu.memory_space<vmem>>) attributes {dimension_semantics = [#tpu.dimension_semantics<arbitrary>], iteration_bounds = array<i64: 32>, scalar_prefetch = 0 : i64, scratch_operands = 0 : i64, tpu.core_type = #tpu.core_type<tc>, window_params = [{transform_indices = @transform_0, window_bounds = array<i64: 1568, 17>}, {pipeline_mode = #tpu.pipeline_mode<synchronous>, transform_indices = @transform_1, window_bounds = array<i64: 17, 64>}, {transform_indices = @transform_2, window_bounds = array<i64: 1568, 64>}, {transform_indices = @transform_3, window_bounds = array<i64: 1568, 1>}]} {
    %get3A = arith.constant 0 : index
    %get3A_0 = arith.constant 0 : index
    %get3A_1 = vector.load %arg1[%get3A, %get3A_0] : memref<1568x17xf32, #tpu.memory_space<vmem>>, vector<1568x17xf32>
    %get3A_2 = arith.constant 0 : index
    %get3A_3 = arith.constant 0 : index
    %get3A_4 = vector.load %arg2[%get3A_2, %get3A_3] : memref<17x64xf32, #tpu.memory_space<vmem>>, vector<17x64xf32>
    %dot_general3A = arith.constant dense<0.000000e+00> : vector<1568x64xf32>
    %dot_general3A_5 = tpu.matmul %get3A_1, %get3A_4, %dot_general3A {dimension_numbers = #tpu.dot_dimension_numbers<[1], [0], [0], [1], [0, 0, 1, 1], [], []>, transpose_lhs_hint = false} : vector<1568x17xf32>, vector<17x64xf32>, vector<1568x64xf32> -> vector<1568x64xf32>
    %swap3A = arith.constant 0 : index
    %swap3A_6 = arith.constant 0 : index
    %swap3A_7 = vector.load %arg3[%swap3A, %swap3A_6] : memref<1568x64xf32, #tpu.memory_space<vmem>>, vector<1568x64xf32>
    tpu.vector_store %arg3[%swap3A, %swap3A_6], %dot_general3A_5 {strides = array<i32>} : memref<1568x64xf32, #tpu.memory_space<vmem>>, vector<1568x64xf32>,
    %reduce_sum3A = arith.constant dense<0.000000e+00> : vector<1568xf32>
    %reduce_sum3A_8 = vector.multi_reduction <add>, %get3A_1, %reduce_sum3A [1] : vector<1568x17xf32> to vector<1568xf32>
    %broadcast_in_dim3A = vector.shape_cast %reduce_sum3A_8 : vector<1568xf32> to vector<1568x1xf32>
    %jit3A = arith.constant 1.000000e+00 : f32
    %max3A = vector.broadcast %jit3A : f32 to vector<1568x1xf32>
    %max3A_9 = arith.maximumf %max3A, %broadcast_in_dim3A : vector<1568x1xf32>
    %div3A = arith.constant 1.000000e+00 : f32
    %div3A_10 = vector.broadcast %div3A : f32 to vector<1568x1xf32>
    %div3A_11 = arith.divf %div3A_10, %max3A_9 : vector<1568x1xf32>
    %swap3A_12 = arith.constant 0 : index
    %swap3A_13 = arith.constant 0 : index
    %swap3A_14 = vector.load %arg4[%swap3A_12, %swap3A_13] : memref<1568x1xf32, #tpu.memory_space<vmem>>, vector<1568x1xf32>
    tpu.vector_store %arg4[%swap3A_12, %swap3A_13], %div3A_11 {strides = array<i32>} : memref<1568x1xf32, #tpu.memory_space<vmem>>, vector<1568x1xf32>,
    return
  }
  func.func @transform_0(%arg0: i32) -> (i32, i32) {
    %c0_i32 = arith.constant 0 : i32
    %c0_i32_0 = arith.constant 0 : i32
    return %arg0, %c0_i32 : i32, i32
  }
  func.func @transform_1(%arg0: i32) -> (i32, i32) {
    %c0_i32 = arith.constant 0 : i32
    %c0_i32_0 = arith.constant 0 : i32
    %c0_i32_1 = arith.constant 0 : i32
    return %c0_i32, %c0_i32_0 : i32, i32
  }
  func.func @transform_2(%arg0: i32) -> (i32, i32) {
    %c0_i32 = arith.constant 0 : i32
    %c0_i32_0 = arith.constant 0 : i32
    return %arg0, %c0_i32 : i32, i32
  }
  func.func @transform_3(%arg0: i32) -> (i32, i32) {
    %c0_i32 = arith.constant 0 : i32
    %c0_i32_0 = arith.constant 0 : i32
    return %arg0, %c0_i32 : i32, i32
  }
}

module attributes {stable_mosaic.version = 14 : i64} {
  func.func @_tc_dense_body(%arg0: i32, %arg1: memref<1568x64xf32, #tpu.memory_space<vmem>>, %arg2: memref<1568x64xf32, #tpu.memory_space<vmem>>, %arg3: memref<1568x64xf32, #tpu.memory_space<vmem>>, %arg4: memref<1568x1xf32, #tpu.memory_space<vmem>>, %arg5: memref<64x64xf32, #tpu.memory_space<vmem>>, %arg6: memref<1x64xf32, #tpu.memory_space<vmem>>, %arg7: memref<64x64xf32, #tpu.memory_space<vmem>>, %arg8: memref<1x64xf32, #tpu.memory_space<vmem>>, %arg9: memref<1568x64xf32, #tpu.memory_space<vmem>>) attributes {dimension_semantics = [#tpu.dimension_semantics<arbitrary>], iteration_bounds = array<i64: 32>, scalar_prefetch = 0 : i64, scratch_operands = 0 : i64, tpu.core_type = #tpu.core_type<tc>, window_params = [{transform_indices = @transform_0, window_bounds = array<i64: 1568, 64>}, {transform_indices = @transform_1, window_bounds = array<i64: 1568, 64>}, {transform_indices = @transform_2, window_bounds = array<i64: 1568, 64>}, {transform_indices = @transform_3, window_bounds = array<i64: 1568, 1>}, {pipeline_mode = #tpu.pipeline_mode<synchronous>, transform_indices = @transform_4, window_bounds = array<i64: 64, 64>}, {pipeline_mode = #tpu.pipeline_mode<synchronous>, transform_indices = @transform_5, window_bounds = array<i64: 1, 64>}, {pipeline_mode = #tpu.pipeline_mode<synchronous>, transform_indices = @transform_6, window_bounds = array<i64: 64, 64>}, {pipeline_mode = #tpu.pipeline_mode<synchronous>, transform_indices = @transform_7, window_bounds = array<i64: 1, 64>}, {transform_indices = @transform_8, window_bounds = array<i64: 1568, 64>}]} {
    %get3A = arith.constant 0 : index
    %get3A_0 = arith.constant 0 : index
    %get3A_1 = vector.load %arg1[%get3A, %get3A_0] : memref<1568x64xf32, #tpu.memory_space<vmem>>, vector<1568x64xf32>
    %get3A_2 = arith.constant 0 : index
    %get3A_3 = arith.constant 0 : index
    %get3A_4 = vector.load %arg2[%get3A_2, %get3A_3] : memref<1568x64xf32, #tpu.memory_space<vmem>>, vector<1568x64xf32>
    %get3A_5 = arith.constant 0 : index
    %get3A_6 = arith.constant 0 : index
    %get3A_7 = vector.load %arg3[%get3A_5, %get3A_6] : memref<1568x64xf32, #tpu.memory_space<vmem>>, vector<1568x64xf32>
    %add3A = arith.addf %get3A_4, %get3A_7 : vector<1568x64xf32>
    %get3A_8 = arith.constant 0 : index
    %get3A_9 = arith.constant 0 : index
    %get3A_10 = vector.load %arg4[%get3A_8, %get3A_9] : memref<1568x1xf32, #tpu.memory_space<vmem>>, vector<1568x1xf32>
    %mul3A = vector.broadcast %get3A_10 : vector<1568x1xf32> to vector<1568x64xf32>
    %mul3A_11 = arith.mulf %add3A, %mul3A : vector<1568x64xf32>
    %add3A_12 = arith.addf %get3A_1, %mul3A_11 : vector<1568x64xf32>
    %get3A_13 = arith.constant 0 : index
    %get3A_14 = arith.constant 0 : index
    %get3A_15 = vector.load %arg5[%get3A_13, %get3A_14] : memref<64x64xf32, #tpu.memory_space<vmem>>, vector<64x64xf32>
    %dot_general3A = arith.constant dense<0.000000e+00> : vector<1568x64xf32>
    %dot_general3A_16 = tpu.matmul %add3A_12, %get3A_15, %dot_general3A {dimension_numbers = #tpu.dot_dimension_numbers<[1], [0], [0], [1], [0, 0, 1, 1], [], []>, transpose_lhs_hint = false} : vector<1568x64xf32>, vector<64x64xf32>, vector<1568x64xf32> -> vector<1568x64xf32>
    %get3A_17 = arith.constant 0 : index
    %get3A_18 = arith.constant 0 : index
    %get3A_19 = vector.load %arg6[%get3A_17, %get3A_18] : memref<1x64xf32, #tpu.memory_space<vmem>>, vector<1x64xf32>
    %add3A_20 = vector.broadcast %get3A_19 : vector<1x64xf32> to vector<1568x64xf32>
    %add3A_21 = arith.addf %dot_general3A_16, %add3A_20 : vector<1568x64xf32>
    %mul3A_22 = arith.mulf %get3A_1, %mul3A_11 : vector<1568x64xf32>
    %get3A_23 = arith.constant 0 : index
    %get3A_24 = arith.constant 0 : index
    %get3A_25 = vector.load %arg7[%get3A_23, %get3A_24] : memref<64x64xf32, #tpu.memory_space<vmem>>, vector<64x64xf32>
    %dot_general3A_26 = arith.constant dense<0.000000e+00> : vector<1568x64xf32>
    %dot_general3A_27 = tpu.matmul %mul3A_22, %get3A_25, %dot_general3A_26 {dimension_numbers = #tpu.dot_dimension_numbers<[1], [0], [0], [1], [0, 0, 1, 1], [], []>, transpose_lhs_hint = false} : vector<1568x64xf32>, vector<64x64xf32>, vector<1568x64xf32> -> vector<1568x64xf32>
    %get3A_28 = arith.constant 0 : index
    %get3A_29 = arith.constant 0 : index
    %get3A_30 = vector.load %arg8[%get3A_28, %get3A_29] : memref<1x64xf32, #tpu.memory_space<vmem>>, vector<1x64xf32>
    %add3A_31 = vector.broadcast %get3A_30 : vector<1x64xf32> to vector<1568x64xf32>
    %add3A_32 = arith.addf %dot_general3A_27, %add3A_31 : vector<1568x64xf32>
    %ge3A = arith.constant 0.000000e+00 : f32
    %ge3A_33 = vector.broadcast %ge3A : f32 to vector<1568x64xf32>
    %ge3A_34 = arith.cmpf oge, %add3A_21, %ge3A_33 : vector<1568x64xf32>
    %mul3A_35 = arith.constant 2.000000e-01 : f32
    %mul3A_36 = vector.broadcast %mul3A_35 : f32 to vector<1568x64xf32>
    %mul3A_37 = arith.mulf %mul3A_36, %add3A_21 : vector<1568x64xf32>
    %select_n3A = arith.select %ge3A_34, %add3A_21, %mul3A_37 : vector<1568x64xi1>, vector<1568x64xf32>
    %ge3A_38 = arith.constant 0.000000e+00 : f32
    %ge3A_39 = vector.broadcast %ge3A_38 : f32 to vector<1568x64xf32>
    %ge3A_40 = arith.cmpf oge, %add3A_32, %ge3A_39 : vector<1568x64xf32>
    %mul3A_41 = arith.constant 2.000000e-01 : f32
    %mul3A_42 = vector.broadcast %mul3A_41 : f32 to vector<1568x64xf32>
    %mul3A_43 = arith.mulf %mul3A_42, %add3A_32 : vector<1568x64xf32>
    %select_n3A_44 = arith.select %ge3A_40, %add3A_32, %mul3A_43 : vector<1568x64xi1>, vector<1568x64xf32>
    %add3A_45 = arith.addf %select_n3A, %select_n3A_44 : vector<1568x64xf32>
    %mul3A_46 = arith.mulf %add3A_45, %add3A_45 : vector<1568x64xf32>
    %reduce_sum3A = arith.constant dense<0.000000e+00> : vector<1568xf32>
    %reduce_sum3A_47 = vector.multi_reduction <add>, %mul3A_46, %reduce_sum3A [1] : vector<1568x64xf32> to vector<1568xf32>
    %broadcast_in_dim3A = vector.shape_cast %reduce_sum3A_47 : vector<1568xf32> to vector<1568x1xf32>
    %sqrt3A = math.sqrt %broadcast_in_dim3A : vector<1568x1xf32>
    %jit3A = arith.constant 9.99999996E-13 : f32
    %max3A = vector.broadcast %jit3A : f32 to vector<1568x1xf32>
    %max3A_48 = arith.maximumf %max3A, %sqrt3A : vector<1568x1xf32>
    %div3A = vector.broadcast %max3A_48 : vector<1568x1xf32> to vector<1568x64xf32>
    %div3A_49 = arith.divf %add3A_45, %div3A : vector<1568x64xf32>
    %swap3A = arith.constant 0 : index
    %swap3A_50 = arith.constant 0 : index
    %swap3A_51 = vector.load %arg9[%swap3A, %swap3A_50] : memref<1568x64xf32, #tpu.memory_space<vmem>>, vector<1568x64xf32>
    tpu.vector_store %arg9[%swap3A, %swap3A_50], %div3A_49 {strides = array<i32>} : memref<1568x64xf32, #tpu.memory_space<vmem>>, vector<1568x64xf32>,
    return
  }
  func.func @transform_0(%arg0: i32) -> (i32, i32) {
    %c0_i32 = arith.constant 0 : i32
    %c0_i32_0 = arith.constant 0 : i32
    return %arg0, %c0_i32 : i32, i32
  }
  func.func @transform_1(%arg0: i32) -> (i32, i32) {
    %c0_i32 = arith.constant 0 : i32
    %c0_i32_0 = arith.constant 0 : i32
    return %arg0, %c0_i32 : i32, i32
  }
  func.func @transform_2(%arg0: i32) -> (i32, i32) {
    %c0_i32 = arith.constant 0 : i32
    %c0_i32_0 = arith.constant 0 : i32
    return %arg0, %c0_i32 : i32, i32
  }
  func.func @transform_3(%arg0: i32) -> (i32, i32) {
    %c0_i32 = arith.constant 0 : i32
    %c0_i32_0 = arith.constant 0 : i32
    return %arg0, %c0_i32 : i32, i32
  }
  func.func @transform_4(%arg0: i32) -> (i32, i32) {
    %c0_i32 = arith.constant 0 : i32
    %c0_i32_0 = arith.constant 0 : i32
    %c0_i32_1 = arith.constant 0 : i32
    return %c0_i32, %c0_i32_0 : i32, i32
  }
  func.func @transform_5(%arg0: i32) -> (i32, i32) {
    %c0_i32 = arith.constant 0 : i32
    %c0_i32_0 = arith.constant 0 : i32
    %c0_i32_1 = arith.constant 0 : i32
    return %c0_i32, %c0_i32_0 : i32, i32
  }
  func.func @transform_6(%arg0: i32) -> (i32, i32) {
    %c0_i32 = arith.constant 0 : i32
    %c0_i32_0 = arith.constant 0 : i32
    %c0_i32_1 = arith.constant 0 : i32
    return %c0_i32, %c0_i32_0 : i32, i32
  }
  func.func @transform_7(%arg0: i32) -> (i32, i32) {
    %c0_i32 = arith.constant 0 : i32
    %c0_i32_0 = arith.constant 0 : i32
    %c0_i32_1 = arith.constant 0 : i32
    return %c0_i32, %c0_i32_0 : i32, i32
  }
  func.func @transform_8(%arg0: i32) -> (i32, i32) {
    %c0_i32 = arith.constant 0 : i32
    %c0_i32_0 = arith.constant 0 : i32
    return %arg0, %c0_i32 : i32, i32
  }
}

</mosaic_0001>

<sc_bundles>
// kernel: kernel.10.cloned.1.call-start
scs
__scs_entry_jumppad:
0x0: {  	(pc) =	sbr.rel $0x88, $3  }
0x1: {  	(tag) =	ssettag $0x0;
	lr =	simm.s32 $0x1  }
0x2: {  	[smem:$0x3F97] =	sst lr;
	_ =	strace $0xD0000000  }
0x3: {  	_ = 	snop  }
0x4: {  	_ = 	snop  }
0x5: {  	_ = 	snop  }
0x6: {  	_ = 	snop  }
0x7: {  	_ = 	snop  }
__scs_overlays_trampoline_lowered:
0x8: {  	[smem:$0x3FA6] =	sst s0  }
0x9: {  	[smem:$0x3FA7] =	sst s1  }
0xa: {  	[smem:$0x3FA8] =	sst s2  }
0xb: {  	[smem:$0x3FA9] =	sst s3  }
0xc: {  	[smem:$0x3FAA] =	sst s4  }
0xd: {  	[smem:$0x3FAB] =	sst s5  }
0xe: {  	[smem:$0x3FAC] =	sst s6  }
0xf: {  	[smem:$0x3FAD] =	sst s7  }
0x10: {  	[smem:$0x3FAE] =	sst s8  }
0x11: {  	[smem:$0x3FAF] =	sst s9;
	s0 =	simm.s32 @!p0 $0x0  }
0x12: {  	s1 =	sld [smem:$0x3F95];
	s0 =	simm.s32 @p0 $0x1  }
0x13: {  	[smem:$0x3FB0] =	sst s0;
	s0 =	simm.s32 @!p1 $0x0  }
0x14: {  	s2 =	sld [smem:$0x3F94];
	s0 =	simm.s32 @p1 $0x1  }
0x15: {  	[smem:$0x3FB1] =	sst s0;
	s0 =	simm.s32 @!p2 $0x0  }
0x16: {  	s3 =	sld [smem:$0x3FDB];
	s0 =	simm.s32 @p2 $0x1  }
0x17: {  	s4 =	simm.s32 $0x1BF5;
	[smem:$0x3FB3] =	sst s0  }
0x18: {  	s0 =	sld [smem:$0x3F96];
	_ =	swait.ge [sflag:s4], $0x0  }
0x19: {  	s7 =	sld [smem:$0x3F97]  }
0x1a: {  	s8 =	sadd.s32 $0xFFFFE003, lr  }
0x1b: {  	s9 =	sadd.s32 $0xFFFFFEF7, lr;
	s5 =	simm.s32 $0xFFFFFFFF;
	p2 =	slt.u32 s8, $0xFFFFF086  }
0x1c: {  	p1 =	slt.u32 s9, $0xF7A;
	s5 =	simm.s32 @!p2 $0x0  }
0x1d: {  	s5 =	simm.s32 @p1 $0x1;
	p0 =	seq.s32 s7, s2  }
0x1e: {  	s7 =	smul.u32 @!p0 $0xF7A, s2;
	p2 =	seq.s32 @!p0 s5, $0x0  }
0x1f: {  	s9 =	smul.u32 $0xF7A, s1;
	s8 =	simm.s32 @!p0 $0x1BF5;
	p2 =	por !p2, p0  }
0x20: {  	[sflag:s8] =	ssyncset.s32 @!p0 $0xFFFFF086;
	s6 =	sadd.s32 @!p0 s3, s7;
	s7 =	simm.s32 @!p0 $0x108  }
0x21: {  	s3 =	sadd.s32 s3, s9;
	s6 =	sadd.s32 @!p0 $0x88, s6;
	s7 =	simm.s32 @p2 $0x1082  }
0x22: {  	[simem:s7], [sflag:s8] =	dma.local @!p0 [hbm:s6], $0xF7A  }
0x23: {  	s9 =	sor.u32 $0xD0000000, s2;
	s6 =	simm.s32 $0x108;
	_ =	swait.ge @!p0 [sflag:s8], $0x0  }
0x24: {  	s3 =	sadd.s32 $0x88, s3;
	s6 =	simm.s32 @!p1 $0x1082;
	[sflag:s4] =	ssyncset.s32 $0xFFFFF086  }
0x25: {  	[simem:s6], [sflag:s4] =	dma.local [hbm:s3], $0xF7A  }
0x26: {  	[smem:$0x3F97] =	sst s1;
	(tag) =	ssettag s2;
	_ =	strace s9  }
0x27: {  	s1 =	sld [smem:$0x3FA7]  }
0x28: {  	s2 =	sld [smem:$0x3FA8]  }
0x29: {  	s4 =	sld [smem:$0x3FAA]  }
0x2a: {  	p0 =	seq.s32 s5, $0x0;
	s5 =	sld [smem:$0x3FAB]  }
0x2b: {  	s6 =	sld [smem:$0x3FAC]  }
0x2c: {  	s7 =	sld [smem:$0x3FAD]  }
0x2d: {  	s3 =	simm.s32 $0x108;
	s8 =	sld [smem:$0x3FAE]  }
0x2e: {  	s3 =	simm.s32 @!p0 $0x1082;
	s9 =	sld [smem:$0x3FAF]  }
0x2f: {  	lr =	sadd.s32 s0, s3;
	s0 =	sld [smem:$0x3FA6]  }
0x30: {  	s3 =	sld [smem:$0x3FA9]  }
0x31: {  	[smem:$0x3FB2] =	sst s10  }
0x32: {  	s10 =	sld [smem:$0x3FB0];
	_ =	sdelay $0x3  }
0x33: {  	p0 =	seq.s32 s10, $0x1;
	s10 =	sld [smem:$0x3FB2];
	_ =	sdelay $0x3  }
0x34: {  	[smem:$0x3FB2] =	sst s10  }
0x35: {  	s10 =	sld [smem:$0x3FB1];
	_ =	sdelay $0x3  }
0x36: {  	p1 =	seq.s32 s10, $0x1;
	s10 =	sld [smem:$0x3FB2];
	_ =	sdelay $0x3  }
0x37: {  	[smem:$0x3FB2] =	sst s10  }
0x38: {  	s10 =	sld [smem:$0x3FB3]  }
0x39: {  	_ = 	snop;
	(pc) =	sbr.ind lr, $3  }
0x3a: {  	_ = 	snop  }
0x3b: {  	_ = 	snop  }
0x3c: {  	p2 =	seq.s32 s10, $0x1;
	s10 =	sld [smem:$0x3FB2]  }
0x3d: {  	_ =	shalt  }
0x3e: {  	_ =	shalt  }
0x3f: {  	_ =	shalt  }
0x40: {  	_ =	shalt  }
0x41: {  	_ =	shalt  }
0x42: {  	_ =	shalt  }
0x43: {  	_ =	shalt  }
0x44: {  	_ =	shalt  }
0x45: {  	_ =	shalt  }
0x46: {  	_ =	shalt  }
0x47: {  	_ =	shalt  }
0x48: {  	_ =	shalt  }
0x49: {  	_ =	shalt  }
0x4a: {  	_ =	shalt  }
0x4b: {  	_ =	shalt  }
0x4c: {  	_ =	shalt  }
0x4d: {  	_ =	shalt  }
0x4e: {  	_ =	shalt  }
0x4f: {  	_ =	shalt  }
0x50: {  	_ =	shalt  }
0x51: {  	_ =	shalt  }
0x52: {  	_ =	shalt  }
0x53: {  	_ =	shalt  }
0x54: {  	_ =	shalt  }
0x55: {  	_ =	shalt  }
0x56: {  	_ =	shalt  }
0x57: {  	_ =	shalt  }
0x58: {  	_ =	shalt  }
0x59: {  	_ =	shalt  }
0x5a: {  	_ =	shalt  }
0x5b: {  	_ =	shalt  }
0x5c: {  	_ =	shalt  }
0x5d: {  	_ =	shalt  }
0x5e: {  	_ =	shalt  }
0x5f: {  	_ =	shalt  }
0x60: {  	_ =	shalt  }
0x61: {  	_ =	shalt  }
0x62: {  	_ =	shalt  }
0x63: {  	_ =	shalt  }
0x64: {  	_ =	shalt  }
0x65: {  	_ =	shalt  }
0x66: {  	_ =	shalt  }
0x67: {  	_ =	shalt  }
0x68: {  	_ =	shalt  }
0x69: {  	_ =	shalt  }
0x6a: {  	_ =	shalt  }
0x6b: {  	_ =	shalt  }
0x6c: {  	_ =	shalt  }
0x6d: {  	_ =	shalt  }
0x6e: {  	_ =	shalt  }
0x6f: {  	_ =	shalt  }
0x70: {  	_ =	shalt  }
0x71: {  	_ =	shalt  }
0x72: {  	_ =	shalt  }
0x73: {  	_ =	shalt  }
0x74: {  	_ =	shalt  }
0x75: {  	_ =	shalt  }
0x76: {  	_ =	shalt  }
0x77: {  	_ =	shalt  }
0x78: {  	_ =	shalt  }
0x79: {  	_ =	shalt  }
0x7a: {  	_ =	shalt  }
0x7b: {  	_ =	shalt  }
0x7c: {  	_ =	shalt  }
0x7d: {  	_ =	shalt  }
0x7e: {  	_ =	shalt  }
0x7f: {  	_ =	shalt  }
0x80: {  	_ =	shalt  }
0x81: {  	_ =	shalt  }
0x82: {  	_ =	shalt  }
0x83: {  	_ =	shalt  }
0x84: {  	_ =	shalt  }
0x85: {  	_ =	shalt  }
0x86: {  	_ =	shalt  }
0x87: {  	_ =	shalt  }
.Lfunc_end0:
.L_simem_size_0:
called_computation_lowered:
.L_overlay_start_0:
0x88: {  	s2 =	sld [smem:$0x3FD9]  }
0x89: {  	s3 =	sld [smem:$0x3FFE];
	_ =	sdelay $0x1  }
0x8a: {  	s1 =	srdreg.scid  }
0x8b: {  	s0 =	sand.u32 $0x1, s1  }
0x8c: {  	s16 =	sshll.u32 s0, $0xA;
	s2 =	sadd.s32 s3, s2  }
0x8d: {  	s2 =	sadd.s32 s2, s16  }
0x8e: {  	[smem:$0x3FBE] =	sst s2  }
0x8f: {  	_ = 	snop  }
0x90: {  	(tm) =	ssettm $0x1  }
0x91: {  	s17 =	sld [smem:$0x3FFB];
	_ =	sdelay $0x3  }
0x92: {  	_ =	strace s17  }
0x93: {  	s2 =	sld [smem:$0x3FFC];
	_ =	sdelay $0x3  }
0x94: {  	_ =	strace s2  }
0x95: {  	s2 =	sld [smem:$0x3FFD];
	_ =	sdelay $0x3  }
0x96: {  	_ =	strace s2  }
0x97: {  	_ =	strace $0x8FFFFFFF  }
0x98: {  	s18 =	sld [smem:$0x3FDB];
	_ =	sdelay $0x1  }
0x99: {  	s19 =	simm.s32 $_scs_section_size  }
0x9a: {  	s4 =	simm.s32 $_size__tile_overlayer_lowered;
	s5 =	simm.s32 $_tile_overlayer_lowered  }
0x9b: {  	s22 =	simm.s32 $0x1BFF;
	s21 =	sshll.u32 s5, $0x1;
	s2 =	sadd.s32 s19, s18  }
0x9c: {  	s6 =	simm.s32 $0x0;
	s20 =	sshll.u32 s4, $0x1;
	s4 =	sadd.s32 s21, s2  }
0x9d: {  	[timem:s6], [sflag:s22] =	dma.local [hbm:s4], s20  }
0x9e: {  	_ =	swait.ge [sflag:s22], s20  }
0x9f: {  	s3 =	ssub.s32 $0x0, s20;
	[sflag:s22] =	ssyncset.done $0x0  }
0xa0: {  	[sflag:s22] =	ssyncadd.s32 s3;
	_ =	sdelay $0x1  }
0xa1: {  	s23 =	simm.s32 $0x1B8B  }
0xa2: {  	_ =	swait.ge [sflag:s23], $0x1  }
0xa3: {  	[sflag:s23] =	ssyncset.done $0x0  }
0xa4: {  	s25 =	simm.s32 $0x1B8E;
	s24 =	sld [smem:$0x3FFE];
	[sflag:s23] =	ssyncadd.s32 $0xFFFFFFFF  }
0xa5: {  	s26 =	simm.s32 $execute0_lowered;
	[smem:$0x3FD2] =	sst s25  }
0xa6: {  	s4 =	sshll.u32 s26, $0x1;
	_ =	strace $0x80000046;
	[dreg:$0x1] =	wrdreg $0xFFFFFFFF  }
0xa7: {  	s28 =	simm.s32 $_size_execute0_lowered;
	s2 =	sadd.s32 s2, s4;
	[dreg:$0x0] =	wrdreg $0x0  }
0xa8: {  	s4 =	sshll.u32 s28, $0x1;
	[dreg:$0x2] =	wrdreg s2  }
0xa9: {  	[dreg:$0x3] =	wrdreg s4  }
0xaa: {  	[dreg:$0x4] =	wrdreg $0xC0  }
0xab: {  	_ =	task [dreg:s6], $0x5FFFF  }
0xac: {  	[dreg:$0x1] =	wrdreg $0xFFFFFFFF  }
0xad: {  	[dreg:$0x0] =	wrdreg $0x60  }
0xae: {  	[dreg:$0x2] =	wrdreg s24  }
0xaf: {  	[dreg:$0x3] =	wrdreg $0x0  }
0xb0: {  	[dreg:$0x4] =	wrdreg $0x9  }
0xb1: {  	_ =	task.clear_ibuf [dreg:s6], $0x5FFFF;
	_ =	strace $0x90000046  }
0xb2: {  	s29 =	simm.s32 $0x9;
	_ =	strace $0x80000048  }
0xb3: {  	_ =	swait.ge [sflag:s29], $0x1  }
0xb4: {  	[sflag:s29] =	ssyncadd.s32 $0xFFFFFFFF  }
0xb5: {  	_ =	strace $0x90000048  }
0xb6: {  	_ =	sfence  }
0xb7: {  	s30 =	sld [smem:$0x0];
	_ =	sdelay $0x2  }
0xb8: {  	s31 =	sshll.u32 s1, $0xD;
	s1 =	sshrl.u32 s1, $0x2  }
0xb9: {  	s3 =	sand.u32 $0x4000, s31;
	s1 =	sadd.s32 s1, s30  }
0xba: {  	s0 =	sor.u32 s3, s0;
	s1 =	sshll.u32 s1, $0x11  }
0xbb: {  	s0 =	sor.u32 s1, s0  }
0xbc: {  	s0 =	sadd.s32 $0x8F2B, s0  }
0xbd: {  	[sflag:s0] =	ssyncadd.remote.s32 $0x1  }
0xbe: {  	_ =	sfence.sel $0xFFFF  }
0xbf: {  	[dreg:$0x0] =	wrdreg $0xFFFFFFFF;
	(pc) =	sbr.abs _section_cstart, $3  }
0xc0: {  	[dreg:$0x1] =	wrdreg $0xFFFFFFFF  }
0xc1: {  	_ =	task.clear_ibuf [dreg:s6], $0x2FFFF;
	_ =	strace $0x9FFFFFFF  }
0xc2: {  	(tm) =	ssettm $0x7FFFFFFF  }
0xc3: {  	_ =	shalt  }
tec
execute0_lowered:
.L_overlay_start_1:
0x0: {  	(tag) =	ssettag $0x1  }
0x1: {  	s0 =	rddreg [dreg:$0x0]  }
0x2: {  	s2 =	rddreg [dreg:$0x1]  }
0x3: {  	s4 =	srdreg.scid;
	s1 =	stileid.u32;
	s3 =	simm.s32 $0x0  }
0x4: {  	s12 =	simm.s32 $0x2;
	s13 =	simm.s32 $0x100;
	s14 =	simm.s32 $0x7820  }
0x5: {  	s15 =	simm.s32 $0x8020;
	s16 =	simm.s32 $0x7920;
	s17 =	simm.s32 $0x7A20  }
0x6: {  	s18 =	simm.s32 $0x7B20;
	s19 =	simm.s32 $0x7C20;
	s20 =	simm.s32 $0x7D20  }
0x7: {  	s21 =	simm.s32 $0x7E20;
	s23 =	simm.s32 $0x1;
	s24 =	simm.s32 $0x0  }
0x8: {  	s7 =	sand.u32 $0x1, s4;
	s8 =	smul.u32 $0x6820, s1;
	[smem:$0x7FF] =	sst s3  }
0x9: {  	s4 =	sadd.s32 $0x1EC00, s0;
	s5 =	sadd.s32 $0x5C00, s0;
	s6 =	smul.u32 $0x68200, s7  }
0xa: {  	_ =	strace $0x80000047;
	s10 =	ssub.s32 $0x2, s7;
	s22 =	smul.u32 $0xFFFF9E58, s7  }
0xb: {  	s11 =	sshrl.u32 s10, $0x1;
	s7 =	sadd.s32 s8, s2;
	s9 =	sadd.s32 s8, s6  }
0xc: {  	s6 =	sadd.s32 $0x37C00, s0;
	s10 =	ssub.s32 s10, s11;
	s9 =	sshrl.u32 s9, $0x3  }
0xd: {  	s8 =	smul.u32 $0xC800, s1;
	s11 =	simm.s32 $0x8120;
	s0 =	sadd.s32 s9, s0  }
0xe: {  	v1 =	vimm.f32 $1.000000000e+00;
	v0 =	vmov s22;
	s22 =	simm.s32 $0x7F20;
	s10 =	smax.u32 s10, $0x1;
	s9 =	sadd.s32 $0x38A00, s0  }
.LBB2_1:
0xf: {  	[tilespmem:s11], [sflag:$0x2] =	stream.linear.gather [hbm4b:s6+s3], $0x6820, $0x38;
	[tilespmem:$0xE940] =	vst v63  }
0x10: {  	_ =	swait.ge [sflag:s12], $0x6820  }
0x11: {  	[sflag:s12] =	ssyncset.done $0x0  }
0x12: {  	[sflag:s12] =	ssyncadd.s32 $0xFFFF97E0  }
0x13: {  	[spmem:s7] =	stream.linear.scatter [tilespmem:s11], [sflag:$0x2], $0x6820, $0x38;
	[tilespmem:$0xE940] =	vst v63  }
0x14: {  	_ =	swait.ge [sflag:s12], $0x6820  }
0x15: {  	[sflag:s12] =	ssyncset.done $0x0  }
0x16: {  	[sflag:s12] =	ssyncadd.s32 $0xFFFF97E0  }
0x17: {  	[tilespmem:$0x8020] =	vst v1  }
0x18: {  	[tilespmem:$0x8030] =	vst v1  }
0x19: {  	[tilespmem:$0x8040] =	vst v1  }
0x1a: {  	[tilespmem:$0x8050] =	vst v1  }
0x1b: {  	[tilespmem:$0x8060] =	vst v1  }
0x1c: {  	[tilespmem:$0x8070] =	vst v1  }
0x1d: {  	[tilespmem:$0x8080] =	vst v1  }
0x1e: {  	[tilespmem:$0x8090] =	vst v1  }
0x1f: {  	[tilespmem:$0x80A0] =	vst v1  }
0x20: {  	[tilespmem:$0x80B0] =	vst v1  }
0x21: {  	[tilespmem:$0x80C0] =	vst v1  }
0x22: {  	[tilespmem:$0x80D0] =	vst v1  }
0x23: {  	[tilespmem:$0x80E0] =	vst v1  }
0x24: {  	[tilespmem:$0x80F0] =	vst v1  }
0x25: {  	[tilespmem:$0x8100] =	vst v1  }
0x26: {  	[tilespmem:$0x8110] =	vst v1  }
0x27: {  	s25 =	simm.s32 $0x0;
	[bflag:$0x0] =	sbarrier.arrive $0xFFFF  }
.LBB2_2:
0x28: {  	s0 =	sshll.u32 s25, $0xB  }
0x29: {  	s0 =	sadd.s32 s8, s0  }
0x2a: {  	s0 =	sshrl.u32 s0, $0x3  }
0x2b: {  	s26 =	simm.s32 $0x0;
	s28 =	simm.s32 $0x6820;
	s29 =	sadd.s32 s4, s0  }
0x2c: {  	[tilespmem:s28], [sflag:$0x2] =	stream.linear.gather [hbm4b:s29+s26], $0x800, $0x38;
	[tilespmem:$0xE940] =	vst v63  }
0x2d: {  	_ =	swait.ge [sflag:s12], $0x800  }
0x2e: {  	[sflag:s12] =	ssyncset.done $0x0  }
0x2f: {  	s0 =	sadd.s32 s5, s0;
	s29 =	simm.s32 $0x7020;
	[sflag:s12] =	ssyncadd.s32 $0xFFFFF800  }
0x30: {  	[tilespmem:s29], [sflag:$0x2] =	stream.linear.gather [hbm4b:s0+s26], $0x800, $0x38;
	[tilespmem:$0xE940] =	vst v63  }
0x31: {  	_ =	swait.ge [sflag:s12], $0x800  }
0x32: {  	[sflag:s12] =	ssyncset.done $0x0  }
0x33: {  	s30 =	simm.s32 $0x7820;
	[sflag:s12] =	ssyncadd.s32 $0xFFFFF800  }
.LBB2_3:
0x34: {  	v3 =	vmov s28;
	_ =	sdelay $0x3  }
0x35: {  	v4 =	vmov s29;
	v2 =	vmov s30;
	s31 =	simm.s32 $0x0;
	s0 =	simm.s32 $0x40  }
.LBB2_4:
0x36: {  	p0 =	sne.s32 s0, $0x3C0;
	v5 =	vld.idx.msk [tilespmem:v3+s31+$0x0 ss:$0x1], $0xffff;
	_ =	sdelay $0x3  }
0x37: {  	v6 =	vld.idx.msk [tilespmem:v4+s31+$0x0 ss:$0x1], $0xffff;
	_ =	sdelay $0x1  }
0x38: {  	v5 =	vadd.s32 v0, v5  }
.Ltmp0:
0x39: {  	v7 =	vmul.u32 $0x11, v5;
	(pc) =	sbr.rel @p0 .LBB2_4-.Ltmp0, $4  }
0x3a: {  	vm0 =	vlt.u32 v5, $0x61A8  }
0x3b: {  	v5 =	vnsel vm0, $0x68178, v7  }
0x3c: {  	v5 =	vadd.s32 v6, v5  }
0x3d: {  	[tilespmem:v2+s31+$0x0 ss:$0x1] =	vst.idx.msk $0xffff, v5;
	s31 =	sshra.s32 s0, $0x2;
	s0 =	sadd.s32 $0x40, s0  }
0x3e: {  	_ =	sdelay $0x3  }
0x3f: {  	v3 =	vld.idx.msk [tilespmem:v3+s31+$0x0 ss:$0x1], $0xffff;
	_ =	sdelay $0x3  }
0x40: {  	v4 =	vld.idx.msk [tilespmem:v4+s31+$0x0 ss:$0x1], $0xffff;
	s26 =	sadd.s32 $0x1, s26  }
0x41: {  	p0 =	sne.s32 s26, $0x8;
	v3 =	vadd.s32 v0, v3  }
.Ltmp1:
0x42: {  	v5 =	vmul.u32 $0x11, v3;
	(pc) =	sbr.rel @p0 .LBB2_3-.Ltmp1, $4  }
0x43: {  	vm0 =	vlt.u32 v3, $0x61A8  }
0x44: {  	v3 =	vnsel vm0, $0x68178, v5  }
0x45: {  	v3 =	vadd.s32 v4, v3  }
0x46: {  	s29 =	sadd.s32 $0x100, s29;
	s28 =	sadd.s32 $0x100, s28;
	s30 =	sadd.s32 $0x100, s30;
	[tilespmem:v2+s31+$0x0 ss:$0x1] =	vst.idx.msk $0xffff, v3  }
0x47: {  	[spmem:s2] =	stream.indirect.scatter.add.f32 [tilespmem:s15], [sflag:$0x1], $0x1, s14, s13, $0xb8;
	[tilespmem:$0xE940] =	vst v63  }
0x48: {  	_ = 	snop  }
0x49: {  	[spmem:s2] =	stream.indirect.scatter.add.f32 [tilespmem:s15], [sflag:$0x1], $0x1, s16, s13, $0xb8;
	[tilespmem:$0xE940] =	vst v63  }
0x4a: {  	_ = 	snop  }
0x4b: {  	[spmem:s2] =	stream.indirect.scatter.add.f32 [tilespmem:s15], [sflag:$0x1], $0x1, s17, s13, $0xb8;
	[tilespmem:$0xE940] =	vst v63  }
0x4c: {  	_ = 	snop  }
0x4d: {  	[spmem:s2] =	stream.indirect.scatter.add.f32 [tilespmem:s15], [sflag:$0x1], $0x1, s18, s13, $0xb8;
	[tilespmem:$0xE940] =	vst v63  }
0x4e: {  	_ = 	snop  }
0x4f: {  	[spmem:s2] =	stream.indirect.scatter.add.f32 [tilespmem:s15], [sflag:$0x1], $0x1, s19, s13, $0xb8;
	[tilespmem:$0xE940] =	vst v63  }
0x50: {  	_ = 	snop  }
0x51: {  	[spmem:s2] =	stream.indirect.scatter.add.f32 [tilespmem:s15], [sflag:$0x1], $0x1, s20, s13, $0xb8;
	[tilespmem:$0xE940] =	vst v63  }
0x52: {  	_ = 	snop  }
0x53: {  	[spmem:s2] =	stream.indirect.scatter.add.f32 [tilespmem:s15], [sflag:$0x1], $0x1, s21, s13, $0xb8;
	[tilespmem:$0xE940] =	vst v63  }
0x54: {  	_ = 	snop  }
0x55: {  	[spmem:s2] =	stream.indirect.scatter.add.f32 [tilespmem:s15], [sflag:$0x1], $0x1, s22, s13, $0xb8;
	[tilespmem:$0xE940] =	vst v63  }
0x56: {  	_ =	swait.ge [sflag:s23], $0x100  }
0x57: {  	[sflag:s23] =	ssyncset.done $0x0  }
0x58: {  	[sflag:s23] =	ssyncadd.s32 $0xFFFFFF00  }
0x59: {  	_ =	swait.ge [sflag:s23], $0x100  }
0x5a: {  	[sflag:s23] =	ssyncset.done $0x0  }
0x5b: {  	[sflag:s23] =	ssyncadd.s32 $0xFFFFFF00  }
0x5c: {  	_ =	swait.ge [sflag:s23], $0x100  }
0x5d: {  	[sflag:s23] =	ssyncset.done $0x0  }
0x5e: {  	[sflag:s23] =	ssyncadd.s32 $0xFFFFFF00  }
0x5f: {  	_ =	swait.ge [sflag:s23], $0x100  }
0x60: {  	[sflag:s23] =	ssyncset.done $0x0  }
0x61: {  	[sflag:s23] =	ssyncadd.s32 $0xFFFFFF00  }
0x62: {  	_ =	swait.ge [sflag:s23], $0x100  }
0x63: {  	[sflag:s23] =	ssyncset.done $0x0  }
0x64: {  	[sflag:s23] =	ssyncadd.s32 $0xFFFFFF00  }
0x65: {  	_ =	swait.ge [sflag:s23], $0x100  }
0x66: {  	[sflag:s23] =	ssyncset.done $0x0  }
0x67: {  	s25 =	sadd.s32 $0x1, s25;
	[sflag:s23] =	ssyncadd.s32 $0xFFFFFF00  }
0x68: {  	p0 =	sne.s32 s25, $0x19;
	_ =	swait.ge [sflag:s23], $0x100  }
.Ltmp2:
0x69: {  	[sflag:s23] =	ssyncset.done $0x0;
	(pc) =	sbr.rel @p0 .LBB2_2-.Ltmp2, $4  }
0x6a: {  	[sflag:s23] =	ssyncadd.s32 $0xFFFFFF00  }
0x6b: {  	_ =	swait.ge [sflag:s23], $0x100  }
0x6c: {  	[sflag:s23] =	ssyncset.done $0x0  }
0x6d: {  	[sflag:s23] =	ssyncadd.s32 $0xFFFFFF00  }
0x6e: {  	[bflag:$0x0] =	sbarrier.arrive $0xFFFF  }
0x6f: {  	[tilespmem:s11], [sflag:$0x2] =	stream.linear.gather [spmem:s7], $0x6820, $0x38;
	[tilespmem:$0xE940] =	vst v63  }
0x70: {  	s24 =	sadd.s32 $0x1, s24;
	_ =	swait.ge [sflag:s12], $0x6820  }
0x71: {  	p0 =	sne.s32 s24, s10;
	[sflag:s12] =	ssyncset.done $0x0  }
.Ltmp3:
0x72: {  	[sflag:s12] =	ssyncadd.s32 $0xFFFF97E0;
	(pc) =	sbr.rel @p0 .LBB2_1-.Ltmp3, $4  }
0x73: {  	[hbm4b:s9+s3] =	stream.linear.scatter [tilespmem:s11], [sflag:$0x2], $0x6820, $0x38;
	[tilespmem:$0xE940] =	vst v63  }
0x74: {  	_ =	swait.ge [sflag:s12], $0x6820  }
0x75: {  	[sflag:s12] =	ssyncset.done $0x0  }
0x76: {  	[sflag:s12] =	ssyncadd.s32 $0xFFFF97E0  }
0x77: {  	_ =	sfence.sel $0x180000  }
0x78: {  	[bflag:$0x0] =	sbarrier.arrive $0xFFFF  }
0x79: {  	_ =	strace $0x90000047  }
0x7a: {  	[bflag:$0x2] =	sbarrier.arrive $0xFFFF  }
0x7b: {  	p0 =	sne.s32 s1, $0x0;
	s0 =	rddreg [dreg:$0x2]  }
0x7c: {  	s0 =	sadd.s32 @!p0 $0x100000, s0  }
0x7d: {  	[sflag:s0] =	ssyncadd.tile.s32 @!p0 $0x1;
	_ =	shalt  }
.Lfunc_end2:
_tile_overlayer_lowered:
.L_overlay_start_2:
0x7e: {  	(tag) =	ssettag $0x2  }
0x7f: {  	s0 =	rddreg [dreg:$0x0];
	s2 =	stileid.u32  }
0x80: {  	s1 =	rddreg [dreg:$0x1];
	p0 =	sne.s32 s2, $0x0  }
0x81: {  	s3 =	rddreg [dreg:$0x2];
	[bflag:$0x3] =	sbarrier.arrive $0xFFFF;
	s2 =	simm.s32 @!p0 $0x1C02  }
0x82: {  	[timem:s3], [sflag:s2] =	dma.local @!p0 [hbm:s0], s1  }
0x83: {  	s0 =	simm.s32 @!p0 $0x2  }
0x84: {  	_ =	swait.ge @!p0 [sflag:s0], s1  }
0x85: {  	s1 =	ssub.s32 @!p0 $0x0, s1;
	[sflag:s0] =	ssyncset.done @!p0 $0x0  }
0x86: {  	[sflag:s0] =	ssyncadd.s32 @!p0 s1  }
0x87: {  	[bflag:$0x3] =	sbarrier.arrive $0xFFFF  }
0x88: {  	_ =	shalt  }

// kernel: kernel.13.cloned.1.call-start
scs
__scs_entry_jumppad:
0x0: {  	(pc) =	sbr.rel $0x88, $3  }
0x1: {  	(tag) =	ssettag $0x0;
	lr =	simm.s32 $0x1  }
0x2: {  	[smem:$0x3F97] =	sst lr;
	_ =	strace $0xD0000000  }
0x3: {  	_ = 	snop  }
0x4: {  	_ = 	snop  }
0x5: {  	_ = 	snop  }
0x6: {  	_ = 	snop  }
0x7: {  	_ = 	snop  }
__scs_overlays_trampoline_lowered:
0x8: {  	[smem:$0x3FA6] =	sst s0  }
0x9: {  	[smem:$0x3FA7] =	sst s1  }
0xa: {  	[smem:$0x3FA8] =	sst s2  }
0xb: {  	[smem:$0x3FA9] =	sst s3  }
0xc: {  	[smem:$0x3FAA] =	sst s4  }
0xd: {  	[smem:$0x3FAB] =	sst s5  }
0xe: {  	[smem:$0x3FAC] =	sst s6  }
0xf: {  	[smem:$0x3FAD] =	sst s7  }
0x10: {  	[smem:$0x3FAE] =	sst s8  }
0x11: {  	[smem:$0x3FAF] =	sst s9;
	s0 =	simm.s32 @!p0 $0x0  }
0x12: {  	s1 =	sld [smem:$0x3F95];
	s0 =	simm.s32 @p0 $0x1  }
0x13: {  	[smem:$0x3FB0] =	sst s0;
	s0 =	simm.s32 @!p1 $0x0  }
0x14: {  	s2 =	sld [smem:$0x3F94];
	s0 =	simm.s32 @p1 $0x1  }
0x15: {  	[smem:$0x3FB1] =	sst s0;
	s0 =	simm.s32 @!p2 $0x0  }
0x16: {  	s3 =	sld [smem:$0x3FDB];
	s0 =	simm.s32 @p2 $0x1  }
0x17: {  	s4 =	simm.s32 $0x1BF5;
	[smem:$0x3FB3] =	sst s0  }
0x18: {  	s0 =	sld [smem:$0x3F96];
	_ =	swait.ge [sflag:s4], $0x0  }
0x19: {  	s7 =	sld [smem:$0x3F97]  }
0x1a: {  	s8 =	sadd.s32 $0xFFFFE003, lr  }
0x1b: {  	s9 =	sadd.s32 $0xFFFFFEF7, lr;
	s5 =	simm.s32 $0xFFFFFFFF;
	p2 =	slt.u32 s8, $0xFFFFF086  }
0x1c: {  	p1 =	slt.u32 s9, $0xF7A;
	s5 =	simm.s32 @!p2 $0x0  }
0x1d: {  	s5 =	simm.s32 @p1 $0x1;
	p0 =	seq.s32 s7, s2  }
0x1e: {  	s7 =	smul.u32 @!p0 $0xF7A, s2;
	p2 =	seq.s32 @!p0 s5, $0x0  }
0x1f: {  	s9 =	smul.u32 $0xF7A, s1;
	s8 =	simm.s32 @!p0 $0x1BF5;
	p2 =	por !p2, p0  }
0x20: {  	[sflag:s8] =	ssyncset.s32 @!p0 $0xFFFFF086;
	s6 =	sadd.s32 @!p0 s3, s7;
	s7 =	simm.s32 @!p0 $0x108  }
0x21: {  	s3 =	sadd.s32 s3, s9;
	s6 =	sadd.s32 @!p0 $0x88, s6;
	s7 =	simm.s32 @p2 $0x1082  }
0x22: {  	[simem:s7], [sflag:s8] =	dma.local @!p0 [hbm:s6], $0xF7A  }
0x23: {  	s9 =	sor.u32 $0xD0000000, s2;
	s6 =	simm.s32 $0x108;
	_ =	swait.ge @!p0 [sflag:s8], $0x0  }
0x24: {  	s3 =	sadd.s32 $0x88, s3;
	s6 =	simm.s32 @!p1 $0x1082;
	[sflag:s4] =	ssyncset.s32 $0xFFFFF086  }
0x25: {  	[simem:s6], [sflag:s4] =	dma.local [hbm:s3], $0xF7A  }
0x26: {  	[smem:$0x3F97] =	sst s1;
	(tag) =	ssettag s2;
	_ =	strace s9  }
0x27: {  	s1 =	sld [smem:$0x3FA7]  }
0x28: {  	s2 =	sld [smem:$0x3FA8]  }
0x29: {  	s4 =	sld [smem:$0x3FAA]  }
0x2a: {  	p0 =	seq.s32 s5, $0x0;
	s5 =	sld [smem:$0x3FAB]  }
0x2b: {  	s6 =	sld [smem:$0x3FAC]  }
0x2c: {  	s7 =	sld [smem:$0x3FAD]  }
0x2d: {  	s3 =	simm.s32 $0x108;
	s8 =	sld [smem:$0x3FAE]  }
0x2e: {  	s3 =	simm.s32 @!p0 $0x1082;
	s9 =	sld [smem:$0x3FAF]  }
0x2f: {  	lr =	sadd.s32 s0, s3;
	s0 =	sld [smem:$0x3FA6]  }
0x30: {  	s3 =	sld [smem:$0x3FA9]  }
0x31: {  	[smem:$0x3FB2] =	sst s10  }
0x32: {  	s10 =	sld [smem:$0x3FB0];
	_ =	sdelay $0x3  }
0x33: {  	p0 =	seq.s32 s10, $0x1;
	s10 =	sld [smem:$0x3FB2];
	_ =	sdelay $0x3  }
0x34: {  	[smem:$0x3FB2] =	sst s10  }
0x35: {  	s10 =	sld [smem:$0x3FB1];
	_ =	sdelay $0x3  }
0x36: {  	p1 =	seq.s32 s10, $0x1;
	s10 =	sld [smem:$0x3FB2];
	_ =	sdelay $0x3  }
0x37: {  	[smem:$0x3FB2] =	sst s10  }
0x38: {  	s10 =	sld [smem:$0x3FB3]  }
0x39: {  	_ = 	snop;
	(pc) =	sbr.ind lr, $3  }
0x3a: {  	_ = 	snop  }
0x3b: {  	_ = 	snop  }
0x3c: {  	p2 =	seq.s32 s10, $0x1;
	s10 =	sld [smem:$0x3FB2]  }
0x3d: {  	_ =	shalt  }
0x3e: {  	_ =	shalt  }
0x3f: {  	_ =	shalt  }
0x40: {  	_ =	shalt  }
0x41: {  	_ =	shalt  }
0x42: {  	_ =	shalt  }
0x43: {  	_ =	shalt  }
0x44: {  	_ =	shalt  }
0x45: {  	_ =	shalt  }
0x46: {  	_ =	shalt  }
0x47: {  	_ =	shalt  }
0x48: {  	_ =	shalt  }
0x49: {  	_ =	shalt  }
0x4a: {  	_ =	shalt  }
0x4b: {  	_ =	shalt  }
0x4c: {  	_ =	shalt  }
0x4d: {  	_ =	shalt  }
0x4e: {  	_ =	shalt  }
0x4f: {  	_ =	shalt  }
0x50: {  	_ =	shalt  }
0x51: {  	_ =	shalt  }
0x52: {  	_ =	shalt  }
0x53: {  	_ =	shalt  }
0x54: {  	_ =	shalt  }
0x55: {  	_ =	shalt  }
0x56: {  	_ =	shalt  }
0x57: {  	_ =	shalt  }
0x58: {  	_ =	shalt  }
0x59: {  	_ =	shalt  }
0x5a: {  	_ =	shalt  }
0x5b: {  	_ =	shalt  }
0x5c: {  	_ =	shalt  }
0x5d: {  	_ =	shalt  }
0x5e: {  	_ =	shalt  }
0x5f: {  	_ =	shalt  }
0x60: {  	_ =	shalt  }
0x61: {  	_ =	shalt  }
0x62: {  	_ =	shalt  }
0x63: {  	_ =	shalt  }
0x64: {  	_ =	shalt  }
0x65: {  	_ =	shalt  }
0x66: {  	_ =	shalt  }
0x67: {  	_ =	shalt  }
0x68: {  	_ =	shalt  }
0x69: {  	_ =	shalt  }
0x6a: {  	_ =	shalt  }
0x6b: {  	_ =	shalt  }
0x6c: {  	_ =	shalt  }
0x6d: {  	_ =	shalt  }
0x6e: {  	_ =	shalt  }
0x6f: {  	_ =	shalt  }
0x70: {  	_ =	shalt  }
0x71: {  	_ =	shalt  }
0x72: {  	_ =	shalt  }
0x73: {  	_ =	shalt  }
0x74: {  	_ =	shalt  }
0x75: {  	_ =	shalt  }
0x76: {  	_ =	shalt  }
0x77: {  	_ =	shalt  }
0x78: {  	_ =	shalt  }
0x79: {  	_ =	shalt  }
0x7a: {  	_ =	shalt  }
0x7b: {  	_ =	shalt  }
0x7c: {  	_ =	shalt  }
0x7d: {  	_ =	shalt  }
0x7e: {  	_ =	shalt  }
0x7f: {  	_ =	shalt  }
0x80: {  	_ =	shalt  }
0x81: {  	_ =	shalt  }
0x82: {  	_ =	shalt  }
0x83: {  	_ =	shalt  }
0x84: {  	_ =	shalt  }
0x85: {  	_ =	shalt  }
0x86: {  	_ =	shalt  }
0x87: {  	_ =	shalt  }
.Lfunc_end0:
.L_simem_size_0:
called_computation.1_lowered:
.L_overlay_start_0:
0x88: {  	s2 =	sld [smem:$0x3FD9]  }
0x89: {  	s3 =	sld [smem:$0x3FFE];
	_ =	sdelay $0x1  }
0x8a: {  	s1 =	srdreg.scid  }
0x8b: {  	s0 =	sand.u32 $0x1, s1  }
0x8c: {  	s17 =	sshll.u32 s0, $0xA;
	s2 =	sadd.s32 s3, s2  }
0x8d: {  	s2 =	sadd.s32 s2, s17  }
0x8e: {  	[smem:$0x3FBE] =	sst s2  }
0x8f: {  	_ = 	snop  }
0x90: {  	(tm) =	ssettm $0x1  }
0x91: {  	s18 =	sld [smem:$0x3FFB];
	_ =	sdelay $0x3  }
0x92: {  	_ =	strace s18  }
0x93: {  	s2 =	sld [smem:$0x3FFC];
	_ =	sdelay $0x3  }
0x94: {  	_ =	strace s2  }
0x95: {  	s2 =	sld [smem:$0x3FFD];
	_ =	sdelay $0x3  }
0x96: {  	_ =	strace s2  }
0x97: {  	_ =	strace $0x8FFFFFFF  }
0x98: {  	s19 =	sld [smem:$0x3FDB];
	_ =	sdelay $0x1  }
0x99: {  	s20 =	simm.s32 $_scs_section_size  }
0x9a: {  	s4 =	simm.s32 $_size__tile_overlayer_lowered;
	s5 =	simm.s32 $_tile_overlayer_lowered  }
0x9b: {  	s6 =	simm.s32 $0x1BFF;
	s21 =	sshll.u32 s5, $0x1;
	s3 =	sadd.s32 s20, s19  }
0x9c: {  	s22 =	simm.s32 $0x0;
	s4 =	sshll.u32 s4, $0x1;
	s5 =	sadd.s32 s21, s3  }
0x9d: {  	[timem:s22], [sflag:s6] =	dma.local [hbm:s5], s4  }
0x9e: {  	_ =	swait.ge [sflag:s6], s4  }
0x9f: {  	s4 =	ssub.s32 $0x0, s4;
	[sflag:s6] =	ssyncset.done $0x0  }
0xa0: {  	[sflag:s6] =	ssyncadd.s32 s4;
	_ =	sdelay $0x1  }
0xa1: {  	s23 =	simm.s32 $0x1B8B  }
0xa2: {  	_ =	swait.ge [sflag:s23], $0x1  }
0xa3: {  	[sflag:s23] =	ssyncset.done $0x0  }
0xa4: {  	[sflag:s23] =	ssyncadd.s32 $0xFFFFFFFF  }
0xa5: {  	s4 =	sld [smem:$0x0]  }
0xa6: {  	s5 =	sand.u32 $0xFFFFFFFE, s1  }
0xa7: {  	p0 =	sne.s32 s1, s5  }
0xa8: {  	s5 =	sshll.u32 @p0 s5, $0xE  }
0xa9: {  	s5 =	sadd.s32 @p0 $0x11B8D, s5;
	s6 =	sshll.u32 @p0 s4, $0x11  }
0xaa: {  	s5 =	sor.u32 @p0 s6, s5  }
0xab: {  	[sflag:s5] =	ssyncadd.remote.s32 @p0 $0x1;
	_ =	sdelay $0x1  }
0xac: {  	s5 =	simm.s32 @p0 $0x1B8D  }
0xad: {  	_ =	swait.eq @p0 [sflag:s5], $0x1  }
0xae: {  	[sflag:s5] =	ssyncadd.s32 @p0 $0xFFFFFFFF  }
0xaf: {  	s6 =	sshll.u32 @!p0 s1, $0xE  }
0xb0: {  	s6 =	sor.u32 @!p0 $0x4000, s6;
	s5 =	simm.s32 @!p0 $0x1B8D  }
0xb1: {  	s4 =	sshll.u32 @!p0 s4, $0x11;
	s6 =	sadd.s32 @!p0 $0x11B8D, s6;
	_ =	swait.eq @!p0 [sflag:s5], $0x1  }
0xb2: {  	s4 =	sor.u32 @!p0 s4, s6;
	[sflag:s5] =	ssyncadd.s32 @!p0 $0xFFFFFFFF  }
0xb3: {  	s25 =	simm.s32 $0x1B8E;
	s24 =	sld [smem:$0x3FFE];
	[sflag:s4] =	ssyncadd.remote.s32 @!p0 $0x1  }
0xb4: {  	s26 =	simm.s32 $execute0_lowered;
	[smem:$0x3FD2] =	sst s25  }
0xb5: {  	s5 =	sshll.u32 s26, $0x1;
	_ =	strace $0x80000049;
	[dreg:$0x1] =	wrdreg $0xFFFFFFFF  }
0xb6: {  	s28 =	simm.s32 $_size_execute0_lowered;
	s3 =	sadd.s32 s3, s5;
	[dreg:$0x0] =	wrdreg $0x0  }
0xb7: {  	s5 =	sshll.u32 s28, $0x1;
	[dreg:$0x2] =	wrdreg s3  }
0xb8: {  	[dreg:$0x3] =	wrdreg s5  }
0xb9: {  	[dreg:$0x4] =	wrdreg $0xC0  }
0xba: {  	_ =	task [dreg:s22], $0x5FFFF  }
0xbb: {  	[dreg:$0x1] =	wrdreg $0xFFFFFFFF  }
0xbc: {  	[dreg:$0x0] =	wrdreg $0x60  }
0xbd: {  	[dreg:$0x2] =	wrdreg s24  }
0xbe: {  	[dreg:$0x3] =	wrdreg $0x0  }
0xbf: {  	[dreg:$0x4] =	wrdreg $0xA  }
0xc0: {  	_ =	task.clear_ibuf [dreg:s22], $0x5FFFF;
	_ =	strace $0x90000049  }
0xc1: {  	s29 =	simm.s32 $0xA;
	_ =	strace $0x8000004B  }
0xc2: {  	_ =	swait.ge [sflag:s29], $0x1  }
0xc3: {  	[sflag:s29] =	ssyncadd.s32 $0xFFFFFFFF  }
0xc4: {  	_ =	strace $0x9000004B  }
0xc5: {  	_ =	sfence  }
0xc6: {  	s30 =	sld [smem:$0x0];
	_ =	sdelay $0x2  }
0xc7: {  	s31 =	sshll.u32 s1, $0xD;
	s1 =	sshrl.u32 s1, $0x2  }
0xc8: {  	s4 =	sand.u32 $0x4000, s31;
	s1 =	sadd.s32 s1, s30  }
0xc9: {  	s0 =	sor.u32 s4, s0;
	s1 =	sshll.u32 s1, $0x11  }
0xca: {  	s0 =	sor.u32 s1, s0  }
0xcb: {  	s0 =	sadd.s32 $0x8F2B, s0  }
0xcc: {  	[sflag:s0] =	ssyncadd.remote.s32 $0x1  }
0xcd: {  	_ =	sfence.sel $0xFFFF  }
0xce: {  	[dreg:$0x0] =	wrdreg $0xFFFFFFFF;
	(pc) =	sbr.abs _section_cstart, $3  }
0xcf: {  	[dreg:$0x1] =	wrdreg $0xFFFFFFFF  }
0xd0: {  	_ =	task.clear_ibuf [dreg:s22], $0x2FFFF;
	_ =	strace $0x9FFFFFFF  }
0xd1: {  	(tm) =	ssettm $0x7FFFFFFF  }
tec
execute0_lowered:
.L_overlay_start_1:
0x0: {  	(tag) =	ssettag $0x1  }
0x1: {  	s0 =	rddreg [dreg:$0x0]  }
0x2: {  	s1 =	rddreg [dreg:$0x1];
	s2 =	simm.s32 $0x0;
	s3 =	srdreg.scid  }
0x3: {  	s10 =	stileid.u32;
	[smem:$0x7FF] =	sst s2  }
0x4: {  	s3 =	sand.u32 $0x1, s3;
	s4 =	sadd.s32 $0x178400, s0;
	s6 =	sadd.s32 $0x116400, s0  }
0x5: {  	s5 =	sadd.s32 $0x1EC00, s0;
	s8 =	smul.u32 $0x62000, s10;
	s9 =	sadd.s32 $0x191400, s0  }
0x6: {  	_ =	strace $0x8000004A;
	s7 =	smul.u32 $0x31000, s3;
	s24 =	ssub.s32 $0x2, s3  }
0x7: {  	[dreg:$0x3] =	wrdreg s9;
	s25 =	sshrl.u32 s24, $0x1;
	s26 =	sshrl.u32 s8, $0x2  }
0x8: {  	s0 =	sadd.s32 s7, s0;
	s7 =	ssub.s32 s24, s25;
	s30 =	sadd.s32 s26, s1  }
0x9: {  	s11 =	smax.u32 s7, $0x1;
	[dreg:$0x4] =	wrdreg s30  }
0xa: {  	s12 =	sadd.s32 $0x1C00, s30;
	[dreg:$0x5] =	wrdreg s11  }
0xb: {  	s28 =	simm.s32 $0x1;
	s13 =	sadd.s32 $0x3800, s30;
	[dreg:$0x6] =	wrdreg s12  }
0xc: {  	s29 =	simm.s32 $0x18800;
	s14 =	sadd.s32 $0x5400, s30;
	[dreg:$0x7] =	wrdreg s13  }
0xd: {  	s31 =	simm.s32 $0x100;
	s15 =	sadd.s32 $0x7000, s30;
	[dreg:$0x8] =	wrdreg s14  }
0xe: {  	s19 =	smul.u32 $0x3100, s10;
	s16 =	sadd.s32 $0x8C00, s30;
	[dreg:$0x9] =	wrdreg s15  }
0xf: {  	s20 =	smul.u32 $0xFFFF9E58, s3;
	s17 =	sadd.s32 $0xA800, s30;
	[dreg:$0xa] =	wrdreg s16  }
0x10: {  	s3 =	simm.s32 $0x18900;
	s18 =	sadd.s32 $0xC400, s30;
	[dreg:$0xb] =	wrdreg s17  }
0x11: {  	s8 =	smul.u32 $0xC800, s10;
	s21 =	sadd.s32 $0xE000, s30;
	[dreg:$0xc] =	wrdreg s18  }
0x12: {  	s10 =	simm.s32 $0x18A00;
	s22 =	sadd.s32 $0xFC00, s30;
	[dreg:$0xd] =	wrdreg s21  }
0x13: {  	v0 =	vmov s20;
	s20 =	simm.s32 $0x18F00;
	s23 =	sadd.s32 $0x11800, s30;
	[dreg:$0xe] =	wrdreg s22  }
0x14: {  	s24 =	sadd.s32 $0x13400, s30;
	s25 =	sadd.s32 $0x15000, s30;
	[dreg:$0xf] =	wrdreg s23  }
0x15: {  	s0 =	sadd.s32 s19, s0;
	s26 =	sadd.s32 $0x16C00, s30;
	[dreg:$0x10] =	wrdreg s24  }
0x16: {  	s7 =	simm.s32 $0x19900;
	s19 =	simm.s32 $0x19E00;
	[dreg:$0x11] =	wrdreg s25  }
0x17: {  	[dreg:$0x12] =	wrdreg s26;
	s24 =	sadd.s32 $0x191800, s0;
	s25 =	simm.s32 $0x1A000  }
0x18: {  	s26 =	simm.s32 $0x2;
	s0 =	simm.s32 $0x19800;
	s11 =	simm.s32 $0x19A00  }
0x19: {  	s12 =	simm.s32 $0x18B00;
	s13 =	simm.s32 $0x19B00;
	s14 =	simm.s32 $0x18C00  }
0x1a: {  	s15 =	simm.s32 $0x19C00;
	s16 =	simm.s32 $0x18D00;
	s17 =	simm.s32 $0x19D00  }
0x1b: {  	s18 =	simm.s32 $0x18E00;
	s21 =	simm.s32 $0x19F00;
	s22 =	simm.s32 $0x0  }
.LBB2_1:
0x1c: {  	[dreg:$0x13] =	wrdreg s22  }
0x1d: {  	s9 =	rddreg [dreg:$0x3]  }
0x1e: {  	[tilespmem:s25], [sflag:$0x2] =	stream.linear.gather [hbm4b:s9+s2], $0x1C00, $0x38;
	[tilespmem:$0x1E000] =	vst v63  }
0x1f: {  	_ =	swait.ge [sflag:s26], $0x1C00  }
0x20: {  	[sflag:s26] =	ssyncset.done $0x0  }
0x21: {  	[sflag:s26] =	ssyncadd.s32 $0xFFFFE400  }
0x22: {  	[spmem:s30] =	stream.linear.scatter [tilespmem:s25], [sflag:$0x1], $0x1C00, $0x38;
	[tilespmem:$0x1E000] =	vst v63  }
0x23: {  	s30 =	rddreg [dreg:$0x6]  }
0x24: {  	[spmem:s30] =	stream.linear.scatter [tilespmem:s25], [sflag:$0x1], $0x1C00, $0x38;
	[tilespmem:$0x1E000] =	vst v63  }
0x25: {  	s22 =	rddreg [dreg:$0x7]  }
0x26: {  	[spmem:s22] =	stream.linear.scatter [tilespmem:s25], [sflag:$0x1], $0x1C00, $0x38;
	[tilespmem:$0x1E000] =	vst v63  }
0x27: {  	s23 =	rddreg [dreg:$0x8]  }
0x28: {  	[spmem:s23] =	stream.linear.scatter [tilespmem:s25], [sflag:$0x1], $0x1C00, $0x38;
	[tilespmem:$0x1E000] =	vst v63  }
0x29: {  	s30 =	rddreg [dreg:$0x9]  }
0x2a: {  	[spmem:s30] =	stream.linear.scatter [tilespmem:s25], [sflag:$0x1], $0x1C00, $0x38;
	[tilespmem:$0x1E000] =	vst v63  }
0x2b: {  	s22 =	rddreg [dreg:$0xa]  }
0x2c: {  	[spmem:s22] =	stream.linear.scatter [tilespmem:s25], [sflag:$0x1], $0x1C00, $0x38;
	[tilespmem:$0x1E000] =	vst v63  }
0x2d: {  	s23 =	rddreg [dreg:$0xb]  }
0x2e: {  	[spmem:s23] =	stream.linear.scatter [tilespmem:s25], [sflag:$0x1], $0x1C00, $0x38;
	[tilespmem:$0x1E000] =	vst v63  }
0x2f: {  	s30 =	rddreg [dreg:$0xc]  }
0x30: {  	[spmem:s30] =	stream.linear.scatter [tilespmem:s25], [sflag:$0x1], $0x1C00, $0x38;
	[tilespmem:$0x1E000] =	vst v63  }
0x31: {  	s22 =	rddreg [dreg:$0xd]  }
0x32: {  	[spmem:s22] =	stream.linear.scatter [tilespmem:s25], [sflag:$0x1], $0x1C00, $0x38;
	[tilespmem:$0x1E000] =	vst v63  }
0x33: {  	s23 =	rddreg [dreg:$0xe]  }
0x34: {  	[spmem:s23] =	stream.linear.scatter [tilespmem:s25], [sflag:$0x1], $0x1C00, $0x38;
	[tilespmem:$0x1E000] =	vst v63  }
0x35: {  	s30 =	rddreg [dreg:$0xf]  }
0x36: {  	[spmem:s30] =	stream.linear.scatter [tilespmem:s25], [sflag:$0x1], $0x1C00, $0x38;
	[tilespmem:$0x1E000] =	vst v63  }
0x37: {  	s22 =	rddreg [dreg:$0x10]  }
0x38: {  	[spmem:s22] =	stream.linear.scatter [tilespmem:s25], [sflag:$0x1], $0x1C00, $0x38;
	[tilespmem:$0x1E000] =	vst v63  }
0x39: {  	s23 =	rddreg [dreg:$0x11]  }
0x3a: {  	[spmem:s23] =	stream.linear.scatter [tilespmem:s25], [sflag:$0x1], $0x1C00, $0x38;
	[tilespmem:$0x1E000] =	vst v63  }
0x3b: {  	s30 =	rddreg [dreg:$0x12]  }
0x3c: {  	[spmem:s30] =	stream.linear.scatter [tilespmem:s25], [sflag:$0x1], $0x1C00, $0x38;
	[tilespmem:$0x1E000] =	vst v63  }
0x3d: {  	_ =	swait.ge [sflag:s28], $0x1C00  }
0x3e: {  	[sflag:s28] =	ssyncset.done $0x0  }
0x3f: {  	[sflag:s28] =	ssyncadd.s32 $0xFFFFE400  }
0x40: {  	_ =	swait.ge [sflag:s28], $0x1C00  }
0x41: {  	[sflag:s28] =	ssyncset.done $0x0  }
0x42: {  	[sflag:s28] =	ssyncadd.s32 $0xFFFFE400  }
0x43: {  	_ =	swait.ge [sflag:s28], $0x1C00  }
0x44: {  	[sflag:s28] =	ssyncset.done $0x0  }
0x45: {  	[sflag:s28] =	ssyncadd.s32 $0xFFFFE400  }
0x46: {  	_ =	swait.ge [sflag:s28], $0x1C00  }
0x47: {  	[sflag:s28] =	ssyncset.done $0x0  }
0x48: {  	[sflag:s28] =	ssyncadd.s32 $0xFFFFE400  }
0x49: {  	_ =	swait.ge [sflag:s28], $0x1C00  }
0x4a: {  	[sflag:s28] =	ssyncset.done $0x0  }
0x4b: {  	[sflag:s28] =	ssyncadd.s32 $0xFFFFE400  }
0x4c: {  	_ =	swait.ge [sflag:s28], $0x1C00  }
0x4d: {  	[sflag:s28] =	ssyncset.done $0x0  }
0x4e: {  	[sflag:s28] =	ssyncadd.s32 $0xFFFFE400  }
0x4f: {  	_ =	swait.ge [sflag:s28], $0x1C00  }
0x50: {  	[sflag:s28] =	ssyncset.done $0x0  }
0x51: {  	[sflag:s28] =	ssyncadd.s32 $0xFFFFE400  }
0x52: {  	_ =	swait.ge [sflag:s28], $0x1C00  }
0x53: {  	[sflag:s28] =	ssyncset.done $0x0  }
0x54: {  	[sflag:s28] =	ssyncadd.s32 $0xFFFFE400  }
0x55: {  	_ =	swait.ge [sflag:s28], $0x1C00  }
0x56: {  	[sflag:s28] =	ssyncset.done $0x0  }
0x57: {  	[sflag:s28] =	ssyncadd.s32 $0xFFFFE400  }
0x58: {  	_ =	swait.ge [sflag:s28], $0x1C00  }
0x59: {  	[sflag:s28] =	ssyncset.done $0x0  }
0x5a: {  	[sflag:s28] =	ssyncadd.s32 $0xFFFFE400  }
0x5b: {  	_ =	swait.ge [sflag:s28], $0x1C00  }
0x5c: {  	[sflag:s28] =	ssyncset.done $0x0  }
0x5d: {  	[sflag:s28] =	ssyncadd.s32 $0xFFFFE400  }
0x5e: {  	_ =	swait.ge [sflag:s28], $0x1C00  }
0x5f: {  	[sflag:s28] =	ssyncset.done $0x0  }
0x60: {  	[sflag:s28] =	ssyncadd.s32 $0xFFFFE400  }
0x61: {  	_ =	swait.ge [sflag:s28], $0x1C00  }
0x62: {  	[sflag:s28] =	ssyncset.done $0x0  }
0x63: {  	[sflag:s28] =	ssyncadd.s32 $0xFFFFE400  }
0x64: {  	_ =	swait.ge [sflag:s28], $0x1C00  }
0x65: {  	[sflag:s28] =	ssyncset.done $0x0  }
0x66: {  	[sflag:s28] =	ssyncadd.s32 $0xFFFFE400  }
0x67: {  	s23 =	simm.s32 $0x0;
	[bflag:$0x0] =	sbarrier.arrive $0xFFFF  }
.LBB2_2:
0x68: {  	s9 =	sshll.u32 s23, $0xB  }
0x69: {  	s9 =	sadd.s32 s8, s9  }
0x6a: {  	s9 =	sshrl.u32 s9, $0x3  }
0x6b: {  	s30 =	simm.s32 $0x0;
	s22 =	sadd.s32 s4, s9  }
0x6c: {  	[tilespmem:s29], [sflag:$0x2] =	stream.linear.gather [hbm4b:s22+s30], $0x800, $0x38;
	[tilespmem:$0x1E000] =	vst v63  }
0x6d: {  	_ =	swait.ge [sflag:s26], $0x800  }
0x6e: {  	[sflag:s26] =	ssyncset.done $0x0  }
0x6f: {  	s9 =	sadd.s32 s5, s9;
	s22 =	simm.s32 $0x19000;
	[sflag:s26] =	ssyncadd.s32 $0xFFFFF800  }
0x70: {  	[tilespmem:s22], [sflag:$0x2] =	stream.linear.gather [hbm4b:s9+s30], $0x800, $0x38;
	[tilespmem:$0x1E000] =	vst v63  }
0x71: {  	_ =	swait.ge [sflag:s26], $0x800  }
0x72: {  	[sflag:s26] =	ssyncset.done $0x0  }
0x73: {  	s9 =	simm.s32 $0x0;
	[sflag:s26] =	ssyncadd.s32 $0xFFFFF800  }
0x74: {  	v1 =	vld [tilespmem:s9+$0x190F0]  }
0x75: {  	v2 =	vld [tilespmem:s9+$0x19000]  }
0x76: {  	v3 =	vld [tilespmem:s9+$0x19010];
	_ =	sdelay $0x1  }
0x77: {  	v4 =	vld [tilespmem:s9+$0x19020]  }
0x78: {  	v5 =	vld [tilespmem:s9+$0x19030];
	v1 =	vadd.s32 v0, v1  }
0x79: {  	v6 =	vld [tilespmem:s9+$0x19040];
	v2 =	vadd.s32 v0, v2;
	vm0 =	vlt.u32 v1, $0x61A8  }
0x7a: {  	v7 =	vld [tilespmem:s9+$0x19050];
	v3 =	vadd.s32 v0, v3;
	vm1 =	vlt.u32 v2, $0x61A8;
	v1 =	vnsel vm0, $0x61F8, v1  }
0x7b: {  	v8 =	vld [tilespmem:s9+$0x19060];
	v2 =	vnsel vm1, $0x61F8, v2;
	vm0 =	vlt.u32 v3, $0x61A8;
	[tilespmem:s9+$0x198F0] =	vst v1  }
0x7c: {  	v9 =	vld [tilespmem:s9+$0x19070];
	[tilespmem:s9+$0x19800] =	vst v2;
	v1 =	vadd.s32 v0, v4;
	v2 =	vnsel vm0, $0x61F8, v3  }
0x7d: {  	v10 =	vld [tilespmem:s9+$0x19080];
	vm0 =	vlt.u32 v1, $0x61A8;
	[tilespmem:s9+$0x19810] =	vst v2;
	v2 =	vadd.s32 v0, v5  }
0x7e: {  	v3 =	vadd.s32 v0, v6;
	v5 =	vld [tilespmem:s9+$0x19090];
	v1 =	vnsel vm0, $0x61F8, v1;
	vm0 =	vlt.u32 v2, $0x61A8  }
0x7f: {  	v4 =	vadd.s32 v0, v7;
	[tilespmem:s9+$0x19820] =	vst v1;
	v2 =	vnsel vm0, $0x61F8, v2;
	v1 =	vld [tilespmem:s9+$0x190A0];
	vm0 =	vlt.u32 v3, $0x61A8  }
0x80: {  	v6 =	vadd.s32 v0, v8;
	[tilespmem:s9+$0x19830] =	vst v2;
	v3 =	vnsel vm0, $0x61F8, v3;
	v2 =	vld [tilespmem:s9+$0x190B0];
	vm0 =	vlt.u32 v4, $0x61A8  }
0x81: {  	v7 =	vadd.s32 v0, v9;
	[tilespmem:s9+$0x19840] =	vst v3;
	v4 =	vnsel vm0, $0x61F8, v4;
	v3 =	vld [tilespmem:s9+$0x190C0];
	vm0 =	vlt.u32 v6, $0x61A8  }
0x82: {  	[tilespmem:s9+$0x19850] =	vst v4;
	v8 =	vnsel vm0, $0x61F8, v6;
	v4 =	vld [tilespmem:s9+$0x190D0];
	vm0 =	vlt.u32 v7, $0x61A8;
	v6 =	vadd.s32 v0, v10  }
0x83: {  	s22 =	simm.s32 $0x100;
	s30 =	simm.s32 $0x800;
	[tilespmem:s9+$0x19860] =	vst v8;
	v8 =	vnsel vm0, $0x61F8, v7;
	vm0 =	vlt.u32 v6, $0x61A8;
	v7 =	vadd.s32 v0, v5;
	v5 =	vld [tilespmem:s9+$0x190E0]  }
.LBB2_3:
0x84: {  	p0 =	sne.s32 s30, $0x1C00;
	v9 =	vld [tilespmem:s22+$0x190F0];
	[tilespmem:s9+$0x19870] =	vst v8;
	v6 =	vnsel vm0, $0x61F8, v6;
	vm0 =	vlt.u32 v7, $0x61A8;
	v1 =	vadd.s32 v0, v1  }
0x85: {  	v8 =	vld [tilespmem:s22+$0x19000];
	[tilespmem:s9+$0x19880] =	vst v6;
	v6 =	vnsel vm0, $0x61F8, v7;
	vm0 =	vlt.u32 v1, $0x61A8;
	v2 =	vadd.s32 v0, v2  }
0x86: {  	v7 =	vld [tilespmem:s22+$0x19010];
	[tilespmem:s9+$0x19890] =	vst v6;
	v1 =	vnsel vm0, $0x61F8, v1;
	vm0 =	vlt.u32 v2, $0x61A8;
	v3 =	vadd.s32 v0, v3  }
0x87: {  	v6 =	vld [tilespmem:s22+$0x19020];
	[tilespmem:s9+$0x198A0] =	vst v1;
	v1 =	vnsel vm0, $0x61F8, v2;
	vm0 =	vlt.u32 v3, $0x61A8;
	v2 =	vadd.s32 v0, v4  }
0x88: {  	v4 =	vld [tilespmem:s22+$0x19030];
	[tilespmem:s9+$0x198B0] =	vst v1;
	v1 =	vnsel vm0, $0x61F8, v3;
	vm0 =	vlt.u32 v2, $0x61A8;
	v3 =	vadd.s32 v0, v5  }
0x89: {  	v5 =	vld [tilespmem:s22+$0x19040];
	v9 =	vadd.s32 v0, v9;
	[tilespmem:s9+$0x198C0] =	vst v1;
	v1 =	vnsel vm0, $0x61F8, v2;
	vm0 =	vlt.u32 v3, $0x61A8  }
0x8a: {  	v2 =	vadd.s32 v0, v8;
	v8 =	vld [tilespmem:s22+$0x19050];
	vm1 =	vlt.u32 v9, $0x61A8;
	[tilespmem:s9+$0x198D0] =	vst v1;
	v1 =	vnsel vm0, $0x61F8, v3  }
0x8b: {  	vm0 =	vlt.u32 v2, $0x61A8;
	v3 =	vadd.s32 v0, v7;
	v7 =	vld [tilespmem:s22+$0x19060];
	v9 =	vnsel vm1, $0x61F8, v9;
	[tilespmem:s9+$0x198E0] =	vst v1;
	s9 =	smov.u32 s22  }
0x8c: {  	v1 =	vnsel vm0, $0x61F8, v2;
	vm0 =	vlt.u32 v3, $0x61A8;
	v2 =	vadd.s32 v0, v6;
	v6 =	vld [tilespmem:s9+$0x19070];
	[tilespmem:s9+$0x198F0] =	vst v9  }
0x8d: {  	[tilespmem:s9+$0x19800] =	vst v1;
	v1 =	vnsel vm0, $0x61F8, v3;
	vm0 =	vlt.u32 v2, $0x61A8;
	v3 =	vadd.s32 v0, v4;
	v4 =	vld [tilespmem:s9+$0x19080]  }
0x8e: {  	[tilespmem:s9+$0x19810] =	vst v1;
	v1 =	vnsel vm0, $0x61F8, v2;
	vm0 =	vlt.u32 v3, $0x61A8;
	v2 =	vadd.s32 v0, v5;
	v5 =	vld [tilespmem:s9+$0x19090]  }
.Ltmp0:
0x8f: {  	[tilespmem:s9+$0x19820] =	vst v1;
	v3 =	vnsel vm0, $0x61F8, v3;
	vm0 =	vlt.u32 v2, $0x61A8;
	v8 =	vadd.s32 v0, v8;
	v1 =	vld [tilespmem:s9+$0x190A0];
	(pc) =	sbr.rel @p0 .LBB2_3-.Ltmp0, $4  }
0x90: {  	[tilespmem:s9+$0x19830] =	vst v3;
	v3 =	vnsel vm0, $0x61F8, v2;
	vm0 =	vlt.u32 v8, $0x61A8;
	v7 =	vadd.s32 v0, v7;
	v2 =	vld [tilespmem:s9+$0x190B0]  }
0x91: {  	[tilespmem:s9+$0x19840] =	vst v3;
	v8 =	vnsel vm0, $0x61F8, v8;
	vm0 =	vlt.u32 v7, $0x61A8;
	v9 =	vadd.s32 v0, v6;
	v3 =	vld [tilespmem:s9+$0x190C0]  }
0x92: {  	[tilespmem:s9+$0x19850] =	vst v8;
	v7 =	vnsel vm0, $0x61F8, v7;
	vm0 =	vlt.u32 v9, $0x61A8;
	v6 =	vadd.s32 v0, v4;
	v4 =	vld [tilespmem:s9+$0x190D0]  }
0x93: {  	s22 =	sshra.s32 s30, $0x2;
	s30 =	sadd.s32 $0x400, s30;
	[tilespmem:s9+$0x19860] =	vst v7;
	v8 =	vnsel vm0, $0x61F8, v9;
	vm0 =	vlt.u32 v6, $0x61A8;
	v7 =	vadd.s32 v0, v5;
	v5 =	vld [tilespmem:s9+$0x190E0]  }
0x94: {  	v9 =	vld [tilespmem:s22+$0x190F0];
	[tilespmem:s9+$0x19870] =	vst v8;
	v6 =	vnsel vm0, $0x61F8, v6;
	vm7 =	vlt.u32 v7, $0x61A8;
	v1 =	vadd.s32 v0, v1  }
0x95: {  	v8 =	vld [tilespmem:s22+$0x19000];
	[tilespmem:s9+$0x19880] =	vst v6;
	v51 =	vnsel vm7, $0x61F8, v7;
	vm8 =	vlt.u32 v1, $0x61A8;
	v2 =	vadd.s32 v0, v2  }
0x96: {  	v52 =	vld [tilespmem:s22+$0x19010];
	[tilespmem:s9+$0x19890] =	vst v51;
	v1 =	vnsel vm8, $0x61F8, v1;
	vm9 =	vlt.u32 v2, $0x61A8  }
0x97: {  	v6 =	vld [tilespmem:s22+$0x19020];
	[tilespmem:s9+$0x198A0] =	vst v1;
	v1 =	vadd.s32 v0, v3;
	v2 =	vnsel vm9, $0x61F8, v2  }
0x98: {  	v3 =	vld [tilespmem:s22+$0x19030];
	vm10 =	vlt.u32 v1, $0x61A8;
	[tilespmem:s9+$0x198B0] =	vst v2;
	v2 =	vadd.s32 v0, v4  }
0x99: {  	v1 =	vnsel vm10, $0x61F8, v1;
	vm11 =	vlt.u32 v2, $0x61A8  }
0x9a: {  	v53 =	vld [tilespmem:s22+$0x19040];
	[tilespmem:s9+$0x198C0] =	vst v1;
	v1 =	vadd.s32 v0, v5;
	v2 =	vnsel vm11, $0x61F8, v2  }
0x9b: {  	v54 =	vld [tilespmem:s22+$0x19050];
	vm12 =	vlt.u32 v1, $0x61A8;
	[tilespmem:s9+$0x198D0] =	vst v2;
	v2 =	vadd.s32 v0, v9  }
0x9c: {  	v1 =	vnsel vm12, $0x61F8, v1;
	vm13 =	vlt.u32 v2, $0x61A8  }
0x9d: {  	v55 =	vld [tilespmem:s22+$0x19060];
	[tilespmem:s9+$0x198E0] =	vst v1;
	v1 =	vnsel vm13, $0x61F8, v2  }
0x9e: {  	[tilespmem:s22+$0x198F0] =	vst v1;
	v1 =	vadd.s32 v0, v6  }
0x9f: {  	v8 =	vadd.s32 v0, v8;
	vm15 =	vlt.u32 v1, $0x61A8  }
0xa0: {  	vm1 =	vlt.u32 v8, $0x61A8;
	v3 =	vadd.s32 v0, v3;
	v2 =	vld [tilespmem:s22+$0x19070];
	v1 =	vnsel vm15, $0x61F8, v1  }
0xa1: {  	v8 =	vnsel vm1, $0x61F8, v8;
	v57 =	vld [tilespmem:s22+$0x19080];
	vm4 =	vlt.u32 v3, $0x61A8;
	[tilespmem:s22+$0x19820] =	vst v1;
	v1 =	vadd.s32 v0, v53  }
0xa2: {  	v7 =	vadd.s32 v0, v52;
	[tilespmem:s22+$0x19800] =	vst v8;
	v58 =	vld [tilespmem:s22+$0x19090];
	v3 =	vnsel vm4, $0x61F8, v3;
	vm5 =	vlt.u32 v1, $0x61A8  }
0xa3: {  	vm14 =	vlt.u32 v7, $0x61A8;
	v59 =	vld [tilespmem:s22+$0x190A0];
	[tilespmem:s22+$0x19830] =	vst v3;
	v3 =	vadd.s32 v0, v54;
	v1 =	vnsel vm5, $0x61F8, v1  }
0xa4: {  	v56 =	vnsel vm14, $0x61F8, v7;
	v60 =	vld [tilespmem:s22+$0x190B0];
	vm6 =	vlt.u32 v3, $0x61A8;
	[tilespmem:s22+$0x19840] =	vst v1;
	v1 =	vadd.s32 v0, v55  }
0xa5: {  	[tilespmem:s22+$0x19810] =	vst v56;
	v61 =	vld [tilespmem:s22+$0x190C0];
	v3 =	vnsel vm6, $0x61F8, v3;
	v2 =	vadd.s32 v0, v2;
	vm7 =	vlt.u32 v1, $0x61A8  }
0xa6: {  	[tilespmem:s22+$0x19850] =	vst v3;
	v3 =	vld [tilespmem:s22+$0x190D0];
	v7 =	vadd.s32 v0, v57;
	vm8 =	vlt.u32 v2, $0x61A8;
	v1 =	vnsel vm7, $0x61F8, v1  }
0xa7: {  	v62 =	vld [tilespmem:s22+$0x190E0];
	vm9 =	vlt.u32 v7, $0x61A8;
	[tilespmem:s22+$0x19860] =	vst v1;
	v1 =	vnsel vm8, $0x61F8, v2;
	v2 =	vadd.s32 v0, v58  }
0xa8: {  	v4 =	vadd.s32 v0, v59;
	[tilespmem:s22+$0x19870] =	vst v1;
	v1 =	vnsel vm9, $0x61F8, v7;
	vm10 =	vlt.u32 v2, $0x61A8  }
0xa9: {  	vm11 =	vlt.u32 v4, $0x61A8;
	[tilespmem:s22+$0x19880] =	vst v1;
	v1 =	vnsel vm10, $0x61F8, v2;
	v2 =	vadd.s32 v0, v60  }
0xaa: {  	v63 =	vadd.s32 v0, v61;
	[tilespmem:s22+$0x19890] =	vst v1;
	v1 =	vnsel vm11, $0x61F8, v4;
	vm12 =	vlt.u32 v2, $0x61A8  }
0xab: {  	vm13 =	vlt.u32 v63, $0x61A8;
	[tilespmem:s22+$0x198A0] =	vst v1;
	v1 =	vnsel vm12, $0x61F8, v2;
	v2 =	vadd.s32 v0, v3  }
0xac: {  	v3 =	vadd.s32 v0, v62;
	[tilespmem:s22+$0x198B0] =	vst v1;
	v1 =	vnsel vm13, $0x61F8, v63;
	vm14 =	vlt.u32 v2, $0x61A8  }
0xad: {  	vm15 =	vlt.u32 v3, $0x61A8;
	[tilespmem:s22+$0x198C0] =	vst v1;
	v1 =	vnsel vm14, $0x61F8, v2  }
0xae: {  	[tilespmem:s22+$0x198D0] =	vst v1;
	v1 =	vnsel vm15, $0x61F8, v3  }
0xaf: {  	[tilespmem:s22+$0x198E0] =	vst v1  }
0xb0: {  	[tilespmem:s25], [sflag:$0x2] =	stream.indirect.gather [hbm4b:s6+s31], $0x40, s29, s31, $0xb8;
	[tilespmem:$0x1E000] =	vst v63  }
0xb1: {  	_ =	swait.ge [sflag:s26], $0x4000  }
0xb2: {  	[sflag:s26] =	ssyncset.done $0x0  }
0xb3: {  	[sflag:s26] =	ssyncadd.s32 $0xFFFFC000  }
0xb4: {  	[spmem:s1] =	stream.indirect.scatter.add.f32 [tilespmem:s25], [sflag:$0x2], $0x40, s0, s31, $0xb8;
	[tilespmem:$0x1E000] =	vst v63  }
0xb5: {  	_ =	swait.ge [sflag:s26], $0x4000  }
0xb6: {  	[sflag:s26] =	ssyncset.done $0x0  }
0xb7: {  	[sflag:s26] =	ssyncadd.s32 $0xFFFFC000  }
0xb8: {  	[tilespmem:s25], [sflag:$0x2] =	stream.indirect.gather [hbm4b:s6+s31], $0x40, s3, s31, $0xb8;
	[tilespmem:$0x1E000] =	vst v63  }
0xb9: {  	_ =	swait.ge [sflag:s26], $0x4000  }
0xba: {  	[sflag:s26] =	ssyncset.done $0x0  }
0xbb: {  	[sflag:s26] =	ssyncadd.s32 $0xFFFFC000  }
0xbc: {  	[spmem:s1] =	stream.indirect.scatter.add.f32 [tilespmem:s25], [sflag:$0x2], $0x40, s7, s31, $0xb8;
	[tilespmem:$0x1E000] =	vst v63  }
0xbd: {  	_ =	swait.ge [sflag:s26], $0x4000  }
0xbe: {  	[sflag:s26] =	ssyncset.done $0x0  }
0xbf: {  	[sflag:s26] =	ssyncadd.s32 $0xFFFFC000  }
0xc0: {  	[tilespmem:s25], [sflag:$0x2] =	stream.indirect.gather [hbm4b:s6+s31], $0x40, s10, s31, $0xb8;
	[tilespmem:$0x1E000] =	vst v63  }
0xc1: {  	_ =	swait.ge [sflag:s26], $0x4000  }
0xc2: {  	[sflag:s26] =	ssyncset.done $0x0  }
0xc3: {  	[sflag:s26] =	ssyncadd.s32 $0xFFFFC000  }
0xc4: {  	[spmem:s1] =	stream.indirect.scatter.add.f32 [tilespmem:s25], [sflag:$0x2], $0x40, s11, s31, $0xb8;
	[tilespmem:$0x1E000] =	vst v63  }
0xc5: {  	_ =	swait.ge [sflag:s26], $0x4000  }
0xc6: {  	[sflag:s26] =	ssyncset.done $0x0  }
0xc7: {  	[sflag:s26] =	ssyncadd.s32 $0xFFFFC000  }
0xc8: {  	[tilespmem:s25], [sflag:$0x2] =	stream.indirect.gather [hbm4b:s6+s31], $0x40, s12, s31, $0xb8;
	[tilespmem:$0x1E000] =	vst v63  }
0xc9: {  	_ =	swait.ge [sflag:s26], $0x4000  }
0xca: {  	[sflag:s26] =	ssyncset.done $0x0  }
0xcb: {  	[sflag:s26] =	ssyncadd.s32 $0xFFFFC000  }
0xcc: {  	[spmem:s1] =	stream.indirect.scatter.add.f32 [tilespmem:s25], [sflag:$0x2], $0x40, s13, s31, $0xb8;
	[tilespmem:$0x1E000] =	vst v63  }
0xcd: {  	_ =	swait.ge [sflag:s26], $0x4000  }
0xce: {  	[sflag:s26] =	ssyncset.done $0x0  }
0xcf: {  	[sflag:s26] =	ssyncadd.s32 $0xFFFFC000  }
0xd0: {  	[tilespmem:s25], [sflag:$0x2] =	stream.indirect.gather [hbm4b:s6+s31], $0x40, s14, s31, $0xb8;
	[tilespmem:$0x1E000] =	vst v63  }
0xd1: {  	_ =	swait.ge [sflag:s26], $0x4000  }
0xd2: {  	[sflag:s26] =	ssyncset.done $0x0  }
0xd3: {  	[sflag:s26] =	ssyncadd.s32 $0xFFFFC000  }
0xd4: {  	[spmem:s1] =	stream.indirect.scatter.add.f32 [tilespmem:s25], [sflag:$0x2], $0x40, s15, s31, $0xb8;
	[tilespmem:$0x1E000] =	vst v63  }
0xd5: {  	_ =	swait.ge [sflag:s26], $0x4000  }
0xd6: {  	[sflag:s26] =	ssyncset.done $0x0  }
0xd7: {  	[sflag:s26] =	ssyncadd.s32 $0xFFFFC000  }
0xd8: {  	[tilespmem:s25], [sflag:$0x2] =	stream.indirect.gather [hbm4b:s6+s31], $0x40, s16, s31, $0xb8;
	[tilespmem:$0x1E000] =	vst v63  }
0xd9: {  	_ =	swait.ge [sflag:s26], $0x4000  }
0xda: {  	[sflag:s26] =	ssyncset.done $0x0  }
0xdb: {  	[sflag:s26] =	ssyncadd.s32 $0xFFFFC000  }
0xdc: {  	[spmem:s1] =	stream.indirect.scatter.add.f32 [tilespmem:s25], [sflag:$0x2], $0x40, s17, s31, $0xb8;
	[tilespmem:$0x1E000] =	vst v63  }
0xdd: {  	_ =	swait.ge [sflag:s26], $0x4000  }
0xde: {  	[sflag:s26] =	ssyncset.done $0x0  }
0xdf: {  	[sflag:s26] =	ssyncadd.s32 $0xFFFFC000  }
0xe0: {  	[tilespmem:s25], [sflag:$0x2] =	stream.indirect.gather [hbm4b:s6+s31], $0x40, s18, s31, $0xb8;
	[tilespmem:$0x1E000] =	vst v63  }
0xe1: {  	_ =	swait.ge [sflag:s26], $0x4000  }
0xe2: {  	[sflag:s26] =	ssyncset.done $0x0  }
0xe3: {  	[sflag:s26] =	ssyncadd.s32 $0xFFFFC000  }
0xe4: {  	[spmem:s1] =	stream.indirect.scatter.add.f32 [tilespmem:s25], [sflag:$0x2], $0x40, s19, s31, $0xb8;
	[tilespmem:$0x1E000] =	vst v63  }
0xe5: {  	_ =	swait.ge [sflag:s26], $0x4000  }
0xe6: {  	[sflag:s26] =	ssyncset.done $0x0  }
0xe7: {  	[sflag:s26] =	ssyncadd.s32 $0xFFFFC000  }
0xe8: {  	[tilespmem:s25], [sflag:$0x2] =	stream.indirect.gather [hbm4b:s6+s31], $0x40, s20, s31, $0xb8;
	[tilespmem:$0x1E000] =	vst v63  }
0xe9: {  	s23 =	sadd.s32 $0x1, s23;
	_ =	swait.ge [sflag:s26], $0x4000  }
0xea: {  	p0 =	sne.s32 s23, $0x19;
	[sflag:s26] =	ssyncset.done $0x0  }
.Ltmp1:
0xeb: {  	[sflag:s26] =	ssyncadd.s32 $0xFFFFC000;
	(pc) =	sbr.rel @p0 .LBB2_2-.Ltmp1, $4  }
0xec: {  	[spmem:s1] =	stream.indirect.scatter.add.f32 [tilespmem:s25], [sflag:$0x2], $0x40, s21, s31, $0xb8;
	[tilespmem:$0x1E000] =	vst v63  }
0xed: {  	_ =	swait.ge [sflag:s26], $0x4000  }
0xee: {  	[sflag:s26] =	ssyncset.done $0x0  }
0xef: {  	[sflag:s26] =	ssyncadd.s32 $0xFFFFC000  }
0xf0: {  	[bflag:$0x0] =	sbarrier.arrive $0xFFFF  }
0xf1: {  	s30 =	rddreg [dreg:$0x4]  }
0xf2: {  	[tilespmem:s25], [sflag:$0x2] =	stream.linear.gather [spmem:s30], $0x1C00, $0x38;
	[tilespmem:$0x1E000] =	vst v63  }
0xf3: {  	_ =	swait.ge [sflag:s26], $0x1C00  }
0xf4: {  	[sflag:s26] =	ssyncset.done $0x0  }
0xf5: {  	s9 =	sadd.s32 $0x0, s24;
	[sflag:s26] =	ssyncadd.s32 $0xFFFFE400  }
0xf6: {  	[hbm4b:s9+s2] =	stream.linear.scatter [tilespmem:s25], [sflag:$0x2], $0x1C00, $0x38;
	[tilespmem:$0x1E000] =	vst v63  }
0xf7: {  	_ =	swait.ge [sflag:s26], $0x1C00  }
0xf8: {  	s22 =	smov.u32 s30;
	s9 =	simm.s32 $0x380;
	[sflag:s26] =	ssyncset.done $0x0  }
.LBB2_6:
0xf9: {  	p0 =	sne.s32 s9, $0x2D80;
	[sflag:s26] =	ssyncadd.s32 $0xFFFFE400;
	s22 =	sadd.s32 $0x1C00, s22  }
0xfa: {  	[tilespmem:s25], [sflag:$0x2] =	stream.linear.gather [spmem:s22], $0x1C00, $0x38;
	[tilespmem:$0x1E000] =	vst v63  }
0xfb: {  	s23 =	smov.u32 s9;
	s9 =	sadd.s32 $0x380, s9;
	_ =	swait.ge [sflag:s26], $0x1C00  }
.Ltmp2:
0xfc: {  	[sflag:s26] =	ssyncset.done $0x0;
	(pc) =	sbr.rel @p0 .LBB2_6-.Ltmp2, $4  }
0xfd: {  	s23 =	sadd.s32 s23, s24;
	[sflag:s26] =	ssyncadd.s32 $0xFFFFE400  }
0xfe: {  	[hbm4b:s23+s2] =	stream.linear.scatter [tilespmem:s25], [sflag:$0x2], $0x1C00, $0x38;
	[tilespmem:$0x1E000] =	vst v63  }
0xff: {  	_ =	swait.ge [sflag:s26], $0x1C00  }
0x100: {  	[sflag:s26] =	ssyncset.done $0x0  }
0x101: {  	s22 =	rddreg [dreg:$0x13]  }
0x102: {  	s9 =	rddreg [dreg:$0x5];
	s22 =	sadd.s32 $0x1, s22  }
0x103: {  	p0 =	sne.s32 s22, s9  }
.Ltmp3:
0x104: {  	_ = 	snop;
	(pc) =	sbr.rel @p0 .LBB2_1-.Ltmp3, $2  }
0x105: {  	_ =	sdelay $0x2  }
0x106: {  	[sflag:s26] =	ssyncadd.s32 $0xFFFFE400  }
0x107: {  	_ =	sfence.sel $0x180000  }
0x108: {  	[bflag:$0x0] =	sbarrier.arrive $0xFFFF  }
0x109: {  	_ =	strace $0x9000004A  }
0x10a: {  	s0 =	stileid.u32;
	[bflag:$0x2] =	sbarrier.arrive $0xFFFF  }
0x10b: {  	p0 =	sne.s32 s0, $0x0;
	s0 =	rddreg [dreg:$0x2]  }
0x10c: {  	s0 =	sadd.s32 @!p0 $0x100000, s0  }
0x10d: {  	[sflag:s0] =	ssyncadd.tile.s32 @!p0 $0x1;
	_ =	shalt  }
.Lfunc_end2:
_tile_overlayer_lowered:
.L_overlay_start_2:
0x10e: {  	(tag) =	ssettag $0x2  }
0x10f: {  	s0 =	rddreg [dreg:$0x0];
	s2 =	stileid.u32  }
0x110: {  	s1 =	rddreg [dreg:$0x1];
	p0 =	sne.s32 s2, $0x0  }
0x111: {  	s3 =	rddreg [dreg:$0x2];
	[bflag:$0x3] =	sbarrier.arrive $0xFFFF;
	s2 =	simm.s32 @!p0 $0x1C02  }
0x112: {  	[timem:s3], [sflag:s2] =	dma.local @!p0 [hbm:s0], s1  }
0x113: {  	s0 =	simm.s32 @!p0 $0x2  }
0x114: {  	_ =	swait.ge @!p0 [sflag:s0], s1  }
0x115: {  	s1 =	ssub.s32 @!p0 $0x0, s1;
	[sflag:s0] =	ssyncset.done @!p0 $0x0  }
0x116: {  	[sflag:s0] =	ssyncadd.s32 @!p0 s1  }
0x117: {  	[bflag:$0x3] =	sbarrier.arrive $0xFFFF  }
0x118: {  	_ =	shalt  }

// kernel: kernel.16.cloned.1.call-start
scs
__scs_entry_jumppad:
0x0: {  	(pc) =	sbr.rel $0x88, $3  }
0x1: {  	(tag) =	ssettag $0x0;
	lr =	simm.s32 $0x1  }
0x2: {  	[smem:$0x3F97] =	sst lr;
	_ =	strace $0xD0000000  }
0x3: {  	_ = 	snop  }
0x4: {  	_ = 	snop  }
0x5: {  	_ = 	snop  }
0x6: {  	_ = 	snop  }
0x7: {  	_ = 	snop  }
__scs_overlays_trampoline_lowered:
0x8: {  	[smem:$0x3FA6] =	sst s0  }
0x9: {  	[smem:$0x3FA7] =	sst s1  }
0xa: {  	[smem:$0x3FA8] =	sst s2  }
0xb: {  	[smem:$0x3FA9] =	sst s3  }
0xc: {  	[smem:$0x3FAA] =	sst s4  }
0xd: {  	[smem:$0x3FAB] =	sst s5  }
0xe: {  	[smem:$0x3FAC] =	sst s6  }
0xf: {  	[smem:$0x3FAD] =	sst s7  }
0x10: {  	[smem:$0x3FAE] =	sst s8  }
0x11: {  	[smem:$0x3FAF] =	sst s9;
	s0 =	simm.s32 @!p0 $0x0  }
0x12: {  	s1 =	sld [smem:$0x3F95];
	s0 =	simm.s32 @p0 $0x1  }
0x13: {  	[smem:$0x3FB0] =	sst s0;
	s0 =	simm.s32 @!p1 $0x0  }
0x14: {  	s2 =	sld [smem:$0x3F94];
	s0 =	simm.s32 @p1 $0x1  }
0x15: {  	[smem:$0x3FB1] =	sst s0;
	s0 =	simm.s32 @!p2 $0x0  }
0x16: {  	s3 =	sld [smem:$0x3FDB];
	s0 =	simm.s32 @p2 $0x1  }
0x17: {  	s4 =	simm.s32 $0x1BF5;
	[smem:$0x3FB3] =	sst s0  }
0x18: {  	s0 =	sld [smem:$0x3F96];
	_ =	swait.ge [sflag:s4], $0x0  }
0x19: {  	s7 =	sld [smem:$0x3F97]  }
0x1a: {  	s8 =	sadd.s32 $0xFFFFE003, lr  }
0x1b: {  	s9 =	sadd.s32 $0xFFFFFEF7, lr;
	s5 =	simm.s32 $0xFFFFFFFF;
	p2 =	slt.u32 s8, $0xFFFFF086  }
0x1c: {  	p1 =	slt.u32 s9, $0xF7A;
	s5 =	simm.s32 @!p2 $0x0  }
0x1d: {  	s5 =	simm.s32 @p1 $0x1;
	p0 =	seq.s32 s7, s2  }
0x1e: {  	s7 =	smul.u32 @!p0 $0xF7A, s2;
	p2 =	seq.s32 @!p0 s5, $0x0  }
0x1f: {  	s9 =	smul.u32 $0xF7A, s1;
	s8 =	simm.s32 @!p0 $0x1BF5;
	p2 =	por !p2, p0  }
0x20: {  	[sflag:s8] =	ssyncset.s32 @!p0 $0xFFFFF086;
	s6 =	sadd.s32 @!p0 s3, s7;
	s7 =	simm.s32 @!p0 $0x108  }
0x21: {  	s3 =	sadd.s32 s3, s9;
	s6 =	sadd.s32 @!p0 $0x88, s6;
	s7 =	simm.s32 @p2 $0x1082  }
0x22: {  	[simem:s7], [sflag:s8] =	dma.local @!p0 [hbm:s6], $0xF7A  }
0x23: {  	s9 =	sor.u32 $0xD0000000, s2;
	s6 =	simm.s32 $0x108;
	_ =	swait.ge @!p0 [sflag:s8], $0x0  }
0x24: {  	s3 =	sadd.s32 $0x88, s3;
	s6 =	simm.s32 @!p1 $0x1082;
	[sflag:s4] =	ssyncset.s32 $0xFFFFF086  }
0x25: {  	[simem:s6], [sflag:s4] =	dma.local [hbm:s3], $0xF7A  }
0x26: {  	[smem:$0x3F97] =	sst s1;
	(tag) =	ssettag s2;
	_ =	strace s9  }
0x27: {  	s1 =	sld [smem:$0x3FA7]  }
0x28: {  	s2 =	sld [smem:$0x3FA8]  }
0x29: {  	s4 =	sld [smem:$0x3FAA]  }
0x2a: {  	p0 =	seq.s32 s5, $0x0;
	s5 =	sld [smem:$0x3FAB]  }
0x2b: {  	s6 =	sld [smem:$0x3FAC]  }
0x2c: {  	s7 =	sld [smem:$0x3FAD]  }
0x2d: {  	s3 =	simm.s32 $0x108;
	s8 =	sld [smem:$0x3FAE]  }
0x2e: {  	s3 =	simm.s32 @!p0 $0x1082;
	s9 =	sld [smem:$0x3FAF]  }
0x2f: {  	lr =	sadd.s32 s0, s3;
	s0 =	sld [smem:$0x3FA6]  }
0x30: {  	s3 =	sld [smem:$0x3FA9]  }
0x31: {  	[smem:$0x3FB2] =	sst s10  }
0x32: {  	s10 =	sld [smem:$0x3FB0];
	_ =	sdelay $0x3  }
0x33: {  	p0 =	seq.s32 s10, $0x1;
	s10 =	sld [smem:$0x3FB2];
	_ =	sdelay $0x3  }
0x34: {  	[smem:$0x3FB2] =	sst s10  }
0x35: {  	s10 =	sld [smem:$0x3FB1];
	_ =	sdelay $0x3  }
0x36: {  	p1 =	seq.s32 s10, $0x1;
	s10 =	sld [smem:$0x3FB2];
	_ =	sdelay $0x3  }
0x37: {  	[smem:$0x3FB2] =	sst s10  }
0x38: {  	s10 =	sld [smem:$0x3FB3]  }
0x39: {  	_ = 	snop;
	(pc) =	sbr.ind lr, $3  }
0x3a: {  	_ = 	snop  }
0x3b: {  	_ = 	snop  }
0x3c: {  	p2 =	seq.s32 s10, $0x1;
	s10 =	sld [smem:$0x3FB2]  }
0x3d: {  	_ =	shalt  }
0x3e: {  	_ =	shalt  }
0x3f: {  	_ =	shalt  }
0x40: {  	_ =	shalt  }
0x41: {  	_ =	shalt  }
0x42: {  	_ =	shalt  }
0x43: {  	_ =	shalt  }
0x44: {  	_ =	shalt  }
0x45: {  	_ =	shalt  }
0x46: {  	_ =	shalt  }
0x47: {  	_ =	shalt  }
0x48: {  	_ =	shalt  }
0x49: {  	_ =	shalt  }
0x4a: {  	_ =	shalt  }
0x4b: {  	_ =	shalt  }
0x4c: {  	_ =	shalt  }
0x4d: {  	_ =	shalt  }
0x4e: {  	_ =	shalt  }
0x4f: {  	_ =	shalt  }
0x50: {  	_ =	shalt  }
0x51: {  	_ =	shalt  }
0x52: {  	_ =	shalt  }
0x53: {  	_ =	shalt  }
0x54: {  	_ =	shalt  }
0x55: {  	_ =	shalt  }
0x56: {  	_ =	shalt  }
0x57: {  	_ =	shalt  }
0x58: {  	_ =	shalt  }
0x59: {  	_ =	shalt  }
0x5a: {  	_ =	shalt  }
0x5b: {  	_ =	shalt  }
0x5c: {  	_ =	shalt  }
0x5d: {  	_ =	shalt  }
0x5e: {  	_ =	shalt  }
0x5f: {  	_ =	shalt  }
0x60: {  	_ =	shalt  }
0x61: {  	_ =	shalt  }
0x62: {  	_ =	shalt  }
0x63: {  	_ =	shalt  }
0x64: {  	_ =	shalt  }
0x65: {  	_ =	shalt  }
0x66: {  	_ =	shalt  }
0x67: {  	_ =	shalt  }
0x68: {  	_ =	shalt  }
0x69: {  	_ =	shalt  }
0x6a: {  	_ =	shalt  }
0x6b: {  	_ =	shalt  }
0x6c: {  	_ =	shalt  }
0x6d: {  	_ =	shalt  }
0x6e: {  	_ =	shalt  }
0x6f: {  	_ =	shalt  }
0x70: {  	_ =	shalt  }
0x71: {  	_ =	shalt  }
0x72: {  	_ =	shalt  }
0x73: {  	_ =	shalt  }
0x74: {  	_ =	shalt  }
0x75: {  	_ =	shalt  }
0x76: {  	_ =	shalt  }
0x77: {  	_ =	shalt  }
0x78: {  	_ =	shalt  }
0x79: {  	_ =	shalt  }
0x7a: {  	_ =	shalt  }
0x7b: {  	_ =	shalt  }
0x7c: {  	_ =	shalt  }
0x7d: {  	_ =	shalt  }
0x7e: {  	_ =	shalt  }
0x7f: {  	_ =	shalt  }
0x80: {  	_ =	shalt  }
0x81: {  	_ =	shalt  }
0x82: {  	_ =	shalt  }
0x83: {  	_ =	shalt  }
0x84: {  	_ =	shalt  }
0x85: {  	_ =	shalt  }
0x86: {  	_ =	shalt  }
0x87: {  	_ =	shalt  }
.Lfunc_end0:
.L_simem_size_0:
called_computation.2_lowered:
.L_overlay_start_0:
0x88: {  	s2 =	sld [smem:$0x3FD9]  }
0x89: {  	s3 =	sld [smem:$0x3FFE];
	_ =	sdelay $0x1  }
0x8a: {  	s1 =	srdreg.scid  }
0x8b: {  	s0 =	sand.u32 $0x1, s1  }
0x8c: {  	s17 =	sshll.u32 s0, $0xA;
	s2 =	sadd.s32 s3, s2  }
0x8d: {  	s2 =	sadd.s32 s2, s17  }
0x8e: {  	[smem:$0x3FBE] =	sst s2  }
0x8f: {  	_ = 	snop  }
0x90: {  	s2 =	sld [smem:$0x3FD0];
	(tm) =	ssettm $0x1  }
0x91: {  	s18 =	sld [smem:$0x3FFB];
	_ =	sdelay $0x3  }
0x92: {  	_ =	strace s18  }
0x93: {  	s3 =	sld [smem:$0x3FFC];
	_ =	sdelay $0x3  }
0x94: {  	_ =	strace s3  }
0x95: {  	s3 =	sld [smem:$0x3FFD];
	_ =	sdelay $0x3  }
0x96: {  	_ =	strace s3  }
0x97: {  	_ =	strace $0x8FFFFFFF  }
0x98: {  	s19 =	sld [smem:$0x3FDB];
	_ =	sdelay $0x1  }
0x99: {  	s4 =	simm.s32 $_scs_section_size  }
0x9a: {  	s5 =	simm.s32 $_size__tile_overlayer_lowered;
	s6 =	simm.s32 $_tile_overlayer_lowered  }
0x9b: {  	s22 =	simm.s32 $0x1BFF;
	s21 =	sshll.u32 s6, $0x1;
	s3 =	sadd.s32 s4, s19  }
0x9c: {  	s7 =	simm.s32 $0x0;
	s20 =	sshll.u32 s5, $0x1;
	s5 =	sadd.s32 s21, s3  }
0x9d: {  	[timem:s7], [sflag:s22] =	dma.local [hbm:s5], s20  }
0x9e: {  	_ =	swait.ge [sflag:s22], s20  }
0x9f: {  	s4 =	ssub.s32 $0x0, s20;
	[sflag:s22] =	ssyncset.done $0x0  }
0xa0: {  	[sflag:s22] =	ssyncadd.s32 s4;
	_ =	sdelay $0x1  }
0xa1: {  	s23 =	simm.s32 $0x1B8B  }
0xa2: {  	_ =	swait.ge [sflag:s23], $0x1  }
0xa3: {  	[sflag:s23] =	ssyncset.done $0x0  }
0xa4: {  	s25 =	simm.s32 $0x1B8E;
	s24 =	sld [smem:$0x3FFE];
	[sflag:s23] =	ssyncadd.s32 $0xFFFFFFFF  }
0xa5: {  	s26 =	simm.s32 $execute0_lowered;
	[smem:$0x3FD2] =	sst s25  }
0xa6: {  	s5 =	sshll.u32 s26, $0x1;
	_ =	strace $0x8000004C;
	[dreg:$0x1] =	wrdreg $0xFFFFFFFF  }
0xa7: {  	s28 =	simm.s32 $_size_execute0_lowered;
	s3 =	sadd.s32 s3, s5;
	[dreg:$0x0] =	wrdreg $0x0  }
0xa8: {  	s5 =	sshll.u32 s28, $0x1;
	[dreg:$0x2] =	wrdreg s3  }
0xa9: {  	[dreg:$0x3] =	wrdreg s5  }
0xaa: {  	[dreg:$0x4] =	wrdreg $0xC0  }
0xab: {  	_ =	task [dreg:s7], $0x5FFFF  }
0xac: {  	[dreg:$0x1] =	wrdreg $0xFFFFFFFF  }
0xad: {  	[dreg:$0x0] =	wrdreg $0x60  }
0xae: {  	[dreg:$0x2] =	wrdreg s24  }
0xaf: {  	[dreg:$0x3] =	wrdreg s2  }
0xb0: {  	[dreg:$0x4] =	wrdreg $0x0  }
0xb1: {  	[dreg:$0x5] =	wrdreg $0x9  }
0xb2: {  	_ =	task.clear_ibuf [dreg:s7], $0x6FFFF;
	_ =	strace $0x9000004C  }
0xb3: {  	s29 =	simm.s32 $0x9;
	_ =	strace $0x8000004E  }
0xb4: {  	_ =	swait.ge [sflag:s29], $0x1  }
0xb5: {  	[sflag:s29] =	ssyncadd.s32 $0xFFFFFFFF  }
0xb6: {  	_ =	strace $0x9000004E  }
0xb7: {  	_ =	sfence  }
0xb8: {  	s30 =	sld [smem:$0x0];
	_ =	sdelay $0x2  }
0xb9: {  	s31 =	sshll.u32 s1, $0xD;
	s1 =	sshrl.u32 s1, $0x2  }
0xba: {  	s3 =	sand.u32 $0x4000, s31;
	s1 =	sadd.s32 s1, s30  }
0xbb: {  	s0 =	sor.u32 s3, s0;
	s1 =	sshll.u32 s1, $0x11  }
0xbc: {  	s0 =	sor.u32 s1, s0  }
0xbd: {  	s0 =	sadd.s32 $0x8F2B, s0  }
0xbe: {  	[sflag:s0] =	ssyncadd.remote.s32 $0x1  }
0xbf: {  	_ =	sfence.sel $0xFFFF  }
0xc0: {  	[dreg:$0x0] =	wrdreg $0xFFFFFFFF;
	(pc) =	sbr.abs _section_cstart, $3  }
0xc1: {  	[dreg:$0x1] =	wrdreg $0xFFFFFFFF  }
0xc2: {  	_ =	task.clear_ibuf [dreg:s7], $0x2FFFF;
	_ =	strace $0x9FFFFFFF  }
0xc3: {  	(tm) =	ssettm $0x7FFFFFFF  }
tec
execute0_lowered:
.L_overlay_start_1:
0x0: {  	(tag) =	ssettag $0x1  }
0x1: {  	s0 =	rddreg [dreg:$0x0]  }
0x2: {  	s1 =	rddreg [dreg:$0x1]  }
0x3: {  	s2 =	rddreg [dreg:$0x2]  }
0x4: {  	s3 =	simm.s32 $0x0;
	s4 =	srdreg.scid;
	s10 =	stileid.u32  }
0x5: {  	[smem:$0x7FF] =	sst s3;
	s4 =	sand.u32 $0x1, s4;
	s5 =	sadd.s32 $0x178400, s0  }
0x6: {  	s6 =	sadd.s32 $0x1EC00, s0;
	s8 =	smul.u32 $0x62000, s10;
	s9 =	sadd.s32 $0x191400, s0  }
0x7: {  	_ =	strace $0x8000004D;
	s7 =	smul.u32 $0x31000, s4;
	s24 =	ssub.s32 $0x2, s4  }
0x8: {  	[dreg:$0x4] =	wrdreg s9;
	s25 =	sshrl.u32 s24, $0x1;
	s26 =	sshrl.u32 s8, $0x2  }
0x9: {  	s0 =	sadd.s32 s7, s0;
	s7 =	ssub.s32 s24, s25;
	s30 =	sadd.s32 s26, s2  }
0xa: {  	s11 =	smax.u32 s7, $0x1;
	[dreg:$0x5] =	wrdreg s30  }
0xb: {  	s12 =	sadd.s32 $0x1C00, s30;
	[dreg:$0x6] =	wrdreg s11  }
0xc: {  	s28 =	simm.s32 $0x1;
	s13 =	sadd.s32 $0x3800, s30;
	[dreg:$0x7] =	wrdreg s12  }
0xd: {  	s29 =	simm.s32 $0x18800;
	s14 =	sadd.s32 $0x5400, s30;
	[dreg:$0x8] =	wrdreg s13  }
0xe: {  	s31 =	simm.s32 $0x100;
	s15 =	sadd.s32 $0x7000, s30;
	[dreg:$0x9] =	wrdreg s14  }
0xf: {  	s19 =	smul.u32 $0x3100, s10;
	s16 =	sadd.s32 $0x8C00, s30;
	[dreg:$0xa] =	wrdreg s15  }
0x10: {  	s20 =	smul.u32 $0xFFFF9E58, s4;
	s17 =	sadd.s32 $0xA800, s30;
	[dreg:$0xb] =	wrdreg s16  }
0x11: {  	s4 =	simm.s32 $0x18900;
	s18 =	sadd.s32 $0xC400, s30;
	[dreg:$0xc] =	wrdreg s17  }
0x12: {  	s8 =	smul.u32 $0xC800, s10;
	s21 =	sadd.s32 $0xE000, s30;
	[dreg:$0xd] =	wrdreg s18  }
0x13: {  	s10 =	simm.s32 $0x18A00;
	s22 =	sadd.s32 $0xFC00, s30;
	[dreg:$0xe] =	wrdreg s21  }
0x14: {  	v0 =	vmov s20;
	s20 =	simm.s32 $0x18F00;
	s23 =	sadd.s32 $0x11800, s30;
	[dreg:$0xf] =	wrdreg s22  }
0x15: {  	s24 =	sadd.s32 $0x13400, s30;
	s25 =	sadd.s32 $0x15000, s30;
	[dreg:$0x10] =	wrdreg s23  }
0x16: {  	s0 =	sadd.s32 s19, s0;
	s26 =	sadd.s32 $0x16C00, s30;
	[dreg:$0x11] =	wrdreg s24  }
0x17: {  	s7 =	simm.s32 $0x19900;
	s19 =	simm.s32 $0x19E00;
	[dreg:$0x12] =	wrdreg s25  }
0x18: {  	[dreg:$0x13] =	wrdreg s26;
	s24 =	sadd.s32 $0x116400, s0;
	s25 =	simm.s32 $0x1A000  }
0x19: {  	s26 =	simm.s32 $0x2;
	s0 =	simm.s32 $0x19800;
	s11 =	simm.s32 $0x19A00  }
0x1a: {  	s12 =	simm.s32 $0x18B00;
	s13 =	simm.s32 $0x19B00;
	s14 =	simm.s32 $0x18C00  }
0x1b: {  	s15 =	simm.s32 $0x19C00;
	s16 =	simm.s32 $0x18D00;
	s17 =	simm.s32 $0x19D00  }
0x1c: {  	s18 =	simm.s32 $0x18E00;
	s21 =	simm.s32 $0x19F00;
	s22 =	simm.s32 $0x0  }
.LBB2_1:
0x1d: {  	[dreg:$0x14] =	wrdreg s22  }
0x1e: {  	s9 =	rddreg [dreg:$0x4]  }
0x1f: {  	[tilespmem:s25], [sflag:$0x2] =	stream.linear.gather [hbm4b:s9+s3], $0x1C00, $0x38;
	[tilespmem:$0x1E000] =	vst v63  }
0x20: {  	_ =	swait.ge [sflag:s26], $0x1C00  }
0x21: {  	[sflag:s26] =	ssyncset.done $0x0  }
0x22: {  	[sflag:s26] =	ssyncadd.s32 $0xFFFFE400  }
0x23: {  	[spmem:s30] =	stream.linear.scatter [tilespmem:s25], [sflag:$0x1], $0x1C00, $0x38;
	[tilespmem:$0x1E000] =	vst v63  }
0x24: {  	s30 =	rddreg [dreg:$0x7]  }
0x25: {  	[spmem:s30] =	stream.linear.scatter [tilespmem:s25], [sflag:$0x1], $0x1C00, $0x38;
	[tilespmem:$0x1E000] =	vst v63  }
0x26: {  	s22 =	rddreg [dreg:$0x8]  }
0x27: {  	[spmem:s22] =	stream.linear.scatter [tilespmem:s25], [sflag:$0x1], $0x1C00, $0x38;
	[tilespmem:$0x1E000] =	vst v63  }
0x28: {  	s23 =	rddreg [dreg:$0x9]  }
0x29: {  	[spmem:s23] =	stream.linear.scatter [tilespmem:s25], [sflag:$0x1], $0x1C00, $0x38;
	[tilespmem:$0x1E000] =	vst v63  }
0x2a: {  	s30 =	rddreg [dreg:$0xa]  }
0x2b: {  	[spmem:s30] =	stream.linear.scatter [tilespmem:s25], [sflag:$0x1], $0x1C00, $0x38;
	[tilespmem:$0x1E000] =	vst v63  }
0x2c: {  	s22 =	rddreg [dreg:$0xb]  }
0x2d: {  	[spmem:s22] =	stream.linear.scatter [tilespmem:s25], [sflag:$0x1], $0x1C00, $0x38;
	[tilespmem:$0x1E000] =	vst v63  }
0x2e: {  	s23 =	rddreg [dreg:$0xc]  }
0x2f: {  	[spmem:s23] =	stream.linear.scatter [tilespmem:s25], [sflag:$0x1], $0x1C00, $0x38;
	[tilespmem:$0x1E000] =	vst v63  }
0x30: {  	s30 =	rddreg [dreg:$0xd]  }
0x31: {  	[spmem:s30] =	stream.linear.scatter [tilespmem:s25], [sflag:$0x1], $0x1C00, $0x38;
	[tilespmem:$0x1E000] =	vst v63  }
0x32: {  	s22 =	rddreg [dreg:$0xe]  }
0x33: {  	[spmem:s22] =	stream.linear.scatter [tilespmem:s25], [sflag:$0x1], $0x1C00, $0x38;
	[tilespmem:$0x1E000] =	vst v63  }
0x34: {  	s23 =	rddreg [dreg:$0xf]  }
0x35: {  	[spmem:s23] =	stream.linear.scatter [tilespmem:s25], [sflag:$0x1], $0x1C00, $0x38;
	[tilespmem:$0x1E000] =	vst v63  }
0x36: {  	s30 =	rddreg [dreg:$0x10]  }
0x37: {  	[spmem:s30] =	stream.linear.scatter [tilespmem:s25], [sflag:$0x1], $0x1C00, $0x38;
	[tilespmem:$0x1E000] =	vst v63  }
0x38: {  	s22 =	rddreg [dreg:$0x11]  }
0x39: {  	[spmem:s22] =	stream.linear.scatter [tilespmem:s25], [sflag:$0x1], $0x1C00, $0x38;
	[tilespmem:$0x1E000] =	vst v63  }
0x3a: {  	s23 =	rddreg [dreg:$0x12]  }
0x3b: {  	[spmem:s23] =	stream.linear.scatter [tilespmem:s25], [sflag:$0x1], $0x1C00, $0x38;
	[tilespmem:$0x1E000] =	vst v63  }
0x3c: {  	s30 =	rddreg [dreg:$0x13]  }
0x3d: {  	[spmem:s30] =	stream.linear.scatter [tilespmem:s25], [sflag:$0x1], $0x1C00, $0x38;
	[tilespmem:$0x1E000] =	vst v63  }
0x3e: {  	_ =	swait.ge [sflag:s28], $0x1C00  }
0x3f: {  	[sflag:s28] =	ssyncset.done $0x0  }
0x40: {  	[sflag:s28] =	ssyncadd.s32 $0xFFFFE400  }
0x41: {  	_ =	swait.ge [sflag:s28], $0x1C00  }
0x42: {  	[sflag:s28] =	ssyncset.done $0x0  }
0x43: {  	[sflag:s28] =	ssyncadd.s32 $0xFFFFE400  }
0x44: {  	_ =	swait.ge [sflag:s28], $0x1C00  }
0x45: {  	[sflag:s28] =	ssyncset.done $0x0  }
0x46: {  	[sflag:s28] =	ssyncadd.s32 $0xFFFFE400  }
0x47: {  	_ =	swait.ge [sflag:s28], $0x1C00  }
0x48: {  	[sflag:s28] =	ssyncset.done $0x0  }
0x49: {  	[sflag:s28] =	ssyncadd.s32 $0xFFFFE400  }
0x4a: {  	_ =	swait.ge [sflag:s28], $0x1C00  }
0x4b: {  	[sflag:s28] =	ssyncset.done $0x0  }
0x4c: {  	[sflag:s28] =	ssyncadd.s32 $0xFFFFE400  }
0x4d: {  	_ =	swait.ge [sflag:s28], $0x1C00  }
0x4e: {  	[sflag:s28] =	ssyncset.done $0x0  }
0x4f: {  	[sflag:s28] =	ssyncadd.s32 $0xFFFFE400  }
0x50: {  	_ =	swait.ge [sflag:s28], $0x1C00  }
0x51: {  	[sflag:s28] =	ssyncset.done $0x0  }
0x52: {  	[sflag:s28] =	ssyncadd.s32 $0xFFFFE400  }
0x53: {  	_ =	swait.ge [sflag:s28], $0x1C00  }
0x54: {  	[sflag:s28] =	ssyncset.done $0x0  }
0x55: {  	[sflag:s28] =	ssyncadd.s32 $0xFFFFE400  }
0x56: {  	_ =	swait.ge [sflag:s28], $0x1C00  }
0x57: {  	[sflag:s28] =	ssyncset.done $0x0  }
0x58: {  	[sflag:s28] =	ssyncadd.s32 $0xFFFFE400  }
0x59: {  	_ =	swait.ge [sflag:s28], $0x1C00  }
0x5a: {  	[sflag:s28] =	ssyncset.done $0x0  }
0x5b: {  	[sflag:s28] =	ssyncadd.s32 $0xFFFFE400  }
0x5c: {  	_ =	swait.ge [sflag:s28], $0x1C00  }
0x5d: {  	[sflag:s28] =	ssyncset.done $0x0  }
0x5e: {  	[sflag:s28] =	ssyncadd.s32 $0xFFFFE400  }
0x5f: {  	_ =	swait.ge [sflag:s28], $0x1C00  }
0x60: {  	[sflag:s28] =	ssyncset.done $0x0  }
0x61: {  	[sflag:s28] =	ssyncadd.s32 $0xFFFFE400  }
0x62: {  	_ =	swait.ge [sflag:s28], $0x1C00  }
0x63: {  	[sflag:s28] =	ssyncset.done $0x0  }
0x64: {  	[sflag:s28] =	ssyncadd.s32 $0xFFFFE400  }
0x65: {  	_ =	swait.ge [sflag:s28], $0x1C00  }
0x66: {  	[sflag:s28] =	ssyncset.done $0x0  }
0x67: {  	[sflag:s28] =	ssyncadd.s32 $0xFFFFE400  }
0x68: {  	s23 =	simm.s32 $0x0;
	[bflag:$0x0] =	sbarrier.arrive $0xFFFF  }
.LBB2_2:
0x69: {  	s9 =	sshll.u32 s23, $0xB  }
0x6a: {  	s9 =	sadd.s32 s8, s9  }
0x6b: {  	s9 =	sshrl.u32 s9, $0x3  }
0x6c: {  	s30 =	simm.s32 $0x0;
	s22 =	sadd.s32 s5, s9  }
0x6d: {  	[tilespmem:s29], [sflag:$0x2] =	stream.linear.gather [hbm4b:s22+s30], $0x800, $0x38;
	[tilespmem:$0x1E000] =	vst v63  }
0x6e: {  	_ =	swait.ge [sflag:s26], $0x800  }
0x6f: {  	[sflag:s26] =	ssyncset.done $0x0  }
0x70: {  	s9 =	sadd.s32 s6, s9;
	s22 =	simm.s32 $0x19000;
	[sflag:s26] =	ssyncadd.s32 $0xFFFFF800  }
0x71: {  	[tilespmem:s22], [sflag:$0x2] =	stream.linear.gather [hbm4b:s9+s30], $0x800, $0x38;
	[tilespmem:$0x1E000] =	vst v63  }
0x72: {  	_ =	swait.ge [sflag:s26], $0x800  }
0x73: {  	[sflag:s26] =	ssyncset.done $0x0  }
0x74: {  	s9 =	simm.s32 $0x0;
	[sflag:s26] =	ssyncadd.s32 $0xFFFFF800  }
0x75: {  	v1 =	vld [tilespmem:s9+$0x190F0]  }
0x76: {  	v2 =	vld [tilespmem:s9+$0x19000]  }
0x77: {  	v3 =	vld [tilespmem:s9+$0x19010];
	_ =	sdelay $0x1  }
0x78: {  	v4 =	vld [tilespmem:s9+$0x19020]  }
0x79: {  	v5 =	vld [tilespmem:s9+$0x19030];
	v1 =	vadd.s32 v0, v1  }
0x7a: {  	v6 =	vld [tilespmem:s9+$0x19040];
	v2 =	vadd.s32 v0, v2;
	vm0 =	vlt.u32 v1, $0x61A8  }
0x7b: {  	v7 =	vld [tilespmem:s9+$0x19050];
	v3 =	vadd.s32 v0, v3;
	vm1 =	vlt.u32 v2, $0x61A8;
	v1 =	vnsel vm0, $0x61F8, v1  }
0x7c: {  	v8 =	vld [tilespmem:s9+$0x19060];
	v2 =	vnsel vm1, $0x61F8, v2;
	vm0 =	vlt.u32 v3, $0x61A8;
	[tilespmem:s9+$0x198F0] =	vst v1  }
0x7d: {  	v9 =	vld [tilespmem:s9+$0x19070];
	[tilespmem:s9+$0x19800] =	vst v2;
	v1 =	vadd.s32 v0, v4;
	v2 =	vnsel vm0, $0x61F8, v3  }
0x7e: {  	v10 =	vld [tilespmem:s9+$0x19080];
	vm0 =	vlt.u32 v1, $0x61A8;
	[tilespmem:s9+$0x19810] =	vst v2;
	v2 =	vadd.s32 v0, v5  }
0x7f: {  	v3 =	vadd.s32 v0, v6;
	v5 =	vld [tilespmem:s9+$0x19090];
	v1 =	vnsel vm0, $0x61F8, v1;
	vm0 =	vlt.u32 v2, $0x61A8  }
0x80: {  	v4 =	vadd.s32 v0, v7;
	[tilespmem:s9+$0x19820] =	vst v1;
	v2 =	vnsel vm0, $0x61F8, v2;
	v1 =	vld [tilespmem:s9+$0x190A0];
	vm0 =	vlt.u32 v3, $0x61A8  }
0x81: {  	v6 =	vadd.s32 v0, v8;
	[tilespmem:s9+$0x19830] =	vst v2;
	v3 =	vnsel vm0, $0x61F8, v3;
	v2 =	vld [tilespmem:s9+$0x190B0];
	vm0 =	vlt.u32 v4, $0x61A8  }
0x82: {  	v7 =	vadd.s32 v0, v9;
	[tilespmem:s9+$0x19840] =	vst v3;
	v4 =	vnsel vm0, $0x61F8, v4;
	v3 =	vld [tilespmem:s9+$0x190C0];
	vm0 =	vlt.u32 v6, $0x61A8  }
0x83: {  	[tilespmem:s9+$0x19850] =	vst v4;
	v8 =	vnsel vm0, $0x61F8, v6;
	v4 =	vld [tilespmem:s9+$0x190D0];
	vm0 =	vlt.u32 v7, $0x61A8;
	v6 =	vadd.s32 v0, v10  }
0x84: {  	s22 =	simm.s32 $0x100;
	s30 =	simm.s32 $0x800;
	[tilespmem:s9+$0x19860] =	vst v8;
	v8 =	vnsel vm0, $0x61F8, v7;
	vm0 =	vlt.u32 v6, $0x61A8;
	v7 =	vadd.s32 v0, v5;
	v5 =	vld [tilespmem:s9+$0x190E0]  }
.LBB2_3:
0x85: {  	p0 =	sne.s32 s30, $0x1C00;
	v9 =	vld [tilespmem:s22+$0x190F0];
	[tilespmem:s9+$0x19870] =	vst v8;
	v6 =	vnsel vm0, $0x61F8, v6;
	vm0 =	vlt.u32 v7, $0x61A8;
	v1 =	vadd.s32 v0, v1  }
0x86: {  	v8 =	vld [tilespmem:s22+$0x19000];
	[tilespmem:s9+$0x19880] =	vst v6;
	v6 =	vnsel vm0, $0x61F8, v7;
	vm0 =	vlt.u32 v1, $0x61A8;
	v2 =	vadd.s32 v0, v2  }
0x87: {  	v7 =	vld [tilespmem:s22+$0x19010];
	[tilespmem:s9+$0x19890] =	vst v6;
	v1 =	vnsel vm0, $0x61F8, v1;
	vm0 =	vlt.u32 v2, $0x61A8;
	v3 =	vadd.s32 v0, v3  }
0x88: {  	v6 =	vld [tilespmem:s22+$0x19020];
	[tilespmem:s9+$0x198A0] =	vst v1;
	v1 =	vnsel vm0, $0x61F8, v2;
	vm0 =	vlt.u32 v3, $0x61A8;
	v2 =	vadd.s32 v0, v4  }
0x89: {  	v4 =	vld [tilespmem:s22+$0x19030];
	[tilespmem:s9+$0x198B0] =	vst v1;
	v1 =	vnsel vm0, $0x61F8, v3;
	vm0 =	vlt.u32 v2, $0x61A8;
	v3 =	vadd.s32 v0, v5  }
0x8a: {  	v5 =	vld [tilespmem:s22+$0x19040];
	v9 =	vadd.s32 v0, v9;
	[tilespmem:s9+$0x198C0] =	vst v1;
	v1 =	vnsel vm0, $0x61F8, v2;
	vm0 =	vlt.u32 v3, $0x61A8  }
0x8b: {  	v2 =	vadd.s32 v0, v8;
	v8 =	vld [tilespmem:s22+$0x19050];
	vm1 =	vlt.u32 v9, $0x61A8;
	[tilespmem:s9+$0x198D0] =	vst v1;
	v1 =	vnsel vm0, $0x61F8, v3  }
0x8c: {  	vm0 =	vlt.u32 v2, $0x61A8;
	v3 =	vadd.s32 v0, v7;
	v7 =	vld [tilespmem:s22+$0x19060];
	v9 =	vnsel vm1, $0x61F8, v9;
	[tilespmem:s9+$0x198E0] =	vst v1;
	s9 =	smov.u32 s22  }
0x8d: {  	v1 =	vnsel vm0, $0x61F8, v2;
	vm0 =	vlt.u32 v3, $0x61A8;
	v2 =	vadd.s32 v0, v6;
	v6 =	vld [tilespmem:s9+$0x19070];
	[tilespmem:s9+$0x198F0] =	vst v9  }
0x8e: {  	[tilespmem:s9+$0x19800] =	vst v1;
	v1 =	vnsel vm0, $0x61F8, v3;
	vm0 =	vlt.u32 v2, $0x61A8;
	v3 =	vadd.s32 v0, v4;
	v4 =	vld [tilespmem:s9+$0x19080]  }
0x8f: {  	[tilespmem:s9+$0x19810] =	vst v1;
	v1 =	vnsel vm0, $0x61F8, v2;
	vm0 =	vlt.u32 v3, $0x61A8;
	v2 =	vadd.s32 v0, v5;
	v5 =	vld [tilespmem:s9+$0x19090]  }
.Ltmp0:
0x90: {  	[tilespmem:s9+$0x19820] =	vst v1;
	v3 =	vnsel vm0, $0x61F8, v3;
	vm0 =	vlt.u32 v2, $0x61A8;
	v8 =	vadd.s32 v0, v8;
	v1 =	vld [tilespmem:s9+$0x190A0];
	(pc) =	sbr.rel @p0 .LBB2_3-.Ltmp0, $4  }
0x91: {  	[tilespmem:s9+$0x19830] =	vst v3;
	v3 =	vnsel vm0, $0x61F8, v2;
	vm0 =	vlt.u32 v8, $0x61A8;
	v7 =	vadd.s32 v0, v7;
	v2 =	vld [tilespmem:s9+$0x190B0]  }
0x92: {  	[tilespmem:s9+$0x19840] =	vst v3;
	v8 =	vnsel vm0, $0x61F8, v8;
	vm0 =	vlt.u32 v7, $0x61A8;
	v9 =	vadd.s32 v0, v6;
	v3 =	vld [tilespmem:s9+$0x190C0]  }
0x93: {  	[tilespmem:s9+$0x19850] =	vst v8;
	v7 =	vnsel vm0, $0x61F8, v7;
	vm0 =	vlt.u32 v9, $0x61A8;
	v6 =	vadd.s32 v0, v4;
	v4 =	vld [tilespmem:s9+$0x190D0]  }
0x94: {  	s22 =	sshra.s32 s30, $0x2;
	s30 =	sadd.s32 $0x400, s30;
	[tilespmem:s9+$0x19860] =	vst v7;
	v8 =	vnsel vm0, $0x61F8, v9;
	vm0 =	vlt.u32 v6, $0x61A8;
	v7 =	vadd.s32 v0, v5;
	v5 =	vld [tilespmem:s9+$0x190E0]  }
0x95: {  	v9 =	vld [tilespmem:s22+$0x190F0];
	[tilespmem:s9+$0x19870] =	vst v8;
	v6 =	vnsel vm0, $0x61F8, v6;
	vm7 =	vlt.u32 v7, $0x61A8;
	v1 =	vadd.s32 v0, v1  }
0x96: {  	v8 =	vld [tilespmem:s22+$0x19000];
	[tilespmem:s9+$0x19880] =	vst v6;
	v51 =	vnsel vm7, $0x61F8, v7;
	vm8 =	vlt.u32 v1, $0x61A8;
	v2 =	vadd.s32 v0, v2  }
0x97: {  	v52 =	vld [tilespmem:s22+$0x19010];
	[tilespmem:s9+$0x19890] =	vst v51;
	v1 =	vnsel vm8, $0x61F8, v1;
	vm9 =	vlt.u32 v2, $0x61A8  }
0x98: {  	v6 =	vld [tilespmem:s22+$0x19020];
	[tilespmem:s9+$0x198A0] =	vst v1;
	v1 =	vadd.s32 v0, v3;
	v2 =	vnsel vm9, $0x61F8, v2  }
0x99: {  	v3 =	vld [tilespmem:s22+$0x19030];
	vm10 =	vlt.u32 v1, $0x61A8;
	[tilespmem:s9+$0x198B0] =	vst v2;
	v2 =	vadd.s32 v0, v4  }
0x9a: {  	v1 =	vnsel vm10, $0x61F8, v1;
	vm11 =	vlt.u32 v2, $0x61A8  }
0x9b: {  	v53 =	vld [tilespmem:s22+$0x19040];
	[tilespmem:s9+$0x198C0] =	vst v1;
	v1 =	vadd.s32 v0, v5;
	v2 =	vnsel vm11, $0x61F8, v2  }
0x9c: {  	v54 =	vld [tilespmem:s22+$0x19050];
	vm12 =	vlt.u32 v1, $0x61A8;
	[tilespmem:s9+$0x198D0] =	vst v2;
	v2 =	vadd.s32 v0, v9  }
0x9d: {  	v1 =	vnsel vm12, $0x61F8, v1;
	vm13 =	vlt.u32 v2, $0x61A8  }
0x9e: {  	v55 =	vld [tilespmem:s22+$0x19060];
	[tilespmem:s9+$0x198E0] =	vst v1;
	v1 =	vnsel vm13, $0x61F8, v2  }
0x9f: {  	[tilespmem:s22+$0x198F0] =	vst v1;
	v1 =	vadd.s32 v0, v6  }
0xa0: {  	v8 =	vadd.s32 v0, v8;
	vm15 =	vlt.u32 v1, $0x61A8  }
0xa1: {  	vm1 =	vlt.u32 v8, $0x61A8;
	v3 =	vadd.s32 v0, v3;
	v2 =	vld [tilespmem:s22+$0x19070];
	v1 =	vnsel vm15, $0x61F8, v1  }
0xa2: {  	v8 =	vnsel vm1, $0x61F8, v8;
	v57 =	vld [tilespmem:s22+$0x19080];
	vm4 =	vlt.u32 v3, $0x61A8;
	[tilespmem:s22+$0x19820] =	vst v1;
	v1 =	vadd.s32 v0, v53  }
0xa3: {  	v7 =	vadd.s32 v0, v52;
	[tilespmem:s22+$0x19800] =	vst v8;
	v58 =	vld [tilespmem:s22+$0x19090];
	v3 =	vnsel vm4, $0x61F8, v3;
	vm5 =	vlt.u32 v1, $0x61A8  }
0xa4: {  	vm14 =	vlt.u32 v7, $0x61A8;
	v59 =	vld [tilespmem:s22+$0x190A0];
	[tilespmem:s22+$0x19830] =	vst v3;
	v3 =	vadd.s32 v0, v54;
	v1 =	vnsel vm5, $0x61F8, v1  }
0xa5: {  	v56 =	vnsel vm14, $0x61F8, v7;
	v60 =	vld [tilespmem:s22+$0x190B0];
	vm6 =	vlt.u32 v3, $0x61A8;
	[tilespmem:s22+$0x19840] =	vst v1;
	v1 =	vadd.s32 v0, v55  }
0xa6: {  	[tilespmem:s22+$0x19810] =	vst v56;
	v61 =	vld [tilespmem:s22+$0x190C0];
	v3 =	vnsel vm6, $0x61F8, v3;
	v2 =	vadd.s32 v0, v2;
	vm7 =	vlt.u32 v1, $0x61A8  }
0xa7: {  	[tilespmem:s22+$0x19850] =	vst v3;
	v3 =	vld [tilespmem:s22+$0x190D0];
	v7 =	vadd.s32 v0, v57;
	vm8 =	vlt.u32 v2, $0x61A8;
	v1 =	vnsel vm7, $0x61F8, v1  }
0xa8: {  	v62 =	vld [tilespmem:s22+$0x190E0];
	vm9 =	vlt.u32 v7, $0x61A8;
	[tilespmem:s22+$0x19860] =	vst v1;
	v1 =	vnsel vm8, $0x61F8, v2;
	v2 =	vadd.s32 v0, v58  }
0xa9: {  	v4 =	vadd.s32 v0, v59;
	[tilespmem:s22+$0x19870] =	vst v1;
	v1 =	vnsel vm9, $0x61F8, v7;
	vm10 =	vlt.u32 v2, $0x61A8  }
0xaa: {  	vm11 =	vlt.u32 v4, $0x61A8;
	[tilespmem:s22+$0x19880] =	vst v1;
	v1 =	vnsel vm10, $0x61F8, v2;
	v2 =	vadd.s32 v0, v60  }
0xab: {  	v63 =	vadd.s32 v0, v61;
	[tilespmem:s22+$0x19890] =	vst v1;
	v1 =	vnsel vm11, $0x61F8, v4;
	vm12 =	vlt.u32 v2, $0x61A8  }
0xac: {  	vm13 =	vlt.u32 v63, $0x61A8;
	[tilespmem:s22+$0x198A0] =	vst v1;
	v1 =	vnsel vm12, $0x61F8, v2;
	v2 =	vadd.s32 v0, v3  }
0xad: {  	v3 =	vadd.s32 v0, v62;
	[tilespmem:s22+$0x198B0] =	vst v1;
	v1 =	vnsel vm13, $0x61F8, v63;
	vm14 =	vlt.u32 v2, $0x61A8  }
0xae: {  	vm15 =	vlt.u32 v3, $0x61A8;
	[tilespmem:s22+$0x198C0] =	vst v1;
	v1 =	vnsel vm14, $0x61F8, v2  }
0xaf: {  	[tilespmem:s22+$0x198D0] =	vst v1;
	v1 =	vnsel vm15, $0x61F8, v3  }
0xb0: {  	[tilespmem:s22+$0x198E0] =	vst v1  }
0xb1: {  	[tilespmem:s25], [sflag:$0x2] =	stream.indirect.gather [hbm4b:s1+s31], $0x40, s29, s31, $0xb8;
	[tilespmem:$0x1E000] =	vst v63  }
0xb2: {  	_ =	swait.ge [sflag:s26], $0x4000  }
0xb3: {  	[sflag:s26] =	ssyncset.done $0x0  }
0xb4: {  	[sflag:s26] =	ssyncadd.s32 $0xFFFFC000  }
0xb5: {  	[spmem:s2] =	stream.indirect.scatter.add.f32 [tilespmem:s25], [sflag:$0x2], $0x40, s0, s31, $0xb8;
	[tilespmem:$0x1E000] =	vst v63  }
0xb6: {  	_ =	swait.ge [sflag:s26], $0x4000  }
0xb7: {  	[sflag:s26] =	ssyncset.done $0x0  }
0xb8: {  	[sflag:s26] =	ssyncadd.s32 $0xFFFFC000  }
0xb9: {  	[tilespmem:s25], [sflag:$0x2] =	stream.indirect.gather [hbm4b:s1+s31], $0x40, s4, s31, $0xb8;
	[tilespmem:$0x1E000] =	vst v63  }
0xba: {  	_ =	swait.ge [sflag:s26], $0x4000  }
0xbb: {  	[sflag:s26] =	ssyncset.done $0x0  }
0xbc: {  	[sflag:s26] =	ssyncadd.s32 $0xFFFFC000  }
0xbd: {  	[spmem:s2] =	stream.indirect.scatter.add.f32 [tilespmem:s25], [sflag:$0x2], $0x40, s7, s31, $0xb8;
	[tilespmem:$0x1E000] =	vst v63  }
0xbe: {  	_ =	swait.ge [sflag:s26], $0x4000  }
0xbf: {  	[sflag:s26] =	ssyncset.done $0x0  }
0xc0: {  	[sflag:s26] =	ssyncadd.s32 $0xFFFFC000  }
0xc1: {  	[tilespmem:s25], [sflag:$0x2] =	stream.indirect.gather [hbm4b:s1+s31], $0x40, s10, s31, $0xb8;
	[tilespmem:$0x1E000] =	vst v63  }
0xc2: {  	_ =	swait.ge [sflag:s26], $0x4000  }
0xc3: {  	[sflag:s26] =	ssyncset.done $0x0  }
0xc4: {  	[sflag:s26] =	ssyncadd.s32 $0xFFFFC000  }
0xc5: {  	[spmem:s2] =	stream.indirect.scatter.add.f32 [tilespmem:s25], [sflag:$0x2], $0x40, s11, s31, $0xb8;
	[tilespmem:$0x1E000] =	vst v63  }
0xc6: {  	_ =	swait.ge [sflag:s26], $0x4000  }
0xc7: {  	[sflag:s26] =	ssyncset.done $0x0  }
0xc8: {  	[sflag:s26] =	ssyncadd.s32 $0xFFFFC000  }
0xc9: {  	[tilespmem:s25], [sflag:$0x2] =	stream.indirect.gather [hbm4b:s1+s31], $0x40, s12, s31, $0xb8;
	[tilespmem:$0x1E000] =	vst v63  }
0xca: {  	_ =	swait.ge [sflag:s26], $0x4000  }
0xcb: {  	[sflag:s26] =	ssyncset.done $0x0  }
0xcc: {  	[sflag:s26] =	ssyncadd.s32 $0xFFFFC000  }
0xcd: {  	[spmem:s2] =	stream.indirect.scatter.add.f32 [tilespmem:s25], [sflag:$0x2], $0x40, s13, s31, $0xb8;
	[tilespmem:$0x1E000] =	vst v63  }
0xce: {  	_ =	swait.ge [sflag:s26], $0x4000  }
0xcf: {  	[sflag:s26] =	ssyncset.done $0x0  }
0xd0: {  	[sflag:s26] =	ssyncadd.s32 $0xFFFFC000  }
0xd1: {  	[tilespmem:s25], [sflag:$0x2] =	stream.indirect.gather [hbm4b:s1+s31], $0x40, s14, s31, $0xb8;
	[tilespmem:$0x1E000] =	vst v63  }
0xd2: {  	_ =	swait.ge [sflag:s26], $0x4000  }
0xd3: {  	[sflag:s26] =	ssyncset.done $0x0  }
0xd4: {  	[sflag:s26] =	ssyncadd.s32 $0xFFFFC000  }
0xd5: {  	[spmem:s2] =	stream.indirect.scatter.add.f32 [tilespmem:s25], [sflag:$0x2], $0x40, s15, s31, $0xb8;
	[tilespmem:$0x1E000] =	vst v63  }
0xd6: {  	_ =	swait.ge [sflag:s26], $0x4000  }
0xd7: {  	[sflag:s26] =	ssyncset.done $0x0  }
0xd8: {  	[sflag:s26] =	ssyncadd.s32 $0xFFFFC000  }
0xd9: {  	[tilespmem:s25], [sflag:$0x2] =	stream.indirect.gather [hbm4b:s1+s31], $0x40, s16, s31, $0xb8;
	[tilespmem:$0x1E000] =	vst v63  }
0xda: {  	_ =	swait.ge [sflag:s26], $0x4000  }
0xdb: {  	[sflag:s26] =	ssyncset.done $0x0  }
0xdc: {  	[sflag:s26] =	ssyncadd.s32 $0xFFFFC000  }
0xdd: {  	[spmem:s2] =	stream.indirect.scatter.add.f32 [tilespmem:s25], [sflag:$0x2], $0x40, s17, s31, $0xb8;
	[tilespmem:$0x1E000] =	vst v63  }
0xde: {  	_ =	swait.ge [sflag:s26], $0x4000  }
0xdf: {  	[sflag:s26] =	ssyncset.done $0x0  }
0xe0: {  	[sflag:s26] =	ssyncadd.s32 $0xFFFFC000  }
0xe1: {  	[tilespmem:s25], [sflag:$0x2] =	stream.indirect.gather [hbm4b:s1+s31], $0x40, s18, s31, $0xb8;
	[tilespmem:$0x1E000] =	vst v63  }
0xe2: {  	_ =	swait.ge [sflag:s26], $0x4000  }
0xe3: {  	[sflag:s26] =	ssyncset.done $0x0  }
0xe4: {  	[sflag:s26] =	ssyncadd.s32 $0xFFFFC000  }
0xe5: {  	[spmem:s2] =	stream.indirect.scatter.add.f32 [tilespmem:s25], [sflag:$0x2], $0x40, s19, s31, $0xb8;
	[tilespmem:$0x1E000] =	vst v63  }
0xe6: {  	_ =	swait.ge [sflag:s26], $0x4000  }
0xe7: {  	[sflag:s26] =	ssyncset.done $0x0  }
0xe8: {  	[sflag:s26] =	ssyncadd.s32 $0xFFFFC000  }
0xe9: {  	[tilespmem:s25], [sflag:$0x2] =	stream.indirect.gather [hbm4b:s1+s31], $0x40, s20, s31, $0xb8;
	[tilespmem:$0x1E000] =	vst v63  }
0xea: {  	s23 =	sadd.s32 $0x1, s23;
	_ =	swait.ge [sflag:s26], $0x4000  }
0xeb: {  	p0 =	sne.s32 s23, $0x19;
	[sflag:s26] =	ssyncset.done $0x0  }
.Ltmp1:
0xec: {  	[sflag:s26] =	ssyncadd.s32 $0xFFFFC000;
	(pc) =	sbr.rel @p0 .LBB2_2-.Ltmp1, $4  }
0xed: {  	[spmem:s2] =	stream.indirect.scatter.add.f32 [tilespmem:s25], [sflag:$0x2], $0x40, s21, s31, $0xb8;
	[tilespmem:$0x1E000] =	vst v63  }
0xee: {  	_ =	swait.ge [sflag:s26], $0x4000  }
0xef: {  	[sflag:s26] =	ssyncset.done $0x0  }
0xf0: {  	[sflag:s26] =	ssyncadd.s32 $0xFFFFC000  }
0xf1: {  	[bflag:$0x0] =	sbarrier.arrive $0xFFFF  }
0xf2: {  	s30 =	rddreg [dreg:$0x5]  }
0xf3: {  	[tilespmem:s25], [sflag:$0x2] =	stream.linear.gather [spmem:s30], $0x1C00, $0x38;
	[tilespmem:$0x1E000] =	vst v63  }
0xf4: {  	_ =	swait.ge [sflag:s26], $0x1C00  }
0xf5: {  	[sflag:s26] =	ssyncset.done $0x0  }
0xf6: {  	s9 =	sadd.s32 $0x0, s24;
	[sflag:s26] =	ssyncadd.s32 $0xFFFFE400  }
0xf7: {  	[hbm4b:s9+s3] =	stream.linear.scatter [tilespmem:s25], [sflag:$0x2], $0x1C00, $0x38;
	[tilespmem:$0x1E000] =	vst v63  }
0xf8: {  	_ =	swait.ge [sflag:s26], $0x1C00  }
0xf9: {  	s22 =	smov.u32 s30;
	s9 =	simm.s32 $0x380;
	[sflag:s26] =	ssyncset.done $0x0  }
.LBB2_6:
0xfa: {  	p0 =	sne.s32 s9, $0x2D80;
	[sflag:s26] =	ssyncadd.s32 $0xFFFFE400;
	s22 =	sadd.s32 $0x1C00, s22  }
0xfb: {  	[tilespmem:s25], [sflag:$0x2] =	stream.linear.gather [spmem:s22], $0x1C00, $0x38;
	[tilespmem:$0x1E000] =	vst v63  }
0xfc: {  	s23 =	smov.u32 s9;
	s9 =	sadd.s32 $0x380, s9;
	_ =	swait.ge [sflag:s26], $0x1C00  }
.Ltmp2:
0xfd: {  	[sflag:s26] =	ssyncset.done $0x0;
	(pc) =	sbr.rel @p0 .LBB2_6-.Ltmp2, $4  }
0xfe: {  	s23 =	sadd.s32 s23, s24;
	[sflag:s26] =	ssyncadd.s32 $0xFFFFE400  }
0xff: {  	[hbm4b:s23+s3] =	stream.linear.scatter [tilespmem:s25], [sflag:$0x2], $0x1C00, $0x38;
	[tilespmem:$0x1E000] =	vst v63  }
0x100: {  	_ =	swait.ge [sflag:s26], $0x1C00  }
0x101: {  	[sflag:s26] =	ssyncset.done $0x0  }
0x102: {  	s22 =	rddreg [dreg:$0x14]  }
0x103: {  	s9 =	rddreg [dreg:$0x6];
	s22 =	sadd.s32 $0x1, s22  }
0x104: {  	p0 =	sne.s32 s22, s9  }
.Ltmp3:
0x105: {  	_ = 	snop;
	(pc) =	sbr.rel @p0 .LBB2_1-.Ltmp3, $2  }
0x106: {  	_ =	sdelay $0x2  }
0x107: {  	[sflag:s26] =	ssyncadd.s32 $0xFFFFE400  }
0x108: {  	_ =	sfence.sel $0x180000  }
0x109: {  	[bflag:$0x0] =	sbarrier.arrive $0xFFFF  }
0x10a: {  	_ =	strace $0x9000004D  }
0x10b: {  	s0 =	stileid.u32;
	[bflag:$0x2] =	sbarrier.arrive $0xFFFF  }
0x10c: {  	p0 =	sne.s32 s0, $0x0;
	s0 =	rddreg [dreg:$0x3]  }
0x10d: {  	s0 =	sadd.s32 @!p0 $0x100000, s0  }
0x10e: {  	[sflag:s0] =	ssyncadd.tile.s32 @!p0 $0x1;
	_ =	shalt  }
.Lfunc_end2:
_tile_overlayer_lowered:
.L_overlay_start_2:
0x10f: {  	(tag) =	ssettag $0x2  }
0x110: {  	s0 =	rddreg [dreg:$0x0];
	s2 =	stileid.u32  }
0x111: {  	s1 =	rddreg [dreg:$0x1];
	p0 =	sne.s32 s2, $0x0  }
0x112: {  	s3 =	rddreg [dreg:$0x2];
	[bflag:$0x3] =	sbarrier.arrive $0xFFFF;
	s2 =	simm.s32 @!p0 $0x1C02  }
0x113: {  	[timem:s3], [sflag:s2] =	dma.local @!p0 [hbm:s0], s1  }
0x114: {  	s0 =	simm.s32 @!p0 $0x2  }
0x115: {  	_ =	swait.ge @!p0 [sflag:s0], s1  }
0x116: {  	s1 =	ssub.s32 @!p0 $0x0, s1;
	[sflag:s0] =	ssyncset.done @!p0 $0x0  }
0x117: {  	[sflag:s0] =	ssyncadd.s32 @!p0 s1  }
0x118: {  	[bflag:$0x3] =	sbarrier.arrive $0xFFFF  }
0x119: {  	_ =	shalt  }

// kernel: kernel.19.cloned.1.call-start
scs
__scs_entry_jumppad:
0x0: {  	(pc) =	sbr.rel $0x88, $3  }
0x1: {  	(tag) =	ssettag $0x0;
	lr =	simm.s32 $0x1  }
0x2: {  	[smem:$0x3F97] =	sst lr;
	_ =	strace $0xD0000000  }
0x3: {  	_ = 	snop  }
0x4: {  	_ = 	snop  }
0x5: {  	_ = 	snop  }
0x6: {  	_ = 	snop  }
0x7: {  	_ = 	snop  }
__scs_overlays_trampoline_lowered:
0x8: {  	[smem:$0x3FA6] =	sst s0  }
0x9: {  	[smem:$0x3FA7] =	sst s1  }
0xa: {  	[smem:$0x3FA8] =	sst s2  }
0xb: {  	[smem:$0x3FA9] =	sst s3  }
0xc: {  	[smem:$0x3FAA] =	sst s4  }
0xd: {  	[smem:$0x3FAB] =	sst s5  }
0xe: {  	[smem:$0x3FAC] =	sst s6  }
0xf: {  	[smem:$0x3FAD] =	sst s7  }
0x10: {  	[smem:$0x3FAE] =	sst s8  }
0x11: {  	[smem:$0x3FAF] =	sst s9;
	s0 =	simm.s32 @!p0 $0x0  }
0x12: {  	s1 =	sld [smem:$0x3F95];
	s0 =	simm.s32 @p0 $0x1  }
0x13: {  	[smem:$0x3FB0] =	sst s0;
	s0 =	simm.s32 @!p1 $0x0  }
0x14: {  	s2 =	sld [smem:$0x3F94];
	s0 =	simm.s32 @p1 $0x1  }
0x15: {  	[smem:$0x3FB1] =	sst s0;
	s0 =	simm.s32 @!p2 $0x0  }
0x16: {  	s3 =	sld [smem:$0x3FDB];
	s0 =	simm.s32 @p2 $0x1  }
0x17: {  	s4 =	simm.s32 $0x1BF5;
	[smem:$0x3FB3] =	sst s0  }
0x18: {  	s0 =	sld [smem:$0x3F96];
	_ =	swait.ge [sflag:s4], $0x0  }
0x19: {  	s7 =	sld [smem:$0x3F97]  }
0x1a: {  	s8 =	sadd.s32 $0xFFFFE003, lr  }
0x1b: {  	s9 =	sadd.s32 $0xFFFFFEF7, lr;
	s5 =	simm.s32 $0xFFFFFFFF;
	p2 =	slt.u32 s8, $0xFFFFF086  }
0x1c: {  	p1 =	slt.u32 s9, $0xF7A;
	s5 =	simm.s32 @!p2 $0x0  }
0x1d: {  	s5 =	simm.s32 @p1 $0x1;
	p0 =	seq.s32 s7, s2  }
0x1e: {  	s7 =	smul.u32 @!p0 $0xF7A, s2;
	p2 =	seq.s32 @!p0 s5, $0x0  }
0x1f: {  	s9 =	smul.u32 $0xF7A, s1;
	s8 =	simm.s32 @!p0 $0x1BF5;
	p2 =	por !p2, p0  }
0x20: {  	[sflag:s8] =	ssyncset.s32 @!p0 $0xFFFFF086;
	s6 =	sadd.s32 @!p0 s3, s7;
	s7 =	simm.s32 @!p0 $0x108  }
0x21: {  	s3 =	sadd.s32 s3, s9;
	s6 =	sadd.s32 @!p0 $0x88, s6;
	s7 =	simm.s32 @p2 $0x1082  }
0x22: {  	[simem:s7], [sflag:s8] =	dma.local @!p0 [hbm:s6], $0xF7A  }
0x23: {  	s9 =	sor.u32 $0xD0000000, s2;
	s6 =	simm.s32 $0x108;
	_ =	swait.ge @!p0 [sflag:s8], $0x0  }
0x24: {  	s3 =	sadd.s32 $0x88, s3;
	s6 =	simm.s32 @!p1 $0x1082;
	[sflag:s4] =	ssyncset.s32 $0xFFFFF086  }
0x25: {  	[simem:s6], [sflag:s4] =	dma.local [hbm:s3], $0xF7A  }
0x26: {  	[smem:$0x3F97] =	sst s1;
	(tag) =	ssettag s2;
	_ =	strace s9  }
0x27: {  	s1 =	sld [smem:$0x3FA7]  }
0x28: {  	s2 =	sld [smem:$0x3FA8]  }
0x29: {  	s4 =	sld [smem:$0x3FAA]  }
0x2a: {  	p0 =	seq.s32 s5, $0x0;
	s5 =	sld [smem:$0x3FAB]  }
0x2b: {  	s6 =	sld [smem:$0x3FAC]  }
0x2c: {  	s7 =	sld [smem:$0x3FAD]  }
0x2d: {  	s3 =	simm.s32 $0x108;
	s8 =	sld [smem:$0x3FAE]  }
0x2e: {  	s3 =	simm.s32 @!p0 $0x1082;
	s9 =	sld [smem:$0x3FAF]  }
0x2f: {  	lr =	sadd.s32 s0, s3;
	s0 =	sld [smem:$0x3FA6]  }
0x30: {  	s3 =	sld [smem:$0x3FA9]  }
0x31: {  	[smem:$0x3FB2] =	sst s10  }
0x32: {  	s10 =	sld [smem:$0x3FB0];
	_ =	sdelay $0x3  }
0x33: {  	p0 =	seq.s32 s10, $0x1;
	s10 =	sld [smem:$0x3FB2];
	_ =	sdelay $0x3  }
0x34: {  	[smem:$0x3FB2] =	sst s10  }
0x35: {  	s10 =	sld [smem:$0x3FB1];
	_ =	sdelay $0x3  }
0x36: {  	p1 =	seq.s32 s10, $0x1;
	s10 =	sld [smem:$0x3FB2];
	_ =	sdelay $0x3  }
0x37: {  	[smem:$0x3FB2] =	sst s10  }
0x38: {  	s10 =	sld [smem:$0x3FB3]  }
0x39: {  	_ = 	snop;
	(pc) =	sbr.ind lr, $3  }
0x3a: {  	_ = 	snop  }
0x3b: {  	_ = 	snop  }
0x3c: {  	p2 =	seq.s32 s10, $0x1;
	s10 =	sld [smem:$0x3FB2]  }
0x3d: {  	_ =	shalt  }
0x3e: {  	_ =	shalt  }
0x3f: {  	_ =	shalt  }
0x40: {  	_ =	shalt  }
0x41: {  	_ =	shalt  }
0x42: {  	_ =	shalt  }
0x43: {  	_ =	shalt  }
0x44: {  	_ =	shalt  }
0x45: {  	_ =	shalt  }
0x46: {  	_ =	shalt  }
0x47: {  	_ =	shalt  }
0x48: {  	_ =	shalt  }
0x49: {  	_ =	shalt  }
0x4a: {  	_ =	shalt  }
0x4b: {  	_ =	shalt  }
0x4c: {  	_ =	shalt  }
0x4d: {  	_ =	shalt  }
0x4e: {  	_ =	shalt  }
0x4f: {  	_ =	shalt  }
0x50: {  	_ =	shalt  }
0x51: {  	_ =	shalt  }
0x52: {  	_ =	shalt  }
0x53: {  	_ =	shalt  }
0x54: {  	_ =	shalt  }
0x55: {  	_ =	shalt  }
0x56: {  	_ =	shalt  }
0x57: {  	_ =	shalt  }
0x58: {  	_ =	shalt  }
0x59: {  	_ =	shalt  }
0x5a: {  	_ =	shalt  }
0x5b: {  	_ =	shalt  }
0x5c: {  	_ =	shalt  }
0x5d: {  	_ =	shalt  }
0x5e: {  	_ =	shalt  }
0x5f: {  	_ =	shalt  }
0x60: {  	_ =	shalt  }
0x61: {  	_ =	shalt  }
0x62: {  	_ =	shalt  }
0x63: {  	_ =	shalt  }
0x64: {  	_ =	shalt  }
0x65: {  	_ =	shalt  }
0x66: {  	_ =	shalt  }
0x67: {  	_ =	shalt  }
0x68: {  	_ =	shalt  }
0x69: {  	_ =	shalt  }
0x6a: {  	_ =	shalt  }
0x6b: {  	_ =	shalt  }
0x6c: {  	_ =	shalt  }
0x6d: {  	_ =	shalt  }
0x6e: {  	_ =	shalt  }
0x6f: {  	_ =	shalt  }
0x70: {  	_ =	shalt  }
0x71: {  	_ =	shalt  }
0x72: {  	_ =	shalt  }
0x73: {  	_ =	shalt  }
0x74: {  	_ =	shalt  }
0x75: {  	_ =	shalt  }
0x76: {  	_ =	shalt  }
0x77: {  	_ =	shalt  }
0x78: {  	_ =	shalt  }
0x79: {  	_ =	shalt  }
0x7a: {  	_ =	shalt  }
0x7b: {  	_ =	shalt  }
0x7c: {  	_ =	shalt  }
0x7d: {  	_ =	shalt  }
0x7e: {  	_ =	shalt  }
0x7f: {  	_ =	shalt  }
0x80: {  	_ =	shalt  }
0x81: {  	_ =	shalt  }
0x82: {  	_ =	shalt  }
0x83: {  	_ =	shalt  }
0x84: {  	_ =	shalt  }
0x85: {  	_ =	shalt  }
0x86: {  	_ =	shalt  }
0x87: {  	_ =	shalt  }
.Lfunc_end0:
.L_simem_size_0:
called_computation.3_lowered:
.L_overlay_start_0:
0x88: {  	s2 =	sld [smem:$0x3FD9]  }
0x89: {  	s3 =	sld [smem:$0x3FFE];
	_ =	sdelay $0x1  }
0x8a: {  	s1 =	srdreg.scid  }
0x8b: {  	s0 =	sand.u32 $0x1, s1  }
0x8c: {  	s17 =	sshll.u32 s0, $0xA;
	s2 =	sadd.s32 s3, s2  }
0x8d: {  	s2 =	sadd.s32 s2, s17  }
0x8e: {  	[smem:$0x3FBE] =	sst s2  }
0x8f: {  	_ = 	snop  }
0x90: {  	s2 =	sld [smem:$0x3FD0];
	(tm) =	ssettm $0x1  }
0x91: {  	s18 =	sld [smem:$0x3FFB];
	_ =	sdelay $0x3  }
0x92: {  	_ =	strace s18  }
0x93: {  	s3 =	sld [smem:$0x3FFC];
	_ =	sdelay $0x3  }
0x94: {  	_ =	strace s3  }
0x95: {  	s3 =	sld [smem:$0x3FFD];
	_ =	sdelay $0x3  }
0x96: {  	_ =	strace s3  }
0x97: {  	_ =	strace $0x8FFFFFFF  }
0x98: {  	s19 =	sld [smem:$0x3FDB];
	_ =	sdelay $0x1  }
0x99: {  	s4 =	simm.s32 $_scs_section_size  }
0x9a: {  	s5 =	simm.s32 $_size__tile_overlayer_lowered;
	s6 =	simm.s32 $_tile_overlayer_lowered  }
0x9b: {  	s22 =	simm.s32 $0x1BFF;
	s21 =	sshll.u32 s6, $0x1;
	s3 =	sadd.s32 s4, s19  }
0x9c: {  	s7 =	simm.s32 $0x0;
	s20 =	sshll.u32 s5, $0x1;
	s5 =	sadd.s32 s21, s3  }
0x9d: {  	[timem:s7], [sflag:s22] =	dma.local [hbm:s5], s20  }
0x9e: {  	_ =	swait.ge [sflag:s22], s20  }
0x9f: {  	s4 =	ssub.s32 $0x0, s20;
	[sflag:s22] =	ssyncset.done $0x0  }
0xa0: {  	[sflag:s22] =	ssyncadd.s32 s4;
	_ =	sdelay $0x1  }
0xa1: {  	s23 =	simm.s32 $0x1B8B  }
0xa2: {  	_ =	swait.ge [sflag:s23], $0x1  }
0xa3: {  	[sflag:s23] =	ssyncset.done $0x0  }
0xa4: {  	s25 =	simm.s32 $0x1B8E;
	s24 =	sld [smem:$0x3FFE];
	[sflag:s23] =	ssyncadd.s32 $0xFFFFFFFF  }
0xa5: {  	s26 =	simm.s32 $execute0_lowered;
	[smem:$0x3FD2] =	sst s25  }
0xa6: {  	s5 =	sshll.u32 s26, $0x1;
	_ =	strace $0x8000004F;
	[dreg:$0x1] =	wrdreg $0xFFFFFFFF  }
0xa7: {  	s28 =	simm.s32 $_size_execute0_lowered;
	s3 =	sadd.s32 s3, s5;
	[dreg:$0x0] =	wrdreg $0x0  }
0xa8: {  	s5 =	sshll.u32 s28, $0x1;
	[dreg:$0x2] =	wrdreg s3  }
0xa9: {  	[dreg:$0x3] =	wrdreg s5  }
0xaa: {  	[dreg:$0x4] =	wrdreg $0xC0  }
0xab: {  	_ =	task [dreg:s7], $0x5FFFF  }
0xac: {  	[dreg:$0x1] =	wrdreg $0xFFFFFFFF  }
0xad: {  	[dreg:$0x0] =	wrdreg $0x60  }
0xae: {  	[dreg:$0x2] =	wrdreg s24  }
0xaf: {  	[dreg:$0x3] =	wrdreg s2  }
0xb0: {  	[dreg:$0x4] =	wrdreg $0x0  }
0xb1: {  	[dreg:$0x5] =	wrdreg $0x9  }
0xb2: {  	_ =	task.clear_ibuf [dreg:s7], $0x6FFFF;
	_ =	strace $0x9000004F  }
0xb3: {  	s29 =	simm.s32 $0x9;
	_ =	strace $0x80000051  }
0xb4: {  	_ =	swait.ge [sflag:s29], $0x1  }
0xb5: {  	[sflag:s29] =	ssyncadd.s32 $0xFFFFFFFF  }
0xb6: {  	_ =	strace $0x90000051  }
0xb7: {  	_ =	sfence  }
0xb8: {  	s30 =	sld [smem:$0x0];
	_ =	sdelay $0x2  }
0xb9: {  	s31 =	sshll.u32 s1, $0xD;
	s1 =	sshrl.u32 s1, $0x2  }
0xba: {  	s3 =	sand.u32 $0x4000, s31;
	s1 =	sadd.s32 s1, s30  }
0xbb: {  	s0 =	sor.u32 s3, s0;
	s1 =	sshll.u32 s1, $0x11  }
0xbc: {  	s0 =	sor.u32 s1, s0  }
0xbd: {  	s0 =	sadd.s32 $0x8F2B, s0  }
0xbe: {  	[sflag:s0] =	ssyncadd.remote.s32 $0x1  }
0xbf: {  	_ =	sfence.sel $0xFFFF  }
0xc0: {  	[dreg:$0x0] =	wrdreg $0xFFFFFFFF;
	(pc) =	sbr.abs _section_cstart, $3  }
0xc1: {  	[dreg:$0x1] =	wrdreg $0xFFFFFFFF  }
0xc2: {  	_ =	task.clear_ibuf [dreg:s7], $0x2FFFF;
	_ =	strace $0x9FFFFFFF  }
0xc3: {  	(tm) =	ssettm $0x7FFFFFFF  }
tec
execute0_lowered:
.L_overlay_start_1:
0x0: {  	(tag) =	ssettag $0x1  }
0x1: {  	s0 =	rddreg [dreg:$0x0]  }
0x2: {  	s1 =	rddreg [dreg:$0x1]  }
0x3: {  	s2 =	rddreg [dreg:$0x2]  }
0x4: {  	s3 =	simm.s32 $0x0;
	s4 =	srdreg.scid;
	s10 =	stileid.u32  }
0x5: {  	[smem:$0x7FF] =	sst s3;
	s4 =	sand.u32 $0x1, s4;
	s5 =	sadd.s32 $0x178400, s0  }
0x6: {  	s6 =	sadd.s32 $0x1EC00, s0;
	s8 =	smul.u32 $0x62000, s10;
	s9 =	sadd.s32 $0x191400, s0  }
0x7: {  	_ =	strace $0x80000050;
	s7 =	smul.u32 $0x31000, s4;
	s24 =	ssub.s32 $0x2, s4  }
0x8: {  	[dreg:$0x4] =	wrdreg s9;
	s25 =	sshrl.u32 s24, $0x1;
	s26 =	sshrl.u32 s8, $0x2  }
0x9: {  	s0 =	sadd.s32 s7, s0;
	s7 =	ssub.s32 s24, s25;
	s30 =	sadd.s32 s26, s2  }
0xa: {  	s11 =	smax.u32 s7, $0x1;
	[dreg:$0x5] =	wrdreg s30  }
0xb: {  	s12 =	sadd.s32 $0x1C00, s30;
	[dreg:$0x6] =	wrdreg s11  }
0xc: {  	s28 =	simm.s32 $0x1;
	s13 =	sadd.s32 $0x3800, s30;
	[dreg:$0x7] =	wrdreg s12  }
0xd: {  	s29 =	simm.s32 $0x18800;
	s14 =	sadd.s32 $0x5400, s30;
	[dreg:$0x8] =	wrdreg s13  }
0xe: {  	s31 =	simm.s32 $0x100;
	s15 =	sadd.s32 $0x7000, s30;
	[dreg:$0x9] =	wrdreg s14  }
0xf: {  	s19 =	smul.u32 $0x3100, s10;
	s16 =	sadd.s32 $0x8C00, s30;
	[dreg:$0xa] =	wrdreg s15  }
0x10: {  	s20 =	smul.u32 $0xFFFF9E58, s4;
	s17 =	sadd.s32 $0xA800, s30;
	[dreg:$0xb] =	wrdreg s16  }
0x11: {  	s4 =	simm.s32 $0x18900;
	s18 =	sadd.s32 $0xC400, s30;
	[dreg:$0xc] =	wrdreg s17  }
0x12: {  	s8 =	smul.u32 $0xC800, s10;
	s21 =	sadd.s32 $0xE000, s30;
	[dreg:$0xd] =	wrdreg s18  }
0x13: {  	s10 =	simm.s32 $0x18A00;
	s22 =	sadd.s32 $0xFC00, s30;
	[dreg:$0xe] =	wrdreg s21  }
0x14: {  	v0 =	vmov s20;
	s20 =	simm.s32 $0x18F00;
	s23 =	sadd.s32 $0x11800, s30;
	[dreg:$0xf] =	wrdreg s22  }
0x15: {  	s24 =	sadd.s32 $0x13400, s30;
	s25 =	sadd.s32 $0x15000, s30;
	[dreg:$0x10] =	wrdreg s23  }
0x16: {  	s0 =	sadd.s32 s19, s0;
	s26 =	sadd.s32 $0x16C00, s30;
	[dreg:$0x11] =	wrdreg s24  }
0x17: {  	s7 =	simm.s32 $0x19900;
	s19 =	simm.s32 $0x19E00;
	[dreg:$0x12] =	wrdreg s25  }
0x18: {  	[dreg:$0x13] =	wrdreg s26;
	s24 =	sadd.s32 $0x116400, s0;
	s25 =	simm.s32 $0x1A000  }
0x19: {  	s26 =	simm.s32 $0x2;
	s0 =	simm.s32 $0x19800;
	s11 =	simm.s32 $0x19A00  }
0x1a: {  	s12 =	simm.s32 $0x18B00;
	s13 =	simm.s32 $0x19B00;
	s14 =	simm.s32 $0x18C00  }
0x1b: {  	s15 =	simm.s32 $0x19C00;
	s16 =	simm.s32 $0x18D00;
	s17 =	simm.s32 $0x19D00  }
0x1c: {  	s18 =	simm.s32 $0x18E00;
	s21 =	simm.s32 $0x19F00;
	s22 =	simm.s32 $0x0  }
.LBB2_1:
0x1d: {  	[dreg:$0x14] =	wrdreg s22  }
0x1e: {  	s9 =	rddreg [dreg:$0x4]  }
0x1f: {  	[tilespmem:s25], [sflag:$0x2] =	stream.linear.gather [hbm4b:s9+s3], $0x1C00, $0x38;
	[tilespmem:$0x1E000] =	vst v63  }
0x20: {  	_ =	swait.ge [sflag:s26], $0x1C00  }
0x21: {  	[sflag:s26] =	ssyncset.done $0x0  }
0x22: {  	[sflag:s26] =	ssyncadd.s32 $0xFFFFE400  }
0x23: {  	[spmem:s30] =	stream.linear.scatter [tilespmem:s25], [sflag:$0x1], $0x1C00, $0x38;
	[tilespmem:$0x1E000] =	vst v63  }
0x24: {  	s30 =	rddreg [dreg:$0x7]  }
0x25: {  	[spmem:s30] =	stream.linear.scatter [tilespmem:s25], [sflag:$0x1], $0x1C00, $0x38;
	[tilespmem:$0x1E000] =	vst v63  }
0x26: {  	s22 =	rddreg [dreg:$0x8]  }
0x27: {  	[spmem:s22] =	stream.linear.scatter [tilespmem:s25], [sflag:$0x1], $0x1C00, $0x38;
	[tilespmem:$0x1E000] =	vst v63  }
0x28: {  	s23 =	rddreg [dreg:$0x9]  }
0x29: {  	[spmem:s23] =	stream.linear.scatter [tilespmem:s25], [sflag:$0x1], $0x1C00, $0x38;
	[tilespmem:$0x1E000] =	vst v63  }
0x2a: {  	s30 =	rddreg [dreg:$0xa]  }
0x2b: {  	[spmem:s30] =	stream.linear.scatter [tilespmem:s25], [sflag:$0x1], $0x1C00, $0x38;
	[tilespmem:$0x1E000] =	vst v63  }
0x2c: {  	s22 =	rddreg [dreg:$0xb]  }
0x2d: {  	[spmem:s22] =	stream.linear.scatter [tilespmem:s25], [sflag:$0x1], $0x1C00, $0x38;
	[tilespmem:$0x1E000] =	vst v63  }
0x2e: {  	s23 =	rddreg [dreg:$0xc]  }
0x2f: {  	[spmem:s23] =	stream.linear.scatter [tilespmem:s25], [sflag:$0x1], $0x1C00, $0x38;
	[tilespmem:$0x1E000] =	vst v63  }
0x30: {  	s30 =	rddreg [dreg:$0xd]  }
0x31: {  	[spmem:s30] =	stream.linear.scatter [tilespmem:s25], [sflag:$0x1], $0x1C00, $0x38;
	[tilespmem:$0x1E000] =	vst v63  }
0x32: {  	s22 =	rddreg [dreg:$0xe]  }
0x33: {  	[spmem:s22] =	stream.linear.scatter [tilespmem:s25], [sflag:$0x1], $0x1C00, $0x38;
	[tilespmem:$0x1E000] =	vst v63  }
0x34: {  	s23 =	rddreg [dreg:$0xf]  }
0x35: {  	[spmem:s23] =	stream.linear.scatter [tilespmem:s25], [sflag:$0x1], $0x1C00, $0x38;
	[tilespmem:$0x1E000] =	vst v63  }
0x36: {  	s30 =	rddreg [dreg:$0x10]  }
0x37: {  	[spmem:s30] =	stream.linear.scatter [tilespmem:s25], [sflag:$0x1], $0x1C00, $0x38;
	[tilespmem:$0x1E000] =	vst v63  }
0x38: {  	s22 =	rddreg [dreg:$0x11]  }
0x39: {  	[spmem:s22] =	stream.linear.scatter [tilespmem:s25], [sflag:$0x1], $0x1C00, $0x38;
	[tilespmem:$0x1E000] =	vst v63  }
0x3a: {  	s23 =	rddreg [dreg:$0x12]  }
0x3b: {  	[spmem:s23] =	stream.linear.scatter [tilespmem:s25], [sflag:$0x1], $0x1C00, $0x38;
	[tilespmem:$0x1E000] =	vst v63  }
0x3c: {  	s30 =	rddreg [dreg:$0x13]  }
0x3d: {  	[spmem:s30] =	stream.linear.scatter [tilespmem:s25], [sflag:$0x1], $0x1C00, $0x38;
	[tilespmem:$0x1E000] =	vst v63  }
0x3e: {  	_ =	swait.ge [sflag:s28], $0x1C00  }
0x3f: {  	[sflag:s28] =	ssyncset.done $0x0  }
0x40: {  	[sflag:s28] =	ssyncadd.s32 $0xFFFFE400  }
0x41: {  	_ =	swait.ge [sflag:s28], $0x1C00  }
0x42: {  	[sflag:s28] =	ssyncset.done $0x0  }
0x43: {  	[sflag:s28] =	ssyncadd.s32 $0xFFFFE400  }
0x44: {  	_ =	swait.ge [sflag:s28], $0x1C00  }
0x45: {  	[sflag:s28] =	ssyncset.done $0x0  }
0x46: {  	[sflag:s28] =	ssyncadd.s32 $0xFFFFE400  }
0x47: {  	_ =	swait.ge [sflag:s28], $0x1C00  }
0x48: {  	[sflag:s28] =	ssyncset.done $0x0  }
0x49: {  	[sflag:s28] =	ssyncadd.s32 $0xFFFFE400  }
0x4a: {  	_ =	swait.ge [sflag:s28], $0x1C00  }
0x4b: {  	[sflag:s28] =	ssyncset.done $0x0  }
0x4c: {  	[sflag:s28] =	ssyncadd.s32 $0xFFFFE400  }
0x4d: {  	_ =	swait.ge [sflag:s28], $0x1C00  }
0x4e: {  	[sflag:s28] =	ssyncset.done $0x0  }
0x4f: {  	[sflag:s28] =	ssyncadd.s32 $0xFFFFE400  }
0x50: {  	_ =	swait.ge [sflag:s28], $0x1C00  }
0x51: {  	[sflag:s28] =	ssyncset.done $0x0  }
0x52: {  	[sflag:s28] =	ssyncadd.s32 $0xFFFFE400  }
0x53: {  	_ =	swait.ge [sflag:s28], $0x1C00  }
0x54: {  	[sflag:s28] =	ssyncset.done $0x0  }
0x55: {  	[sflag:s28] =	ssyncadd.s32 $0xFFFFE400  }
0x56: {  	_ =	swait.ge [sflag:s28], $0x1C00  }
0x57: {  	[sflag:s28] =	ssyncset.done $0x0  }
0x58: {  	[sflag:s28] =	ssyncadd.s32 $0xFFFFE400  }
0x59: {  	_ =	swait.ge [sflag:s28], $0x1C00  }
0x5a: {  	[sflag:s28] =	ssyncset.done $0x0  }
0x5b: {  	[sflag:s28] =	ssyncadd.s32 $0xFFFFE400  }
0x5c: {  	_ =	swait.ge [sflag:s28], $0x1C00  }
0x5d: {  	[sflag:s28] =	ssyncset.done $0x0  }
0x5e: {  	[sflag:s28] =	ssyncadd.s32 $0xFFFFE400  }
0x5f: {  	_ =	swait.ge [sflag:s28], $0x1C00  }
0x60: {  	[sflag:s28] =	ssyncset.done $0x0  }
0x61: {  	[sflag:s28] =	ssyncadd.s32 $0xFFFFE400  }
0x62: {  	_ =	swait.ge [sflag:s28], $0x1C00  }
0x63: {  	[sflag:s28] =	ssyncset.done $0x0  }
0x64: {  	[sflag:s28] =	ssyncadd.s32 $0xFFFFE400  }
0x65: {  	_ =	swait.ge [sflag:s28], $0x1C00  }
0x66: {  	[sflag:s28] =	ssyncset.done $0x0  }
0x67: {  	[sflag:s28] =	ssyncadd.s32 $0xFFFFE400  }
0x68: {  	s23 =	simm.s32 $0x0;
	[bflag:$0x0] =	sbarrier.arrive $0xFFFF  }
.LBB2_2:
0x69: {  	s9 =	sshll.u32 s23, $0xB  }
0x6a: {  	s9 =	sadd.s32 s8, s9  }
0x6b: {  	s9 =	sshrl.u32 s9, $0x3  }
0x6c: {  	s30 =	simm.s32 $0x0;
	s22 =	sadd.s32 s5, s9  }
0x6d: {  	[tilespmem:s29], [sflag:$0x2] =	stream.linear.gather [hbm4b:s22+s30], $0x800, $0x38;
	[tilespmem:$0x1E000] =	vst v63  }
0x6e: {  	_ =	swait.ge [sflag:s26], $0x800  }
0x6f: {  	[sflag:s26] =	ssyncset.done $0x0  }
0x70: {  	s9 =	sadd.s32 s6, s9;
	s22 =	simm.s32 $0x19000;
	[sflag:s26] =	ssyncadd.s32 $0xFFFFF800  }
0x71: {  	[tilespmem:s22], [sflag:$0x2] =	stream.linear.gather [hbm4b:s9+s30], $0x800, $0x38;
	[tilespmem:$0x1E000] =	vst v63  }
0x72: {  	_ =	swait.ge [sflag:s26], $0x800  }
0x73: {  	[sflag:s26] =	ssyncset.done $0x0  }
0x74: {  	s9 =	simm.s32 $0x0;
	[sflag:s26] =	ssyncadd.s32 $0xFFFFF800  }
0x75: {  	v1 =	vld [tilespmem:s9+$0x190F0]  }
0x76: {  	v2 =	vld [tilespmem:s9+$0x19000]  }
0x77: {  	v3 =	vld [tilespmem:s9+$0x19010];
	_ =	sdelay $0x1  }
0x78: {  	v4 =	vld [tilespmem:s9+$0x19020]  }
0x79: {  	v5 =	vld [tilespmem:s9+$0x19030];
	v1 =	vadd.s32 v0, v1  }
0x7a: {  	v6 =	vld [tilespmem:s9+$0x19040];
	v2 =	vadd.s32 v0, v2;
	vm0 =	vlt.u32 v1, $0x61A8  }
0x7b: {  	v7 =	vld [tilespmem:s9+$0x19050];
	v3 =	vadd.s32 v0, v3;
	vm1 =	vlt.u32 v2, $0x61A8;
	v1 =	vnsel vm0, $0x61F8, v1  }
0x7c: {  	v8 =	vld [tilespmem:s9+$0x19060];
	v2 =	vnsel vm1, $0x61F8, v2;
	vm0 =	vlt.u32 v3, $0x61A8;
	[tilespmem:s9+$0x198F0] =	vst v1  }
0x7d: {  	v9 =	vld [tilespmem:s9+$0x19070];
	[tilespmem:s9+$0x19800] =	vst v2;
	v1 =	vadd.s32 v0, v4;
	v2 =	vnsel vm0, $0x61F8, v3  }
0x7e: {  	v10 =	vld [tilespmem:s9+$0x19080];
	vm0 =	vlt.u32 v1, $0x61A8;
	[tilespmem:s9+$0x19810] =	vst v2;
	v2 =	vadd.s32 v0, v5  }
0x7f: {  	v3 =	vadd.s32 v0, v6;
	v5 =	vld [tilespmem:s9+$0x19090];
	v1 =	vnsel vm0, $0x61F8, v1;
	vm0 =	vlt.u32 v2, $0x61A8  }
0x80: {  	v4 =	vadd.s32 v0, v7;
	[tilespmem:s9+$0x19820] =	vst v1;
	v2 =	vnsel vm0, $0x61F8, v2;
	v1 =	vld [tilespmem:s9+$0x190A0];
	vm0 =	vlt.u32 v3, $0x61A8  }
0x81: {  	v6 =	vadd.s32 v0, v8;
	[tilespmem:s9+$0x19830] =	vst v2;
	v3 =	vnsel vm0, $0x61F8, v3;
	v2 =	vld [tilespmem:s9+$0x190B0];
	vm0 =	vlt.u32 v4, $0x61A8  }
0x82: {  	v7 =	vadd.s32 v0, v9;
	[tilespmem:s9+$0x19840] =	vst v3;
	v4 =	vnsel vm0, $0x61F8, v4;
	v3 =	vld [tilespmem:s9+$0x190C0];
	vm0 =	vlt.u32 v6, $0x61A8  }
0x83: {  	[tilespmem:s9+$0x19850] =	vst v4;
	v8 =	vnsel vm0, $0x61F8, v6;
	v4 =	vld [tilespmem:s9+$0x190D0];
	vm0 =	vlt.u32 v7, $0x61A8;
	v6 =	vadd.s32 v0, v10  }
0x84: {  	s22 =	simm.s32 $0x100;
	s30 =	simm.s32 $0x800;
	[tilespmem:s9+$0x19860] =	vst v8;
	v8 =	vnsel vm0, $0x61F8, v7;
	vm0 =	vlt.u32 v6, $0x61A8;
	v7 =	vadd.s32 v0, v5;
	v5 =	vld [tilespmem:s9+$0x190E0]  }
.LBB2_3:
0x85: {  	p0 =	sne.s32 s30, $0x1C00;
	v9 =	vld [tilespmem:s22+$0x190F0];
	[tilespmem:s9+$0x19870] =	vst v8;
	v6 =	vnsel vm0, $0x61F8, v6;
	vm0 =	vlt.u32 v7, $0x61A8;
	v1 =	vadd.s32 v0, v1  }
0x86: {  	v8 =	vld [tilespmem:s22+$0x19000];
	[tilespmem:s9+$0x19880] =	vst v6;
	v6 =	vnsel vm0, $0x61F8, v7;
	vm0 =	vlt.u32 v1, $0x61A8;
	v2 =	vadd.s32 v0, v2  }
0x87: {  	v7 =	vld [tilespmem:s22+$0x19010];
	[tilespmem:s9+$0x19890] =	vst v6;
	v1 =	vnsel vm0, $0x61F8, v1;
	vm0 =	vlt.u32 v2, $0x61A8;
	v3 =	vadd.s32 v0, v3  }
0x88: {  	v6 =	vld [tilespmem:s22+$0x19020];
	[tilespmem:s9+$0x198A0] =	vst v1;
	v1 =	vnsel vm0, $0x61F8, v2;
	vm0 =	vlt.u32 v3, $0x61A8;
	v2 =	vadd.s32 v0, v4  }
0x89: {  	v4 =	vld [tilespmem:s22+$0x19030];
	[tilespmem:s9+$0x198B0] =	vst v1;
	v1 =	vnsel vm0, $0x61F8, v3;
	vm0 =	vlt.u32 v2, $0x61A8;
	v3 =	vadd.s32 v0, v5  }
0x8a: {  	v5 =	vld [tilespmem:s22+$0x19040];
	v9 =	vadd.s32 v0, v9;
	[tilespmem:s9+$0x198C0] =	vst v1;
	v1 =	vnsel vm0, $0x61F8, v2;
	vm0 =	vlt.u32 v3, $0x61A8  }
0x8b: {  	v2 =	vadd.s32 v0, v8;
	v8 =	vld [tilespmem:s22+$0x19050];
	vm1 =	vlt.u32 v9, $0x61A8;
	[tilespmem:s9+$0x198D0] =	vst v1;
	v1 =	vnsel vm0, $0x61F8, v3  }
0x8c: {  	vm0 =	vlt.u32 v2, $0x61A8;
	v3 =	vadd.s32 v0, v7;
	v7 =	vld [tilespmem:s22+$0x19060];
	v9 =	vnsel vm1, $0x61F8, v9;
	[tilespmem:s9+$0x198E0] =	vst v1;
	s9 =	smov.u32 s22  }
0x8d: {  	v1 =	vnsel vm0, $0x61F8, v2;
	vm0 =	vlt.u32 v3, $0x61A8;
	v2 =	vadd.s32 v0, v6;
	v6 =	vld [tilespmem:s9+$0x19070];
	[tilespmem:s9+$0x198F0] =	vst v9  }
0x8e: {  	[tilespmem:s9+$0x19800] =	vst v1;
	v1 =	vnsel vm0, $0x61F8, v3;
	vm0 =	vlt.u32 v2, $0x61A8;
	v3 =	vadd.s32 v0, v4;
	v4 =	vld [tilespmem:s9+$0x19080]  }
0x8f: {  	[tilespmem:s9+$0x19810] =	vst v1;
	v1 =	vnsel vm0, $0x61F8, v2;
	vm0 =	vlt.u32 v3, $0x61A8;
	v2 =	vadd.s32 v0, v5;
	v5 =	vld [tilespmem:s9+$0x19090]  }
.Ltmp0:
0x90: {  	[tilespmem:s9+$0x19820] =	vst v1;
	v3 =	vnsel vm0, $0x61F8, v3;
	vm0 =	vlt.u32 v2, $0x61A8;
	v8 =	vadd.s32 v0, v8;
	v1 =	vld [tilespmem:s9+$0x190A0];
	(pc) =	sbr.rel @p0 .LBB2_3-.Ltmp0, $4  }
0x91: {  	[tilespmem:s9+$0x19830] =	vst v3;
	v3 =	vnsel vm0, $0x61F8, v2;
	vm0 =	vlt.u32 v8, $0x61A8;
	v7 =	vadd.s32 v0, v7;
	v2 =	vld [tilespmem:s9+$0x190B0]  }
0x92: {  	[tilespmem:s9+$0x19840] =	vst v3;
	v8 =	vnsel vm0, $0x61F8, v8;
	vm0 =	vlt.u32 v7, $0x61A8;
	v9 =	vadd.s32 v0, v6;
	v3 =	vld [tilespmem:s9+$0x190C0]  }
0x93: {  	[tilespmem:s9+$0x19850] =	vst v8;
	v7 =	vnsel vm0, $0x61F8, v7;
	vm0 =	vlt.u32 v9, $0x61A8;
	v6 =	vadd.s32 v0, v4;
	v4 =	vld [tilespmem:s9+$0x190D0]  }
0x94: {  	s22 =	sshra.s32 s30, $0x2;
	s30 =	sadd.s32 $0x400, s30;
	[tilespmem:s9+$0x19860] =	vst v7;
	v8 =	vnsel vm0, $0x61F8, v9;
	vm0 =	vlt.u32 v6, $0x61A8;
	v7 =	vadd.s32 v0, v5;
	v5 =	vld [tilespmem:s9+$0x190E0]  }
0x95: {  	v9 =	vld [tilespmem:s22+$0x190F0];
	[tilespmem:s9+$0x19870] =	vst v8;
	v6 =	vnsel vm0, $0x61F8, v6;
	vm7 =	vlt.u32 v7, $0x61A8;
	v1 =	vadd.s32 v0, v1  }
0x96: {  	v8 =	vld [tilespmem:s22+$0x19000];
	[tilespmem:s9+$0x19880] =	vst v6;
	v51 =	vnsel vm7, $0x61F8, v7;
	vm8 =	vlt.u32 v1, $0x61A8;
	v2 =	vadd.s32 v0, v2  }
0x97: {  	v52 =	vld [tilespmem:s22+$0x19010];
	[tilespmem:s9+$0x19890] =	vst v51;
	v1 =	vnsel vm8, $0x61F8, v1;
	vm9 =	vlt.u32 v2, $0x61A8  }
0x98: {  	v6 =	vld [tilespmem:s22+$0x19020];
	[tilespmem:s9+$0x198A0] =	vst v1;
	v1 =	vadd.s32 v0, v3;
	v2 =	vnsel vm9, $0x61F8, v2  }
0x99: {  	v3 =	vld [tilespmem:s22+$0x19030];
	vm10 =	vlt.u32 v1, $0x61A8;
	[tilespmem:s9+$0x198B0] =	vst v2;
	v2 =	vadd.s32 v0, v4  }
0x9a: {  	v1 =	vnsel vm10, $0x61F8, v1;
	vm11 =	vlt.u32 v2, $0x61A8  }
0x9b: {  	v53 =	vld [tilespmem:s22+$0x19040];
	[tilespmem:s9+$0x198C0] =	vst v1;
	v1 =	vadd.s32 v0, v5;
	v2 =	vnsel vm11, $0x61F8, v2  }
0x9c: {  	v54 =	vld [tilespmem:s22+$0x19050];
	vm12 =	vlt.u32 v1, $0x61A8;
	[tilespmem:s9+$0x198D0] =	vst v2;
	v2 =	vadd.s32 v0, v9  }
0x9d: {  	v1 =	vnsel vm12, $0x61F8, v1;
	vm13 =	vlt.u32 v2, $0x61A8  }
0x9e: {  	v55 =	vld [tilespmem:s22+$0x19060];
	[tilespmem:s9+$0x198E0] =	vst v1;
	v1 =	vnsel vm13, $0x61F8, v2  }
0x9f: {  	[tilespmem:s22+$0x198F0] =	vst v1;
	v1 =	vadd.s32 v0, v6  }
0xa0: {  	v8 =	vadd.s32 v0, v8;
	vm15 =	vlt.u32 v1, $0x61A8  }
0xa1: {  	vm1 =	vlt.u32 v8, $0x61A8;
	v3 =	vadd.s32 v0, v3;
	v2 =	vld [tilespmem:s22+$0x19070];
	v1 =	vnsel vm15, $0x61F8, v1  }
0xa2: {  	v8 =	vnsel vm1, $0x61F8, v8;
	v57 =	vld [tilespmem:s22+$0x19080];
	vm4 =	vlt.u32 v3, $0x61A8;
	[tilespmem:s22+$0x19820] =	vst v1;
	v1 =	vadd.s32 v0, v53  }
0xa3: {  	v7 =	vadd.s32 v0, v52;
	[tilespmem:s22+$0x19800] =	vst v8;
	v58 =	vld [tilespmem:s22+$0x19090];
	v3 =	vnsel vm4, $0x61F8, v3;
	vm5 =	vlt.u32 v1, $0x61A8  }
0xa4: {  	vm14 =	vlt.u32 v7, $0x61A8;
	v59 =	vld [tilespmem:s22+$0x190A0];
	[tilespmem:s22+$0x19830] =	vst v3;
	v3 =	vadd.s32 v0, v54;
	v1 =	vnsel vm5, $0x61F8, v1  }
0xa5: {  	v56 =	vnsel vm14, $0x61F8, v7;
	v60 =	vld [tilespmem:s22+$0x190B0];
	vm6 =	vlt.u32 v3, $0x61A8;
	[tilespmem:s22+$0x19840] =	vst v1;
	v1 =	vadd.s32 v0, v55  }
0xa6: {  	[tilespmem:s22+$0x19810] =	vst v56;
	v61 =	vld [tilespmem:s22+$0x190C0];
	v3 =	vnsel vm6, $0x61F8, v3;
	v2 =	vadd.s32 v0, v2;
	vm7 =	vlt.u32 v1, $0x61A8  }
0xa7: {  	[tilespmem:s22+$0x19850] =	vst v3;
	v3 =	vld [tilespmem:s22+$0x190D0];
	v7 =	vadd.s32 v0, v57;
	vm8 =	vlt.u32 v2, $0x61A8;
	v1 =	vnsel vm7, $0x61F8, v1  }
0xa8: {  	v62 =	vld [tilespmem:s22+$0x190E0];
	vm9 =	vlt.u32 v7, $0x61A8;
	[tilespmem:s22+$0x19860] =	vst v1;
	v1 =	vnsel vm8, $0x61F8, v2;
	v2 =	vadd.s32 v0, v58  }
0xa9: {  	v4 =	vadd.s32 v0, v59;
	[tilespmem:s22+$0x19870] =	vst v1;
	v1 =	vnsel vm9, $0x61F8, v7;
	vm10 =	vlt.u32 v2, $0x61A8  }
0xaa: {  	vm11 =	vlt.u32 v4, $0x61A8;
	[tilespmem:s22+$0x19880] =	vst v1;
	v1 =	vnsel vm10, $0x61F8, v2;
	v2 =	vadd.s32 v0, v60  }
0xab: {  	v63 =	vadd.s32 v0, v61;
	[tilespmem:s22+$0x19890] =	vst v1;
	v1 =	vnsel vm11, $0x61F8, v4;
	vm12 =	vlt.u32 v2, $0x61A8  }
0xac: {  	vm13 =	vlt.u32 v63, $0x61A8;
	[tilespmem:s22+$0x198A0] =	vst v1;
	v1 =	vnsel vm12, $0x61F8, v2;
	v2 =	vadd.s32 v0, v3  }
0xad: {  	v3 =	vadd.s32 v0, v62;
	[tilespmem:s22+$0x198B0] =	vst v1;
	v1 =	vnsel vm13, $0x61F8, v63;
	vm14 =	vlt.u32 v2, $0x61A8  }
0xae: {  	vm15 =	vlt.u32 v3, $0x61A8;
	[tilespmem:s22+$0x198C0] =	vst v1;
	v1 =	vnsel vm14, $0x61F8, v2  }
0xaf: {  	[tilespmem:s22+$0x198D0] =	vst v1;
	v1 =	vnsel vm15, $0x61F8, v3  }
0xb0: {  	[tilespmem:s22+$0x198E0] =	vst v1  }
0xb1: {  	[tilespmem:s25], [sflag:$0x2] =	stream.indirect.gather [hbm4b:s1+s31], $0x40, s29, s31, $0xb8;
	[tilespmem:$0x1E000] =	vst v63  }
0xb2: {  	_ =	swait.ge [sflag:s26], $0x4000  }
0xb3: {  	[sflag:s26] =	ssyncset.done $0x0  }
0xb4: {  	[sflag:s26] =	ssyncadd.s32 $0xFFFFC000  }
0xb5: {  	[spmem:s2] =	stream.indirect.scatter.add.f32 [tilespmem:s25], [sflag:$0x2], $0x40, s0, s31, $0xb8;
	[tilespmem:$0x1E000] =	vst v63  }
0xb6: {  	_ =	swait.ge [sflag:s26], $0x4000  }
0xb7: {  	[sflag:s26] =	ssyncset.done $0x0  }
0xb8: {  	[sflag:s26] =	ssyncadd.s32 $0xFFFFC000  }
0xb9: {  	[tilespmem:s25], [sflag:$0x2] =	stream.indirect.gather [hbm4b:s1+s31], $0x40, s4, s31, $0xb8;
	[tilespmem:$0x1E000] =	vst v63  }
0xba: {  	_ =	swait.ge [sflag:s26], $0x4000  }
0xbb: {  	[sflag:s26] =	ssyncset.done $0x0  }
0xbc: {  	[sflag:s26] =	ssyncadd.s32 $0xFFFFC000  }
0xbd: {  	[spmem:s2] =	stream.indirect.scatter.add.f32 [tilespmem:s25], [sflag:$0x2], $0x40, s7, s31, $0xb8;
	[tilespmem:$0x1E000] =	vst v63  }
0xbe: {  	_ =	swait.ge [sflag:s26], $0x4000  }
0xbf: {  	[sflag:s26] =	ssyncset.done $0x0  }
0xc0: {  	[sflag:s26] =	ssyncadd.s32 $0xFFFFC000  }
0xc1: {  	[tilespmem:s25], [sflag:$0x2] =	stream.indirect.gather [hbm4b:s1+s31], $0x40, s10, s31, $0xb8;
	[tilespmem:$0x1E000] =	vst v63  }
0xc2: {  	_ =	swait.ge [sflag:s26], $0x4000  }
0xc3: {  	[sflag:s26] =	ssyncset.done $0x0  }
0xc4: {  	[sflag:s26] =	ssyncadd.s32 $0xFFFFC000  }
0xc5: {  	[spmem:s2] =	stream.indirect.scatter.add.f32 [tilespmem:s25], [sflag:$0x2], $0x40, s11, s31, $0xb8;
	[tilespmem:$0x1E000] =	vst v63  }
0xc6: {  	_ =	swait.ge [sflag:s26], $0x4000  }
0xc7: {  	[sflag:s26] =	ssyncset.done $0x0  }
0xc8: {  	[sflag:s26] =	ssyncadd.s32 $0xFFFFC000  }
0xc9: {  	[tilespmem:s25], [sflag:$0x2] =	stream.indirect.gather [hbm4b:s1+s31], $0x40, s12, s31, $0xb8;
	[tilespmem:$0x1E000] =	vst v63  }
0xca: {  	_ =	swait.ge [sflag:s26], $0x4000  }
0xcb: {  	[sflag:s26] =	ssyncset.done $0x0  }
0xcc: {  	[sflag:s26] =	ssyncadd.s32 $0xFFFFC000  }
0xcd: {  	[spmem:s2] =	stream.indirect.scatter.add.f32 [tilespmem:s25], [sflag:$0x2], $0x40, s13, s31, $0xb8;
	[tilespmem:$0x1E000] =	vst v63  }
0xce: {  	_ =	swait.ge [sflag:s26], $0x4000  }
0xcf: {  	[sflag:s26] =	ssyncset.done $0x0  }
0xd0: {  	[sflag:s26] =	ssyncadd.s32 $0xFFFFC000  }
0xd1: {  	[tilespmem:s25], [sflag:$0x2] =	stream.indirect.gather [hbm4b:s1+s31], $0x40, s14, s31, $0xb8;
	[tilespmem:$0x1E000] =	vst v63  }
0xd2: {  	_ =	swait.ge [sflag:s26], $0x4000  }
0xd3: {  	[sflag:s26] =	ssyncset.done $0x0  }
0xd4: {  	[sflag:s26] =	ssyncadd.s32 $0xFFFFC000  }
0xd5: {  	[spmem:s2] =	stream.indirect.scatter.add.f32 [tilespmem:s25], [sflag:$0x2], $0x40, s15, s31, $0xb8;
	[tilespmem:$0x1E000] =	vst v63  }
0xd6: {  	_ =	swait.ge [sflag:s26], $0x4000  }
0xd7: {  	[sflag:s26] =	ssyncset.done $0x0  }
0xd8: {  	[sflag:s26] =	ssyncadd.s32 $0xFFFFC000  }
0xd9: {  	[tilespmem:s25], [sflag:$0x2] =	stream.indirect.gather [hbm4b:s1+s31], $0x40, s16, s31, $0xb8;
	[tilespmem:$0x1E000] =	vst v63  }
0xda: {  	_ =	swait.ge [sflag:s26], $0x4000  }
0xdb: {  	[sflag:s26] =	ssyncset.done $0x0  }
0xdc: {  	[sflag:s26] =	ssyncadd.s32 $0xFFFFC000  }
0xdd: {  	[spmem:s2] =	stream.indirect.scatter.add.f32 [tilespmem:s25], [sflag:$0x2], $0x40, s17, s31, $0xb8;
	[tilespmem:$0x1E000] =	vst v63  }
0xde: {  	_ =	swait.ge [sflag:s26], $0x4000  }
0xdf: {  	[sflag:s26] =	ssyncset.done $0x0  }
0xe0: {  	[sflag:s26] =	ssyncadd.s32 $0xFFFFC000  }
0xe1: {  	[tilespmem:s25], [sflag:$0x2] =	stream.indirect.gather [hbm4b:s1+s31], $0x40, s18, s31, $0xb8;
	[tilespmem:$0x1E000] =	vst v63  }
0xe2: {  	_ =	swait.ge [sflag:s26], $0x4000  }
0xe3: {  	[sflag:s26] =	ssyncset.done $0x0  }
0xe4: {  	[sflag:s26] =	ssyncadd.s32 $0xFFFFC000  }
0xe5: {  	[spmem:s2] =	stream.indirect.scatter.add.f32 [tilespmem:s25], [sflag:$0x2], $0x40, s19, s31, $0xb8;
	[tilespmem:$0x1E000] =	vst v63  }
0xe6: {  	_ =	swait.ge [sflag:s26], $0x4000  }
0xe7: {  	[sflag:s26] =	ssyncset.done $0x0  }
0xe8: {  	[sflag:s26] =	ssyncadd.s32 $0xFFFFC000  }
0xe9: {  	[tilespmem:s25], [sflag:$0x2] =	stream.indirect.gather [hbm4b:s1+s31], $0x40, s20, s31, $0xb8;
	[tilespmem:$0x1E000] =	vst v63  }
0xea: {  	s23 =	sadd.s32 $0x1, s23;
	_ =	swait.ge [sflag:s26], $0x4000  }
0xeb: {  	p0 =	sne.s32 s23, $0x19;
	[sflag:s26] =	ssyncset.done $0x0  }
.Ltmp1:
0xec: {  	[sflag:s26] =	ssyncadd.s32 $0xFFFFC000;
	(pc) =	sbr.rel @p0 .LBB2_2-.Ltmp1, $4  }
0xed: {  	[spmem:s2] =	stream.indirect.scatter.add.f32 [tilespmem:s25], [sflag:$0x2], $0x40, s21, s31, $0xb8;
	[tilespmem:$0x1E000] =	vst v63  }
0xee: {  	_ =	swait.ge [sflag:s26], $0x4000  }
0xef: {  	[sflag:s26] =	ssyncset.done $0x0  }
0xf0: {  	[sflag:s26] =	ssyncadd.s32 $0xFFFFC000  }
0xf1: {  	[bflag:$0x0] =	sbarrier.arrive $0xFFFF  }
0xf2: {  	s30 =	rddreg [dreg:$0x5]  }
0xf3: {  	[tilespmem:s25], [sflag:$0x2] =	stream.linear.gather [spmem:s30], $0x1C00, $0x38;
	[tilespmem:$0x1E000] =	vst v63  }
0xf4: {  	_ =	swait.ge [sflag:s26], $0x1C00  }
0xf5: {  	[sflag:s26] =	ssyncset.done $0x0  }
0xf6: {  	s9 =	sadd.s32 $0x0, s24;
	[sflag:s26] =	ssyncadd.s32 $0xFFFFE400  }
0xf7: {  	[hbm4b:s9+s3] =	stream.linear.scatter [tilespmem:s25], [sflag:$0x2], $0x1C00, $0x38;
	[tilespmem:$0x1E000] =	vst v63  }
0xf8: {  	_ =	swait.ge [sflag:s26], $0x1C00  }
0xf9: {  	s22 =	smov.u32 s30;
	s9 =	simm.s32 $0x380;
	[sflag:s26] =	ssyncset.done $0x0  }
.LBB2_6:
0xfa: {  	p0 =	sne.s32 s9, $0x2D80;
	[sflag:s26] =	ssyncadd.s32 $0xFFFFE400;
	s22 =	sadd.s32 $0x1C00, s22  }
0xfb: {  	[tilespmem:s25], [sflag:$0x2] =	stream.linear.gather [spmem:s22], $0x1C00, $0x38;
	[tilespmem:$0x1E000] =	vst v63  }
0xfc: {  	s23 =	smov.u32 s9;
	s9 =	sadd.s32 $0x380, s9;
	_ =	swait.ge [sflag:s26], $0x1C00  }
.Ltmp2:
0xfd: {  	[sflag:s26] =	ssyncset.done $0x0;
	(pc) =	sbr.rel @p0 .LBB2_6-.Ltmp2, $4  }
0xfe: {  	s23 =	sadd.s32 s23, s24;
	[sflag:s26] =	ssyncadd.s32 $0xFFFFE400  }
0xff: {  	[hbm4b:s23+s3] =	stream.linear.scatter [tilespmem:s25], [sflag:$0x2], $0x1C00, $0x38;
	[tilespmem:$0x1E000] =	vst v63  }
0x100: {  	_ =	swait.ge [sflag:s26], $0x1C00  }
0x101: {  	[sflag:s26] =	ssyncset.done $0x0  }
0x102: {  	s22 =	rddreg [dreg:$0x14]  }
0x103: {  	s9 =	rddreg [dreg:$0x6];
	s22 =	sadd.s32 $0x1, s22  }
0x104: {  	p0 =	sne.s32 s22, s9  }
.Ltmp3:
0x105: {  	_ = 	snop;
	(pc) =	sbr.rel @p0 .LBB2_1-.Ltmp3, $2  }
0x106: {  	_ =	sdelay $0x2  }
0x107: {  	[sflag:s26] =	ssyncadd.s32 $0xFFFFE400  }
0x108: {  	_ =	sfence.sel $0x180000  }
0x109: {  	[bflag:$0x0] =	sbarrier.arrive $0xFFFF  }
0x10a: {  	_ =	strace $0x90000050  }
0x10b: {  	s0 =	stileid.u32;
	[bflag:$0x2] =	sbarrier.arrive $0xFFFF  }
0x10c: {  	p0 =	sne.s32 s0, $0x0;
	s0 =	rddreg [dreg:$0x3]  }
0x10d: {  	s0 =	sadd.s32 @!p0 $0x100000, s0  }
0x10e: {  	[sflag:s0] =	ssyncadd.tile.s32 @!p0 $0x1;
	_ =	shalt  }
.Lfunc_end2:
_tile_overlayer_lowered:
.L_overlay_start_2:
0x10f: {  	(tag) =	ssettag $0x2  }
0x110: {  	s0 =	rddreg [dreg:$0x0];
	s2 =	stileid.u32  }
0x111: {  	s1 =	rddreg [dreg:$0x1];
	p0 =	sne.s32 s2, $0x0  }
0x112: {  	s3 =	rddreg [dreg:$0x2];
	[bflag:$0x3] =	sbarrier.arrive $0xFFFF;
	s2 =	simm.s32 @!p0 $0x1C02  }
0x113: {  	[timem:s3], [sflag:s2] =	dma.local @!p0 [hbm:s0], s1  }
0x114: {  	s0 =	simm.s32 @!p0 $0x2  }
0x115: {  	_ =	swait.ge @!p0 [sflag:s0], s1  }
0x116: {  	s1 =	ssub.s32 @!p0 $0x0, s1;
	[sflag:s0] =	ssyncset.done @!p0 $0x0  }
0x117: {  	[sflag:s0] =	ssyncadd.s32 @!p0 s1  }
0x118: {  	[bflag:$0x3] =	sbarrier.arrive $0xFFFF  }
0x119: {  	_ =	shalt  }

</sc_bundles>
